<compile_context>
chip_gen: v7x
topology: tpu7x:2x2x1
jax: 0.10.2.dev20260603
libtpu: 0.0.44.dev20260713+nightly
codegen_flags: <defaults>
</compile_context>

<pallas_src>
import functools

import jax
import jax.numpy as jnp
from jax import lax
from jax.experimental import pallas as pl
from jax.experimental.pallas import tpu as pltpu
from jax.experimental.pallas import tpu_sc as plsc

_N = 10000
_E = 320000
_D = 128
_H = 8
_DH = 16
_EPS = 1e-5
_NEG = 0.2
_INV_LN2 = 1.4426950408889634

_NC = 2
_NS = 16
_NW = _NC * _NS
_K = 64
_CPT = 160
_EP = _NW * _CPT * _K
_NP = 10240
_ROWS = _NP // _NS

_BN = 1000


def _pre_body(x_ref, wh_ref, bh_ref, wl_ref, bl_ref, wg_ref, ms_ref, md_ref,
              gin_ref, bin_ref, x0_ref, h_ref, xl_ref, xp_ref, a1_ref, a2_ref):
    x = x_ref[...]
    mu = jnp.mean(x, axis=1, keepdims=True)
    xc = x - mu
    var = jnp.mean(xc * xc, axis=1, keepdims=True)
    x0 = xc * lax.rsqrt(var + _EPS) * gin_ref[...] + bin_ref[...]
    x0_ref[...] = x0
    h_ref[...] = jnp.maximum(
        jnp.dot(x0, wh_ref[...], preferred_element_type=jnp.float32) + bh_ref[...], 0.0)
    xl_ref[...] = jnp.dot(x0, wl_ref[...], preferred_element_type=jnp.float32) + bl_ref[...]
    xp = jnp.dot(x0, wg_ref[...], preferred_element_type=jnp.float32)
    xp_ref[...] = xp
    a_s = jnp.dot(xp, ms_ref[...], preferred_element_type=jnp.float32)
    a_d = jnp.dot(xp, md_ref[...], preferred_element_type=jnp.float32)
    a1_ref[...] = jnp.concatenate([a_s, jnp.zeros_like(a_d)], axis=1)
    a2_ref[...] = jnp.concatenate([a_d, jnp.zeros_like(a_s)], axis=1)


def _wexp_body(w_ref, o_ref):
    o_ref[...] = jnp.exp(jnp.log(w_ref[...]) * _INV_LN2)


def _post_body(a0_ref, a1_ref, d0_ref, d1_ref, x0_ref, h_ref, xl_ref, r_ref,
               gn_ref, bn_ref, beta_ref, out_ref):
    den = d0_ref[...] + d1_ref[...] + 1e-16
    r128 = jnp.dot(1.0 / den, r_ref[...], preferred_element_type=jnp.float32)
    gat = (a0_ref[...] + a1_ref[...]) * r128
    xg = jnp.maximum(gat + xl_ref[...], 0.0)
    m = h_ref[...] * xg
    mu = jnp.mean(m, axis=1, keepdims=True)
    mc = m - mu
    var = jnp.mean(mc * mc, axis=1, keepdims=True)
    ln = mc * lax.rsqrt(var + _EPS) * gn_ref[...] + bn_ref[...]
    beta = beta_ref[...]
    out_ref[...] = (1.0 - beta) * ln + beta * xg + x0_ref[...]


def _sc_edge_body(sd_hbm, w_hbm, a1_hbm, a2_hbm, xp_hbm, z128_hbm,
                  z16_hbm, acc_hbm, den_hbm,
                  sd_v, w_v, as_v, ad_v, xp_v, e_v, msg_v,
                  acc_sh, den_sh, sem_i, sem_g):
    cid = lax.axis_index("c")
    sid = lax.axis_index("s")
    wid = cid * _NS + sid

    base = sid * _ROWS
    pltpu.sync_copy(z128_hbm.at[pl.ds(base, _ROWS)], acc_sh.at[pl.ds(base, _ROWS)])
    pltpu.sync_copy(z16_hbm.at[pl.ds(base, _ROWS)], den_sh.at[pl.ds(base, _ROWS)])
    plsc.subcore_barrier()

    def row_of(c):
        return wid * _CPT + c

    def issue_idx(c, r4):
        pltpu.async_copy(sd_hbm.at[row_of(c)], sd_v.at[r4], sem_i)
        pltpu.async_copy(w_hbm.at[row_of(c)], w_v.at[r4], sem_i)

    def wait_idx(r4):
        pltpu.make_async_copy(sd_hbm.at[0], sd_v.at[r4], sem_i).wait()
        pltpu.make_async_copy(w_hbm.at[0], w_v.at[r4], sem_i).wait()

    def issue_gathers(r4, r2):
        pltpu.async_copy(a1_hbm.at[sd_v.at[r4, 0]], as_v.at[r2], sem_g)
        pltpu.async_copy(a2_hbm.at[sd_v.at[r4, 1]], ad_v.at[r2], sem_g)
        pltpu.async_copy(xp_hbm.at[sd_v.at[r4, 0]], xp_v.at[r2], sem_g)

    def wait_gathers(r2):
        pltpu.make_async_copy(a1_hbm.at[sd_v.at[0, 0]], as_v.at[r2], sem_g).wait()
        pltpu.make_async_copy(a2_hbm.at[sd_v.at[0, 1]], ad_v.at[r2], sem_g).wait()
        pltpu.make_async_copy(xp_hbm.at[sd_v.at[0, 0]], xp_v.at[r2], sem_g).wait()

    pltpu.sync_copy(sd_hbm.at[row_of(0)], sd_v.at[0])
    pltpu.sync_copy(w_hbm.at[row_of(0)], w_v.at[0])
    issue_gathers(0, 0)
    issue_idx(1, 1)

    def quad_body(c4, _):
        for b4 in range(4):
            c = c4 * 4 + b4
            r2 = b4 & 1

            @pl.when(c + 1 < _CPT)
            def _():
                wait_idx((b4 + 1) % 4)
                issue_gathers((b4 + 1) % 4, 1 - r2)

            @pl.when(c + 2 < _CPT)
            def _():
                issue_idx(c + 2, (b4 + 2) % 4)

            wait_gathers(r2)

            @plsc.parallel_loop(0, _K, unroll=4)
            def edge_body(k):
                z = as_v[r2, k, :] + ad_v[r2, k, :]
                lr = jnp.where(z > 0.0, z, z * _NEG)
                e = jnp.exp(lr) * w_v[b4, k, :]
                e_v[k, :] = e
                for h in range(_H):
                    mult = jnp.full((16,), e[h], jnp.float32)
                    msg_v[k, pl.ds(h * 16, 16)] = xp_v[r2, k, pl.ds(h * 16, 16)] * mult

            pltpu.sync_copy(e_v, den_sh.at[sd_v.at[b4, 1]], add=True)
            pltpu.sync_copy(msg_v, acc_sh.at[sd_v.at[b4, 1]], add=True)
        return 0

    lax.fori_loop(0, _CPT // 4, quad_body, 0)
    plsc.subcore_barrier()

    pltpu.sync_copy(acc_sh.at[pl.ds(base, _ROWS)], acc_hbm.at[cid, pl.ds(base, _ROWS)])
    pltpu.sync_copy(den_sh.at[pl.ds(base, _ROWS)], den_hbm.at[cid, pl.ds(base, _ROWS)])


_sc_edge = functools.partial(
    pl.kernel,
    out_type=(jax.ShapeDtypeStruct((_NC, _NP, _D), jnp.float32),
              jax.ShapeDtypeStruct((_NC, _NP, 2 * _H), jnp.float32)),
    mesh=plsc.VectorSubcoreMesh(core_axis_name="c", subcore_axis_name="s"),
    scratch_types=[
        pltpu.VMEM((4, 2, _K), jnp.int32),
        pltpu.VMEM((4, _K, 16), jnp.float32),
        pltpu.VMEM((2, _K, 2 * _H), jnp.float32),
        pltpu.VMEM((2, _K, 2 * _H), jnp.float32),
        pltpu.VMEM((2, _K, _D), jnp.float32),
        pltpu.VMEM((_K, 2 * _H), jnp.float32),
        pltpu.VMEM((_K, _D), jnp.float32),
        pltpu.VMEM_SHARED((_NP, _D), jnp.float32),
        pltpu.VMEM_SHARED((_NP, 2 * _H), jnp.float32),
        pltpu.SemaphoreType.DMA,
        pltpu.SemaphoreType.DMA,
    ],
    compiler_params=pltpu.CompilerParams(use_tc_tiling_on_sc=False,
                                         needs_layout_passes=False),
)(_sc_edge_body)


def kernel(x, edge_index, edge_attr, W_h, b_h, W_l, b_l, W_g, att_src, att_dst,
           g_in, b_in, g_n, b_n, b_param):
    rows = jnp.arange(_D, dtype=jnp.int32)
    ms = jnp.zeros((_D, _H), jnp.float32).at[rows, rows // _DH].set(att_src.reshape(-1))
    md = jnp.zeros((_D, _H), jnp.float32).at[rows, rows // _DH].set(att_dst.reshape(-1))
    rexp = jnp.zeros((_H, _D), jnp.float32).at[rows // _DH, rows].set(1.0)

    grid = _N // _BN
    row_spec = pl.BlockSpec((_BN, _D), lambda i: (i, 0))
    w_spec = pl.BlockSpec((_D, _D), lambda i: (0, 0))
    b_spec = pl.BlockSpec((1, _D), lambda i: (0, 0))
    m_spec = pl.BlockSpec((_D, _H), lambda i: (0, 0))
    a_spec = pl.BlockSpec((_BN, 2 * _H), lambda i: (i, 0))

    x0, h, xl, xp, atab1, atab2 = pl.pallas_call(
        _pre_body,
        grid=(grid,),
        in_specs=[row_spec, w_spec, b_spec, w_spec, b_spec, w_spec, m_spec,
                  m_spec, b_spec, b_spec],
        out_specs=[row_spec, row_spec, row_spec, row_spec, a_spec, a_spec],
        out_shape=[jax.ShapeDtypeStruct((_N, _D), jnp.float32)] * 4
        + [jax.ShapeDtypeStruct((_N, 2 * _H), jnp.float32)] * 2,
    )(x, W_h, b_h.reshape(1, _D), W_l, b_l.reshape(1, _D), W_g, ms, md,
      g_in.reshape(1, _D), b_in.reshape(1, _D))

    w2 = pl.pallas_call(
        _wexp_body,
        out_shape=jax.ShapeDtypeStruct((_E // _D, _D), jnp.float32),
    )(edge_attr.reshape(_E // _D, _D))

    pad = _EP - _E
    sd = jnp.stack([
        jnp.pad(edge_index[0].astype(jnp.int32), (0, pad)).reshape(_EP // _K, _K),
        jnp.pad(edge_index[1].astype(jnp.int32), (0, pad)).reshape(_EP // _K, _K),
    ], axis=1)
    w2p = jnp.broadcast_to(
        jnp.pad(w2.reshape(-1), (0, pad)).reshape(_EP // _K, _K, 1),
        (_EP // _K, _K, 16))
    z128 = jnp.zeros((_NP, _D), jnp.float32)
    z16 = jnp.zeros((_NP, 2 * _H), jnp.float32)

    acc, den = _sc_edge(sd, w2p, atab1, atab2, xp, z128, z16)

    d0 = den[0, :_N, :_H]
    d1 = den[1, :_N, :_H]
    d_spec = pl.BlockSpec((_BN, _H), lambda i: (i, 0))
    r_spec = pl.BlockSpec((_H, _D), lambda i: (0, 0))
    out = pl.pallas_call(
        _post_body,
        grid=(grid,),
        in_specs=[row_spec, row_spec, d_spec, d_spec, row_spec, row_spec,
                  row_spec, r_spec, b_spec, b_spec, b_spec],
        out_specs=row_spec,
        out_shape=jax.ShapeDtypeStruct((_N, _D), jnp.float32),
    )(acc[0, :_N], acc[1, :_N], d0, d1, x0, h, xl, rexp,
      g_n.reshape(1, _D), b_n.reshape(1, _D), b_param.reshape(1, _D))
    return out

# --- scband reference (transcript-rebuilt; emitter-appended) ---
"""Pipeline reference for scband-weighted-polynormer-local-59596966199880 (READ-ONLY COPY).

The authoritative reference and input builder live on the scoring server;
editing this copy changes nothing except your own understanding.
"""

import jax, jax.numpy as jnp
import numpy as np

N = 10000
E = 320000
D = 128
H = 8
DH = D // H
BETA = 0.9
EPS = 1e-5
NEG_SLOPE = 0.2


def _ln(x, g, b):
    mu = jnp.mean(x, axis=-1, keepdims=True)
    var = jnp.var(x, axis=-1, keepdims=True)
    return (x - mu) / jnp.sqrt(var + EPS) * g + b


def setup_inputs(seed: int = 0) -> dict:
    key = jax.random.key(seed)
    ks = jax.random.split(key, 12)
    s = 1.0 / np.sqrt(D)
    return {
        "x": jax.random.normal(ks[0], (N, D), dtype=jnp.float32),
        "edge_index": jax.random.randint(ks[1], (2, E), 0, N),
        "edge_attr": jax.random.uniform(ks[2], (E,), dtype=jnp.float32, minval=1e-3, maxval=1.0),
        "W_h": jax.random.uniform(ks[3], (D, D), dtype=jnp.float32, minval=-s, maxval=s),
        "b_h": jax.random.uniform(ks[4], (D,), dtype=jnp.float32, minval=-s, maxval=s),
        "W_l": jax.random.uniform(ks[5], (D, D), dtype=jnp.float32, minval=-s, maxval=s),
        "b_l": jax.random.uniform(ks[6], (D,), dtype=jnp.float32, minval=-s, maxval=s),
        "W_g": jax.random.uniform(ks[7], (D, D), dtype=jnp.float32, minval=-s, maxval=s),
        "att_src": jax.random.normal(ks[8], (H, DH), dtype=jnp.float32) * 0.1,
        "att_dst": jax.random.normal(ks[9], (H, DH), dtype=jnp.float32) * 0.1,
        "g_in": jnp.ones((D,), dtype=jnp.float32),
        "b_in": jnp.zeros((D,), dtype=jnp.float32),
        "g_n": jnp.ones((D,), dtype=jnp.float32),
        "b_n": jnp.zeros((D,), dtype=jnp.float32),
        "b_param": jnp.ones((D,), dtype=jnp.float32) * BETA,
    }


def _weighted_gat(x, edge_index, edge_attr, W_g, att_src, att_dst):
    # WeightedGATConvLayer (GATConv with scalar edge weights folded into the
    # attention logits via log2, per GraphGPS/Exphormer/Polynormer):
    # bias=False, add_self_loops=False, concat=True, negative_slope=0.2, dropout=0 (eval)
    xp = (x @ W_g).reshape(N, H, DH)
    a_src = jnp.sum(xp * att_src[None, :, :], axis=-1)  # [N, H]
    a_dst = jnp.sum(xp * att_dst[None, :, :], axis=-1)  # [N, H]
    src = edge_index[0]
    dst = edge_index[1]
    alpha = a_src[src] + a_dst[dst]                      # [E, H]
    alpha = jax.nn.leaky_relu(alpha, negative_slope=NEG_SLOPE)
    alpha = alpha + jnp.log2(edge_attr)[:, None]
    amax = jax.ops.segment_max(alpha, dst, num_segments=N)
    expa = jnp.exp(alpha - amax[dst])
    denom = jax.ops.segment_sum(expa, dst, num_segments=N)
    alpha = expa / (denom[dst] + 1e-16)
    msg = xp[src] * alpha[:, :, None]                    # [E, H, DH]
    out = jax.ops.segment_sum(msg, dst, num_segments=N)  # [N, H, DH]
    return out.reshape(N, H * DH)


def reference(x, edge_index, edge_attr, W_h, b_h, W_l, b_l, W_g, att_src, att_dst, g_in, b_in, g_n, b_n, b_param):
    # pre_ln = True
    x0 = _ln(x, g_in, b_in)
    x_in = x0
    h = jax.nn.relu(x0 @ W_h + b_h)
    xg = _weighted_gat(x0, edge_index, edge_attr, W_g, att_src, att_dst) + (x0 @ W_l + b_l)
    xg = jax.nn.relu(xg)
    # dropout: eval mode / p=0 -> identity
    beta = b_param[None, :]
    out = (1.0 - beta) * _ln(h * xg, g_n, b_n) + beta * xg
    # residual = True
    out = out + x_in
    return out

if __name__ == "__main__":
    import jax
    _d = setup_inputs()
    print(jax.jit(kernel)(*tuple(_d.values())))

</pallas_src>

<mosaic_0001>
#map = affine_map<(d0, d1) -> (0, 0, 0)>
#map1 = affine_map<(d0, d1) -> (0, 0)>
module attributes {stable_mosaic.version = 14 : i64} {
  func.func @_sc_edge_body(%arg0: i32, %arg1: i32, %arg2: memref<5120x2x64xi32, #tpu.memory_space<hbm>>, %arg3: memref<5120x64x16xf32, #tpu.memory_space<hbm>>, %arg4: memref<10000x16xf32, #tpu.memory_space<hbm>>, %arg5: memref<10000x16xf32, #tpu.memory_space<hbm>>, %arg6: memref<10000x128xf32, #tpu.memory_space<hbm>>, %arg7: memref<10240x128xf32, #tpu.memory_space<hbm>>, %arg8: memref<10240x16xf32, #tpu.memory_space<hbm>>, %arg9: memref<2x10240x128xf32, #tpu.memory_space<hbm>>, %arg10: memref<2x10240x16xf32, #tpu.memory_space<hbm>>, %arg11: memref<4x2x64xi32, #tpu.memory_space<vmem>>, %arg12: memref<4x64x16xf32, #tpu.memory_space<vmem>>, %arg13: memref<2x64x16xf32, #tpu.memory_space<vmem>>, %arg14: memref<2x64x16xf32, #tpu.memory_space<vmem>>, %arg15: memref<2x64x128xf32, #tpu.memory_space<vmem>>, %arg16: memref<64x16xf32, #tpu.memory_space<vmem>>, %arg17: memref<64x128xf32, #tpu.memory_space<vmem>>, %arg18: memref<10240x128xf32, #tpu.memory_space<vmem_shared>>, %arg19: memref<10240x16xf32, #tpu.memory_space<vmem_shared>>, %arg20: memref<!tpu.dma_semaphore, #tpu.memory_space<semaphore_mem>>, %arg21: memref<!tpu.dma_semaphore, #tpu.memory_space<semaphore_mem>>) attributes {dimension_semantics = [#tpu.dimension_semantics<core_parallel>, #tpu.dimension_semantics<subcore_parallel>], iteration_bounds = array<i64: 2, 16>, scalar_prefetch = 0 : i64, scratch_operands = 11 : i64, tpu.core_type = #tpu.core_type<sc_vector_subcore>, window_params = [{transform_indices = #map}, {transform_indices = #map}, {transform_indices = #map1}, {transform_indices = #map1}, {transform_indices = #map1}, {transform_indices = #map1}, {transform_indices = #map1}, {transform_indices = #map}, {transform_indices = #map}]} {
    %mul3A = arith.constant 16 : i32
    %mul3A_0 = arith.muli %arg0, %mul3A : i32
    %add3A = arith.addi %mul3A_0, %arg1 : i32
    %mul3A_1 = arith.constant 640 : i32
    %mul3A_2 = arith.muli %arg1, %mul3A_1 : i32
    "tpu.region"() ({
      %run_scoped3A_99 = tpu.sem_alloc : memref<!tpu.dma_semaphore, #tpu.memory_space<semaphore_mem>>
      %dma_start3A_100 = arith.constant 0 : i32
      %dma_start3A_101 = tpu.memref_slice %arg18[%mul3A_2, %dma_start3A_100] : memref<10240x128xf32, #tpu.memory_space<vmem_shared>> -> memref<640x128xf32, #tpu.memory_space<vmem_shared>>
      %dma_start3A_102 = arith.constant 0 : i32
      %dma_start3A_103 = tpu.memref_slice %arg7[%mul3A_2, %dma_start3A_102] : memref<10240x128xf32, #tpu.memory_space<hbm>> -> memref<640x128xf32, #tpu.memory_space<hbm>>
      tpu.enqueue_dma source(%dma_start3A_103 : memref<640x128xf32, #tpu.memory_space<hbm>>) target(%dma_start3A_101 : memref<640x128xf32, #tpu.memory_space<vmem_shared>>) target_semaphore(%run_scoped3A_99 : memref<!tpu.dma_semaphore, #tpu.memory_space<semaphore_mem>>)
      %dma_wait3A = arith.constant 0 : i32
      %dma_wait3A_104 = tpu.memref_slice %arg18[%mul3A_2, %dma_wait3A] : memref<10240x128xf32, #tpu.memory_space<vmem_shared>> -> memref<640x128xf32, #tpu.memory_space<vmem_shared>>
      %dma_wait3A_105 = arith.constant 0 : i32
      %dma_wait3A_106 = tpu.memref_slice %arg7[%mul3A_2, %dma_wait3A_105] : memref<10240x128xf32, #tpu.memory_space<hbm>> -> memref<640x128xf32, #tpu.memory_space<hbm>>
      tpu.wait_dma2 semaphore(%run_scoped3A_99 : memref<!tpu.dma_semaphore, #tpu.memory_space<semaphore_mem>>) src(%dma_wait3A_106 : memref<640x128xf32, #tpu.memory_space<hbm>>) dst(%dma_wait3A_104 : memref<640x128xf32, #tpu.memory_space<vmem_shared>>)
      tpu.yield
    }) : () -> ()
    "tpu.region"() ({
      %run_scoped3A_99 = tpu.sem_alloc : memref<!tpu.dma_semaphore, #tpu.memory_space<semaphore_mem>>
      %dma_start3A_100 = arith.constant 0 : i32
      %dma_start3A_101 = tpu.memref_slice %arg19[%mul3A_2, %dma_start3A_100] : memref<10240x16xf32, #tpu.memory_space<vmem_shared>> -> memref<640x16xf32, #tpu.memory_space<vmem_shared>>
      %dma_start3A_102 = arith.constant 0 : i32
      %dma_start3A_103 = tpu.memref_slice %arg8[%mul3A_2, %dma_start3A_102] : memref<10240x16xf32, #tpu.memory_space<hbm>> -> memref<640x16xf32, #tpu.memory_space<hbm>>
      tpu.enqueue_dma source(%dma_start3A_103 : memref<640x16xf32, #tpu.memory_space<hbm>>) target(%dma_start3A_101 : memref<640x16xf32, #tpu.memory_space<vmem_shared>>) target_semaphore(%run_scoped3A_99 : memref<!tpu.dma_semaphore, #tpu.memory_space<semaphore_mem>>)
      %dma_wait3A = arith.constant 0 : i32
      %dma_wait3A_104 = tpu.memref_slice %arg19[%mul3A_2, %dma_wait3A] : memref<10240x16xf32, #tpu.memory_space<vmem_shared>> -> memref<640x16xf32, #tpu.memory_space<vmem_shared>>
      %dma_wait3A_105 = arith.constant 0 : i32
      %dma_wait3A_106 = tpu.memref_slice %arg8[%mul3A_2, %dma_wait3A_105] : memref<10240x16xf32, #tpu.memory_space<hbm>> -> memref<640x16xf32, #tpu.memory_space<hbm>>
      tpu.wait_dma2 semaphore(%run_scoped3A_99 : memref<!tpu.dma_semaphore, #tpu.memory_space<semaphore_mem>>) src(%dma_wait3A_106 : memref<640x16xf32, #tpu.memory_space<hbm>>) dst(%dma_wait3A_104 : memref<640x16xf32, #tpu.memory_space<vmem_shared>>)
      tpu.yield
    }) : () -> ()
    %barrier3A = arith.constant 0 : index
    tpu.barrier barrier_id(%barrier3A)
    %mul3A_3 = arith.constant 160 : i32
    %mul3A_4 = arith.muli %add3A, %mul3A_3 : i32
    %add3A_5 = arith.constant 0 : i32
    %add3A_6 = arith.addi %mul3A_4, %add3A_5 : i32
    %run_scoped3A = arith.constant 0 : i32
    "tpu.region"() ({
      %run_scoped3A_99 = tpu.sem_alloc : memref<!tpu.dma_semaphore, #tpu.memory_space<semaphore_mem>>
      %dma_start3A_100 = arith.constant 0 : i32
      %dma_start3A_101 = arith.constant 0 : i32
      %dma_start3A_102 = tpu.memref_slice %arg11[%run_scoped3A, %dma_start3A_100, %dma_start3A_101] : memref<4x2x64xi32, #tpu.memory_space<vmem>> -> memref<1x2x64xi32, #tpu.memory_space<vmem>>
      %dma_start3A_103 = tpu.memref_squeeze %dma_start3A_102 : memref<1x2x64xi32, #tpu.memory_space<vmem>> -> memref<2x64xi32, #tpu.memory_space<vmem>>
      %dma_start3A_104 = arith.constant 0 : i32
      %dma_start3A_105 = arith.constant 0 : i32
      %dma_start3A_106 = tpu.memref_slice %arg2[%add3A_6, %dma_start3A_104, %dma_start3A_105] : memref<5120x2x64xi32, #tpu.memory_space<hbm>> -> memref<1x2x64xi32, #tpu.memory_space<hbm>>
      %dma_start3A_107 = tpu.memref_squeeze %dma_start3A_106 : memref<1x2x64xi32, #tpu.memory_space<hbm>> -> memref<2x64xi32, #tpu.memory_space<hbm>>
      %dma_start3A_108 = arith.constant 0 : i32
      %dma_start3A_109 = arith.constant 0 : i32
      %dma_start3A_110 = tpu.memref_slice %arg11[%run_scoped3A, %dma_start3A_108, %dma_start3A_109] : memref<4x2x64xi32, #tpu.memory_space<vmem>> -> memref<1x2x64xi32, #tpu.memory_space<vmem>>
      %dma_start3A_111 = tpu.memref_squeeze %dma_start3A_110 : memref<1x2x64xi32, #tpu.memory_space<vmem>> -> memref<2x64xi32, #tpu.memory_space<vmem>>
      %dma_start3A_112 = arith.constant 0 : i32
      %dma_start3A_113 = arith.constant 0 : i32
      %dma_start3A_114 = tpu.memref_slice %arg2[%add3A_6, %dma_start3A_112, %dma_start3A_113] : memref<5120x2x64xi32, #tpu.memory_space<hbm>> -> memref<1x2x64xi32, #tpu.memory_space<hbm>>
      %dma_start3A_115 = tpu.memref_squeeze %dma_start3A_114 : memref<1x2x64xi32, #tpu.memory_space<hbm>> -> memref<2x64xi32, #tpu.memory_space<hbm>>
      tpu.enqueue_dma source(%dma_start3A_115 : memref<2x64xi32, #tpu.memory_space<hbm>>) target(%dma_start3A_111 : memref<2x64xi32, #tpu.memory_space<vmem>>) target_semaphore(%run_scoped3A_99 : memref<!tpu.dma_semaphore, #tpu.memory_space<semaphore_mem>>)
      %dma_wait3A = arith.constant 0 : i32
      %dma_wait3A_116 = arith.constant 0 : i32
      %dma_wait3A_117 = tpu.memref_slice %arg11[%run_scoped3A, %dma_wait3A, %dma_wait3A_116] : memref<4x2x64xi32, #tpu.memory_space<vmem>> -> memref<1x2x64xi32, #tpu.memory_space<vmem>>
      %dma_wait3A_118 = tpu.memref_squeeze %dma_wait3A_117 : memref<1x2x64xi32, #tpu.memory_space<vmem>> -> memref<2x64xi32, #tpu.memory_space<vmem>>
      %dma_wait3A_119 = arith.constant 0 : i32
      %dma_wait3A_120 = arith.constant 0 : i32
      %dma_wait3A_121 = tpu.memref_slice %arg2[%add3A_6, %dma_wait3A_119, %dma_wait3A_120] : memref<5120x2x64xi32, #tpu.memory_space<hbm>> -> memref<1x2x64xi32, #tpu.memory_space<hbm>>
      %dma_wait3A_122 = tpu.memref_squeeze %dma_wait3A_121 : memref<1x2x64xi32, #tpu.memory_space<hbm>> -> memref<2x64xi32, #tpu.memory_space<hbm>>
      %dma_wait3A_123 = arith.constant 0 : i32
      %dma_wait3A_124 = arith.constant 0 : i32
      %dma_wait3A_125 = tpu.memref_slice %arg11[%run_scoped3A, %dma_wait3A_123, %dma_wait3A_124] : memref<4x2x64xi32, #tpu.memory_space<vmem>> -> memref<1x2x64xi32, #tpu.memory_space<vmem>>
      %dma_wait3A_126 = tpu.memref_squeeze %dma_wait3A_125 : memref<1x2x64xi32, #tpu.memory_space<vmem>> -> memref<2x64xi32, #tpu.memory_space<vmem>>
      %dma_wait3A_127 = arith.constant 0 : i32
      %dma_wait3A_128 = arith.constant 0 : i32
      %dma_wait3A_129 = tpu.memref_slice %arg2[%add3A_6, %dma_wait3A_127, %dma_wait3A_128] : memref<5120x2x64xi32, #tpu.memory_space<hbm>> -> memref<1x2x64xi32, #tpu.memory_space<hbm>>
      %dma_wait3A_130 = tpu.memref_squeeze %dma_wait3A_129 : memref<1x2x64xi32, #tpu.memory_space<hbm>> -> memref<2x64xi32, #tpu.memory_space<hbm>>
      tpu.wait_dma2 semaphore(%run_scoped3A_99 : memref<!tpu.dma_semaphore, #tpu.memory_space<semaphore_mem>>) src(%dma_wait3A_130 : memref<2x64xi32, #tpu.memory_space<hbm>>) dst(%dma_wait3A_126 : memref<2x64xi32, #tpu.memory_space<vmem>>)
      tpu.yield
    }) : () -> ()
    %mul3A_7 = arith.constant 160 : i32
    %mul3A_8 = arith.muli %add3A, %mul3A_7 : i32
    %add3A_9 = arith.constant 0 : i32
    %add3A_10 = arith.addi %mul3A_8, %add3A_9 : i32
    %run_scoped3A_11 = arith.constant 0 : i32
    "tpu.region"() ({
      %run_scoped3A_99 = tpu.sem_alloc : memref<!tpu.dma_semaphore, #tpu.memory_space<semaphore_mem>>
      %dma_start3A_100 = arith.constant 0 : i32
      %dma_start3A_101 = arith.constant 0 : i32
      %dma_start3A_102 = tpu.memref_slice %arg12[%run_scoped3A_11, %dma_start3A_100, %dma_start3A_101] : memref<4x64x16xf32, #tpu.memory_space<vmem>> -> memref<1x64x16xf32, #tpu.memory_space<vmem>>
      %dma_start3A_103 = tpu.memref_squeeze %dma_start3A_102 : memref<1x64x16xf32, #tpu.memory_space<vmem>> -> memref<64x16xf32, #tpu.memory_space<vmem>>
      %dma_start3A_104 = arith.constant 0 : i32
      %dma_start3A_105 = arith.constant 0 : i32
      %dma_start3A_106 = tpu.memref_slice %arg3[%add3A_10, %dma_start3A_104, %dma_start3A_105] : memref<5120x64x16xf32, #tpu.memory_space<hbm>> -> memref<1x64x16xf32, #tpu.memory_space<hbm>>
      %dma_start3A_107 = tpu.memref_squeeze %dma_start3A_106 : memref<1x64x16xf32, #tpu.memory_space<hbm>> -> memref<64x16xf32, #tpu.memory_space<hbm>>
      %dma_start3A_108 = arith.constant 0 : i32
      %dma_start3A_109 = arith.constant 0 : i32
      %dma_start3A_110 = tpu.memref_slice %arg12[%run_scoped3A_11, %dma_start3A_108, %dma_start3A_109] : memref<4x64x16xf32, #tpu.memory_space<vmem>> -> memref<1x64x16xf32, #tpu.memory_space<vmem>>
      %dma_start3A_111 = tpu.memref_squeeze %dma_start3A_110 : memref<1x64x16xf32, #tpu.memory_space<vmem>> -> memref<64x16xf32, #tpu.memory_space<vmem>>
      %dma_start3A_112 = arith.constant 0 : i32
      %dma_start3A_113 = arith.constant 0 : i32
      %dma_start3A_114 = tpu.memref_slice %arg3[%add3A_10, %dma_start3A_112, %dma_start3A_113] : memref<5120x64x16xf32, #tpu.memory_space<hbm>> -> memref<1x64x16xf32, #tpu.memory_space<hbm>>
      %dma_start3A_115 = tpu.memref_squeeze %dma_start3A_114 : memref<1x64x16xf32, #tpu.memory_space<hbm>> -> memref<64x16xf32, #tpu.memory_space<hbm>>
      tpu.enqueue_dma source(%dma_start3A_115 : memref<64x16xf32, #tpu.memory_space<hbm>>) target(%dma_start3A_111 : memref<64x16xf32, #tpu.memory_space<vmem>>) target_semaphore(%run_scoped3A_99 : memref<!tpu.dma_semaphore, #tpu.memory_space<semaphore_mem>>)
      %dma_wait3A = arith.constant 0 : i32
      %dma_wait3A_116 = arith.constant 0 : i32
      %dma_wait3A_117 = tpu.memref_slice %arg12[%run_scoped3A_11, %dma_wait3A, %dma_wait3A_116] : memref<4x64x16xf32, #tpu.memory_space<vmem>> -> memref<1x64x16xf32, #tpu.memory_space<vmem>>
      %dma_wait3A_118 = tpu.memref_squeeze %dma_wait3A_117 : memref<1x64x16xf32, #tpu.memory_space<vmem>> -> memref<64x16xf32, #tpu.memory_space<vmem>>
      %dma_wait3A_119 = arith.constant 0 : i32
      %dma_wait3A_120 = arith.constant 0 : i32
      %dma_wait3A_121 = tpu.memref_slice %arg3[%add3A_10, %dma_wait3A_119, %dma_wait3A_120] : memref<5120x64x16xf32, #tpu.memory_space<hbm>> -> memref<1x64x16xf32, #tpu.memory_space<hbm>>
      %dma_wait3A_122 = tpu.memref_squeeze %dma_wait3A_121 : memref<1x64x16xf32, #tpu.memory_space<hbm>> -> memref<64x16xf32, #tpu.memory_space<hbm>>
      %dma_wait3A_123 = arith.constant 0 : i32
      %dma_wait3A_124 = arith.constant 0 : i32
      %dma_wait3A_125 = tpu.memref_slice %arg12[%run_scoped3A_11, %dma_wait3A_123, %dma_wait3A_124] : memref<4x64x16xf32, #tpu.memory_space<vmem>> -> memref<1x64x16xf32, #tpu.memory_space<vmem>>
      %dma_wait3A_126 = tpu.memref_squeeze %dma_wait3A_125 : memref<1x64x16xf32, #tpu.memory_space<vmem>> -> memref<64x16xf32, #tpu.memory_space<vmem>>
      %dma_wait3A_127 = arith.constant 0 : i32
      %dma_wait3A_128 = arith.constant 0 : i32
      %dma_wait3A_129 = tpu.memref_slice %arg3[%add3A_10, %dma_wait3A_127, %dma_wait3A_128] : memref<5120x64x16xf32, #tpu.memory_space<hbm>> -> memref<1x64x16xf32, #tpu.memory_space<hbm>>
      %dma_wait3A_130 = tpu.memref_squeeze %dma_wait3A_129 : memref<1x64x16xf32, #tpu.memory_space<hbm>> -> memref<64x16xf32, #tpu.memory_space<hbm>>
      tpu.wait_dma2 semaphore(%run_scoped3A_99 : memref<!tpu.dma_semaphore, #tpu.memory_space<semaphore_mem>>) src(%dma_wait3A_130 : memref<64x16xf32, #tpu.memory_space<hbm>>) dst(%dma_wait3A_126 : memref<64x16xf32, #tpu.memory_space<vmem>>)
      tpu.yield
    }) : () -> ()
    %dma_start3A = arith.constant 0 : i32
    %dma_start3A_12 = arith.constant 0 : i32
    %dma_start3A_13 = arith.constant 0 : i32
    %dma_start3A_14 = arith.constant 0 : i32
    %dma_start3A_15 = arith.constant 0 : i32
    %dma_start3A_16 = tpu.memref_slice %arg13[%dma_start3A_13, %dma_start3A_14, %dma_start3A_15] : memref<2x64x16xf32, #tpu.memory_space<vmem>> -> memref<1x64x16xf32, #tpu.memory_space<vmem>>
    %dma_start3A_17 = tpu.memref_squeeze %dma_start3A_16 : memref<1x64x16xf32, #tpu.memory_space<vmem>> -> memref<64x16xf32, #tpu.memory_space<vmem>>
    %dma_start3A_18 = arith.constant 0 : i32
    %dma_start3A_19 = tpu.memref_slice %arg11[%dma_start3A, %dma_start3A_12, %dma_start3A_18] : memref<4x2x64xi32, #tpu.memory_space<vmem>> -> memref<1x1x64xi32, #tpu.memory_space<vmem>>
    %dma_start3A_20 = tpu.memref_squeeze %dma_start3A_19 : memref<1x1x64xi32, #tpu.memory_space<vmem>> -> memref<64xi32, #tpu.memory_space<vmem>>
    %dma_start3A_21 = arith.constant 0 : i32
    %dma_start3A_22 = arith.constant 0 : i32
    %dma_start3A_23 = tpu.memref_slice %arg4[%dma_start3A_21, %dma_start3A_22] : memref<10000x16xf32, #tpu.memory_space<hbm>> -> memref<10000x16xf32, #tpu.memory_space<hbm>>
    tpu.enqueue_indirect_dma source(%dma_start3A_23 : memref<10000x16xf32, #tpu.memory_space<hbm>>) target(%dma_start3A_17 : memref<64x16xf32, #tpu.memory_space<vmem>>) offsets(%dma_start3A_20 : memref<64xi32, #tpu.memory_space<vmem>>) semaphore(%arg21 : memref<!tpu.dma_semaphore, #tpu.memory_space<semaphore_mem>>)
    %dma_start3A_24 = arith.constant 0 : i32
    %dma_start3A_25 = arith.constant 1 : i32
    %dma_start3A_26 = arith.constant 0 : i32
    %dma_start3A_27 = arith.constant 0 : i32
    %dma_start3A_28 = arith.constant 0 : i32
    %dma_start3A_29 = tpu.memref_slice %arg14[%dma_start3A_26, %dma_start3A_27, %dma_start3A_28] : memref<2x64x16xf32, #tpu.memory_space<vmem>> -> memref<1x64x16xf32, #tpu.memory_space<vmem>>
    %dma_start3A_30 = tpu.memref_squeeze %dma_start3A_29 : memref<1x64x16xf32, #tpu.memory_space<vmem>> -> memref<64x16xf32, #tpu.memory_space<vmem>>
    %dma_start3A_31 = arith.constant 0 : i32
    %dma_start3A_32 = tpu.memref_slice %arg11[%dma_start3A_24, %dma_start3A_25, %dma_start3A_31] : memref<4x2x64xi32, #tpu.memory_space<vmem>> -> memref<1x1x64xi32, #tpu.memory_space<vmem>>
    %dma_start3A_33 = tpu.memref_squeeze %dma_start3A_32 : memref<1x1x64xi32, #tpu.memory_space<vmem>> -> memref<64xi32, #tpu.memory_space<vmem>>
    %dma_start3A_34 = arith.constant 0 : i32
    %dma_start3A_35 = arith.constant 0 : i32
    %dma_start3A_36 = tpu.memref_slice %arg5[%dma_start3A_34, %dma_start3A_35] : memref<10000x16xf32, #tpu.memory_space<hbm>> -> memref<10000x16xf32, #tpu.memory_space<hbm>>
    tpu.enqueue_indirect_dma source(%dma_start3A_36 : memref<10000x16xf32, #tpu.memory_space<hbm>>) target(%dma_start3A_30 : memref<64x16xf32, #tpu.memory_space<vmem>>) offsets(%dma_start3A_33 : memref<64xi32, #tpu.memory_space<vmem>>) semaphore(%arg21 : memref<!tpu.dma_semaphore, #tpu.memory_space<semaphore_mem>>)
    %dma_start3A_37 = arith.constant 0 : i32
    %dma_start3A_38 = arith.constant 0 : i32
    %dma_start3A_39 = arith.constant 0 : i32
    %dma_start3A_40 = arith.constant 0 : i32
    %dma_start3A_41 = arith.constant 0 : i32
    %dma_start3A_42 = tpu.memref_slice %arg15[%dma_start3A_39, %dma_start3A_40, %dma_start3A_41] : memref<2x64x128xf32, #tpu.memory_space<vmem>> -> memref<1x64x128xf32, #tpu.memory_space<vmem>>
    %dma_start3A_43 = tpu.memref_squeeze %dma_start3A_42 : memref<1x64x128xf32, #tpu.memory_space<vmem>> -> memref<64x128xf32, #tpu.memory_space<vmem>>
    %dma_start3A_44 = arith.constant 0 : i32
    %dma_start3A_45 = tpu.memref_slice %arg11[%dma_start3A_37, %dma_start3A_38, %dma_start3A_44] : memref<4x2x64xi32, #tpu.memory_space<vmem>> -> memref<1x1x64xi32, #tpu.memory_space<vmem>>
    %dma_start3A_46 = tpu.memref_squeeze %dma_start3A_45 : memref<1x1x64xi32, #tpu.memory_space<vmem>> -> memref<64xi32, #tpu.memory_space<vmem>>
    %dma_start3A_47 = arith.constant 0 : i32
    %dma_start3A_48 = arith.constant 0 : i32
    %dma_start3A_49 = tpu.memref_slice %arg6[%dma_start3A_47, %dma_start3A_48] : memref<10000x128xf32, #tpu.memory_space<hbm>> -> memref<10000x128xf32, #tpu.memory_space<hbm>>
    tpu.enqueue_indirect_dma source(%dma_start3A_49 : memref<10000x128xf32, #tpu.memory_space<hbm>>) target(%dma_start3A_43 : memref<64x128xf32, #tpu.memory_space<vmem>>) offsets(%dma_start3A_46 : memref<64xi32, #tpu.memory_space<vmem>>) semaphore(%arg21 : memref<!tpu.dma_semaphore, #tpu.memory_space<semaphore_mem>>)
    %mul3A_50 = arith.constant 160 : i32
    %mul3A_51 = arith.muli %add3A, %mul3A_50 : i32
    %add3A_52 = arith.constant 1 : i32
    %add3A_53 = arith.addi %mul3A_51, %add3A_52 : i32
    %dma_start3A_54 = arith.constant 1 : i32
    %dma_start3A_55 = arith.constant 0 : i32
    %dma_start3A_56 = arith.constant 0 : i32
    %dma_start3A_57 = tpu.memref_slice %arg11[%dma_start3A_54, %dma_start3A_55, %dma_start3A_56] : memref<4x2x64xi32, #tpu.memory_space<vmem>> -> memref<1x2x64xi32, #tpu.memory_space<vmem>>
    %dma_start3A_58 = tpu.memref_squeeze %dma_start3A_57 : memref<1x2x64xi32, #tpu.memory_space<vmem>> -> memref<2x64xi32, #tpu.memory_space<vmem>>
    %dma_start3A_59 = arith.constant 0 : i32
    %dma_start3A_60 = arith.constant 0 : i32
    %dma_start3A_61 = tpu.memref_slice %arg2[%add3A_53, %dma_start3A_59, %dma_start3A_60] : memref<5120x2x64xi32, #tpu.memory_space<hbm>> -> memref<1x2x64xi32, #tpu.memory_space<hbm>>
    %dma_start3A_62 = tpu.memref_squeeze %dma_start3A_61 : memref<1x2x64xi32, #tpu.memory_space<hbm>> -> memref<2x64xi32, #tpu.memory_space<hbm>>
    %dma_start3A_63 = arith.constant 0 : i32
    %dma_start3A_64 = arith.constant 0 : i32
    %dma_start3A_65 = tpu.memref_slice %arg11[%dma_start3A_54, %dma_start3A_63, %dma_start3A_64] : memref<4x2x64xi32, #tpu.memory_space<vmem>> -> memref<1x2x64xi32, #tpu.memory_space<vmem>>
    %dma_start3A_66 = tpu.memref_squeeze %dma_start3A_65 : memref<1x2x64xi32, #tpu.memory_space<vmem>> -> memref<2x64xi32, #tpu.memory_space<vmem>>
    %dma_start3A_67 = arith.constant 0 : i32
    %dma_start3A_68 = arith.constant 0 : i32
    %dma_start3A_69 = tpu.memref_slice %arg2[%add3A_53, %dma_start3A_67, %dma_start3A_68] : memref<5120x2x64xi32, #tpu.memory_space<hbm>> -> memref<1x2x64xi32, #tpu.memory_space<hbm>>
    %dma_start3A_70 = tpu.memref_squeeze %dma_start3A_69 : memref<1x2x64xi32, #tpu.memory_space<hbm>> -> memref<2x64xi32, #tpu.memory_space<hbm>>
    tpu.enqueue_dma source(%dma_start3A_70 : memref<2x64xi32, #tpu.memory_space<hbm>>) target(%dma_start3A_66 : memref<2x64xi32, #tpu.memory_space<vmem>>) target_semaphore(%arg20 : memref<!tpu.dma_semaphore, #tpu.memory_space<semaphore_mem>>)
    %mul3A_71 = arith.constant 160 : i32
    %mul3A_72 = arith.muli %add3A, %mul3A_71 : i32
    %add3A_73 = arith.constant 1 : i32
    %add3A_74 = arith.addi %mul3A_72, %add3A_73 : i32
    %dma_start3A_75 = arith.constant 1 : i32
    %dma_start3A_76 = arith.constant 0 : i32
    %dma_start3A_77 = arith.constant 0 : i32
    %dma_start3A_78 = tpu.memref_slice %arg12[%dma_start3A_75, %dma_start3A_76, %dma_start3A_77] : memref<4x64x16xf32, #tpu.memory_space<vmem>> -> memref<1x64x16xf32, #tpu.memory_space<vmem>>
    %dma_start3A_79 = tpu.memref_squeeze %dma_start3A_78 : memref<1x64x16xf32, #tpu.memory_space<vmem>> -> memref<64x16xf32, #tpu.memory_space<vmem>>
    %dma_start3A_80 = arith.constant 0 : i32
    %dma_start3A_81 = arith.constant 0 : i32
    %dma_start3A_82 = tpu.memref_slice %arg3[%add3A_74, %dma_start3A_80, %dma_start3A_81] : memref<5120x64x16xf32, #tpu.memory_space<hbm>> -> memref<1x64x16xf32, #tpu.memory_space<hbm>>
    %dma_start3A_83 = tpu.memref_squeeze %dma_start3A_82 : memref<1x64x16xf32, #tpu.memory_space<hbm>> -> memref<64x16xf32, #tpu.memory_space<hbm>>
    %dma_start3A_84 = arith.constant 0 : i32
    %dma_start3A_85 = arith.constant 0 : i32
    %dma_start3A_86 = tpu.memref_slice %arg12[%dma_start3A_75, %dma_start3A_84, %dma_start3A_85] : memref<4x64x16xf32, #tpu.memory_space<vmem>> -> memref<1x64x16xf32, #tpu.memory_space<vmem>>
    %dma_start3A_87 = tpu.memref_squeeze %dma_start3A_86 : memref<1x64x16xf32, #tpu.memory_space<vmem>> -> memref<64x16xf32, #tpu.memory_space<vmem>>
    %dma_start3A_88 = arith.constant 0 : i32
    %dma_start3A_89 = arith.constant 0 : i32
    %dma_start3A_90 = tpu.memref_slice %arg3[%add3A_74, %dma_start3A_88, %dma_start3A_89] : memref<5120x64x16xf32, #tpu.memory_space<hbm>> -> memref<1x64x16xf32, #tpu.memory_space<hbm>>
    %dma_start3A_91 = tpu.memref_squeeze %dma_start3A_90 : memref<1x64x16xf32, #tpu.memory_space<hbm>> -> memref<64x16xf32, #tpu.memory_space<hbm>>
    tpu.enqueue_dma source(%dma_start3A_91 : memref<64x16xf32, #tpu.memory_space<hbm>>) target(%dma_start3A_87 : memref<64x16xf32, #tpu.memory_space<vmem>>) target_semaphore(%arg20 : memref<!tpu.dma_semaphore, #tpu.memory_space<semaphore_mem>>)
    %scan3A = arith.constant 0 : i32
    %scan3A_92 = arith.constant 0 : i32
    %scan3A_93 = arith.constant 40 : i32
    %scan3A_94 = arith.addi %scan3A_92, %scan3A_93 : i32
    %scan3A_95 = arith.constant 1 : i32
    %scan3A_96 = scf.for %scan3A_99 = %scan3A_92 to %scan3A_94 step %scan3A_95 iter_args(%scan3A_100 = %scan3A) -> (i32)  : i32 {
      %mul3A_101 = arith.constant 4 : i32
      %mul3A_102 = arith.muli %scan3A_99, %mul3A_101 : i32
      %add3A_103 = arith.constant 0 : i32
      %add3A_104 = arith.addi %mul3A_102, %add3A_103 : i32
      %add3A_105 = arith.constant 1 : i32
      %add3A_106 = arith.addi %add3A_104, %add3A_105 : i32
      %lt3A = arith.constant 160 : i32
      %lt3A_107 = arith.cmpi slt, %add3A_106, %lt3A : i32
      %convert_element_type3A = arith.extui %lt3A_107 : i1 to i32
      %cond3A = arith.constant 0 : i32
      %cond3A_108 = arith.cmpi ne, %convert_element_type3A, %cond3A : i32
      scf.if %cond3A_108 {
        %dma_wait3A_353 = arith.constant 0 : i32
        %dma_wait3A_354 = arith.constant 1 : i32
        %dma_wait3A_355 = arith.constant 0 : i32
        %dma_wait3A_356 = arith.constant 0 : i32
        %dma_wait3A_357 = tpu.memref_slice %arg11[%dma_wait3A_354, %dma_wait3A_355, %dma_wait3A_356] : memref<4x2x64xi32, #tpu.memory_space<vmem>> -> memref<1x2x64xi32, #tpu.memory_space<vmem>>
        %dma_wait3A_358 = tpu.memref_squeeze %dma_wait3A_357 : memref<1x2x64xi32, #tpu.memory_space<vmem>> -> memref<2x64xi32, #tpu.memory_space<vmem>>
        %dma_wait3A_359 = arith.constant 0 : i32
        %dma_wait3A_360 = arith.constant 0 : i32
        %dma_wait3A_361 = tpu.memref_slice %arg2[%dma_wait3A_353, %dma_wait3A_359, %dma_wait3A_360] : memref<5120x2x64xi32, #tpu.memory_space<hbm>> -> memref<1x2x64xi32, #tpu.memory_space<hbm>>
        %dma_wait3A_362 = tpu.memref_squeeze %dma_wait3A_361 : memref<1x2x64xi32, #tpu.memory_space<hbm>> -> memref<2x64xi32, #tpu.memory_space<hbm>>
        %dma_wait3A_363 = arith.constant 0 : i32
        %dma_wait3A_364 = arith.constant 0 : i32
        %dma_wait3A_365 = tpu.memref_slice %arg11[%dma_wait3A_354, %dma_wait3A_363, %dma_wait3A_364] : memref<4x2x64xi32, #tpu.memory_space<vmem>> -> memref<1x2x64xi32, #tpu.memory_space<vmem>>
        %dma_wait3A_366 = tpu.memref_squeeze %dma_wait3A_365 : memref<1x2x64xi32, #tpu.memory_space<vmem>> -> memref<2x64xi32, #tpu.memory_space<vmem>>
        %dma_wait3A_367 = arith.constant 0 : i32
        %dma_wait3A_368 = arith.constant 0 : i32
        %dma_wait3A_369 = tpu.memref_slice %arg2[%dma_wait3A_353, %dma_wait3A_367, %dma_wait3A_368] : memref<5120x2x64xi32, #tpu.memory_space<hbm>> -> memref<1x2x64xi32, #tpu.memory_space<hbm>>
        %dma_wait3A_370 = tpu.memref_squeeze %dma_wait3A_369 : memref<1x2x64xi32, #tpu.memory_space<hbm>> -> memref<2x64xi32, #tpu.memory_space<hbm>>
        tpu.wait_dma2 semaphore(%arg20 : memref<!tpu.dma_semaphore, #tpu.memory_space<semaphore_mem>>) src(%dma_wait3A_370 : memref<2x64xi32, #tpu.memory_space<hbm>>) dst(%dma_wait3A_366 : memref<2x64xi32, #tpu.memory_space<vmem>>)
        %dma_wait3A_371 = arith.constant 0 : i32
        %dma_wait3A_372 = arith.constant 1 : i32
        %dma_wait3A_373 = arith.constant 0 : i32
        %dma_wait3A_374 = arith.constant 0 : i32
        %dma_wait3A_375 = tpu.memref_slice %arg12[%dma_wait3A_372, %dma_wait3A_373, %dma_wait3A_374] : memref<4x64x16xf32, #tpu.memory_space<vmem>> -> memref<1x64x16xf32, #tpu.memory_space<vmem>>
        %dma_wait3A_376 = tpu.memref_squeeze %dma_wait3A_375 : memref<1x64x16xf32, #tpu.memory_space<vmem>> -> memref<64x16xf32, #tpu.memory_space<vmem>>
        %dma_wait3A_377 = arith.constant 0 : i32
        %dma_wait3A_378 = arith.constant 0 : i32
        %dma_wait3A_379 = tpu.memref_slice %arg3[%dma_wait3A_371, %dma_wait3A_377, %dma_wait3A_378] : memref<5120x64x16xf32, #tpu.memory_space<hbm>> -> memref<1x64x16xf32, #tpu.memory_space<hbm>>
        %dma_wait3A_380 = tpu.memref_squeeze %dma_wait3A_379 : memref<1x64x16xf32, #tpu.memory_space<hbm>> -> memref<64x16xf32, #tpu.memory_space<hbm>>
        %dma_wait3A_381 = arith.constant 0 : i32
        %dma_wait3A_382 = arith.constant 0 : i32
        %dma_wait3A_383 = tpu.memref_slice %arg12[%dma_wait3A_372, %dma_wait3A_381, %dma_wait3A_382] : memref<4x64x16xf32, #tpu.memory_space<vmem>> -> memref<1x64x16xf32, #tpu.memory_space<vmem>>
        %dma_wait3A_384 = tpu.memref_squeeze %dma_wait3A_383 : memref<1x64x16xf32, #tpu.memory_space<vmem>> -> memref<64x16xf32, #tpu.memory_space<vmem>>
        %dma_wait3A_385 = arith.constant 0 : i32
        %dma_wait3A_386 = arith.constant 0 : i32
        %dma_wait3A_387 = tpu.memref_slice %arg3[%dma_wait3A_371, %dma_wait3A_385, %dma_wait3A_386] : memref<5120x64x16xf32, #tpu.memory_space<hbm>> -> memref<1x64x16xf32, #tpu.memory_space<hbm>>
        %dma_wait3A_388 = tpu.memref_squeeze %dma_wait3A_387 : memref<1x64x16xf32, #tpu.memory_space<hbm>> -> memref<64x16xf32, #tpu.memory_space<hbm>>
        tpu.wait_dma2 semaphore(%arg20 : memref<!tpu.dma_semaphore, #tpu.memory_space<semaphore_mem>>) src(%dma_wait3A_388 : memref<64x16xf32, #tpu.memory_space<hbm>>) dst(%dma_wait3A_384 : memref<64x16xf32, #tpu.memory_space<vmem>>)
        %dma_start3A_389 = arith.constant 1 : i32
        %dma_start3A_390 = arith.constant 0 : i32
        %dma_start3A_391 = arith.constant 1 : i32
        %dma_start3A_392 = arith.constant 0 : i32
        %dma_start3A_393 = arith.constant 0 : i32
        %dma_start3A_394 = tpu.memref_slice %arg13[%dma_start3A_391, %dma_start3A_392, %dma_start3A_393] : memref<2x64x16xf32, #tpu.memory_space<vmem>> -> memref<1x64x16xf32, #tpu.memory_space<vmem>>
        %dma_start3A_395 = tpu.memref_squeeze %dma_start3A_394 : memref<1x64x16xf32, #tpu.memory_space<vmem>> -> memref<64x16xf32, #tpu.memory_space<vmem>>
        %dma_start3A_396 = arith.constant 0 : i32
        %dma_start3A_397 = tpu.memref_slice %arg11[%dma_start3A_389, %dma_start3A_390, %dma_start3A_396] : memref<4x2x64xi32, #tpu.memory_space<vmem>> -> memref<1x1x64xi32, #tpu.memory_space<vmem>>
        %dma_start3A_398 = tpu.memref_squeeze %dma_start3A_397 : memref<1x1x64xi32, #tpu.memory_space<vmem>> -> memref<64xi32, #tpu.memory_space<vmem>>
        %dma_start3A_399 = arith.constant 0 : i32
        %dma_start3A_400 = arith.constant 0 : i32
        %dma_start3A_401 = tpu.memref_slice %arg4[%dma_start3A_399, %dma_start3A_400] : memref<10000x16xf32, #tpu.memory_space<hbm>> -> memref<10000x16xf32, #tpu.memory_space<hbm>>
        tpu.enqueue_indirect_dma source(%dma_start3A_401 : memref<10000x16xf32, #tpu.memory_space<hbm>>) target(%dma_start3A_395 : memref<64x16xf32, #tpu.memory_space<vmem>>) offsets(%dma_start3A_398 : memref<64xi32, #tpu.memory_space<vmem>>) semaphore(%arg21 : memref<!tpu.dma_semaphore, #tpu.memory_space<semaphore_mem>>)
        %dma_start3A_402 = arith.constant 1 : i32
        %dma_start3A_403 = arith.constant 1 : i32
        %dma_start3A_404 = arith.constant 1 : i32
        %dma_start3A_405 = arith.constant 0 : i32
        %dma_start3A_406 = arith.constant 0 : i32
        %dma_start3A_407 = tpu.memref_slice %arg14[%dma_start3A_404, %dma_start3A_405, %dma_start3A_406] : memref<2x64x16xf32, #tpu.memory_space<vmem>> -> memref<1x64x16xf32, #tpu.memory_space<vmem>>
        %dma_start3A_408 = tpu.memref_squeeze %dma_start3A_407 : memref<1x64x16xf32, #tpu.memory_space<vmem>> -> memref<64x16xf32, #tpu.memory_space<vmem>>
        %dma_start3A_409 = arith.constant 0 : i32
        %dma_start3A_410 = tpu.memref_slice %arg11[%dma_start3A_402, %dma_start3A_403, %dma_start3A_409] : memref<4x2x64xi32, #tpu.memory_space<vmem>> -> memref<1x1x64xi32, #tpu.memory_space<vmem>>
        %dma_start3A_411 = tpu.memref_squeeze %dma_start3A_410 : memref<1x1x64xi32, #tpu.memory_space<vmem>> -> memref<64xi32, #tpu.memory_space<vmem>>
        %dma_start3A_412 = arith.constant 0 : i32
        %dma_start3A_413 = arith.constant 0 : i32
        %dma_start3A_414 = tpu.memref_slice %arg5[%dma_start3A_412, %dma_start3A_413] : memref<10000x16xf32, #tpu.memory_space<hbm>> -> memref<10000x16xf32, #tpu.memory_space<hbm>>
        tpu.enqueue_indirect_dma source(%dma_start3A_414 : memref<10000x16xf32, #tpu.memory_space<hbm>>) target(%dma_start3A_408 : memref<64x16xf32, #tpu.memory_space<vmem>>) offsets(%dma_start3A_411 : memref<64xi32, #tpu.memory_space<vmem>>) semaphore(%arg21 : memref<!tpu.dma_semaphore, #tpu.memory_space<semaphore_mem>>)
        %dma_start3A_415 = arith.constant 1 : i32
        %dma_start3A_416 = arith.constant 0 : i32
        %dma_start3A_417 = arith.constant 1 : i32
        %dma_start3A_418 = arith.constant 0 : i32
        %dma_start3A_419 = arith.constant 0 : i32
        %dma_start3A_420 = tpu.memref_slice %arg15[%dma_start3A_417, %dma_start3A_418, %dma_start3A_419] : memref<2x64x128xf32, #tpu.memory_space<vmem>> -> memref<1x64x128xf32, #tpu.memory_space<vmem>>
        %dma_start3A_421 = tpu.memref_squeeze %dma_start3A_420 : memref<1x64x128xf32, #tpu.memory_space<vmem>> -> memref<64x128xf32, #tpu.memory_space<vmem>>
        %dma_start3A_422 = arith.constant 0 : i32
        %dma_start3A_423 = tpu.memref_slice %arg11[%dma_start3A_415, %dma_start3A_416, %dma_start3A_422] : memref<4x2x64xi32, #tpu.memory_space<vmem>> -> memref<1x1x64xi32, #tpu.memory_space<vmem>>
        %dma_start3A_424 = tpu.memref_squeeze %dma_start3A_423 : memref<1x1x64xi32, #tpu.memory_space<vmem>> -> memref<64xi32, #tpu.memory_space<vmem>>
        %dma_start3A_425 = arith.constant 0 : i32
        %dma_start3A_426 = arith.constant 0 : i32
        %dma_start3A_427 = tpu.memref_slice %arg6[%dma_start3A_425, %dma_start3A_426] : memref<10000x128xf32, #tpu.memory_space<hbm>> -> memref<10000x128xf32, #tpu.memory_space<hbm>>
        tpu.enqueue_indirect_dma source(%dma_start3A_427 : memref<10000x128xf32, #tpu.memory_space<hbm>>) target(%dma_start3A_421 : memref<64x128xf32, #tpu.memory_space<vmem>>) offsets(%dma_start3A_424 : memref<64xi32, #tpu.memory_space<vmem>>) semaphore(%arg21 : memref<!tpu.dma_semaphore, #tpu.memory_space<semaphore_mem>>)
      } else {
      }
      %add3A_109 = arith.constant 2 : i32
      %add3A_110 = arith.addi %add3A_104, %add3A_109 : i32
      %lt3A_111 = arith.constant 160 : i32
      %lt3A_112 = arith.cmpi slt, %add3A_110, %lt3A_111 : i32
      %convert_element_type3A_113 = arith.extui %lt3A_112 : i1 to i32
      %cond3A_114 = arith.constant 0 : i32
      %cond3A_115 = arith.cmpi ne, %convert_element_type3A_113, %cond3A_114 : i32
      scf.if %cond3A_115 {
        %add3A_353 = arith.constant 2 : i32
        %add3A_354 = arith.addi %add3A_104, %add3A_353 : i32
        %mul3A_355 = arith.constant 160 : i32
        %mul3A_356 = arith.muli %add3A, %mul3A_355 : i32
        %add3A_357 = arith.addi %mul3A_356, %add3A_354 : i32
        %dma_start3A_358 = arith.constant 2 : i32
        %dma_start3A_359 = arith.constant 0 : i32
        %dma_start3A_360 = arith.constant 0 : i32
        %dma_start3A_361 = tpu.memref_slice %arg11[%dma_start3A_358, %dma_start3A_359, %dma_start3A_360] : memref<4x2x64xi32, #tpu.memory_space<vmem>> -> memref<1x2x64xi32, #tpu.memory_space<vmem>>
        %dma_start3A_362 = tpu.memref_squeeze %dma_start3A_361 : memref<1x2x64xi32, #tpu.memory_space<vmem>> -> memref<2x64xi32, #tpu.memory_space<vmem>>
        %dma_start3A_363 = arith.constant 0 : i32
        %dma_start3A_364 = arith.constant 0 : i32
        %dma_start3A_365 = tpu.memref_slice %arg2[%add3A_357, %dma_start3A_363, %dma_start3A_364] : memref<5120x2x64xi32, #tpu.memory_space<hbm>> -> memref<1x2x64xi32, #tpu.memory_space<hbm>>
        %dma_start3A_366 = tpu.memref_squeeze %dma_start3A_365 : memref<1x2x64xi32, #tpu.memory_space<hbm>> -> memref<2x64xi32, #tpu.memory_space<hbm>>
        %dma_start3A_367 = arith.constant 0 : i32
        %dma_start3A_368 = arith.constant 0 : i32
        %dma_start3A_369 = tpu.memref_slice %arg11[%dma_start3A_358, %dma_start3A_367, %dma_start3A_368] : memref<4x2x64xi32, #tpu.memory_space<vmem>> -> memref<1x2x64xi32, #tpu.memory_space<vmem>>
        %dma_start3A_370 = tpu.memref_squeeze %dma_start3A_369 : memref<1x2x64xi32, #tpu.memory_space<vmem>> -> memref<2x64xi32, #tpu.memory_space<vmem>>
        %dma_start3A_371 = arith.constant 0 : i32
        %dma_start3A_372 = arith.constant 0 : i32
        %dma_start3A_373 = tpu.memref_slice %arg2[%add3A_357, %dma_start3A_371, %dma_start3A_372] : memref<5120x2x64xi32, #tpu.memory_space<hbm>> -> memref<1x2x64xi32, #tpu.memory_space<hbm>>
        %dma_start3A_374 = tpu.memref_squeeze %dma_start3A_373 : memref<1x2x64xi32, #tpu.memory_space<hbm>> -> memref<2x64xi32, #tpu.memory_space<hbm>>
        tpu.enqueue_dma source(%dma_start3A_374 : memref<2x64xi32, #tpu.memory_space<hbm>>) target(%dma_start3A_370 : memref<2x64xi32, #tpu.memory_space<vmem>>) target_semaphore(%arg20 : memref<!tpu.dma_semaphore, #tpu.memory_space<semaphore_mem>>)
        %mul3A_375 = arith.constant 160 : i32
        %mul3A_376 = arith.muli %add3A, %mul3A_375 : i32
        %add3A_377 = arith.addi %mul3A_376, %add3A_354 : i32
        %dma_start3A_378 = arith.constant 2 : i32
        %dma_start3A_379 = arith.constant 0 : i32
        %dma_start3A_380 = arith.constant 0 : i32
        %dma_start3A_381 = tpu.memref_slice %arg12[%dma_start3A_378, %dma_start3A_379, %dma_start3A_380] : memref<4x64x16xf32, #tpu.memory_space<vmem>> -> memref<1x64x16xf32, #tpu.memory_space<vmem>>
        %dma_start3A_382 = tpu.memref_squeeze %dma_start3A_381 : memref<1x64x16xf32, #tpu.memory_space<vmem>> -> memref<64x16xf32, #tpu.memory_space<vmem>>
        %dma_start3A_383 = arith.constant 0 : i32
        %dma_start3A_384 = arith.constant 0 : i32
        %dma_start3A_385 = tpu.memref_slice %arg3[%add3A_377, %dma_start3A_383, %dma_start3A_384] : memref<5120x64x16xf32, #tpu.memory_space<hbm>> -> memref<1x64x16xf32, #tpu.memory_space<hbm>>
        %dma_start3A_386 = tpu.memref_squeeze %dma_start3A_385 : memref<1x64x16xf32, #tpu.memory_space<hbm>> -> memref<64x16xf32, #tpu.memory_space<hbm>>
        %dma_start3A_387 = arith.constant 0 : i32
        %dma_start3A_388 = arith.constant 0 : i32
        %dma_start3A_389 = tpu.memref_slice %arg12[%dma_start3A_378, %dma_start3A_387, %dma_start3A_388] : memref<4x64x16xf32, #tpu.memory_space<vmem>> -> memref<1x64x16xf32, #tpu.memory_space<vmem>>
        %dma_start3A_390 = tpu.memref_squeeze %dma_start3A_389 : memref<1x64x16xf32, #tpu.memory_space<vmem>> -> memref<64x16xf32, #tpu.memory_space<vmem>>
        %dma_start3A_391 = arith.constant 0 : i32
        %dma_start3A_392 = arith.constant 0 : i32
        %dma_start3A_393 = tpu.memref_slice %arg3[%add3A_377, %dma_start3A_391, %dma_start3A_392] : memref<5120x64x16xf32, #tpu.memory_space<hbm>> -> memref<1x64x16xf32, #tpu.memory_space<hbm>>
        %dma_start3A_394 = tpu.memref_squeeze %dma_start3A_393 : memref<1x64x16xf32, #tpu.memory_space<hbm>> -> memref<64x16xf32, #tpu.memory_space<hbm>>
        tpu.enqueue_dma source(%dma_start3A_394 : memref<64x16xf32, #tpu.memory_space<hbm>>) target(%dma_start3A_390 : memref<64x16xf32, #tpu.memory_space<vmem>>) target_semaphore(%arg20 : memref<!tpu.dma_semaphore, #tpu.memory_space<semaphore_mem>>)
      } else {
      }
      %dma_wait3A = arith.constant 0 : i32
      %dma_wait3A_116 = arith.constant 0 : i32
      %dma_wait3A_117 = arith.constant 0 : i32
      %dma_wait3A_118 = arith.constant 0 : i32
      %dma_wait3A_119 = arith.constant 0 : i32
      %dma_wait3A_120 = tpu.memref_slice %arg13[%dma_wait3A_117, %dma_wait3A_118, %dma_wait3A_119] : memref<2x64x16xf32, #tpu.memory_space<vmem>> -> memref<1x64x16xf32, #tpu.memory_space<vmem>>
      %dma_wait3A_121 = tpu.memref_squeeze %dma_wait3A_120 : memref<1x64x16xf32, #tpu.memory_space<vmem>> -> memref<64x16xf32, #tpu.memory_space<vmem>>
      %dma_wait3A_122 = arith.constant 0 : i32
      %dma_wait3A_123 = tpu.memref_slice %arg11[%dma_wait3A, %dma_wait3A_116, %dma_wait3A_122] : memref<4x2x64xi32, #tpu.memory_space<vmem>> -> memref<1x1x64xi32, #tpu.memory_space<vmem>>
      %dma_wait3A_124 = tpu.memref_squeeze %dma_wait3A_123 : memref<1x1x64xi32, #tpu.memory_space<vmem>> -> memref<64xi32, #tpu.memory_space<vmem>>
      %dma_wait3A_125 = arith.constant 0 : i32
      %dma_wait3A_126 = arith.constant 0 : i32
      %dma_wait3A_127 = tpu.memref_slice %arg4[%dma_wait3A_125, %dma_wait3A_126] : memref<10000x16xf32, #tpu.memory_space<hbm>> -> memref<10000x16xf32, #tpu.memory_space<hbm>>
      tpu.wait_indirect_dma semaphore(%arg21 : memref<!tpu.dma_semaphore, #tpu.memory_space<semaphore_mem>>) src(%dma_wait3A_127 : memref<10000x16xf32, #tpu.memory_space<hbm>>) dst(%dma_wait3A_121 : memref<64x16xf32, #tpu.memory_space<vmem>>)
      %dma_wait3A_128 = arith.constant 0 : i32
      %dma_wait3A_129 = arith.constant 1 : i32
      %dma_wait3A_130 = arith.constant 0 : i32
      %dma_wait3A_131 = arith.constant 0 : i32
      %dma_wait3A_132 = arith.constant 0 : i32
      %dma_wait3A_133 = tpu.memref_slice %arg14[%dma_wait3A_130, %dma_wait3A_131, %dma_wait3A_132] : memref<2x64x16xf32, #tpu.memory_space<vmem>> -> memref<1x64x16xf32, #tpu.memory_space<vmem>>
      %dma_wait3A_134 = tpu.memref_squeeze %dma_wait3A_133 : memref<1x64x16xf32, #tpu.memory_space<vmem>> -> memref<64x16xf32, #tpu.memory_space<vmem>>
      %dma_wait3A_135 = arith.constant 0 : i32
      %dma_wait3A_136 = tpu.memref_slice %arg11[%dma_wait3A_128, %dma_wait3A_129, %dma_wait3A_135] : memref<4x2x64xi32, #tpu.memory_space<vmem>> -> memref<1x1x64xi32, #tpu.memory_space<vmem>>
      %dma_wait3A_137 = tpu.memref_squeeze %dma_wait3A_136 : memref<1x1x64xi32, #tpu.memory_space<vmem>> -> memref<64xi32, #tpu.memory_space<vmem>>
      %dma_wait3A_138 = arith.constant 0 : i32
      %dma_wait3A_139 = arith.constant 0 : i32
      %dma_wait3A_140 = tpu.memref_slice %arg5[%dma_wait3A_138, %dma_wait3A_139] : memref<10000x16xf32, #tpu.memory_space<hbm>> -> memref<10000x16xf32, #tpu.memory_space<hbm>>
      tpu.wait_indirect_dma semaphore(%arg21 : memref<!tpu.dma_semaphore, #tpu.memory_space<semaphore_mem>>) src(%dma_wait3A_140 : memref<10000x16xf32, #tpu.memory_space<hbm>>) dst(%dma_wait3A_134 : memref<64x16xf32, #tpu.memory_space<vmem>>)
      %dma_wait3A_141 = arith.constant 0 : i32
      %dma_wait3A_142 = arith.constant 0 : i32
      %dma_wait3A_143 = arith.constant 0 : i32
      %dma_wait3A_144 = arith.constant 0 : i32
      %dma_wait3A_145 = arith.constant 0 : i32
      %dma_wait3A_146 = tpu.memref_slice %arg15[%dma_wait3A_143, %dma_wait3A_144, %dma_wait3A_145] : memref<2x64x128xf32, #tpu.memory_space<vmem>> -> memref<1x64x128xf32, #tpu.memory_space<vmem>>
      %dma_wait3A_147 = tpu.memref_squeeze %dma_wait3A_146 : memref<1x64x128xf32, #tpu.memory_space<vmem>> -> memref<64x128xf32, #tpu.memory_space<vmem>>
      %dma_wait3A_148 = arith.constant 0 : i32
      %dma_wait3A_149 = tpu.memref_slice %arg11[%dma_wait3A_141, %dma_wait3A_142, %dma_wait3A_148] : memref<4x2x64xi32, #tpu.memory_space<vmem>> -> memref<1x1x64xi32, #tpu.memory_space<vmem>>
      %dma_wait3A_150 = tpu.memref_squeeze %dma_wait3A_149 : memref<1x1x64xi32, #tpu.memory_space<vmem>> -> memref<64xi32, #tpu.memory_space<vmem>>
      %dma_wait3A_151 = arith.constant 0 : i32
      %dma_wait3A_152 = arith.constant 0 : i32
      %dma_wait3A_153 = tpu.memref_slice %arg6[%dma_wait3A_151, %dma_wait3A_152] : memref<10000x128xf32, #tpu.memory_space<hbm>> -> memref<10000x128xf32, #tpu.memory_space<hbm>>
      tpu.wait_indirect_dma semaphore(%arg21 : memref<!tpu.dma_semaphore, #tpu.memory_space<semaphore_mem>>) src(%dma_wait3A_153 : memref<10000x128xf32, #tpu.memory_space<hbm>>) dst(%dma_wait3A_147 : memref<64x128xf32, #tpu.memory_space<vmem>>)
      %parallel_loop3A = arith.constant 0 : i32
      %parallel_loop3A_154 = arith.constant 64 : i32
      %parallel_loop3A_155 = arith.constant 1 : i32
      scf.for %parallel_loop3A_353 = %parallel_loop3A to %parallel_loop3A_154 step %parallel_loop3A_155  : i32 {
        %parallel_loop3A_354 = arith.constant 0 : i32
        %parallel_loop3A_355 = arith.index_cast %parallel_loop3A_354 : i32 to index
        %parallel_loop3A_356 = arith.index_cast %parallel_loop3A_353 : i32 to index
        %parallel_loop3A_357 = arith.constant 0 : index
        %parallel_loop3A_358 = tpu.vector_load %arg13[%parallel_loop3A_355, %parallel_loop3A_356, %parallel_loop3A_357] {strides = array<i32>} : memref<2x64x16xf32, #tpu.memory_space<vmem>>, vector<16xf32>,
        %parallel_loop3A_359 = arith.constant 0 : i32
        %parallel_loop3A_360 = arith.index_cast %parallel_loop3A_359 : i32 to index
        %parallel_loop3A_361 = arith.index_cast %parallel_loop3A_353 : i32 to index
        %parallel_loop3A_362 = arith.constant 0 : index
        %parallel_loop3A_363 = tpu.vector_load %arg14[%parallel_loop3A_360, %parallel_loop3A_361, %parallel_loop3A_362] {strides = array<i32>} : memref<2x64x16xf32, #tpu.memory_space<vmem>>, vector<16xf32>,
        %parallel_loop3A_364 = arith.addf %parallel_loop3A_358, %parallel_loop3A_363 : vector<16xf32>
        %parallel_loop3A_365 = arith.constant 0.000000e+00 : f32
        %parallel_loop3A_366 = vector.broadcast %parallel_loop3A_365 : f32 to vector<16xf32>
        %parallel_loop3A_367 = arith.cmpf ogt, %parallel_loop3A_364, %parallel_loop3A_366 : vector<16xf32>
        %parallel_loop3A_368 = arith.constant 2.000000e-01 : f32
        %parallel_loop3A_369 = vector.broadcast %parallel_loop3A_368 : f32 to vector<16xf32>
        %parallel_loop3A_370 = arith.mulf %parallel_loop3A_364, %parallel_loop3A_369 : vector<16xf32>
        %parallel_loop3A_371 = arith.select %parallel_loop3A_367, %parallel_loop3A_364, %parallel_loop3A_370 : vector<16xi1>, vector<16xf32>
        %parallel_loop3A_372 = math.exp %parallel_loop3A_371 : vector<16xf32>
        %parallel_loop3A_373 = arith.constant 0 : i32
        %parallel_loop3A_374 = arith.index_cast %parallel_loop3A_373 : i32 to index
        %parallel_loop3A_375 = arith.index_cast %parallel_loop3A_353 : i32 to index
        %parallel_loop3A_376 = arith.constant 0 : index
        %parallel_loop3A_377 = tpu.vector_load %arg12[%parallel_loop3A_374, %parallel_loop3A_375, %parallel_loop3A_376] {strides = array<i32>} : memref<4x64x16xf32, #tpu.memory_space<vmem>>, vector<16xf32>,
        %parallel_loop3A_378 = arith.mulf %parallel_loop3A_372, %parallel_loop3A_377 : vector<16xf32>
        %parallel_loop3A_379 = arith.index_cast %parallel_loop3A_353 : i32 to index
        %parallel_loop3A_380 = arith.constant 0 : index
        %parallel_loop3A_381 = tpu.vector_load %arg16[%parallel_loop3A_379, %parallel_loop3A_380] {strides = array<i32>} : memref<64x16xf32, #tpu.memory_space<vmem>>, vector<16xf32>,
        tpu.vector_store %arg16[%parallel_loop3A_379, %parallel_loop3A_380], %parallel_loop3A_378 {strides = array<i32>} : memref<64x16xf32, #tpu.memory_space<vmem>>, vector<16xf32>,
        %parallel_loop3A_382 = vector.extract_strided_slice %parallel_loop3A_378 {offsets = [0], sizes = [1], strides = [1]} : vector<16xf32> to vector<1xf32>
        %parallel_loop3A_383 = vector.extract %parallel_loop3A_382[0] : f32 from vector<1xf32>
        %parallel_loop3A_384 = vector.broadcast %parallel_loop3A_383 : f32 to vector<16xf32>
        %parallel_loop3A_385 = arith.constant 0 : i32
        %parallel_loop3A_386 = arith.index_cast %parallel_loop3A_385 : i32 to index
        %parallel_loop3A_387 = arith.index_cast %parallel_loop3A_353 : i32 to index
        %parallel_loop3A_388 = arith.constant 0 : index
        %parallel_loop3A_389 = tpu.vector_load %arg15[%parallel_loop3A_386, %parallel_loop3A_387, %parallel_loop3A_388] {strides = array<i32>} : memref<2x64x128xf32, #tpu.memory_space<vmem>>, vector<16xf32>,
        %parallel_loop3A_390 = arith.mulf %parallel_loop3A_389, %parallel_loop3A_384 : vector<16xf32>
        %parallel_loop3A_391 = arith.index_cast %parallel_loop3A_353 : i32 to index
        %parallel_loop3A_392 = arith.constant 0 : index
        %parallel_loop3A_393 = tpu.vector_load %arg17[%parallel_loop3A_391, %parallel_loop3A_392] {strides = array<i32>} : memref<64x128xf32, #tpu.memory_space<vmem>>, vector<16xf32>,
        tpu.vector_store %arg17[%parallel_loop3A_391, %parallel_loop3A_392], %parallel_loop3A_390 {strides = array<i32>} : memref<64x128xf32, #tpu.memory_space<vmem>>, vector<16xf32>,
        %parallel_loop3A_394 = vector.extract_strided_slice %parallel_loop3A_378 {offsets = [1], sizes = [1], strides = [1]} : vector<16xf32> to vector<1xf32>
        %parallel_loop3A_395 = vector.extract %parallel_loop3A_394[0] : f32 from vector<1xf32>
        %parallel_loop3A_396 = vector.broadcast %parallel_loop3A_395 : f32 to vector<16xf32>
        %parallel_loop3A_397 = arith.constant 0 : i32
        %parallel_loop3A_398 = arith.index_cast %parallel_loop3A_397 : i32 to index
        %parallel_loop3A_399 = arith.index_cast %parallel_loop3A_353 : i32 to index
        %parallel_loop3A_400 = arith.constant 16 : index
        %parallel_loop3A_401 = tpu.vector_load %arg15[%parallel_loop3A_398, %parallel_loop3A_399, %parallel_loop3A_400] {strides = array<i32>} : memref<2x64x128xf32, #tpu.memory_space<vmem>>, vector<16xf32>,
        %parallel_loop3A_402 = arith.mulf %parallel_loop3A_401, %parallel_loop3A_396 : vector<16xf32>
        %parallel_loop3A_403 = arith.index_cast %parallel_loop3A_353 : i32 to index
        %parallel_loop3A_404 = arith.constant 16 : index
        %parallel_loop3A_405 = tpu.vector_load %arg17[%parallel_loop3A_403, %parallel_loop3A_404] {strides = array<i32>} : memref<64x128xf32, #tpu.memory_space<vmem>>, vector<16xf32>,
        tpu.vector_store %arg17[%parallel_loop3A_403, %parallel_loop3A_404], %parallel_loop3A_402 {strides = array<i32>} : memref<64x128xf32, #tpu.memory_space<vmem>>, vector<16xf32>,
        %parallel_loop3A_406 = vector.extract_strided_slice %parallel_loop3A_378 {offsets = [2], sizes = [1], strides = [1]} : vector<16xf32> to vector<1xf32>
        %parallel_loop3A_407 = vector.extract %parallel_loop3A_406[0] : f32 from vector<1xf32>
        %parallel_loop3A_408 = vector.broadcast %parallel_loop3A_407 : f32 to vector<16xf32>
        %parallel_loop3A_409 = arith.constant 0 : i32
        %parallel_loop3A_410 = arith.index_cast %parallel_loop3A_409 : i32 to index
        %parallel_loop3A_411 = arith.index_cast %parallel_loop3A_353 : i32 to index
        %parallel_loop3A_412 = arith.constant 32 : index
        %parallel_loop3A_413 = tpu.vector_load %arg15[%parallel_loop3A_410, %parallel_loop3A_411, %parallel_loop3A_412] {strides = array<i32>} : memref<2x64x128xf32, #tpu.memory_space<vmem>>, vector<16xf32>,
        %parallel_loop3A_414 = arith.mulf %parallel_loop3A_413, %parallel_loop3A_408 : vector<16xf32>
        %parallel_loop3A_415 = arith.index_cast %parallel_loop3A_353 : i32 to index
        %parallel_loop3A_416 = arith.constant 32 : index
        %parallel_loop3A_417 = tpu.vector_load %arg17[%parallel_loop3A_415, %parallel_loop3A_416] {strides = array<i32>} : memref<64x128xf32, #tpu.memory_space<vmem>>, vector<16xf32>,
        tpu.vector_store %arg17[%parallel_loop3A_415, %parallel_loop3A_416], %parallel_loop3A_414 {strides = array<i32>} : memref<64x128xf32, #tpu.memory_space<vmem>>, vector<16xf32>,
        %parallel_loop3A_418 = vector.extract_strided_slice %parallel_loop3A_378 {offsets = [3], sizes = [1], strides = [1]} : vector<16xf32> to vector<1xf32>
        %parallel_loop3A_419 = vector.extract %parallel_loop3A_418[0] : f32 from vector<1xf32>
        %parallel_loop3A_420 = vector.broadcast %parallel_loop3A_419 : f32 to vector<16xf32>
        %parallel_loop3A_421 = arith.constant 0 : i32
        %parallel_loop3A_422 = arith.index_cast %parallel_loop3A_421 : i32 to index
        %parallel_loop3A_423 = arith.index_cast %parallel_loop3A_353 : i32 to index
        %parallel_loop3A_424 = arith.constant 48 : index
        %parallel_loop3A_425 = tpu.vector_load %arg15[%parallel_loop3A_422, %parallel_loop3A_423, %parallel_loop3A_424] {strides = array<i32>} : memref<2x64x128xf32, #tpu.memory_space<vmem>>, vector<16xf32>,
        %parallel_loop3A_426 = arith.mulf %parallel_loop3A_425, %parallel_loop3A_420 : vector<16xf32>
        %parallel_loop3A_427 = arith.index_cast %parallel_loop3A_353 : i32 to index
        %parallel_loop3A_428 = arith.constant 48 : index
        %parallel_loop3A_429 = tpu.vector_load %arg17[%parallel_loop3A_427, %parallel_loop3A_428] {strides = array<i32>} : memref<64x128xf32, #tpu.memory_space<vmem>>, vector<16xf32>,
        tpu.vector_store %arg17[%parallel_loop3A_427, %parallel_loop3A_428], %parallel_loop3A_426 {strides = array<i32>} : memref<64x128xf32, #tpu.memory_space<vmem>>, vector<16xf32>,
        %parallel_loop3A_430 = vector.extract_strided_slice %parallel_loop3A_378 {offsets = [4], sizes = [1], strides = [1]} : vector<16xf32> to vector<1xf32>
        %parallel_loop3A_431 = vector.extract %parallel_loop3A_430[0] : f32 from vector<1xf32>
        %parallel_loop3A_432 = vector.broadcast %parallel_loop3A_431 : f32 to vector<16xf32>
        %parallel_loop3A_433 = arith.constant 0 : i32
        %parallel_loop3A_434 = arith.index_cast %parallel_loop3A_433 : i32 to index
        %parallel_loop3A_435 = arith.index_cast %parallel_loop3A_353 : i32 to index
        %parallel_loop3A_436 = arith.constant 64 : index
        %parallel_loop3A_437 = tpu.vector_load %arg15[%parallel_loop3A_434, %parallel_loop3A_435, %parallel_loop3A_436] {strides = array<i32>} : memref<2x64x128xf32, #tpu.memory_space<vmem>>, vector<16xf32>,
        %parallel_loop3A_438 = arith.mulf %parallel_loop3A_437, %parallel_loop3A_432 : vector<16xf32>
        %parallel_loop3A_439 = arith.index_cast %parallel_loop3A_353 : i32 to index
        %parallel_loop3A_440 = arith.constant 64 : index
        %parallel_loop3A_441 = tpu.vector_load %arg17[%parallel_loop3A_439, %parallel_loop3A_440] {strides = array<i32>} : memref<64x128xf32, #tpu.memory_space<vmem>>, vector<16xf32>,
        tpu.vector_store %arg17[%parallel_loop3A_439, %parallel_loop3A_440], %parallel_loop3A_438 {strides = array<i32>} : memref<64x128xf32, #tpu.memory_space<vmem>>, vector<16xf32>,
        %parallel_loop3A_442 = vector.extract_strided_slice %parallel_loop3A_378 {offsets = [5], sizes = [1], strides = [1]} : vector<16xf32> to vector<1xf32>
        %parallel_loop3A_443 = vector.extract %parallel_loop3A_442[0] : f32 from vector<1xf32>
        %parallel_loop3A_444 = vector.broadcast %parallel_loop3A_443 : f32 to vector<16xf32>
        %parallel_loop3A_445 = arith.constant 0 : i32
        %parallel_loop3A_446 = arith.index_cast %parallel_loop3A_445 : i32 to index
        %parallel_loop3A_447 = arith.index_cast %parallel_loop3A_353 : i32 to index
        %parallel_loop3A_448 = arith.constant 80 : index
        %parallel_loop3A_449 = tpu.vector_load %arg15[%parallel_loop3A_446, %parallel_loop3A_447, %parallel_loop3A_448] {strides = array<i32>} : memref<2x64x128xf32, #tpu.memory_space<vmem>>, vector<16xf32>,
        %parallel_loop3A_450 = arith.mulf %parallel_loop3A_449, %parallel_loop3A_444 : vector<16xf32>
        %parallel_loop3A_451 = arith.index_cast %parallel_loop3A_353 : i32 to index
        %parallel_loop3A_452 = arith.constant 80 : index
        %parallel_loop3A_453 = tpu.vector_load %arg17[%parallel_loop3A_451, %parallel_loop3A_452] {strides = array<i32>} : memref<64x128xf32, #tpu.memory_space<vmem>>, vector<16xf32>,
        tpu.vector_store %arg17[%parallel_loop3A_451, %parallel_loop3A_452], %parallel_loop3A_450 {strides = array<i32>} : memref<64x128xf32, #tpu.memory_space<vmem>>, vector<16xf32>,
        %parallel_loop3A_454 = vector.extract_strided_slice %parallel_loop3A_378 {offsets = [6], sizes = [1], strides = [1]} : vector<16xf32> to vector<1xf32>
        %parallel_loop3A_455 = vector.extract %parallel_loop3A_454[0] : f32 from vector<1xf32>
        %parallel_loop3A_456 = vector.broadcast %parallel_loop3A_455 : f32 to vector<16xf32>
        %parallel_loop3A_457 = arith.constant 0 : i32
        %parallel_loop3A_458 = arith.index_cast %parallel_loop3A_457 : i32 to index
        %parallel_loop3A_459 = arith.index_cast %parallel_loop3A_353 : i32 to index
        %parallel_loop3A_460 = arith.constant 96 : index
        %parallel_loop3A_461 = tpu.vector_load %arg15[%parallel_loop3A_458, %parallel_loop3A_459, %parallel_loop3A_460] {strides = array<i32>} : memref<2x64x128xf32, #tpu.memory_space<vmem>>, vector<16xf32>,
        %parallel_loop3A_462 = arith.mulf %parallel_loop3A_461, %parallel_loop3A_456 : vector<16xf32>
        %parallel_loop3A_463 = arith.index_cast %parallel_loop3A_353 : i32 to index
        %parallel_loop3A_464 = arith.constant 96 : index
        %parallel_loop3A_465 = tpu.vector_load %arg17[%parallel_loop3A_463, %parallel_loop3A_464] {strides = array<i32>} : memref<64x128xf32, #tpu.memory_space<vmem>>, vector<16xf32>,
        tpu.vector_store %arg17[%parallel_loop3A_463, %parallel_loop3A_464], %parallel_loop3A_462 {strides = array<i32>} : memref<64x128xf32, #tpu.memory_space<vmem>>, vector<16xf32>,
        %parallel_loop3A_466 = vector.extract_strided_slice %parallel_loop3A_378 {offsets = [7], sizes = [1], strides = [1]} : vector<16xf32> to vector<1xf32>
        %parallel_loop3A_467 = vector.extract %parallel_loop3A_466[0] : f32 from vector<1xf32>
        %parallel_loop3A_468 = vector.broadcast %parallel_loop3A_467 : f32 to vector<16xf32>
        %parallel_loop3A_469 = arith.constant 0 : i32
        %parallel_loop3A_470 = arith.index_cast %parallel_loop3A_469 : i32 to index
        %parallel_loop3A_471 = arith.index_cast %parallel_loop3A_353 : i32 to index
        %parallel_loop3A_472 = arith.constant 112 : index
        %parallel_loop3A_473 = tpu.vector_load %arg15[%parallel_loop3A_470, %parallel_loop3A_471, %parallel_loop3A_472] {strides = array<i32>} : memref<2x64x128xf32, #tpu.memory_space<vmem>>, vector<16xf32>,
        %parallel_loop3A_474 = arith.mulf %parallel_loop3A_473, %parallel_loop3A_468 : vector<16xf32>
        %parallel_loop3A_475 = arith.index_cast %parallel_loop3A_353 : i32 to index
        %parallel_loop3A_476 = arith.constant 112 : index
        %parallel_loop3A_477 = tpu.vector_load %arg17[%parallel_loop3A_475, %parallel_loop3A_476] {strides = array<i32>} : memref<64x128xf32, #tpu.memory_space<vmem>>, vector<16xf32>,
        tpu.vector_store %arg17[%parallel_loop3A_475, %parallel_loop3A_476], %parallel_loop3A_474 {strides = array<i32>} : memref<64x128xf32, #tpu.memory_space<vmem>>, vector<16xf32>,
      } {sc.loop_unroll_factor = 4 : i64, sc.parallel_access}
      %run_scoped3A_156 = arith.constant 0 : i32
      %run_scoped3A_157 = arith.constant 1 : i32
      "tpu.region"() ({
        %run_scoped3A_353 = tpu.sem_alloc : memref<!tpu.dma_semaphore, #tpu.memory_space<semaphore_mem>>
        %dma_start3A_354 = arith.constant 0 : i32
        %dma_start3A_355 = tpu.memref_slice %arg11[%run_scoped3A_156, %run_scoped3A_157, %dma_start3A_354] : memref<4x2x64xi32, #tpu.memory_space<vmem>> -> memref<1x1x64xi32, #tpu.memory_space<vmem>>
        %dma_start3A_356 = tpu.memref_squeeze %dma_start3A_355 : memref<1x1x64xi32, #tpu.memory_space<vmem>> -> memref<64xi32, #tpu.memory_space<vmem>>
        %dma_start3A_357 = arith.constant 0 : i32
        %dma_start3A_358 = arith.constant 0 : i32
        %dma_start3A_359 = tpu.memref_slice %arg19[%dma_start3A_357, %dma_start3A_358] : memref<10240x16xf32, #tpu.memory_space<vmem_shared>> -> memref<10240x16xf32, #tpu.memory_space<vmem_shared>>
        tpu.enqueue_indirect_dma source(%arg16 : memref<64x16xf32, #tpu.memory_space<vmem>>) target(%dma_start3A_359 : memref<10240x16xf32, #tpu.memory_space<vmem_shared>>) offsets(%dma_start3A_356 : memref<64xi32, #tpu.memory_space<vmem>>) semaphore(%run_scoped3A_353 : memref<!tpu.dma_semaphore, #tpu.memory_space<semaphore_mem>>) {add = true}
        %dma_wait3A_360 = arith.constant 0 : i32
        %dma_wait3A_361 = tpu.memref_slice %arg11[%run_scoped3A_156, %run_scoped3A_157, %dma_wait3A_360] : memref<4x2x64xi32, #tpu.memory_space<vmem>> -> memref<1x1x64xi32, #tpu.memory_space<vmem>>
        %dma_wait3A_362 = tpu.memref_squeeze %dma_wait3A_361 : memref<1x1x64xi32, #tpu.memory_space<vmem>> -> memref<64xi32, #tpu.memory_space<vmem>>
        %dma_wait3A_363 = arith.constant 0 : i32
        %dma_wait3A_364 = arith.constant 0 : i32
        %dma_wait3A_365 = tpu.memref_slice %arg19[%dma_wait3A_363, %dma_wait3A_364] : memref<10240x16xf32, #tpu.memory_space<vmem_shared>> -> memref<10240x16xf32, #tpu.memory_space<vmem_shared>>
        tpu.wait_indirect_dma semaphore(%run_scoped3A_353 : memref<!tpu.dma_semaphore, #tpu.memory_space<semaphore_mem>>) src(%arg16 : memref<64x16xf32, #tpu.memory_space<vmem>>) dst(%dma_wait3A_365 : memref<10240x16xf32, #tpu.memory_space<vmem_shared>>)
        tpu.yield
      }) : () -> ()
      %run_scoped3A_158 = arith.constant 0 : i32
      %run_scoped3A_159 = arith.constant 1 : i32
      "tpu.region"() ({
        %run_scoped3A_353 = tpu.sem_alloc : memref<!tpu.dma_semaphore, #tpu.memory_space<semaphore_mem>>
        %dma_start3A_354 = arith.constant 0 : i32
        %dma_start3A_355 = tpu.memref_slice %arg11[%run_scoped3A_158, %run_scoped3A_159, %dma_start3A_354] : memref<4x2x64xi32, #tpu.memory_space<vmem>> -> memref<1x1x64xi32, #tpu.memory_space<vmem>>
        %dma_start3A_356 = tpu.memref_squeeze %dma_start3A_355 : memref<1x1x64xi32, #tpu.memory_space<vmem>> -> memref<64xi32, #tpu.memory_space<vmem>>
        %dma_start3A_357 = arith.constant 0 : i32
        %dma_start3A_358 = arith.constant 0 : i32
        %dma_start3A_359 = tpu.memref_slice %arg18[%dma_start3A_357, %dma_start3A_358] : memref<10240x128xf32, #tpu.memory_space<vmem_shared>> -> memref<10240x128xf32, #tpu.memory_space<vmem_shared>>
        tpu.enqueue_indirect_dma source(%arg17 : memref<64x128xf32, #tpu.memory_space<vmem>>) target(%dma_start3A_359 : memref<10240x128xf32, #tpu.memory_space<vmem_shared>>) offsets(%dma_start3A_356 : memref<64xi32, #tpu.memory_space<vmem>>) semaphore(%run_scoped3A_353 : memref<!tpu.dma_semaphore, #tpu.memory_space<semaphore_mem>>) {add = true}
        %dma_wait3A_360 = arith.constant 0 : i32
        %dma_wait3A_361 = tpu.memref_slice %arg11[%run_scoped3A_158, %run_scoped3A_159, %dma_wait3A_360] : memref<4x2x64xi32, #tpu.memory_space<vmem>> -> memref<1x1x64xi32, #tpu.memory_space<vmem>>
        %dma_wait3A_362 = tpu.memref_squeeze %dma_wait3A_361 : memref<1x1x64xi32, #tpu.memory_space<vmem>> -> memref<64xi32, #tpu.memory_space<vmem>>
        %dma_wait3A_363 = arith.constant 0 : i32
        %dma_wait3A_364 = arith.constant 0 : i32
        %dma_wait3A_365 = tpu.memref_slice %arg18[%dma_wait3A_363, %dma_wait3A_364] : memref<10240x128xf32, #tpu.memory_space<vmem_shared>> -> memref<10240x128xf32, #tpu.memory_space<vmem_shared>>
        tpu.wait_indirect_dma semaphore(%run_scoped3A_353 : memref<!tpu.dma_semaphore, #tpu.memory_space<semaphore_mem>>) src(%arg17 : memref<64x128xf32, #tpu.memory_space<vmem>>) dst(%dma_wait3A_365 : memref<10240x128xf32, #tpu.memory_space<vmem_shared>>)
        tpu.yield
      }) : () -> ()
      %mul3A_160 = arith.constant 4 : i32
      %mul3A_161 = arith.muli %scan3A_99, %mul3A_160 : i32
      %add3A_162 = arith.constant 1 : i32
      %add3A_163 = arith.addi %mul3A_161, %add3A_162 : i32
      %add3A_164 = arith.constant 1 : i32
      %add3A_165 = arith.addi %add3A_163, %add3A_164 : i32
      %lt3A_166 = arith.constant 160 : i32
      %lt3A_167 = arith.cmpi slt, %add3A_165, %lt3A_166 : i32
      %convert_element_type3A_168 = arith.extui %lt3A_167 : i1 to i32
      %cond3A_169 = arith.constant 0 : i32
      %cond3A_170 = arith.cmpi ne, %convert_element_type3A_168, %cond3A_169 : i32
      scf.if %cond3A_170 {
        %dma_wait3A_353 = arith.constant 0 : i32
        %dma_wait3A_354 = arith.constant 2 : i32
        %dma_wait3A_355 = arith.constant 0 : i32
        %dma_wait3A_356 = arith.constant 0 : i32
        %dma_wait3A_357 = tpu.memref_slice %arg11[%dma_wait3A_354, %dma_wait3A_355, %dma_wait3A_356] : memref<4x2x64xi32, #tpu.memory_space<vmem>> -> memref<1x2x64xi32, #tpu.memory_space<vmem>>
        %dma_wait3A_358 = tpu.memref_squeeze %dma_wait3A_357 : memref<1x2x64xi32, #tpu.memory_space<vmem>> -> memref<2x64xi32, #tpu.memory_space<vmem>>
        %dma_wait3A_359 = arith.constant 0 : i32
        %dma_wait3A_360 = arith.constant 0 : i32
        %dma_wait3A_361 = tpu.memref_slice %arg2[%dma_wait3A_353, %dma_wait3A_359, %dma_wait3A_360] : memref<5120x2x64xi32, #tpu.memory_space<hbm>> -> memref<1x2x64xi32, #tpu.memory_space<hbm>>
        %dma_wait3A_362 = tpu.memref_squeeze %dma_wait3A_361 : memref<1x2x64xi32, #tpu.memory_space<hbm>> -> memref<2x64xi32, #tpu.memory_space<hbm>>
        %dma_wait3A_363 = arith.constant 0 : i32
        %dma_wait3A_364 = arith.constant 0 : i32
        %dma_wait3A_365 = tpu.memref_slice %arg11[%dma_wait3A_354, %dma_wait3A_363, %dma_wait3A_364] : memref<4x2x64xi32, #tpu.memory_space<vmem>> -> memref<1x2x64xi32, #tpu.memory_space<vmem>>
        %dma_wait3A_366 = tpu.memref_squeeze %dma_wait3A_365 : memref<1x2x64xi32, #tpu.memory_space<vmem>> -> memref<2x64xi32, #tpu.memory_space<vmem>>
        %dma_wait3A_367 = arith.constant 0 : i32
        %dma_wait3A_368 = arith.constant 0 : i32
        %dma_wait3A_369 = tpu.memref_slice %arg2[%dma_wait3A_353, %dma_wait3A_367, %dma_wait3A_368] : memref<5120x2x64xi32, #tpu.memory_space<hbm>> -> memref<1x2x64xi32, #tpu.memory_space<hbm>>
        %dma_wait3A_370 = tpu.memref_squeeze %dma_wait3A_369 : memref<1x2x64xi32, #tpu.memory_space<hbm>> -> memref<2x64xi32, #tpu.memory_space<hbm>>
        tpu.wait_dma2 semaphore(%arg20 : memref<!tpu.dma_semaphore, #tpu.memory_space<semaphore_mem>>) src(%dma_wait3A_370 : memref<2x64xi32, #tpu.memory_space<hbm>>) dst(%dma_wait3A_366 : memref<2x64xi32, #tpu.memory_space<vmem>>)
        %dma_wait3A_371 = arith.constant 0 : i32
        %dma_wait3A_372 = arith.constant 2 : i32
        %dma_wait3A_373 = arith.constant 0 : i32
        %dma_wait3A_374 = arith.constant 0 : i32
        %dma_wait3A_375 = tpu.memref_slice %arg12[%dma_wait3A_372, %dma_wait3A_373, %dma_wait3A_374] : memref<4x64x16xf32, #tpu.memory_space<vmem>> -> memref<1x64x16xf32, #tpu.memory_space<vmem>>
        %dma_wait3A_376 = tpu.memref_squeeze %dma_wait3A_375 : memref<1x64x16xf32, #tpu.memory_space<vmem>> -> memref<64x16xf32, #tpu.memory_space<vmem>>
        %dma_wait3A_377 = arith.constant 0 : i32
        %dma_wait3A_378 = arith.constant 0 : i32
        %dma_wait3A_379 = tpu.memref_slice %arg3[%dma_wait3A_371, %dma_wait3A_377, %dma_wait3A_378] : memref<5120x64x16xf32, #tpu.memory_space<hbm>> -> memref<1x64x16xf32, #tpu.memory_space<hbm>>
        %dma_wait3A_380 = tpu.memref_squeeze %dma_wait3A_379 : memref<1x64x16xf32, #tpu.memory_space<hbm>> -> memref<64x16xf32, #tpu.memory_space<hbm>>
        %dma_wait3A_381 = arith.constant 0 : i32
        %dma_wait3A_382 = arith.constant 0 : i32
        %dma_wait3A_383 = tpu.memref_slice %arg12[%dma_wait3A_372, %dma_wait3A_381, %dma_wait3A_382] : memref<4x64x16xf32, #tpu.memory_space<vmem>> -> memref<1x64x16xf32, #tpu.memory_space<vmem>>
        %dma_wait3A_384 = tpu.memref_squeeze %dma_wait3A_383 : memref<1x64x16xf32, #tpu.memory_space<vmem>> -> memref<64x16xf32, #tpu.memory_space<vmem>>
        %dma_wait3A_385 = arith.constant 0 : i32
        %dma_wait3A_386 = arith.constant 0 : i32
        %dma_wait3A_387 = tpu.memref_slice %arg3[%dma_wait3A_371, %dma_wait3A_385, %dma_wait3A_386] : memref<5120x64x16xf32, #tpu.memory_space<hbm>> -> memref<1x64x16xf32, #tpu.memory_space<hbm>>
        %dma_wait3A_388 = tpu.memref_squeeze %dma_wait3A_387 : memref<1x64x16xf32, #tpu.memory_space<hbm>> -> memref<64x16xf32, #tpu.memory_space<hbm>>
        tpu.wait_dma2 semaphore(%arg20 : memref<!tpu.dma_semaphore, #tpu.memory_space<semaphore_mem>>) src(%dma_wait3A_388 : memref<64x16xf32, #tpu.memory_space<hbm>>) dst(%dma_wait3A_384 : memref<64x16xf32, #tpu.memory_space<vmem>>)
        %dma_start3A_389 = arith.constant 2 : i32
        %dma_start3A_390 = arith.constant 0 : i32
        %dma_start3A_391 = arith.constant 0 : i32
        %dma_start3A_392 = arith.constant 0 : i32
        %dma_start3A_393 = arith.constant 0 : i32
        %dma_start3A_394 = tpu.memref_slice %arg13[%dma_start3A_391, %dma_start3A_392, %dma_start3A_393] : memref<2x64x16xf32, #tpu.memory_space<vmem>> -> memref<1x64x16xf32, #tpu.memory_space<vmem>>
        %dma_start3A_395 = tpu.memref_squeeze %dma_start3A_394 : memref<1x64x16xf32, #tpu.memory_space<vmem>> -> memref<64x16xf32, #tpu.memory_space<vmem>>
        %dma_start3A_396 = arith.constant 0 : i32
        %dma_start3A_397 = tpu.memref_slice %arg11[%dma_start3A_389, %dma_start3A_390, %dma_start3A_396] : memref<4x2x64xi32, #tpu.memory_space<vmem>> -> memref<1x1x64xi32, #tpu.memory_space<vmem>>
        %dma_start3A_398 = tpu.memref_squeeze %dma_start3A_397 : memref<1x1x64xi32, #tpu.memory_space<vmem>> -> memref<64xi32, #tpu.memory_space<vmem>>
        %dma_start3A_399 = arith.constant 0 : i32
        %dma_start3A_400 = arith.constant 0 : i32
        %dma_start3A_401 = tpu.memref_slice %arg4[%dma_start3A_399, %dma_start3A_400] : memref<10000x16xf32, #tpu.memory_space<hbm>> -> memref<10000x16xf32, #tpu.memory_space<hbm>>
        tpu.enqueue_indirect_dma source(%dma_start3A_401 : memref<10000x16xf32, #tpu.memory_space<hbm>>) target(%dma_start3A_395 : memref<64x16xf32, #tpu.memory_space<vmem>>) offsets(%dma_start3A_398 : memref<64xi32, #tpu.memory_space<vmem>>) semaphore(%arg21 : memref<!tpu.dma_semaphore, #tpu.memory_space<semaphore_mem>>)
        %dma_start3A_402 = arith.constant 2 : i32
        %dma_start3A_403 = arith.constant 1 : i32
        %dma_start3A_404 = arith.constant 0 : i32
        %dma_start3A_405 = arith.constant 0 : i32
        %dma_start3A_406 = arith.constant 0 : i32
        %dma_start3A_407 = tpu.memref_slice %arg14[%dma_start3A_404, %dma_start3A_405, %dma_start3A_406] : memref<2x64x16xf32, #tpu.memory_space<vmem>> -> memref<1x64x16xf32, #tpu.memory_space<vmem>>
        %dma_start3A_408 = tpu.memref_squeeze %dma_start3A_407 : memref<1x64x16xf32, #tpu.memory_space<vmem>> -> memref<64x16xf32, #tpu.memory_space<vmem>>
        %dma_start3A_409 = arith.constant 0 : i32
        %dma_start3A_410 = tpu.memref_slice %arg11[%dma_start3A_402, %dma_start3A_403, %dma_start3A_409] : memref<4x2x64xi32, #tpu.memory_space<vmem>> -> memref<1x1x64xi32, #tpu.memory_space<vmem>>
        %dma_start3A_411 = tpu.memref_squeeze %dma_start3A_410 : memref<1x1x64xi32, #tpu.memory_space<vmem>> -> memref<64xi32, #tpu.memory_space<vmem>>
        %dma_start3A_412 = arith.constant 0 : i32
        %dma_start3A_413 = arith.constant 0 : i32
        %dma_start3A_414 = tpu.memref_slice %arg5[%dma_start3A_412, %dma_start3A_413] : memref<10000x16xf32, #tpu.memory_space<hbm>> -> memref<10000x16xf32, #tpu.memory_space<hbm>>
        tpu.enqueue_indirect_dma source(%dma_start3A_414 : memref<10000x16xf32, #tpu.memory_space<hbm>>) target(%dma_start3A_408 : memref<64x16xf32, #tpu.memory_space<vmem>>) offsets(%dma_start3A_411 : memref<64xi32, #tpu.memory_space<vmem>>) semaphore(%arg21 : memref<!tpu.dma_semaphore, #tpu.memory_space<semaphore_mem>>)
        %dma_start3A_415 = arith.constant 2 : i32
        %dma_start3A_416 = arith.constant 0 : i32
        %dma_start3A_417 = arith.constant 0 : i32
        %dma_start3A_418 = arith.constant 0 : i32
        %dma_start3A_419 = arith.constant 0 : i32
        %dma_start3A_420 = tpu.memref_slice %arg15[%dma_start3A_417, %dma_start3A_418, %dma_start3A_419] : memref<2x64x128xf32, #tpu.memory_space<vmem>> -> memref<1x64x128xf32, #tpu.memory_space<vmem>>
        %dma_start3A_421 = tpu.memref_squeeze %dma_start3A_420 : memref<1x64x128xf32, #tpu.memory_space<vmem>> -> memref<64x128xf32, #tpu.memory_space<vmem>>
        %dma_start3A_422 = arith.constant 0 : i32
        %dma_start3A_423 = tpu.memref_slice %arg11[%dma_start3A_415, %dma_start3A_416, %dma_start3A_422] : memref<4x2x64xi32, #tpu.memory_space<vmem>> -> memref<1x1x64xi32, #tpu.memory_space<vmem>>
        %dma_start3A_424 = tpu.memref_squeeze %dma_start3A_423 : memref<1x1x64xi32, #tpu.memory_space<vmem>> -> memref<64xi32, #tpu.memory_space<vmem>>
        %dma_start3A_425 = arith.constant 0 : i32
        %dma_start3A_426 = arith.constant 0 : i32
        %dma_start3A_427 = tpu.memref_slice %arg6[%dma_start3A_425, %dma_start3A_426] : memref<10000x128xf32, #tpu.memory_space<hbm>> -> memref<10000x128xf32, #tpu.memory_space<hbm>>
        tpu.enqueue_indirect_dma source(%dma_start3A_427 : memref<10000x128xf32, #tpu.memory_space<hbm>>) target(%dma_start3A_421 : memref<64x128xf32, #tpu.memory_space<vmem>>) offsets(%dma_start3A_424 : memref<64xi32, #tpu.memory_space<vmem>>) semaphore(%arg21 : memref<!tpu.dma_semaphore, #tpu.memory_space<semaphore_mem>>)
      } else {
      }
      %add3A_171 = arith.constant 2 : i32
      %add3A_172 = arith.addi %add3A_163, %add3A_171 : i32
      %lt3A_173 = arith.constant 160 : i32
      %lt3A_174 = arith.cmpi slt, %add3A_172, %lt3A_173 : i32
      %convert_element_type3A_175 = arith.extui %lt3A_174 : i1 to i32
      %cond3A_176 = arith.constant 0 : i32
      %cond3A_177 = arith.cmpi ne, %convert_element_type3A_175, %cond3A_176 : i32
      scf.if %cond3A_177 {
        %add3A_353 = arith.constant 2 : i32
        %add3A_354 = arith.addi %add3A_163, %add3A_353 : i32
        %mul3A_355 = arith.constant 160 : i32
        %mul3A_356 = arith.muli %add3A, %mul3A_355 : i32
        %add3A_357 = arith.addi %mul3A_356, %add3A_354 : i32
        %dma_start3A_358 = arith.constant 3 : i32
        %dma_start3A_359 = arith.constant 0 : i32
        %dma_start3A_360 = arith.constant 0 : i32
        %dma_start3A_361 = tpu.memref_slice %arg11[%dma_start3A_358, %dma_start3A_359, %dma_start3A_360] : memref<4x2x64xi32, #tpu.memory_space<vmem>> -> memref<1x2x64xi32, #tpu.memory_space<vmem>>
        %dma_start3A_362 = tpu.memref_squeeze %dma_start3A_361 : memref<1x2x64xi32, #tpu.memory_space<vmem>> -> memref<2x64xi32, #tpu.memory_space<vmem>>
        %dma_start3A_363 = arith.constant 0 : i32
        %dma_start3A_364 = arith.constant 0 : i32
        %dma_start3A_365 = tpu.memref_slice %arg2[%add3A_357, %dma_start3A_363, %dma_start3A_364] : memref<5120x2x64xi32, #tpu.memory_space<hbm>> -> memref<1x2x64xi32, #tpu.memory_space<hbm>>
        %dma_start3A_366 = tpu.memref_squeeze %dma_start3A_365 : memref<1x2x64xi32, #tpu.memory_space<hbm>> -> memref<2x64xi32, #tpu.memory_space<hbm>>
        %dma_start3A_367 = arith.constant 0 : i32
        %dma_start3A_368 = arith.constant 0 : i32
        %dma_start3A_369 = tpu.memref_slice %arg11[%dma_start3A_358, %dma_start3A_367, %dma_start3A_368] : memref<4x2x64xi32, #tpu.memory_space<vmem>> -> memref<1x2x64xi32, #tpu.memory_space<vmem>>
        %dma_start3A_370 = tpu.memref_squeeze %dma_start3A_369 : memref<1x2x64xi32, #tpu.memory_space<vmem>> -> memref<2x64xi32, #tpu.memory_space<vmem>>
        %dma_start3A_371 = arith.constant 0 : i32
        %dma_start3A_372 = arith.constant 0 : i32
        %dma_start3A_373 = tpu.memref_slice %arg2[%add3A_357, %dma_start3A_371, %dma_start3A_372] : memref<5120x2x64xi32, #tpu.memory_space<hbm>> -> memref<1x2x64xi32, #tpu.memory_space<hbm>>
        %dma_start3A_374 = tpu.memref_squeeze %dma_start3A_373 : memref<1x2x64xi32, #tpu.memory_space<hbm>> -> memref<2x64xi32, #tpu.memory_space<hbm>>
        tpu.enqueue_dma source(%dma_start3A_374 : memref<2x64xi32, #tpu.memory_space<hbm>>) target(%dma_start3A_370 : memref<2x64xi32, #tpu.memory_space<vmem>>) target_semaphore(%arg20 : memref<!tpu.dma_semaphore, #tpu.memory_space<semaphore_mem>>)
        %mul3A_375 = arith.constant 160 : i32
        %mul3A_376 = arith.muli %add3A, %mul3A_375 : i32
        %add3A_377 = arith.addi %mul3A_376, %add3A_354 : i32
        %dma_start3A_378 = arith.constant 3 : i32
        %dma_start3A_379 = arith.constant 0 : i32
        %dma_start3A_380 = arith.constant 0 : i32
        %dma_start3A_381 = tpu.memref_slice %arg12[%dma_start3A_378, %dma_start3A_379, %dma_start3A_380] : memref<4x64x16xf32, #tpu.memory_space<vmem>> -> memref<1x64x16xf32, #tpu.memory_space<vmem>>
        %dma_start3A_382 = tpu.memref_squeeze %dma_start3A_381 : memref<1x64x16xf32, #tpu.memory_space<vmem>> -> memref<64x16xf32, #tpu.memory_space<vmem>>
        %dma_start3A_383 = arith.constant 0 : i32
        %dma_start3A_384 = arith.constant 0 : i32
        %dma_start3A_385 = tpu.memref_slice %arg3[%add3A_377, %dma_start3A_383, %dma_start3A_384] : memref<5120x64x16xf32, #tpu.memory_space<hbm>> -> memref<1x64x16xf32, #tpu.memory_space<hbm>>
        %dma_start3A_386 = tpu.memref_squeeze %dma_start3A_385 : memref<1x64x16xf32, #tpu.memory_space<hbm>> -> memref<64x16xf32, #tpu.memory_space<hbm>>
        %dma_start3A_387 = arith.constant 0 : i32
        %dma_start3A_388 = arith.constant 0 : i32
        %dma_start3A_389 = tpu.memref_slice %arg12[%dma_start3A_378, %dma_start3A_387, %dma_start3A_388] : memref<4x64x16xf32, #tpu.memory_space<vmem>> -> memref<1x64x16xf32, #tpu.memory_space<vmem>>
        %dma_start3A_390 = tpu.memref_squeeze %dma_start3A_389 : memref<1x64x16xf32, #tpu.memory_space<vmem>> -> memref<64x16xf32, #tpu.memory_space<vmem>>
        %dma_start3A_391 = arith.constant 0 : i32
        %dma_start3A_392 = arith.constant 0 : i32
        %dma_start3A_393 = tpu.memref_slice %arg3[%add3A_377, %dma_start3A_391, %dma_start3A_392] : memref<5120x64x16xf32, #tpu.memory_space<hbm>> -> memref<1x64x16xf32, #tpu.memory_space<hbm>>
        %dma_start3A_394 = tpu.memref_squeeze %dma_start3A_393 : memref<1x64x16xf32, #tpu.memory_space<hbm>> -> memref<64x16xf32, #tpu.memory_space<hbm>>
        tpu.enqueue_dma source(%dma_start3A_394 : memref<64x16xf32, #tpu.memory_space<hbm>>) target(%dma_start3A_390 : memref<64x16xf32, #tpu.memory_space<vmem>>) target_semaphore(%arg20 : memref<!tpu.dma_semaphore, #tpu.memory_space<semaphore_mem>>)
      } else {
      }
      %dma_wait3A_178 = arith.constant 0 : i32
      %dma_wait3A_179 = arith.constant 0 : i32
      %dma_wait3A_180 = arith.constant 1 : i32
      %dma_wait3A_181 = arith.constant 0 : i32
      %dma_wait3A_182 = arith.constant 0 : i32
      %dma_wait3A_183 = tpu.memref_slice %arg13[%dma_wait3A_180, %dma_wait3A_181, %dma_wait3A_182] : memref<2x64x16xf32, #tpu.memory_space<vmem>> -> memref<1x64x16xf32, #tpu.memory_space<vmem>>
      %dma_wait3A_184 = tpu.memref_squeeze %dma_wait3A_183 : memref<1x64x16xf32, #tpu.memory_space<vmem>> -> memref<64x16xf32, #tpu.memory_space<vmem>>
      %dma_wait3A_185 = arith.constant 0 : i32
      %dma_wait3A_186 = tpu.memref_slice %arg11[%dma_wait3A_178, %dma_wait3A_179, %dma_wait3A_185] : memref<4x2x64xi32, #tpu.memory_space<vmem>> -> memref<1x1x64xi32, #tpu.memory_space<vmem>>
      %dma_wait3A_187 = tpu.memref_squeeze %dma_wait3A_186 : memref<1x1x64xi32, #tpu.memory_space<vmem>> -> memref<64xi32, #tpu.memory_space<vmem>>
      %dma_wait3A_188 = arith.constant 0 : i32
      %dma_wait3A_189 = arith.constant 0 : i32
      %dma_wait3A_190 = tpu.memref_slice %arg4[%dma_wait3A_188, %dma_wait3A_189] : memref<10000x16xf32, #tpu.memory_space<hbm>> -> memref<10000x16xf32, #tpu.memory_space<hbm>>
      tpu.wait_indirect_dma semaphore(%arg21 : memref<!tpu.dma_semaphore, #tpu.memory_space<semaphore_mem>>) src(%dma_wait3A_190 : memref<10000x16xf32, #tpu.memory_space<hbm>>) dst(%dma_wait3A_184 : memref<64x16xf32, #tpu.memory_space<vmem>>)
      %dma_wait3A_191 = arith.constant 0 : i32
      %dma_wait3A_192 = arith.constant 1 : i32
      %dma_wait3A_193 = arith.constant 1 : i32
      %dma_wait3A_194 = arith.constant 0 : i32
      %dma_wait3A_195 = arith.constant 0 : i32
      %dma_wait3A_196 = tpu.memref_slice %arg14[%dma_wait3A_193, %dma_wait3A_194, %dma_wait3A_195] : memref<2x64x16xf32, #tpu.memory_space<vmem>> -> memref<1x64x16xf32, #tpu.memory_space<vmem>>
      %dma_wait3A_197 = tpu.memref_squeeze %dma_wait3A_196 : memref<1x64x16xf32, #tpu.memory_space<vmem>> -> memref<64x16xf32, #tpu.memory_space<vmem>>
      %dma_wait3A_198 = arith.constant 0 : i32
      %dma_wait3A_199 = tpu.memref_slice %arg11[%dma_wait3A_191, %dma_wait3A_192, %dma_wait3A_198] : memref<4x2x64xi32, #tpu.memory_space<vmem>> -> memref<1x1x64xi32, #tpu.memory_space<vmem>>
      %dma_wait3A_200 = tpu.memref_squeeze %dma_wait3A_199 : memref<1x1x64xi32, #tpu.memory_space<vmem>> -> memref<64xi32, #tpu.memory_space<vmem>>
      %dma_wait3A_201 = arith.constant 0 : i32
      %dma_wait3A_202 = arith.constant 0 : i32
      %dma_wait3A_203 = tpu.memref_slice %arg5[%dma_wait3A_201, %dma_wait3A_202] : memref<10000x16xf32, #tpu.memory_space<hbm>> -> memref<10000x16xf32, #tpu.memory_space<hbm>>
      tpu.wait_indirect_dma semaphore(%arg21 : memref<!tpu.dma_semaphore, #tpu.memory_space<semaphore_mem>>) src(%dma_wait3A_203 : memref<10000x16xf32, #tpu.memory_space<hbm>>) dst(%dma_wait3A_197 : memref<64x16xf32, #tpu.memory_space<vmem>>)
      %dma_wait3A_204 = arith.constant 0 : i32
      %dma_wait3A_205 = arith.constant 0 : i32
      %dma_wait3A_206 = arith.constant 1 : i32
      %dma_wait3A_207 = arith.constant 0 : i32
      %dma_wait3A_208 = arith.constant 0 : i32
      %dma_wait3A_209 = tpu.memref_slice %arg15[%dma_wait3A_206, %dma_wait3A_207, %dma_wait3A_208] : memref<2x64x128xf32, #tpu.memory_space<vmem>> -> memref<1x64x128xf32, #tpu.memory_space<vmem>>
      %dma_wait3A_210 = tpu.memref_squeeze %dma_wait3A_209 : memref<1x64x128xf32, #tpu.memory_space<vmem>> -> memref<64x128xf32, #tpu.memory_space<vmem>>
      %dma_wait3A_211 = arith.constant 0 : i32
      %dma_wait3A_212 = tpu.memref_slice %arg11[%dma_wait3A_204, %dma_wait3A_205, %dma_wait3A_211] : memref<4x2x64xi32, #tpu.memory_space<vmem>> -> memref<1x1x64xi32, #tpu.memory_space<vmem>>
      %dma_wait3A_213 = tpu.memref_squeeze %dma_wait3A_212 : memref<1x1x64xi32, #tpu.memory_space<vmem>> -> memref<64xi32, #tpu.memory_space<vmem>>
      %dma_wait3A_214 = arith.constant 0 : i32
      %dma_wait3A_215 = arith.constant 0 : i32
      %dma_wait3A_216 = tpu.memref_slice %arg6[%dma_wait3A_214, %dma_wait3A_215] : memref<10000x128xf32, #tpu.memory_space<hbm>> -> memref<10000x128xf32, #tpu.memory_space<hbm>>
      tpu.wait_indirect_dma semaphore(%arg21 : memref<!tpu.dma_semaphore, #tpu.memory_space<semaphore_mem>>) src(%dma_wait3A_216 : memref<10000x128xf32, #tpu.memory_space<hbm>>) dst(%dma_wait3A_210 : memref<64x128xf32, #tpu.memory_space<vmem>>)
      %parallel_loop3A_217 = arith.constant 0 : i32
      %parallel_loop3A_218 = arith.constant 64 : i32
      %parallel_loop3A_219 = arith.constant 1 : i32
      scf.for %parallel_loop3A_353 = %parallel_loop3A_217 to %parallel_loop3A_218 step %parallel_loop3A_219  : i32 {
        %parallel_loop3A_354 = arith.constant 1 : i32
        %parallel_loop3A_355 = arith.index_cast %parallel_loop3A_354 : i32 to index
        %parallel_loop3A_356 = arith.index_cast %parallel_loop3A_353 : i32 to index
        %parallel_loop3A_357 = arith.constant 0 : index
        %parallel_loop3A_358 = tpu.vector_load %arg13[%parallel_loop3A_355, %parallel_loop3A_356, %parallel_loop3A_357] {strides = array<i32>} : memref<2x64x16xf32, #tpu.memory_space<vmem>>, vector<16xf32>,
        %parallel_loop3A_359 = arith.constant 1 : i32
        %parallel_loop3A_360 = arith.index_cast %parallel_loop3A_359 : i32 to index
        %parallel_loop3A_361 = arith.index_cast %parallel_loop3A_353 : i32 to index
        %parallel_loop3A_362 = arith.constant 0 : index
        %parallel_loop3A_363 = tpu.vector_load %arg14[%parallel_loop3A_360, %parallel_loop3A_361, %parallel_loop3A_362] {strides = array<i32>} : memref<2x64x16xf32, #tpu.memory_space<vmem>>, vector<16xf32>,
        %parallel_loop3A_364 = arith.addf %parallel_loop3A_358, %parallel_loop3A_363 : vector<16xf32>
        %parallel_loop3A_365 = arith.constant 0.000000e+00 : f32
        %parallel_loop3A_366 = vector.broadcast %parallel_loop3A_365 : f32 to vector<16xf32>
        %parallel_loop3A_367 = arith.cmpf ogt, %parallel_loop3A_364, %parallel_loop3A_366 : vector<16xf32>
        %parallel_loop3A_368 = arith.constant 2.000000e-01 : f32
        %parallel_loop3A_369 = vector.broadcast %parallel_loop3A_368 : f32 to vector<16xf32>
        %parallel_loop3A_370 = arith.mulf %parallel_loop3A_364, %parallel_loop3A_369 : vector<16xf32>
        %parallel_loop3A_371 = arith.select %parallel_loop3A_367, %parallel_loop3A_364, %parallel_loop3A_370 : vector<16xi1>, vector<16xf32>
        %parallel_loop3A_372 = math.exp %parallel_loop3A_371 : vector<16xf32>
        %parallel_loop3A_373 = arith.constant 1 : i32
        %parallel_loop3A_374 = arith.index_cast %parallel_loop3A_373 : i32 to index
        %parallel_loop3A_375 = arith.index_cast %parallel_loop3A_353 : i32 to index
        %parallel_loop3A_376 = arith.constant 0 : index
        %parallel_loop3A_377 = tpu.vector_load %arg12[%parallel_loop3A_374, %parallel_loop3A_375, %parallel_loop3A_376] {strides = array<i32>} : memref<4x64x16xf32, #tpu.memory_space<vmem>>, vector<16xf32>,
        %parallel_loop3A_378 = arith.mulf %parallel_loop3A_372, %parallel_loop3A_377 : vector<16xf32>
        %parallel_loop3A_379 = arith.index_cast %parallel_loop3A_353 : i32 to index
        %parallel_loop3A_380 = arith.constant 0 : index
        %parallel_loop3A_381 = tpu.vector_load %arg16[%parallel_loop3A_379, %parallel_loop3A_380] {strides = array<i32>} : memref<64x16xf32, #tpu.memory_space<vmem>>, vector<16xf32>,
        tpu.vector_store %arg16[%parallel_loop3A_379, %parallel_loop3A_380], %parallel_loop3A_378 {strides = array<i32>} : memref<64x16xf32, #tpu.memory_space<vmem>>, vector<16xf32>,
        %parallel_loop3A_382 = vector.extract_strided_slice %parallel_loop3A_378 {offsets = [0], sizes = [1], strides = [1]} : vector<16xf32> to vector<1xf32>
        %parallel_loop3A_383 = vector.extract %parallel_loop3A_382[0] : f32 from vector<1xf32>
        %parallel_loop3A_384 = vector.broadcast %parallel_loop3A_383 : f32 to vector<16xf32>
        %parallel_loop3A_385 = arith.constant 1 : i32
        %parallel_loop3A_386 = arith.index_cast %parallel_loop3A_385 : i32 to index
        %parallel_loop3A_387 = arith.index_cast %parallel_loop3A_353 : i32 to index
        %parallel_loop3A_388 = arith.constant 0 : index
        %parallel_loop3A_389 = tpu.vector_load %arg15[%parallel_loop3A_386, %parallel_loop3A_387, %parallel_loop3A_388] {strides = array<i32>} : memref<2x64x128xf32, #tpu.memory_space<vmem>>, vector<16xf32>,
        %parallel_loop3A_390 = arith.mulf %parallel_loop3A_389, %parallel_loop3A_384 : vector<16xf32>
        %parallel_loop3A_391 = arith.index_cast %parallel_loop3A_353 : i32 to index
        %parallel_loop3A_392 = arith.constant 0 : index
        %parallel_loop3A_393 = tpu.vector_load %arg17[%parallel_loop3A_391, %parallel_loop3A_392] {strides = array<i32>} : memref<64x128xf32, #tpu.memory_space<vmem>>, vector<16xf32>,
        tpu.vector_store %arg17[%parallel_loop3A_391, %parallel_loop3A_392], %parallel_loop3A_390 {strides = array<i32>} : memref<64x128xf32, #tpu.memory_space<vmem>>, vector<16xf32>,
        %parallel_loop3A_394 = vector.extract_strided_slice %parallel_loop3A_378 {offsets = [1], sizes = [1], strides = [1]} : vector<16xf32> to vector<1xf32>
        %parallel_loop3A_395 = vector.extract %parallel_loop3A_394[0] : f32 from vector<1xf32>
        %parallel_loop3A_396 = vector.broadcast %parallel_loop3A_395 : f32 to vector<16xf32>
        %parallel_loop3A_397 = arith.constant 1 : i32
        %parallel_loop3A_398 = arith.index_cast %parallel_loop3A_397 : i32 to index
        %parallel_loop3A_399 = arith.index_cast %parallel_loop3A_353 : i32 to index
        %parallel_loop3A_400 = arith.constant 16 : index
        %parallel_loop3A_401 = tpu.vector_load %arg15[%parallel_loop3A_398, %parallel_loop3A_399, %parallel_loop3A_400] {strides = array<i32>} : memref<2x64x128xf32, #tpu.memory_space<vmem>>, vector<16xf32>,
        %parallel_loop3A_402 = arith.mulf %parallel_loop3A_401, %parallel_loop3A_396 : vector<16xf32>
        %parallel_loop3A_403 = arith.index_cast %parallel_loop3A_353 : i32 to index
        %parallel_loop3A_404 = arith.constant 16 : index
        %parallel_loop3A_405 = tpu.vector_load %arg17[%parallel_loop3A_403, %parallel_loop3A_404] {strides = array<i32>} : memref<64x128xf32, #tpu.memory_space<vmem>>, vector<16xf32>,
        tpu.vector_store %arg17[%parallel_loop3A_403, %parallel_loop3A_404], %parallel_loop3A_402 {strides = array<i32>} : memref<64x128xf32, #tpu.memory_space<vmem>>, vector<16xf32>,
        %parallel_loop3A_406 = vector.extract_strided_slice %parallel_loop3A_378 {offsets = [2], sizes = [1], strides = [1]} : vector<16xf32> to vector<1xf32>
        %parallel_loop3A_407 = vector.extract %parallel_loop3A_406[0] : f32 from vector<1xf32>
        %parallel_loop3A_408 = vector.broadcast %parallel_loop3A_407 : f32 to vector<16xf32>
        %parallel_loop3A_409 = arith.constant 1 : i32
        %parallel_loop3A_410 = arith.index_cast %parallel_loop3A_409 : i32 to index
        %parallel_loop3A_411 = arith.index_cast %parallel_loop3A_353 : i32 to index
        %parallel_loop3A_412 = arith.constant 32 : index
        %parallel_loop3A_413 = tpu.vector_load %arg15[%parallel_loop3A_410, %parallel_loop3A_411, %parallel_loop3A_412] {strides = array<i32>} : memref<2x64x128xf32, #tpu.memory_space<vmem>>, vector<16xf32>,
        %parallel_loop3A_414 = arith.mulf %parallel_loop3A_413, %parallel_loop3A_408 : vector<16xf32>
        %parallel_loop3A_415 = arith.index_cast %parallel_loop3A_353 : i32 to index
        %parallel_loop3A_416 = arith.constant 32 : index
        %parallel_loop3A_417 = tpu.vector_load %arg17[%parallel_loop3A_415, %parallel_loop3A_416] {strides = array<i32>} : memref<64x128xf32, #tpu.memory_space<vmem>>, vector<16xf32>,
        tpu.vector_store %arg17[%parallel_loop3A_415, %parallel_loop3A_416], %parallel_loop3A_414 {strides = array<i32>} : memref<64x128xf32, #tpu.memory_space<vmem>>, vector<16xf32>,
        %parallel_loop3A_418 = vector.extract_strided_slice %parallel_loop3A_378 {offsets = [3], sizes = [1], strides = [1]} : vector<16xf32> to vector<1xf32>
        %parallel_loop3A_419 = vector.extract %parallel_loop3A_418[0] : f32 from vector<1xf32>
        %parallel_loop3A_420 = vector.broadcast %parallel_loop3A_419 : f32 to vector<16xf32>
        %parallel_loop3A_421 = arith.constant 1 : i32
        %parallel_loop3A_422 = arith.index_cast %parallel_loop3A_421 : i32 to index
        %parallel_loop3A_423 = arith.index_cast %parallel_loop3A_353 : i32 to index
        %parallel_loop3A_424 = arith.constant 48 : index
        %parallel_loop3A_425 = tpu.vector_load %arg15[%parallel_loop3A_422, %parallel_loop3A_423, %parallel_loop3A_424] {strides = array<i32>} : memref<2x64x128xf32, #tpu.memory_space<vmem>>, vector<16xf32>,
        %parallel_loop3A_426 = arith.mulf %parallel_loop3A_425, %parallel_loop3A_420 : vector<16xf32>
        %parallel_loop3A_427 = arith.index_cast %parallel_loop3A_353 : i32 to index
        %parallel_loop3A_428 = arith.constant 48 : index
        %parallel_loop3A_429 = tpu.vector_load %arg17[%parallel_loop3A_427, %parallel_loop3A_428] {strides = array<i32>} : memref<64x128xf32, #tpu.memory_space<vmem>>, vector<16xf32>,
        tpu.vector_store %arg17[%parallel_loop3A_427, %parallel_loop3A_428], %parallel_loop3A_426 {strides = array<i32>} : memref<64x128xf32, #tpu.memory_space<vmem>>, vector<16xf32>,
        %parallel_loop3A_430 = vector.extract_strided_slice %parallel_loop3A_378 {offsets = [4], sizes = [1], strides = [1]} : vector<16xf32> to vector<1xf32>
        %parallel_loop3A_431 = vector.extract %parallel_loop3A_430[0] : f32 from vector<1xf32>
        %parallel_loop3A_432 = vector.broadcast %parallel_loop3A_431 : f32 to vector<16xf32>
        %parallel_loop3A_433 = arith.constant 1 : i32
        %parallel_loop3A_434 = arith.index_cast %parallel_loop3A_433 : i32 to index
        %parallel_loop3A_435 = arith.index_cast %parallel_loop3A_353 : i32 to index
        %parallel_loop3A_436 = arith.constant 64 : index
        %parallel_loop3A_437 = tpu.vector_load %arg15[%parallel_loop3A_434, %parallel_loop3A_435, %parallel_loop3A_436] {strides = array<i32>} : memref<2x64x128xf32, #tpu.memory_space<vmem>>, vector<16xf32>,
        %parallel_loop3A_438 = arith.mulf %parallel_loop3A_437, %parallel_loop3A_432 : vector<16xf32>
        %parallel_loop3A_439 = arith.index_cast %parallel_loop3A_353 : i32 to index
        %parallel_loop3A_440 = arith.constant 64 : index
        %parallel_loop3A_441 = tpu.vector_load %arg17[%parallel_loop3A_439, %parallel_loop3A_440] {strides = array<i32>} : memref<64x128xf32, #tpu.memory_space<vmem>>, vector<16xf32>,
        tpu.vector_store %arg17[%parallel_loop3A_439, %parallel_loop3A_440], %parallel_loop3A_438 {strides = array<i32>} : memref<64x128xf32, #tpu.memory_space<vmem>>, vector<16xf32>,
        %parallel_loop3A_442 = vector.extract_strided_slice %parallel_loop3A_378 {offsets = [5], sizes = [1], strides = [1]} : vector<16xf32> to vector<1xf32>
        %parallel_loop3A_443 = vector.extract %parallel_loop3A_442[0] : f32 from vector<1xf32>
        %parallel_loop3A_444 = vector.broadcast %parallel_loop3A_443 : f32 to vector<16xf32>
        %parallel_loop3A_445 = arith.constant 1 : i32
        %parallel_loop3A_446 = arith.index_cast %parallel_loop3A_445 : i32 to index
        %parallel_loop3A_447 = arith.index_cast %parallel_loop3A_353 : i32 to index
        %parallel_loop3A_448 = arith.constant 80 : index
        %parallel_loop3A_449 = tpu.vector_load %arg15[%parallel_loop3A_446, %parallel_loop3A_447, %parallel_loop3A_448] {strides = array<i32>} : memref<2x64x128xf32, #tpu.memory_space<vmem>>, vector<16xf32>,
        %parallel_loop3A_450 = arith.mulf %parallel_loop3A_449, %parallel_loop3A_444 : vector<16xf32>
        %parallel_loop3A_451 = arith.index_cast %parallel_loop3A_353 : i32 to index
        %parallel_loop3A_452 = arith.constant 80 : index
        %parallel_loop3A_453 = tpu.vector_load %arg17[%parallel_loop3A_451, %parallel_loop3A_452] {strides = array<i32>} : memref<64x128xf32, #tpu.memory_space<vmem>>, vector<16xf32>,
        tpu.vector_store %arg17[%parallel_loop3A_451, %parallel_loop3A_452], %parallel_loop3A_450 {strides = array<i32>} : memref<64x128xf32, #tpu.memory_space<vmem>>, vector<16xf32>,
        %parallel_loop3A_454 = vector.extract_strided_slice %parallel_loop3A_378 {offsets = [6], sizes = [1], strides = [1]} : vector<16xf32> to vector<1xf32>
        %parallel_loop3A_455 = vector.extract %parallel_loop3A_454[0] : f32 from vector<1xf32>
        %parallel_loop3A_456 = vector.broadcast %parallel_loop3A_455 : f32 to vector<16xf32>
        %parallel_loop3A_457 = arith.constant 1 : i32
        %parallel_loop3A_458 = arith.index_cast %parallel_loop3A_457 : i32 to index
        %parallel_loop3A_459 = arith.index_cast %parallel_loop3A_353 : i32 to index
        %parallel_loop3A_460 = arith.constant 96 : index
        %parallel_loop3A_461 = tpu.vector_load %arg15[%parallel_loop3A_458, %parallel_loop3A_459, %parallel_loop3A_460] {strides = array<i32>} : memref<2x64x128xf32, #tpu.memory_space<vmem>>, vector<16xf32>,
        %parallel_loop3A_462 = arith.mulf %parallel_loop3A_461, %parallel_loop3A_456 : vector<16xf32>
        %parallel_loop3A_463 = arith.index_cast %parallel_loop3A_353 : i32 to index
        %parallel_loop3A_464 = arith.constant 96 : index
        %parallel_loop3A_465 = tpu.vector_load %arg17[%parallel_loop3A_463, %parallel_loop3A_464] {strides = array<i32>} : memref<64x128xf32, #tpu.memory_space<vmem>>, vector<16xf32>,
        tpu.vector_store %arg17[%parallel_loop3A_463, %parallel_loop3A_464], %parallel_loop3A_462 {strides = array<i32>} : memref<64x128xf32, #tpu.memory_space<vmem>>, vector<16xf32>,
        %parallel_loop3A_466 = vector.extract_strided_slice %parallel_loop3A_378 {offsets = [7], sizes = [1], strides = [1]} : vector<16xf32> to vector<1xf32>
        %parallel_loop3A_467 = vector.extract %parallel_loop3A_466[0] : f32 from vector<1xf32>
        %parallel_loop3A_468 = vector.broadcast %parallel_loop3A_467 : f32 to vector<16xf32>
        %parallel_loop3A_469 = arith.constant 1 : i32
        %parallel_loop3A_470 = arith.index_cast %parallel_loop3A_469 : i32 to index
        %parallel_loop3A_471 = arith.index_cast %parallel_loop3A_353 : i32 to index
        %parallel_loop3A_472 = arith.constant 112 : index
        %parallel_loop3A_473 = tpu.vector_load %arg15[%parallel_loop3A_470, %parallel_loop3A_471, %parallel_loop3A_472] {strides = array<i32>} : memref<2x64x128xf32, #tpu.memory_space<vmem>>, vector<16xf32>,
        %parallel_loop3A_474 = arith.mulf %parallel_loop3A_473, %parallel_loop3A_468 : vector<16xf32>
        %parallel_loop3A_475 = arith.index_cast %parallel_loop3A_353 : i32 to index
        %parallel_loop3A_476 = arith.constant 112 : index
        %parallel_loop3A_477 = tpu.vector_load %arg17[%parallel_loop3A_475, %parallel_loop3A_476] {strides = array<i32>} : memref<64x128xf32, #tpu.memory_space<vmem>>, vector<16xf32>,
        tpu.vector_store %arg17[%parallel_loop3A_475, %parallel_loop3A_476], %parallel_loop3A_474 {strides = array<i32>} : memref<64x128xf32, #tpu.memory_space<vmem>>, vector<16xf32>,
      } {sc.loop_unroll_factor = 4 : i64, sc.parallel_access}
      %run_scoped3A_220 = arith.constant 1 : i32
      %run_scoped3A_221 = arith.constant 1 : i32
      "tpu.region"() ({
        %run_scoped3A_353 = tpu.sem_alloc : memref<!tpu.dma_semaphore, #tpu.memory_space<semaphore_mem>>
        %dma_start3A_354 = arith.constant 0 : i32
        %dma_start3A_355 = tpu.memref_slice %arg11[%run_scoped3A_220, %run_scoped3A_221, %dma_start3A_354] : memref<4x2x64xi32, #tpu.memory_space<vmem>> -> memref<1x1x64xi32, #tpu.memory_space<vmem>>
        %dma_start3A_356 = tpu.memref_squeeze %dma_start3A_355 : memref<1x1x64xi32, #tpu.memory_space<vmem>> -> memref<64xi32, #tpu.memory_space<vmem>>
        %dma_start3A_357 = arith.constant 0 : i32
        %dma_start3A_358 = arith.constant 0 : i32
        %dma_start3A_359 = tpu.memref_slice %arg19[%dma_start3A_357, %dma_start3A_358] : memref<10240x16xf32, #tpu.memory_space<vmem_shared>> -> memref<10240x16xf32, #tpu.memory_space<vmem_shared>>
        tpu.enqueue_indirect_dma source(%arg16 : memref<64x16xf32, #tpu.memory_space<vmem>>) target(%dma_start3A_359 : memref<10240x16xf32, #tpu.memory_space<vmem_shared>>) offsets(%dma_start3A_356 : memref<64xi32, #tpu.memory_space<vmem>>) semaphore(%run_scoped3A_353 : memref<!tpu.dma_semaphore, #tpu.memory_space<semaphore_mem>>) {add = true}
        %dma_wait3A_360 = arith.constant 0 : i32
        %dma_wait3A_361 = tpu.memref_slice %arg11[%run_scoped3A_220, %run_scoped3A_221, %dma_wait3A_360] : memref<4x2x64xi32, #tpu.memory_space<vmem>> -> memref<1x1x64xi32, #tpu.memory_space<vmem>>
        %dma_wait3A_362 = tpu.memref_squeeze %dma_wait3A_361 : memref<1x1x64xi32, #tpu.memory_space<vmem>> -> memref<64xi32, #tpu.memory_space<vmem>>
        %dma_wait3A_363 = arith.constant 0 : i32
        %dma_wait3A_364 = arith.constant 0 : i32
        %dma_wait3A_365 = tpu.memref_slice %arg19[%dma_wait3A_363, %dma_wait3A_364] : memref<10240x16xf32, #tpu.memory_space<vmem_shared>> -> memref<10240x16xf32, #tpu.memory_space<vmem_shared>>
        tpu.wait_indirect_dma semaphore(%run_scoped3A_353 : memref<!tpu.dma_semaphore, #tpu.memory_space<semaphore_mem>>) src(%arg16 : memref<64x16xf32, #tpu.memory_space<vmem>>) dst(%dma_wait3A_365 : memref<10240x16xf32, #tpu.memory_space<vmem_shared>>)
        tpu.yield
      }) : () -> ()
      %run_scoped3A_222 = arith.constant 1 : i32
      %run_scoped3A_223 = arith.constant 1 : i32
      "tpu.region"() ({
        %run_scoped3A_353 = tpu.sem_alloc : memref<!tpu.dma_semaphore, #tpu.memory_space<semaphore_mem>>
        %dma_start3A_354 = arith.constant 0 : i32
        %dma_start3A_355 = tpu.memref_slice %arg11[%run_scoped3A_222, %run_scoped3A_223, %dma_start3A_354] : memref<4x2x64xi32, #tpu.memory_space<vmem>> -> memref<1x1x64xi32, #tpu.memory_space<vmem>>
        %dma_start3A_356 = tpu.memref_squeeze %dma_start3A_355 : memref<1x1x64xi32, #tpu.memory_space<vmem>> -> memref<64xi32, #tpu.memory_space<vmem>>
        %dma_start3A_357 = arith.constant 0 : i32
        %dma_start3A_358 = arith.constant 0 : i32
        %dma_start3A_359 = tpu.memref_slice %arg18[%dma_start3A_357, %dma_start3A_358] : memref<10240x128xf32, #tpu.memory_space<vmem_shared>> -> memref<10240x128xf32, #tpu.memory_space<vmem_shared>>
        tpu.enqueue_indirect_dma source(%arg17 : memref<64x128xf32, #tpu.memory_space<vmem>>) target(%dma_start3A_359 : memref<10240x128xf32, #tpu.memory_space<vmem_shared>>) offsets(%dma_start3A_356 : memref<64xi32, #tpu.memory_space<vmem>>) semaphore(%run_scoped3A_353 : memref<!tpu.dma_semaphore, #tpu.memory_space<semaphore_mem>>) {add = true}
        %dma_wait3A_360 = arith.constant 0 : i32
        %dma_wait3A_361 = tpu.memref_slice %arg11[%run_scoped3A_222, %run_scoped3A_223, %dma_wait3A_360] : memref<4x2x64xi32, #tpu.memory_space<vmem>> -> memref<1x1x64xi32, #tpu.memory_space<vmem>>
        %dma_wait3A_362 = tpu.memref_squeeze %dma_wait3A_361 : memref<1x1x64xi32, #tpu.memory_space<vmem>> -> memref<64xi32, #tpu.memory_space<vmem>>
        %dma_wait3A_363 = arith.constant 0 : i32
        %dma_wait3A_364 = arith.constant 0 : i32
        %dma_wait3A_365 = tpu.memref_slice %arg18[%dma_wait3A_363, %dma_wait3A_364] : memref<10240x128xf32, #tpu.memory_space<vmem_shared>> -> memref<10240x128xf32, #tpu.memory_space<vmem_shared>>
        tpu.wait_indirect_dma semaphore(%run_scoped3A_353 : memref<!tpu.dma_semaphore, #tpu.memory_space<semaphore_mem>>) src(%arg17 : memref<64x128xf32, #tpu.memory_space<vmem>>) dst(%dma_wait3A_365 : memref<10240x128xf32, #tpu.memory_space<vmem_shared>>)
        tpu.yield
      }) : () -> ()
      %mul3A_224 = arith.constant 4 : i32
      %mul3A_225 = arith.muli %scan3A_99, %mul3A_224 : i32
      %add3A_226 = arith.constant 2 : i32
      %add3A_227 = arith.addi %mul3A_225, %add3A_226 : i32
      %add3A_228 = arith.constant 1 : i32
      %add3A_229 = arith.addi %add3A_227, %add3A_228 : i32
      %lt3A_230 = arith.constant 160 : i32
      %lt3A_231 = arith.cmpi slt, %add3A_229, %lt3A_230 : i32
      %convert_element_type3A_232 = arith.extui %lt3A_231 : i1 to i32
      %cond3A_233 = arith.constant 0 : i32
      %cond3A_234 = arith.cmpi ne, %convert_element_type3A_232, %cond3A_233 : i32
      scf.if %cond3A_234 {
        %dma_wait3A_353 = arith.constant 0 : i32
        %dma_wait3A_354 = arith.constant 3 : i32
        %dma_wait3A_355 = arith.constant 0 : i32
        %dma_wait3A_356 = arith.constant 0 : i32
        %dma_wait3A_357 = tpu.memref_slice %arg11[%dma_wait3A_354, %dma_wait3A_355, %dma_wait3A_356] : memref<4x2x64xi32, #tpu.memory_space<vmem>> -> memref<1x2x64xi32, #tpu.memory_space<vmem>>
        %dma_wait3A_358 = tpu.memref_squeeze %dma_wait3A_357 : memref<1x2x64xi32, #tpu.memory_space<vmem>> -> memref<2x64xi32, #tpu.memory_space<vmem>>
        %dma_wait3A_359 = arith.constant 0 : i32
        %dma_wait3A_360 = arith.constant 0 : i32
        %dma_wait3A_361 = tpu.memref_slice %arg2[%dma_wait3A_353, %dma_wait3A_359, %dma_wait3A_360] : memref<5120x2x64xi32, #tpu.memory_space<hbm>> -> memref<1x2x64xi32, #tpu.memory_space<hbm>>
        %dma_wait3A_362 = tpu.memref_squeeze %dma_wait3A_361 : memref<1x2x64xi32, #tpu.memory_space<hbm>> -> memref<2x64xi32, #tpu.memory_space<hbm>>
        %dma_wait3A_363 = arith.constant 0 : i32
        %dma_wait3A_364 = arith.constant 0 : i32
        %dma_wait3A_365 = tpu.memref_slice %arg11[%dma_wait3A_354, %dma_wait3A_363, %dma_wait3A_364] : memref<4x2x64xi32, #tpu.memory_space<vmem>> -> memref<1x2x64xi32, #tpu.memory_space<vmem>>
        %dma_wait3A_366 = tpu.memref_squeeze %dma_wait3A_365 : memref<1x2x64xi32, #tpu.memory_space<vmem>> -> memref<2x64xi32, #tpu.memory_space<vmem>>
        %dma_wait3A_367 = arith.constant 0 : i32
        %dma_wait3A_368 = arith.constant 0 : i32
        %dma_wait3A_369 = tpu.memref_slice %arg2[%dma_wait3A_353, %dma_wait3A_367, %dma_wait3A_368] : memref<5120x2x64xi32, #tpu.memory_space<hbm>> -> memref<1x2x64xi32, #tpu.memory_space<hbm>>
        %dma_wait3A_370 = tpu.memref_squeeze %dma_wait3A_369 : memref<1x2x64xi32, #tpu.memory_space<hbm>> -> memref<2x64xi32, #tpu.memory_space<hbm>>
        tpu.wait_dma2 semaphore(%arg20 : memref<!tpu.dma_semaphore, #tpu.memory_space<semaphore_mem>>) src(%dma_wait3A_370 : memref<2x64xi32, #tpu.memory_space<hbm>>) dst(%dma_wait3A_366 : memref<2x64xi32, #tpu.memory_space<vmem>>)
        %dma_wait3A_371 = arith.constant 0 : i32
        %dma_wait3A_372 = arith.constant 3 : i32
        %dma_wait3A_373 = arith.constant 0 : i32
        %dma_wait3A_374 = arith.constant 0 : i32
        %dma_wait3A_375 = tpu.memref_slice %arg12[%dma_wait3A_372, %dma_wait3A_373, %dma_wait3A_374] : memref<4x64x16xf32, #tpu.memory_space<vmem>> -> memref<1x64x16xf32, #tpu.memory_space<vmem>>
        %dma_wait3A_376 = tpu.memref_squeeze %dma_wait3A_375 : memref<1x64x16xf32, #tpu.memory_space<vmem>> -> memref<64x16xf32, #tpu.memory_space<vmem>>
        %dma_wait3A_377 = arith.constant 0 : i32
        %dma_wait3A_378 = arith.constant 0 : i32
        %dma_wait3A_379 = tpu.memref_slice %arg3[%dma_wait3A_371, %dma_wait3A_377, %dma_wait3A_378] : memref<5120x64x16xf32, #tpu.memory_space<hbm>> -> memref<1x64x16xf32, #tpu.memory_space<hbm>>
        %dma_wait3A_380 = tpu.memref_squeeze %dma_wait3A_379 : memref<1x64x16xf32, #tpu.memory_space<hbm>> -> memref<64x16xf32, #tpu.memory_space<hbm>>
        %dma_wait3A_381 = arith.constant 0 : i32
        %dma_wait3A_382 = arith.constant 0 : i32
        %dma_wait3A_383 = tpu.memref_slice %arg12[%dma_wait3A_372, %dma_wait3A_381, %dma_wait3A_382] : memref<4x64x16xf32, #tpu.memory_space<vmem>> -> memref<1x64x16xf32, #tpu.memory_space<vmem>>
        %dma_wait3A_384 = tpu.memref_squeeze %dma_wait3A_383 : memref<1x64x16xf32, #tpu.memory_space<vmem>> -> memref<64x16xf32, #tpu.memory_space<vmem>>
        %dma_wait3A_385 = arith.constant 0 : i32
        %dma_wait3A_386 = arith.constant 0 : i32
        %dma_wait3A_387 = tpu.memref_slice %arg3[%dma_wait3A_371, %dma_wait3A_385, %dma_wait3A_386] : memref<5120x64x16xf32, #tpu.memory_space<hbm>> -> memref<1x64x16xf32, #tpu.memory_space<hbm>>
        %dma_wait3A_388 = tpu.memref_squeeze %dma_wait3A_387 : memref<1x64x16xf32, #tpu.memory_space<hbm>> -> memref<64x16xf32, #tpu.memory_space<hbm>>
        tpu.wait_dma2 semaphore(%arg20 : memref<!tpu.dma_semaphore, #tpu.memory_space<semaphore_mem>>) src(%dma_wait3A_388 : memref<64x16xf32, #tpu.memory_space<hbm>>) dst(%dma_wait3A_384 : memref<64x16xf32, #tpu.memory_space<vmem>>)
        %dma_start3A_389 = arith.constant 3 : i32
        %dma_start3A_390 = arith.constant 0 : i32
        %dma_start3A_391 = arith.constant 1 : i32
        %dma_start3A_392 = arith.constant 0 : i32
        %dma_start3A_393 = arith.constant 0 : i32
        %dma_start3A_394 = tpu.memref_slice %arg13[%dma_start3A_391, %dma_start3A_392, %dma_start3A_393] : memref<2x64x16xf32, #tpu.memory_space<vmem>> -> memref<1x64x16xf32, #tpu.memory_space<vmem>>
        %dma_start3A_395 = tpu.memref_squeeze %dma_start3A_394 : memref<1x64x16xf32, #tpu.memory_space<vmem>> -> memref<64x16xf32, #tpu.memory_space<vmem>>
        %dma_start3A_396 = arith.constant 0 : i32
        %dma_start3A_397 = tpu.memref_slice %arg11[%dma_start3A_389, %dma_start3A_390, %dma_start3A_396] : memref<4x2x64xi32, #tpu.memory_space<vmem>> -> memref<1x1x64xi32, #tpu.memory_space<vmem>>
        %dma_start3A_398 = tpu.memref_squeeze %dma_start3A_397 : memref<1x1x64xi32, #tpu.memory_space<vmem>> -> memref<64xi32, #tpu.memory_space<vmem>>
        %dma_start3A_399 = arith.constant 0 : i32
        %dma_start3A_400 = arith.constant 0 : i32
        %dma_start3A_401 = tpu.memref_slice %arg4[%dma_start3A_399, %dma_start3A_400] : memref<10000x16xf32, #tpu.memory_space<hbm>> -> memref<10000x16xf32, #tpu.memory_space<hbm>>
        tpu.enqueue_indirect_dma source(%dma_start3A_401 : memref<10000x16xf32, #tpu.memory_space<hbm>>) target(%dma_start3A_395 : memref<64x16xf32, #tpu.memory_space<vmem>>) offsets(%dma_start3A_398 : memref<64xi32, #tpu.memory_space<vmem>>) semaphore(%arg21 : memref<!tpu.dma_semaphore, #tpu.memory_space<semaphore_mem>>)
        %dma_start3A_402 = arith.constant 3 : i32
        %dma_start3A_403 = arith.constant 1 : i32
        %dma_start3A_404 = arith.constant 1 : i32
        %dma_start3A_405 = arith.constant 0 : i32
        %dma_start3A_406 = arith.constant 0 : i32
        %dma_start3A_407 = tpu.memref_slice %arg14[%dma_start3A_404, %dma_start3A_405, %dma_start3A_406] : memref<2x64x16xf32, #tpu.memory_space<vmem>> -> memref<1x64x16xf32, #tpu.memory_space<vmem>>
        %dma_start3A_408 = tpu.memref_squeeze %dma_start3A_407 : memref<1x64x16xf32, #tpu.memory_space<vmem>> -> memref<64x16xf32, #tpu.memory_space<vmem>>
        %dma_start3A_409 = arith.constant 0 : i32
        %dma_start3A_410 = tpu.memref_slice %arg11[%dma_start3A_402, %dma_start3A_403, %dma_start3A_409] : memref<4x2x64xi32, #tpu.memory_space<vmem>> -> memref<1x1x64xi32, #tpu.memory_space<vmem>>
        %dma_start3A_411 = tpu.memref_squeeze %dma_start3A_410 : memref<1x1x64xi32, #tpu.memory_space<vmem>> -> memref<64xi32, #tpu.memory_space<vmem>>
        %dma_start3A_412 = arith.constant 0 : i32
        %dma_start3A_413 = arith.constant 0 : i32
        %dma_start3A_414 = tpu.memref_slice %arg5[%dma_start3A_412, %dma_start3A_413] : memref<10000x16xf32, #tpu.memory_space<hbm>> -> memref<10000x16xf32, #tpu.memory_space<hbm>>
        tpu.enqueue_indirect_dma source(%dma_start3A_414 : memref<10000x16xf32, #tpu.memory_space<hbm>>) target(%dma_start3A_408 : memref<64x16xf32, #tpu.memory_space<vmem>>) offsets(%dma_start3A_411 : memref<64xi32, #tpu.memory_space<vmem>>) semaphore(%arg21 : memref<!tpu.dma_semaphore, #tpu.memory_space<semaphore_mem>>)
        %dma_start3A_415 = arith.constant 3 : i32
        %dma_start3A_416 = arith.constant 0 : i32
        %dma_start3A_417 = arith.constant 1 : i32
        %dma_start3A_418 = arith.constant 0 : i32
        %dma_start3A_419 = arith.constant 0 : i32
        %dma_start3A_420 = tpu.memref_slice %arg15[%dma_start3A_417, %dma_start3A_418, %dma_start3A_419] : memref<2x64x128xf32, #tpu.memory_space<vmem>> -> memref<1x64x128xf32, #tpu.memory_space<vmem>>
        %dma_start3A_421 = tpu.memref_squeeze %dma_start3A_420 : memref<1x64x128xf32, #tpu.memory_space<vmem>> -> memref<64x128xf32, #tpu.memory_space<vmem>>
        %dma_start3A_422 = arith.constant 0 : i32
        %dma_start3A_423 = tpu.memref_slice %arg11[%dma_start3A_415, %dma_start3A_416, %dma_start3A_422] : memref<4x2x64xi32, #tpu.memory_space<vmem>> -> memref<1x1x64xi32, #tpu.memory_space<vmem>>
        %dma_start3A_424 = tpu.memref_squeeze %dma_start3A_423 : memref<1x1x64xi32, #tpu.memory_space<vmem>> -> memref<64xi32, #tpu.memory_space<vmem>>
        %dma_start3A_425 = arith.constant 0 : i32
        %dma_start3A_426 = arith.constant 0 : i32
        %dma_start3A_427 = tpu.memref_slice %arg6[%dma_start3A_425, %dma_start3A_426] : memref<10000x128xf32, #tpu.memory_space<hbm>> -> memref<10000x128xf32, #tpu.memory_space<hbm>>
        tpu.enqueue_indirect_dma source(%dma_start3A_427 : memref<10000x128xf32, #tpu.memory_space<hbm>>) target(%dma_start3A_421 : memref<64x128xf32, #tpu.memory_space<vmem>>) offsets(%dma_start3A_424 : memref<64xi32, #tpu.memory_space<vmem>>) semaphore(%arg21 : memref<!tpu.dma_semaphore, #tpu.memory_space<semaphore_mem>>)
      } else {
      }
      %add3A_235 = arith.constant 2 : i32
      %add3A_236 = arith.addi %add3A_227, %add3A_235 : i32
      %lt3A_237 = arith.constant 160 : i32
      %lt3A_238 = arith.cmpi slt, %add3A_236, %lt3A_237 : i32
      %convert_element_type3A_239 = arith.extui %lt3A_238 : i1 to i32
      %cond3A_240 = arith.constant 0 : i32
      %cond3A_241 = arith.cmpi ne, %convert_element_type3A_239, %cond3A_240 : i32
      scf.if %cond3A_241 {
        %add3A_353 = arith.constant 2 : i32
        %add3A_354 = arith.addi %add3A_227, %add3A_353 : i32
        %mul3A_355 = arith.constant 160 : i32
        %mul3A_356 = arith.muli %add3A, %mul3A_355 : i32
        %add3A_357 = arith.addi %mul3A_356, %add3A_354 : i32
        %dma_start3A_358 = arith.constant 0 : i32
        %dma_start3A_359 = arith.constant 0 : i32
        %dma_start3A_360 = arith.constant 0 : i32
        %dma_start3A_361 = tpu.memref_slice %arg11[%dma_start3A_358, %dma_start3A_359, %dma_start3A_360] : memref<4x2x64xi32, #tpu.memory_space<vmem>> -> memref<1x2x64xi32, #tpu.memory_space<vmem>>
        %dma_start3A_362 = tpu.memref_squeeze %dma_start3A_361 : memref<1x2x64xi32, #tpu.memory_space<vmem>> -> memref<2x64xi32, #tpu.memory_space<vmem>>
        %dma_start3A_363 = arith.constant 0 : i32
        %dma_start3A_364 = arith.constant 0 : i32
        %dma_start3A_365 = tpu.memref_slice %arg2[%add3A_357, %dma_start3A_363, %dma_start3A_364] : memref<5120x2x64xi32, #tpu.memory_space<hbm>> -> memref<1x2x64xi32, #tpu.memory_space<hbm>>
        %dma_start3A_366 = tpu.memref_squeeze %dma_start3A_365 : memref<1x2x64xi32, #tpu.memory_space<hbm>> -> memref<2x64xi32, #tpu.memory_space<hbm>>
        %dma_start3A_367 = arith.constant 0 : i32
        %dma_start3A_368 = arith.constant 0 : i32
        %dma_start3A_369 = tpu.memref_slice %arg11[%dma_start3A_358, %dma_start3A_367, %dma_start3A_368] : memref<4x2x64xi32, #tpu.memory_space<vmem>> -> memref<1x2x64xi32, #tpu.memory_space<vmem>>
        %dma_start3A_370 = tpu.memref_squeeze %dma_start3A_369 : memref<1x2x64xi32, #tpu.memory_space<vmem>> -> memref<2x64xi32, #tpu.memory_space<vmem>>
        %dma_start3A_371 = arith.constant 0 : i32
        %dma_start3A_372 = arith.constant 0 : i32
        %dma_start3A_373 = tpu.memref_slice %arg2[%add3A_357, %dma_start3A_371, %dma_start3A_372] : memref<5120x2x64xi32, #tpu.memory_space<hbm>> -> memref<1x2x64xi32, #tpu.memory_space<hbm>>
        %dma_start3A_374 = tpu.memref_squeeze %dma_start3A_373 : memref<1x2x64xi32, #tpu.memory_space<hbm>> -> memref<2x64xi32, #tpu.memory_space<hbm>>
        tpu.enqueue_dma source(%dma_start3A_374 : memref<2x64xi32, #tpu.memory_space<hbm>>) target(%dma_start3A_370 : memref<2x64xi32, #tpu.memory_space<vmem>>) target_semaphore(%arg20 : memref<!tpu.dma_semaphore, #tpu.memory_space<semaphore_mem>>)
        %mul3A_375 = arith.constant 160 : i32
        %mul3A_376 = arith.muli %add3A, %mul3A_375 : i32
        %add3A_377 = arith.addi %mul3A_376, %add3A_354 : i32
        %dma_start3A_378 = arith.constant 0 : i32
        %dma_start3A_379 = arith.constant 0 : i32
        %dma_start3A_380 = arith.constant 0 : i32
        %dma_start3A_381 = tpu.memref_slice %arg12[%dma_start3A_378, %dma_start3A_379, %dma_start3A_380] : memref<4x64x16xf32, #tpu.memory_space<vmem>> -> memref<1x64x16xf32, #tpu.memory_space<vmem>>
        %dma_start3A_382 = tpu.memref_squeeze %dma_start3A_381 : memref<1x64x16xf32, #tpu.memory_space<vmem>> -> memref<64x16xf32, #tpu.memory_space<vmem>>
        %dma_start3A_383 = arith.constant 0 : i32
        %dma_start3A_384 = arith.constant 0 : i32
        %dma_start3A_385 = tpu.memref_slice %arg3[%add3A_377, %dma_start3A_383, %dma_start3A_384] : memref<5120x64x16xf32, #tpu.memory_space<hbm>> -> memref<1x64x16xf32, #tpu.memory_space<hbm>>
        %dma_start3A_386 = tpu.memref_squeeze %dma_start3A_385 : memref<1x64x16xf32, #tpu.memory_space<hbm>> -> memref<64x16xf32, #tpu.memory_space<hbm>>
        %dma_start3A_387 = arith.constant 0 : i32
        %dma_start3A_388 = arith.constant 0 : i32
        %dma_start3A_389 = tpu.memref_slice %arg12[%dma_start3A_378, %dma_start3A_387, %dma_start3A_388] : memref<4x64x16xf32, #tpu.memory_space<vmem>> -> memref<1x64x16xf32, #tpu.memory_space<vmem>>
        %dma_start3A_390 = tpu.memref_squeeze %dma_start3A_389 : memref<1x64x16xf32, #tpu.memory_space<vmem>> -> memref<64x16xf32, #tpu.memory_space<vmem>>
        %dma_start3A_391 = arith.constant 0 : i32
        %dma_start3A_392 = arith.constant 0 : i32
        %dma_start3A_393 = tpu.memref_slice %arg3[%add3A_377, %dma_start3A_391, %dma_start3A_392] : memref<5120x64x16xf32, #tpu.memory_space<hbm>> -> memref<1x64x16xf32, #tpu.memory_space<hbm>>
        %dma_start3A_394 = tpu.memref_squeeze %dma_start3A_393 : memref<1x64x16xf32, #tpu.memory_space<hbm>> -> memref<64x16xf32, #tpu.memory_space<hbm>>
        tpu.enqueue_dma source(%dma_start3A_394 : memref<64x16xf32, #tpu.memory_space<hbm>>) target(%dma_start3A_390 : memref<64x16xf32, #tpu.memory_space<vmem>>) target_semaphore(%arg20 : memref<!tpu.dma_semaphore, #tpu.memory_space<semaphore_mem>>)
      } else {
      }
      %dma_wait3A_242 = arith.constant 0 : i32
      %dma_wait3A_243 = arith.constant 0 : i32
      %dma_wait3A_244 = arith.constant 0 : i32
      %dma_wait3A_245 = arith.constant 0 : i32
      %dma_wait3A_246 = arith.constant 0 : i32
      %dma_wait3A_247 = tpu.memref_slice %arg13[%dma_wait3A_244, %dma_wait3A_245, %dma_wait3A_246] : memref<2x64x16xf32, #tpu.memory_space<vmem>> -> memref<1x64x16xf32, #tpu.memory_space<vmem>>
      %dma_wait3A_248 = tpu.memref_squeeze %dma_wait3A_247 : memref<1x64x16xf32, #tpu.memory_space<vmem>> -> memref<64x16xf32, #tpu.memory_space<vmem>>
      %dma_wait3A_249 = arith.constant 0 : i32
      %dma_wait3A_250 = tpu.memref_slice %arg11[%dma_wait3A_242, %dma_wait3A_243, %dma_wait3A_249] : memref<4x2x64xi32, #tpu.memory_space<vmem>> -> memref<1x1x64xi32, #tpu.memory_space<vmem>>
      %dma_wait3A_251 = tpu.memref_squeeze %dma_wait3A_250 : memref<1x1x64xi32, #tpu.memory_space<vmem>> -> memref<64xi32, #tpu.memory_space<vmem>>
      %dma_wait3A_252 = arith.constant 0 : i32
      %dma_wait3A_253 = arith.constant 0 : i32
      %dma_wait3A_254 = tpu.memref_slice %arg4[%dma_wait3A_252, %dma_wait3A_253] : memref<10000x16xf32, #tpu.memory_space<hbm>> -> memref<10000x16xf32, #tpu.memory_space<hbm>>
      tpu.wait_indirect_dma semaphore(%arg21 : memref<!tpu.dma_semaphore, #tpu.memory_space<semaphore_mem>>) src(%dma_wait3A_254 : memref<10000x16xf32, #tpu.memory_space<hbm>>) dst(%dma_wait3A_248 : memref<64x16xf32, #tpu.memory_space<vmem>>)
      %dma_wait3A_255 = arith.constant 0 : i32
      %dma_wait3A_256 = arith.constant 1 : i32
      %dma_wait3A_257 = arith.constant 0 : i32
      %dma_wait3A_258 = arith.constant 0 : i32
      %dma_wait3A_259 = arith.constant 0 : i32
      %dma_wait3A_260 = tpu.memref_slice %arg14[%dma_wait3A_257, %dma_wait3A_258, %dma_wait3A_259] : memref<2x64x16xf32, #tpu.memory_space<vmem>> -> memref<1x64x16xf32, #tpu.memory_space<vmem>>
      %dma_wait3A_261 = tpu.memref_squeeze %dma_wait3A_260 : memref<1x64x16xf32, #tpu.memory_space<vmem>> -> memref<64x16xf32, #tpu.memory_space<vmem>>
      %dma_wait3A_262 = arith.constant 0 : i32
      %dma_wait3A_263 = tpu.memref_slice %arg11[%dma_wait3A_255, %dma_wait3A_256, %dma_wait3A_262] : memref<4x2x64xi32, #tpu.memory_space<vmem>> -> memref<1x1x64xi32, #tpu.memory_space<vmem>>
      %dma_wait3A_264 = tpu.memref_squeeze %dma_wait3A_263 : memref<1x1x64xi32, #tpu.memory_space<vmem>> -> memref<64xi32, #tpu.memory_space<vmem>>
      %dma_wait3A_265 = arith.constant 0 : i32
      %dma_wait3A_266 = arith.constant 0 : i32
      %dma_wait3A_267 = tpu.memref_slice %arg5[%dma_wait3A_265, %dma_wait3A_266] : memref<10000x16xf32, #tpu.memory_space<hbm>> -> memref<10000x16xf32, #tpu.memory_space<hbm>>
      tpu.wait_indirect_dma semaphore(%arg21 : memref<!tpu.dma_semaphore, #tpu.memory_space<semaphore_mem>>) src(%dma_wait3A_267 : memref<10000x16xf32, #tpu.memory_space<hbm>>) dst(%dma_wait3A_261 : memref<64x16xf32, #tpu.memory_space<vmem>>)
      %dma_wait3A_268 = arith.constant 0 : i32
      %dma_wait3A_269 = arith.constant 0 : i32
      %dma_wait3A_270 = arith.constant 0 : i32
      %dma_wait3A_271 = arith.constant 0 : i32
      %dma_wait3A_272 = arith.constant 0 : i32
      %dma_wait3A_273 = tpu.memref_slice %arg15[%dma_wait3A_270, %dma_wait3A_271, %dma_wait3A_272] : memref<2x64x128xf32, #tpu.memory_space<vmem>> -> memref<1x64x128xf32, #tpu.memory_space<vmem>>
      %dma_wait3A_274 = tpu.memref_squeeze %dma_wait3A_273 : memref<1x64x128xf32, #tpu.memory_space<vmem>> -> memref<64x128xf32, #tpu.memory_space<vmem>>
      %dma_wait3A_275 = arith.constant 0 : i32
      %dma_wait3A_276 = tpu.memref_slice %arg11[%dma_wait3A_268, %dma_wait3A_269, %dma_wait3A_275] : memref<4x2x64xi32, #tpu.memory_space<vmem>> -> memref<1x1x64xi32, #tpu.memory_space<vmem>>
      %dma_wait3A_277 = tpu.memref_squeeze %dma_wait3A_276 : memref<1x1x64xi32, #tpu.memory_space<vmem>> -> memref<64xi32, #tpu.memory_space<vmem>>
      %dma_wait3A_278 = arith.constant 0 : i32
      %dma_wait3A_279 = arith.constant 0 : i32
      %dma_wait3A_280 = tpu.memref_slice %arg6[%dma_wait3A_278, %dma_wait3A_279] : memref<10000x128xf32, #tpu.memory_space<hbm>> -> memref<10000x128xf32, #tpu.memory_space<hbm>>
      tpu.wait_indirect_dma semaphore(%arg21 : memref<!tpu.dma_semaphore, #tpu.memory_space<semaphore_mem>>) src(%dma_wait3A_280 : memref<10000x128xf32, #tpu.memory_space<hbm>>) dst(%dma_wait3A_274 : memref<64x128xf32, #tpu.memory_space<vmem>>)
      %parallel_loop3A_281 = arith.constant 0 : i32
      %parallel_loop3A_282 = arith.constant 64 : i32
      %parallel_loop3A_283 = arith.constant 1 : i32
      scf.for %parallel_loop3A_353 = %parallel_loop3A_281 to %parallel_loop3A_282 step %parallel_loop3A_283  : i32 {
        %parallel_loop3A_354 = arith.constant 0 : i32
        %parallel_loop3A_355 = arith.index_cast %parallel_loop3A_354 : i32 to index
        %parallel_loop3A_356 = arith.index_cast %parallel_loop3A_353 : i32 to index
        %parallel_loop3A_357 = arith.constant 0 : index
        %parallel_loop3A_358 = tpu.vector_load %arg13[%parallel_loop3A_355, %parallel_loop3A_356, %parallel_loop3A_357] {strides = array<i32>} : memref<2x64x16xf32, #tpu.memory_space<vmem>>, vector<16xf32>,
        %parallel_loop3A_359 = arith.constant 0 : i32
        %parallel_loop3A_360 = arith.index_cast %parallel_loop3A_359 : i32 to index
        %parallel_loop3A_361 = arith.index_cast %parallel_loop3A_353 : i32 to index
        %parallel_loop3A_362 = arith.constant 0 : index
        %parallel_loop3A_363 = tpu.vector_load %arg14[%parallel_loop3A_360, %parallel_loop3A_361, %parallel_loop3A_362] {strides = array<i32>} : memref<2x64x16xf32, #tpu.memory_space<vmem>>, vector<16xf32>,
        %parallel_loop3A_364 = arith.addf %parallel_loop3A_358, %parallel_loop3A_363 : vector<16xf32>
        %parallel_loop3A_365 = arith.constant 0.000000e+00 : f32
        %parallel_loop3A_366 = vector.broadcast %parallel_loop3A_365 : f32 to vector<16xf32>
        %parallel_loop3A_367 = arith.cmpf ogt, %parallel_loop3A_364, %parallel_loop3A_366 : vector<16xf32>
        %parallel_loop3A_368 = arith.constant 2.000000e-01 : f32
        %parallel_loop3A_369 = vector.broadcast %parallel_loop3A_368 : f32 to vector<16xf32>
        %parallel_loop3A_370 = arith.mulf %parallel_loop3A_364, %parallel_loop3A_369 : vector<16xf32>
        %parallel_loop3A_371 = arith.select %parallel_loop3A_367, %parallel_loop3A_364, %parallel_loop3A_370 : vector<16xi1>, vector<16xf32>
        %parallel_loop3A_372 = math.exp %parallel_loop3A_371 : vector<16xf32>
        %parallel_loop3A_373 = arith.constant 2 : i32
        %parallel_loop3A_374 = arith.index_cast %parallel_loop3A_373 : i32 to index
        %parallel_loop3A_375 = arith.index_cast %parallel_loop3A_353 : i32 to index
        %parallel_loop3A_376 = arith.constant 0 : index
        %parallel_loop3A_377 = tpu.vector_load %arg12[%parallel_loop3A_374, %parallel_loop3A_375, %parallel_loop3A_376] {strides = array<i32>} : memref<4x64x16xf32, #tpu.memory_space<vmem>>, vector<16xf32>,
        %parallel_loop3A_378 = arith.mulf %parallel_loop3A_372, %parallel_loop3A_377 : vector<16xf32>
        %parallel_loop3A_379 = arith.index_cast %parallel_loop3A_353 : i32 to index
        %parallel_loop3A_380 = arith.constant 0 : index
        %parallel_loop3A_381 = tpu.vector_load %arg16[%parallel_loop3A_379, %parallel_loop3A_380] {strides = array<i32>} : memref<64x16xf32, #tpu.memory_space<vmem>>, vector<16xf32>,
        tpu.vector_store %arg16[%parallel_loop3A_379, %parallel_loop3A_380], %parallel_loop3A_378 {strides = array<i32>} : memref<64x16xf32, #tpu.memory_space<vmem>>, vector<16xf32>,
        %parallel_loop3A_382 = vector.extract_strided_slice %parallel_loop3A_378 {offsets = [0], sizes = [1], strides = [1]} : vector<16xf32> to vector<1xf32>
        %parallel_loop3A_383 = vector.extract %parallel_loop3A_382[0] : f32 from vector<1xf32>
        %parallel_loop3A_384 = vector.broadcast %parallel_loop3A_383 : f32 to vector<16xf32>
        %parallel_loop3A_385 = arith.constant 0 : i32
        %parallel_loop3A_386 = arith.index_cast %parallel_loop3A_385 : i32 to index
        %parallel_loop3A_387 = arith.index_cast %parallel_loop3A_353 : i32 to index
        %parallel_loop3A_388 = arith.constant 0 : index
        %parallel_loop3A_389 = tpu.vector_load %arg15[%parallel_loop3A_386, %parallel_loop3A_387, %parallel_loop3A_388] {strides = array<i32>} : memref<2x64x128xf32, #tpu.memory_space<vmem>>, vector<16xf32>,
        %parallel_loop3A_390 = arith.mulf %parallel_loop3A_389, %parallel_loop3A_384 : vector<16xf32>
        %parallel_loop3A_391 = arith.index_cast %parallel_loop3A_353 : i32 to index
        %parallel_loop3A_392 = arith.constant 0 : index
        %parallel_loop3A_393 = tpu.vector_load %arg17[%parallel_loop3A_391, %parallel_loop3A_392] {strides = array<i32>} : memref<64x128xf32, #tpu.memory_space<vmem>>, vector<16xf32>,
        tpu.vector_store %arg17[%parallel_loop3A_391, %parallel_loop3A_392], %parallel_loop3A_390 {strides = array<i32>} : memref<64x128xf32, #tpu.memory_space<vmem>>, vector<16xf32>,
        %parallel_loop3A_394 = vector.extract_strided_slice %parallel_loop3A_378 {offsets = [1], sizes = [1], strides = [1]} : vector<16xf32> to vector<1xf32>
        %parallel_loop3A_395 = vector.extract %parallel_loop3A_394[0] : f32 from vector<1xf32>
        %parallel_loop3A_396 = vector.broadcast %parallel_loop3A_395 : f32 to vector<16xf32>
        %parallel_loop3A_397 = arith.constant 0 : i32
        %parallel_loop3A_398 = arith.index_cast %parallel_loop3A_397 : i32 to index
        %parallel_loop3A_399 = arith.index_cast %parallel_loop3A_353 : i32 to index
        %parallel_loop3A_400 = arith.constant 16 : index
        %parallel_loop3A_401 = tpu.vector_load %arg15[%parallel_loop3A_398, %parallel_loop3A_399, %parallel_loop3A_400] {strides = array<i32>} : memref<2x64x128xf32, #tpu.memory_space<vmem>>, vector<16xf32>,
        %parallel_loop3A_402 = arith.mulf %parallel_loop3A_401, %parallel_loop3A_396 : vector<16xf32>
        %parallel_loop3A_403 = arith.index_cast %parallel_loop3A_353 : i32 to index
        %parallel_loop3A_404 = arith.constant 16 : index
        %parallel_loop3A_405 = tpu.vector_load %arg17[%parallel_loop3A_403, %parallel_loop3A_404] {strides = array<i32>} : memref<64x128xf32, #tpu.memory_space<vmem>>, vector<16xf32>,
        tpu.vector_store %arg17[%parallel_loop3A_403, %parallel_loop3A_404], %parallel_loop3A_402 {strides = array<i32>} : memref<64x128xf32, #tpu.memory_space<vmem>>, vector<16xf32>,
        %parallel_loop3A_406 = vector.extract_strided_slice %parallel_loop3A_378 {offsets = [2], sizes = [1], strides = [1]} : vector<16xf32> to vector<1xf32>
        %parallel_loop3A_407 = vector.extract %parallel_loop3A_406[0] : f32 from vector<1xf32>
        %parallel_loop3A_408 = vector.broadcast %parallel_loop3A_407 : f32 to vector<16xf32>
        %parallel_loop3A_409 = arith.constant 0 : i32
        %parallel_loop3A_410 = arith.index_cast %parallel_loop3A_409 : i32 to index
        %parallel_loop3A_411 = arith.index_cast %parallel_loop3A_353 : i32 to index
        %parallel_loop3A_412 = arith.constant 32 : index
        %parallel_loop3A_413 = tpu.vector_load %arg15[%parallel_loop3A_410, %parallel_loop3A_411, %parallel_loop3A_412] {strides = array<i32>} : memref<2x64x128xf32, #tpu.memory_space<vmem>>, vector<16xf32>,
        %parallel_loop3A_414 = arith.mulf %parallel_loop3A_413, %parallel_loop3A_408 : vector<16xf32>
        %parallel_loop3A_415 = arith.index_cast %parallel_loop3A_353 : i32 to index
        %parallel_loop3A_416 = arith.constant 32 : index
        %parallel_loop3A_417 = tpu.vector_load %arg17[%parallel_loop3A_415, %parallel_loop3A_416] {strides = array<i32>} : memref<64x128xf32, #tpu.memory_space<vmem>>, vector<16xf32>,
        tpu.vector_store %arg17[%parallel_loop3A_415, %parallel_loop3A_416], %parallel_loop3A_414 {strides = array<i32>} : memref<64x128xf32, #tpu.memory_space<vmem>>, vector<16xf32>,
        %parallel_loop3A_418 = vector.extract_strided_slice %parallel_loop3A_378 {offsets = [3], sizes = [1], strides = [1]} : vector<16xf32> to vector<1xf32>
        %parallel_loop3A_419 = vector.extract %parallel_loop3A_418[0] : f32 from vector<1xf32>
        %parallel_loop3A_420 = vector.broadcast %parallel_loop3A_419 : f32 to vector<16xf32>
        %parallel_loop3A_421 = arith.constant 0 : i32
        %parallel_loop3A_422 = arith.index_cast %parallel_loop3A_421 : i32 to index
        %parallel_loop3A_423 = arith.index_cast %parallel_loop3A_353 : i32 to index
        %parallel_loop3A_424 = arith.constant 48 : index
        %parallel_loop3A_425 = tpu.vector_load %arg15[%parallel_loop3A_422, %parallel_loop3A_423, %parallel_loop3A_424] {strides = array<i32>} : memref<2x64x128xf32, #tpu.memory_space<vmem>>, vector<16xf32>,
        %parallel_loop3A_426 = arith.mulf %parallel_loop3A_425, %parallel_loop3A_420 : vector<16xf32>
        %parallel_loop3A_427 = arith.index_cast %parallel_loop3A_353 : i32 to index
        %parallel_loop3A_428 = arith.constant 48 : index
        %parallel_loop3A_429 = tpu.vector_load %arg17[%parallel_loop3A_427, %parallel_loop3A_428] {strides = array<i32>} : memref<64x128xf32, #tpu.memory_space<vmem>>, vector<16xf32>,
        tpu.vector_store %arg17[%parallel_loop3A_427, %parallel_loop3A_428], %parallel_loop3A_426 {strides = array<i32>} : memref<64x128xf32, #tpu.memory_space<vmem>>, vector<16xf32>,
        %parallel_loop3A_430 = vector.extract_strided_slice %parallel_loop3A_378 {offsets = [4], sizes = [1], strides = [1]} : vector<16xf32> to vector<1xf32>
        %parallel_loop3A_431 = vector.extract %parallel_loop3A_430[0] : f32 from vector<1xf32>
        %parallel_loop3A_432 = vector.broadcast %parallel_loop3A_431 : f32 to vector<16xf32>
        %parallel_loop3A_433 = arith.constant 0 : i32
        %parallel_loop3A_434 = arith.index_cast %parallel_loop3A_433 : i32 to index
        %parallel_loop3A_435 = arith.index_cast %parallel_loop3A_353 : i32 to index
        %parallel_loop3A_436 = arith.constant 64 : index
        %parallel_loop3A_437 = tpu.vector_load %arg15[%parallel_loop3A_434, %parallel_loop3A_435, %parallel_loop3A_436] {strides = array<i32>} : memref<2x64x128xf32, #tpu.memory_space<vmem>>, vector<16xf32>,
        %parallel_loop3A_438 = arith.mulf %parallel_loop3A_437, %parallel_loop3A_432 : vector<16xf32>
        %parallel_loop3A_439 = arith.index_cast %parallel_loop3A_353 : i32 to index
        %parallel_loop3A_440 = arith.constant 64 : index
        %parallel_loop3A_441 = tpu.vector_load %arg17[%parallel_loop3A_439, %parallel_loop3A_440] {strides = array<i32>} : memref<64x128xf32, #tpu.memory_space<vmem>>, vector<16xf32>,
        tpu.vector_store %arg17[%parallel_loop3A_439, %parallel_loop3A_440], %parallel_loop3A_438 {strides = array<i32>} : memref<64x128xf32, #tpu.memory_space<vmem>>, vector<16xf32>,
        %parallel_loop3A_442 = vector.extract_strided_slice %parallel_loop3A_378 {offsets = [5], sizes = [1], strides = [1]} : vector<16xf32> to vector<1xf32>
        %parallel_loop3A_443 = vector.extract %parallel_loop3A_442[0] : f32 from vector<1xf32>
        %parallel_loop3A_444 = vector.broadcast %parallel_loop3A_443 : f32 to vector<16xf32>
        %parallel_loop3A_445 = arith.constant 0 : i32
        %parallel_loop3A_446 = arith.index_cast %parallel_loop3A_445 : i32 to index
        %parallel_loop3A_447 = arith.index_cast %parallel_loop3A_353 : i32 to index
        %parallel_loop3A_448 = arith.constant 80 : index
        %parallel_loop3A_449 = tpu.vector_load %arg15[%parallel_loop3A_446, %parallel_loop3A_447, %parallel_loop3A_448] {strides = array<i32>} : memref<2x64x128xf32, #tpu.memory_space<vmem>>, vector<16xf32>,
        %parallel_loop3A_450 = arith.mulf %parallel_loop3A_449, %parallel_loop3A_444 : vector<16xf32>
        %parallel_loop3A_451 = arith.index_cast %parallel_loop3A_353 : i32 to index
        %parallel_loop3A_452 = arith.constant 80 : index
        %parallel_loop3A_453 = tpu.vector_load %arg17[%parallel_loop3A_451, %parallel_loop3A_452] {strides = array<i32>} : memref<64x128xf32, #tpu.memory_space<vmem>>, vector<16xf32>,
        tpu.vector_store %arg17[%parallel_loop3A_451, %parallel_loop3A_452], %parallel_loop3A_450 {strides = array<i32>} : memref<64x128xf32, #tpu.memory_space<vmem>>, vector<16xf32>,
        %parallel_loop3A_454 = vector.extract_strided_slice %parallel_loop3A_378 {offsets = [6], sizes = [1], strides = [1]} : vector<16xf32> to vector<1xf32>
        %parallel_loop3A_455 = vector.extract %parallel_loop3A_454[0] : f32 from vector<1xf32>
        %parallel_loop3A_456 = vector.broadcast %parallel_loop3A_455 : f32 to vector<16xf32>
        %parallel_loop3A_457 = arith.constant 0 : i32
        %parallel_loop3A_458 = arith.index_cast %parallel_loop3A_457 : i32 to index
        %parallel_loop3A_459 = arith.index_cast %parallel_loop3A_353 : i32 to index
        %parallel_loop3A_460 = arith.constant 96 : index
        %parallel_loop3A_461 = tpu.vector_load %arg15[%parallel_loop3A_458, %parallel_loop3A_459, %parallel_loop3A_460] {strides = array<i32>} : memref<2x64x128xf32, #tpu.memory_space<vmem>>, vector<16xf32>,
        %parallel_loop3A_462 = arith.mulf %parallel_loop3A_461, %parallel_loop3A_456 : vector<16xf32>
        %parallel_loop3A_463 = arith.index_cast %parallel_loop3A_353 : i32 to index
        %parallel_loop3A_464 = arith.constant 96 : index
        %parallel_loop3A_465 = tpu.vector_load %arg17[%parallel_loop3A_463, %parallel_loop3A_464] {strides = array<i32>} : memref<64x128xf32, #tpu.memory_space<vmem>>, vector<16xf32>,
        tpu.vector_store %arg17[%parallel_loop3A_463, %parallel_loop3A_464], %parallel_loop3A_462 {strides = array<i32>} : memref<64x128xf32, #tpu.memory_space<vmem>>, vector<16xf32>,
        %parallel_loop3A_466 = vector.extract_strided_slice %parallel_loop3A_378 {offsets = [7], sizes = [1], strides = [1]} : vector<16xf32> to vector<1xf32>
        %parallel_loop3A_467 = vector.extract %parallel_loop3A_466[0] : f32 from vector<1xf32>
        %parallel_loop3A_468 = vector.broadcast %parallel_loop3A_467 : f32 to vector<16xf32>
        %parallel_loop3A_469 = arith.constant 0 : i32
        %parallel_loop3A_470 = arith.index_cast %parallel_loop3A_469 : i32 to index
        %parallel_loop3A_471 = arith.index_cast %parallel_loop3A_353 : i32 to index
        %parallel_loop3A_472 = arith.constant 112 : index
        %parallel_loop3A_473 = tpu.vector_load %arg15[%parallel_loop3A_470, %parallel_loop3A_471, %parallel_loop3A_472] {strides = array<i32>} : memref<2x64x128xf32, #tpu.memory_space<vmem>>, vector<16xf32>,
        %parallel_loop3A_474 = arith.mulf %parallel_loop3A_473, %parallel_loop3A_468 : vector<16xf32>
        %parallel_loop3A_475 = arith.index_cast %parallel_loop3A_353 : i32 to index
        %parallel_loop3A_476 = arith.constant 112 : index
        %parallel_loop3A_477 = tpu.vector_load %arg17[%parallel_loop3A_475, %parallel_loop3A_476] {strides = array<i32>} : memref<64x128xf32, #tpu.memory_space<vmem>>, vector<16xf32>,
        tpu.vector_store %arg17[%parallel_loop3A_475, %parallel_loop3A_476], %parallel_loop3A_474 {strides = array<i32>} : memref<64x128xf32, #tpu.memory_space<vmem>>, vector<16xf32>,
      } {sc.loop_unroll_factor = 4 : i64, sc.parallel_access}
      %run_scoped3A_284 = arith.constant 2 : i32
      %run_scoped3A_285 = arith.constant 1 : i32
      "tpu.region"() ({
        %run_scoped3A_353 = tpu.sem_alloc : memref<!tpu.dma_semaphore, #tpu.memory_space<semaphore_mem>>
        %dma_start3A_354 = arith.constant 0 : i32
        %dma_start3A_355 = tpu.memref_slice %arg11[%run_scoped3A_284, %run_scoped3A_285, %dma_start3A_354] : memref<4x2x64xi32, #tpu.memory_space<vmem>> -> memref<1x1x64xi32, #tpu.memory_space<vmem>>
        %dma_start3A_356 = tpu.memref_squeeze %dma_start3A_355 : memref<1x1x64xi32, #tpu.memory_space<vmem>> -> memref<64xi32, #tpu.memory_space<vmem>>
        %dma_start3A_357 = arith.constant 0 : i32
        %dma_start3A_358 = arith.constant 0 : i32
        %dma_start3A_359 = tpu.memref_slice %arg19[%dma_start3A_357, %dma_start3A_358] : memref<10240x16xf32, #tpu.memory_space<vmem_shared>> -> memref<10240x16xf32, #tpu.memory_space<vmem_shared>>
        tpu.enqueue_indirect_dma source(%arg16 : memref<64x16xf32, #tpu.memory_space<vmem>>) target(%dma_start3A_359 : memref<10240x16xf32, #tpu.memory_space<vmem_shared>>) offsets(%dma_start3A_356 : memref<64xi32, #tpu.memory_space<vmem>>) semaphore(%run_scoped3A_353 : memref<!tpu.dma_semaphore, #tpu.memory_space<semaphore_mem>>) {add = true}
        %dma_wait3A_360 = arith.constant 0 : i32
        %dma_wait3A_361 = tpu.memref_slice %arg11[%run_scoped3A_284, %run_scoped3A_285, %dma_wait3A_360] : memref<4x2x64xi32, #tpu.memory_space<vmem>> -> memref<1x1x64xi32, #tpu.memory_space<vmem>>
        %dma_wait3A_362 = tpu.memref_squeeze %dma_wait3A_361 : memref<1x1x64xi32, #tpu.memory_space<vmem>> -> memref<64xi32, #tpu.memory_space<vmem>>
        %dma_wait3A_363 = arith.constant 0 : i32
        %dma_wait3A_364 = arith.constant 0 : i32
        %dma_wait3A_365 = tpu.memref_slice %arg19[%dma_wait3A_363, %dma_wait3A_364] : memref<10240x16xf32, #tpu.memory_space<vmem_shared>> -> memref<10240x16xf32, #tpu.memory_space<vmem_shared>>
        tpu.wait_indirect_dma semaphore(%run_scoped3A_353 : memref<!tpu.dma_semaphore, #tpu.memory_space<semaphore_mem>>) src(%arg16 : memref<64x16xf32, #tpu.memory_space<vmem>>) dst(%dma_wait3A_365 : memref<10240x16xf32, #tpu.memory_space<vmem_shared>>)
        tpu.yield
      }) : () -> ()
      %run_scoped3A_286 = arith.constant 2 : i32
      %run_scoped3A_287 = arith.constant 1 : i32
      "tpu.region"() ({
        %run_scoped3A_353 = tpu.sem_alloc : memref<!tpu.dma_semaphore, #tpu.memory_space<semaphore_mem>>
        %dma_start3A_354 = arith.constant 0 : i32
        %dma_start3A_355 = tpu.memref_slice %arg11[%run_scoped3A_286, %run_scoped3A_287, %dma_start3A_354] : memref<4x2x64xi32, #tpu.memory_space<vmem>> -> memref<1x1x64xi32, #tpu.memory_space<vmem>>
        %dma_start3A_356 = tpu.memref_squeeze %dma_start3A_355 : memref<1x1x64xi32, #tpu.memory_space<vmem>> -> memref<64xi32, #tpu.memory_space<vmem>>
        %dma_start3A_357 = arith.constant 0 : i32
        %dma_start3A_358 = arith.constant 0 : i32
        %dma_start3A_359 = tpu.memref_slice %arg18[%dma_start3A_357, %dma_start3A_358] : memref<10240x128xf32, #tpu.memory_space<vmem_shared>> -> memref<10240x128xf32, #tpu.memory_space<vmem_shared>>
        tpu.enqueue_indirect_dma source(%arg17 : memref<64x128xf32, #tpu.memory_space<vmem>>) target(%dma_start3A_359 : memref<10240x128xf32, #tpu.memory_space<vmem_shared>>) offsets(%dma_start3A_356 : memref<64xi32, #tpu.memory_space<vmem>>) semaphore(%run_scoped3A_353 : memref<!tpu.dma_semaphore, #tpu.memory_space<semaphore_mem>>) {add = true}
        %dma_wait3A_360 = arith.constant 0 : i32
        %dma_wait3A_361 = tpu.memref_slice %arg11[%run_scoped3A_286, %run_scoped3A_287, %dma_wait3A_360] : memref<4x2x64xi32, #tpu.memory_space<vmem>> -> memref<1x1x64xi32, #tpu.memory_space<vmem>>
        %dma_wait3A_362 = tpu.memref_squeeze %dma_wait3A_361 : memref<1x1x64xi32, #tpu.memory_space<vmem>> -> memref<64xi32, #tpu.memory_space<vmem>>
        %dma_wait3A_363 = arith.constant 0 : i32
        %dma_wait3A_364 = arith.constant 0 : i32
        %dma_wait3A_365 = tpu.memref_slice %arg18[%dma_wait3A_363, %dma_wait3A_364] : memref<10240x128xf32, #tpu.memory_space<vmem_shared>> -> memref<10240x128xf32, #tpu.memory_space<vmem_shared>>
        tpu.wait_indirect_dma semaphore(%run_scoped3A_353 : memref<!tpu.dma_semaphore, #tpu.memory_space<semaphore_mem>>) src(%arg17 : memref<64x128xf32, #tpu.memory_space<vmem>>) dst(%dma_wait3A_365 : memref<10240x128xf32, #tpu.memory_space<vmem_shared>>)
        tpu.yield
      }) : () -> ()
      %mul3A_288 = arith.constant 4 : i32
      %mul3A_289 = arith.muli %scan3A_99, %mul3A_288 : i32
      %add3A_290 = arith.constant 3 : i32
      %add3A_291 = arith.addi %mul3A_289, %add3A_290 : i32
      %add3A_292 = arith.constant 1 : i32
      %add3A_293 = arith.addi %add3A_291, %add3A_292 : i32
      %lt3A_294 = arith.constant 160 : i32
      %lt3A_295 = arith.cmpi slt, %add3A_293, %lt3A_294 : i32
      %convert_element_type3A_296 = arith.extui %lt3A_295 : i1 to i32
      %cond3A_297 = arith.constant 0 : i32
      %cond3A_298 = arith.cmpi ne, %convert_element_type3A_296, %cond3A_297 : i32
      scf.if %cond3A_298 {
        %dma_wait3A_353 = arith.constant 0 : i32
        %dma_wait3A_354 = arith.constant 0 : i32
        %dma_wait3A_355 = arith.constant 0 : i32
        %dma_wait3A_356 = arith.constant 0 : i32
        %dma_wait3A_357 = tpu.memref_slice %arg11[%dma_wait3A_354, %dma_wait3A_355, %dma_wait3A_356] : memref<4x2x64xi32, #tpu.memory_space<vmem>> -> memref<1x2x64xi32, #tpu.memory_space<vmem>>
        %dma_wait3A_358 = tpu.memref_squeeze %dma_wait3A_357 : memref<1x2x64xi32, #tpu.memory_space<vmem>> -> memref<2x64xi32, #tpu.memory_space<vmem>>
        %dma_wait3A_359 = arith.constant 0 : i32
        %dma_wait3A_360 = arith.constant 0 : i32
        %dma_wait3A_361 = tpu.memref_slice %arg2[%dma_wait3A_353, %dma_wait3A_359, %dma_wait3A_360] : memref<5120x2x64xi32, #tpu.memory_space<hbm>> -> memref<1x2x64xi32, #tpu.memory_space<hbm>>
        %dma_wait3A_362 = tpu.memref_squeeze %dma_wait3A_361 : memref<1x2x64xi32, #tpu.memory_space<hbm>> -> memref<2x64xi32, #tpu.memory_space<hbm>>
        %dma_wait3A_363 = arith.constant 0 : i32
        %dma_wait3A_364 = arith.constant 0 : i32
        %dma_wait3A_365 = tpu.memref_slice %arg11[%dma_wait3A_354, %dma_wait3A_363, %dma_wait3A_364] : memref<4x2x64xi32, #tpu.memory_space<vmem>> -> memref<1x2x64xi32, #tpu.memory_space<vmem>>
        %dma_wait3A_366 = tpu.memref_squeeze %dma_wait3A_365 : memref<1x2x64xi32, #tpu.memory_space<vmem>> -> memref<2x64xi32, #tpu.memory_space<vmem>>
        %dma_wait3A_367 = arith.constant 0 : i32
        %dma_wait3A_368 = arith.constant 0 : i32
        %dma_wait3A_369 = tpu.memref_slice %arg2[%dma_wait3A_353, %dma_wait3A_367, %dma_wait3A_368] : memref<5120x2x64xi32, #tpu.memory_space<hbm>> -> memref<1x2x64xi32, #tpu.memory_space<hbm>>
        %dma_wait3A_370 = tpu.memref_squeeze %dma_wait3A_369 : memref<1x2x64xi32, #tpu.memory_space<hbm>> -> memref<2x64xi32, #tpu.memory_space<hbm>>
        tpu.wait_dma2 semaphore(%arg20 : memref<!tpu.dma_semaphore, #tpu.memory_space<semaphore_mem>>) src(%dma_wait3A_370 : memref<2x64xi32, #tpu.memory_space<hbm>>) dst(%dma_wait3A_366 : memref<2x64xi32, #tpu.memory_space<vmem>>)
        %dma_wait3A_371 = arith.constant 0 : i32
        %dma_wait3A_372 = arith.constant 0 : i32
        %dma_wait3A_373 = arith.constant 0 : i32
        %dma_wait3A_374 = arith.constant 0 : i32
        %dma_wait3A_375 = tpu.memref_slice %arg12[%dma_wait3A_372, %dma_wait3A_373, %dma_wait3A_374] : memref<4x64x16xf32, #tpu.memory_space<vmem>> -> memref<1x64x16xf32, #tpu.memory_space<vmem>>
        %dma_wait3A_376 = tpu.memref_squeeze %dma_wait3A_375 : memref<1x64x16xf32, #tpu.memory_space<vmem>> -> memref<64x16xf32, #tpu.memory_space<vmem>>
        %dma_wait3A_377 = arith.constant 0 : i32
        %dma_wait3A_378 = arith.constant 0 : i32
        %dma_wait3A_379 = tpu.memref_slice %arg3[%dma_wait3A_371, %dma_wait3A_377, %dma_wait3A_378] : memref<5120x64x16xf32, #tpu.memory_space<hbm>> -> memref<1x64x16xf32, #tpu.memory_space<hbm>>
        %dma_wait3A_380 = tpu.memref_squeeze %dma_wait3A_379 : memref<1x64x16xf32, #tpu.memory_space<hbm>> -> memref<64x16xf32, #tpu.memory_space<hbm>>
        %dma_wait3A_381 = arith.constant 0 : i32
        %dma_wait3A_382 = arith.constant 0 : i32
        %dma_wait3A_383 = tpu.memref_slice %arg12[%dma_wait3A_372, %dma_wait3A_381, %dma_wait3A_382] : memref<4x64x16xf32, #tpu.memory_space<vmem>> -> memref<1x64x16xf32, #tpu.memory_space<vmem>>
        %dma_wait3A_384 = tpu.memref_squeeze %dma_wait3A_383 : memref<1x64x16xf32, #tpu.memory_space<vmem>> -> memref<64x16xf32, #tpu.memory_space<vmem>>
        %dma_wait3A_385 = arith.constant 0 : i32
        %dma_wait3A_386 = arith.constant 0 : i32
        %dma_wait3A_387 = tpu.memref_slice %arg3[%dma_wait3A_371, %dma_wait3A_385, %dma_wait3A_386] : memref<5120x64x16xf32, #tpu.memory_space<hbm>> -> memref<1x64x16xf32, #tpu.memory_space<hbm>>
        %dma_wait3A_388 = tpu.memref_squeeze %dma_wait3A_387 : memref<1x64x16xf32, #tpu.memory_space<hbm>> -> memref<64x16xf32, #tpu.memory_space<hbm>>
        tpu.wait_dma2 semaphore(%arg20 : memref<!tpu.dma_semaphore, #tpu.memory_space<semaphore_mem>>) src(%dma_wait3A_388 : memref<64x16xf32, #tpu.memory_space<hbm>>) dst(%dma_wait3A_384 : memref<64x16xf32, #tpu.memory_space<vmem>>)
        %dma_start3A_389 = arith.constant 0 : i32
        %dma_start3A_390 = arith.constant 0 : i32
        %dma_start3A_391 = arith.constant 0 : i32
        %dma_start3A_392 = arith.constant 0 : i32
        %dma_start3A_393 = arith.constant 0 : i32
        %dma_start3A_394 = tpu.memref_slice %arg13[%dma_start3A_391, %dma_start3A_392, %dma_start3A_393] : memref<2x64x16xf32, #tpu.memory_space<vmem>> -> memref<1x64x16xf32, #tpu.memory_space<vmem>>
        %dma_start3A_395 = tpu.memref_squeeze %dma_start3A_394 : memref<1x64x16xf32, #tpu.memory_space<vmem>> -> memref<64x16xf32, #tpu.memory_space<vmem>>
        %dma_start3A_396 = arith.constant 0 : i32
        %dma_start3A_397 = tpu.memref_slice %arg11[%dma_start3A_389, %dma_start3A_390, %dma_start3A_396] : memref<4x2x64xi32, #tpu.memory_space<vmem>> -> memref<1x1x64xi32, #tpu.memory_space<vmem>>
        %dma_start3A_398 = tpu.memref_squeeze %dma_start3A_397 : memref<1x1x64xi32, #tpu.memory_space<vmem>> -> memref<64xi32, #tpu.memory_space<vmem>>
        %dma_start3A_399 = arith.constant 0 : i32
        %dma_start3A_400 = arith.constant 0 : i32
        %dma_start3A_401 = tpu.memref_slice %arg4[%dma_start3A_399, %dma_start3A_400] : memref<10000x16xf32, #tpu.memory_space<hbm>> -> memref<10000x16xf32, #tpu.memory_space<hbm>>
        tpu.enqueue_indirect_dma source(%dma_start3A_401 : memref<10000x16xf32, #tpu.memory_space<hbm>>) target(%dma_start3A_395 : memref<64x16xf32, #tpu.memory_space<vmem>>) offsets(%dma_start3A_398 : memref<64xi32, #tpu.memory_space<vmem>>) semaphore(%arg21 : memref<!tpu.dma_semaphore, #tpu.memory_space<semaphore_mem>>)
        %dma_start3A_402 = arith.constant 0 : i32
        %dma_start3A_403 = arith.constant 1 : i32
        %dma_start3A_404 = arith.constant 0 : i32
        %dma_start3A_405 = arith.constant 0 : i32
        %dma_start3A_406 = arith.constant 0 : i32
        %dma_start3A_407 = tpu.memref_slice %arg14[%dma_start3A_404, %dma_start3A_405, %dma_start3A_406] : memref<2x64x16xf32, #tpu.memory_space<vmem>> -> memref<1x64x16xf32, #tpu.memory_space<vmem>>
        %dma_start3A_408 = tpu.memref_squeeze %dma_start3A_407 : memref<1x64x16xf32, #tpu.memory_space<vmem>> -> memref<64x16xf32, #tpu.memory_space<vmem>>
        %dma_start3A_409 = arith.constant 0 : i32
        %dma_start3A_410 = tpu.memref_slice %arg11[%dma_start3A_402, %dma_start3A_403, %dma_start3A_409] : memref<4x2x64xi32, #tpu.memory_space<vmem>> -> memref<1x1x64xi32, #tpu.memory_space<vmem>>
        %dma_start3A_411 = tpu.memref_squeeze %dma_start3A_410 : memref<1x1x64xi32, #tpu.memory_space<vmem>> -> memref<64xi32, #tpu.memory_space<vmem>>
        %dma_start3A_412 = arith.constant 0 : i32
        %dma_start3A_413 = arith.constant 0 : i32
        %dma_start3A_414 = tpu.memref_slice %arg5[%dma_start3A_412, %dma_start3A_413] : memref<10000x16xf32, #tpu.memory_space<hbm>> -> memref<10000x16xf32, #tpu.memory_space<hbm>>
        tpu.enqueue_indirect_dma source(%dma_start3A_414 : memref<10000x16xf32, #tpu.memory_space<hbm>>) target(%dma_start3A_408 : memref<64x16xf32, #tpu.memory_space<vmem>>) offsets(%dma_start3A_411 : memref<64xi32, #tpu.memory_space<vmem>>) semaphore(%arg21 : memref<!tpu.dma_semaphore, #tpu.memory_space<semaphore_mem>>)
        %dma_start3A_415 = arith.constant 0 : i32
        %dma_start3A_416 = arith.constant 0 : i32
        %dma_start3A_417 = arith.constant 0 : i32
        %dma_start3A_418 = arith.constant 0 : i32
        %dma_start3A_419 = arith.constant 0 : i32
        %dma_start3A_420 = tpu.memref_slice %arg15[%dma_start3A_417, %dma_start3A_418, %dma_start3A_419] : memref<2x64x128xf32, #tpu.memory_space<vmem>> -> memref<1x64x128xf32, #tpu.memory_space<vmem>>
        %dma_start3A_421 = tpu.memref_squeeze %dma_start3A_420 : memref<1x64x128xf32, #tpu.memory_space<vmem>> -> memref<64x128xf32, #tpu.memory_space<vmem>>
        %dma_start3A_422 = arith.constant 0 : i32
        %dma_start3A_423 = tpu.memref_slice %arg11[%dma_start3A_415, %dma_start3A_416, %dma_start3A_422] : memref<4x2x64xi32, #tpu.memory_space<vmem>> -> memref<1x1x64xi32, #tpu.memory_space<vmem>>
        %dma_start3A_424 = tpu.memref_squeeze %dma_start3A_423 : memref<1x1x64xi32, #tpu.memory_space<vmem>> -> memref<64xi32, #tpu.memory_space<vmem>>
        %dma_start3A_425 = arith.constant 0 : i32
        %dma_start3A_426 = arith.constant 0 : i32
        %dma_start3A_427 = tpu.memref_slice %arg6[%dma_start3A_425, %dma_start3A_426] : memref<10000x128xf32, #tpu.memory_space<hbm>> -> memref<10000x128xf32, #tpu.memory_space<hbm>>
        tpu.enqueue_indirect_dma source(%dma_start3A_427 : memref<10000x128xf32, #tpu.memory_space<hbm>>) target(%dma_start3A_421 : memref<64x128xf32, #tpu.memory_space<vmem>>) offsets(%dma_start3A_424 : memref<64xi32, #tpu.memory_space<vmem>>) semaphore(%arg21 : memref<!tpu.dma_semaphore, #tpu.memory_space<semaphore_mem>>)
      } else {
      }
      %add3A_299 = arith.constant 2 : i32
      %add3A_300 = arith.addi %add3A_291, %add3A_299 : i32
      %lt3A_301 = arith.constant 160 : i32
      %lt3A_302 = arith.cmpi slt, %add3A_300, %lt3A_301 : i32
      %convert_element_type3A_303 = arith.extui %lt3A_302 : i1 to i32
      %cond3A_304 = arith.constant 0 : i32
      %cond3A_305 = arith.cmpi ne, %convert_element_type3A_303, %cond3A_304 : i32
      scf.if %cond3A_305 {
        %add3A_353 = arith.constant 2 : i32
        %add3A_354 = arith.addi %add3A_291, %add3A_353 : i32
        %mul3A_355 = arith.constant 160 : i32
        %mul3A_356 = arith.muli %add3A, %mul3A_355 : i32
        %add3A_357 = arith.addi %mul3A_356, %add3A_354 : i32
        %dma_start3A_358 = arith.constant 1 : i32
        %dma_start3A_359 = arith.constant 0 : i32
        %dma_start3A_360 = arith.constant 0 : i32
        %dma_start3A_361 = tpu.memref_slice %arg11[%dma_start3A_358, %dma_start3A_359, %dma_start3A_360] : memref<4x2x64xi32, #tpu.memory_space<vmem>> -> memref<1x2x64xi32, #tpu.memory_space<vmem>>
        %dma_start3A_362 = tpu.memref_squeeze %dma_start3A_361 : memref<1x2x64xi32, #tpu.memory_space<vmem>> -> memref<2x64xi32, #tpu.memory_space<vmem>>
        %dma_start3A_363 = arith.constant 0 : i32
        %dma_start3A_364 = arith.constant 0 : i32
        %dma_start3A_365 = tpu.memref_slice %arg2[%add3A_357, %dma_start3A_363, %dma_start3A_364] : memref<5120x2x64xi32, #tpu.memory_space<hbm>> -> memref<1x2x64xi32, #tpu.memory_space<hbm>>
        %dma_start3A_366 = tpu.memref_squeeze %dma_start3A_365 : memref<1x2x64xi32, #tpu.memory_space<hbm>> -> memref<2x64xi32, #tpu.memory_space<hbm>>
        %dma_start3A_367 = arith.constant 0 : i32
        %dma_start3A_368 = arith.constant 0 : i32
        %dma_start3A_369 = tpu.memref_slice %arg11[%dma_start3A_358, %dma_start3A_367, %dma_start3A_368] : memref<4x2x64xi32, #tpu.memory_space<vmem>> -> memref<1x2x64xi32, #tpu.memory_space<vmem>>
        %dma_start3A_370 = tpu.memref_squeeze %dma_start3A_369 : memref<1x2x64xi32, #tpu.memory_space<vmem>> -> memref<2x64xi32, #tpu.memory_space<vmem>>
        %dma_start3A_371 = arith.constant 0 : i32
        %dma_start3A_372 = arith.constant 0 : i32
        %dma_start3A_373 = tpu.memref_slice %arg2[%add3A_357, %dma_start3A_371, %dma_start3A_372] : memref<5120x2x64xi32, #tpu.memory_space<hbm>> -> memref<1x2x64xi32, #tpu.memory_space<hbm>>
        %dma_start3A_374 = tpu.memref_squeeze %dma_start3A_373 : memref<1x2x64xi32, #tpu.memory_space<hbm>> -> memref<2x64xi32, #tpu.memory_space<hbm>>
        tpu.enqueue_dma source(%dma_start3A_374 : memref<2x64xi32, #tpu.memory_space<hbm>>) target(%dma_start3A_370 : memref<2x64xi32, #tpu.memory_space<vmem>>) target_semaphore(%arg20 : memref<!tpu.dma_semaphore, #tpu.memory_space<semaphore_mem>>)
        %mul3A_375 = arith.constant 160 : i32
        %mul3A_376 = arith.muli %add3A, %mul3A_375 : i32
        %add3A_377 = arith.addi %mul3A_376, %add3A_354 : i32
        %dma_start3A_378 = arith.constant 1 : i32
        %dma_start3A_379 = arith.constant 0 : i32
        %dma_start3A_380 = arith.constant 0 : i32
        %dma_start3A_381 = tpu.memref_slice %arg12[%dma_start3A_378, %dma_start3A_379, %dma_start3A_380] : memref<4x64x16xf32, #tpu.memory_space<vmem>> -> memref<1x64x16xf32, #tpu.memory_space<vmem>>
        %dma_start3A_382 = tpu.memref_squeeze %dma_start3A_381 : memref<1x64x16xf32, #tpu.memory_space<vmem>> -> memref<64x16xf32, #tpu.memory_space<vmem>>
        %dma_start3A_383 = arith.constant 0 : i32
        %dma_start3A_384 = arith.constant 0 : i32
        %dma_start3A_385 = tpu.memref_slice %arg3[%add3A_377, %dma_start3A_383, %dma_start3A_384] : memref<5120x64x16xf32, #tpu.memory_space<hbm>> -> memref<1x64x16xf32, #tpu.memory_space<hbm>>
        %dma_start3A_386 = tpu.memref_squeeze %dma_start3A_385 : memref<1x64x16xf32, #tpu.memory_space<hbm>> -> memref<64x16xf32, #tpu.memory_space<hbm>>
        %dma_start3A_387 = arith.constant 0 : i32
        %dma_start3A_388 = arith.constant 0 : i32
        %dma_start3A_389 = tpu.memref_slice %arg12[%dma_start3A_378, %dma_start3A_387, %dma_start3A_388] : memref<4x64x16xf32, #tpu.memory_space<vmem>> -> memref<1x64x16xf32, #tpu.memory_space<vmem>>
        %dma_start3A_390 = tpu.memref_squeeze %dma_start3A_389 : memref<1x64x16xf32, #tpu.memory_space<vmem>> -> memref<64x16xf32, #tpu.memory_space<vmem>>
        %dma_start3A_391 = arith.constant 0 : i32
        %dma_start3A_392 = arith.constant 0 : i32
        %dma_start3A_393 = tpu.memref_slice %arg3[%add3A_377, %dma_start3A_391, %dma_start3A_392] : memref<5120x64x16xf32, #tpu.memory_space<hbm>> -> memref<1x64x16xf32, #tpu.memory_space<hbm>>
        %dma_start3A_394 = tpu.memref_squeeze %dma_start3A_393 : memref<1x64x16xf32, #tpu.memory_space<hbm>> -> memref<64x16xf32, #tpu.memory_space<hbm>>
        tpu.enqueue_dma source(%dma_start3A_394 : memref<64x16xf32, #tpu.memory_space<hbm>>) target(%dma_start3A_390 : memref<64x16xf32, #tpu.memory_space<vmem>>) target_semaphore(%arg20 : memref<!tpu.dma_semaphore, #tpu.memory_space<semaphore_mem>>)
      } else {
      }
      %dma_wait3A_306 = arith.constant 0 : i32
      %dma_wait3A_307 = arith.constant 0 : i32
      %dma_wait3A_308 = arith.constant 1 : i32
      %dma_wait3A_309 = arith.constant 0 : i32
      %dma_wait3A_310 = arith.constant 0 : i32
      %dma_wait3A_311 = tpu.memref_slice %arg13[%dma_wait3A_308, %dma_wait3A_309, %dma_wait3A_310] : memref<2x64x16xf32, #tpu.memory_space<vmem>> -> memref<1x64x16xf32, #tpu.memory_space<vmem>>
      %dma_wait3A_312 = tpu.memref_squeeze %dma_wait3A_311 : memref<1x64x16xf32, #tpu.memory_space<vmem>> -> memref<64x16xf32, #tpu.memory_space<vmem>>
      %dma_wait3A_313 = arith.constant 0 : i32
      %dma_wait3A_314 = tpu.memref_slice %arg11[%dma_wait3A_306, %dma_wait3A_307, %dma_wait3A_313] : memref<4x2x64xi32, #tpu.memory_space<vmem>> -> memref<1x1x64xi32, #tpu.memory_space<vmem>>
      %dma_wait3A_315 = tpu.memref_squeeze %dma_wait3A_314 : memref<1x1x64xi32, #tpu.memory_space<vmem>> -> memref<64xi32, #tpu.memory_space<vmem>>
      %dma_wait3A_316 = arith.constant 0 : i32
      %dma_wait3A_317 = arith.constant 0 : i32
      %dma_wait3A_318 = tpu.memref_slice %arg4[%dma_wait3A_316, %dma_wait3A_317] : memref<10000x16xf32, #tpu.memory_space<hbm>> -> memref<10000x16xf32, #tpu.memory_space<hbm>>
      tpu.wait_indirect_dma semaphore(%arg21 : memref<!tpu.dma_semaphore, #tpu.memory_space<semaphore_mem>>) src(%dma_wait3A_318 : memref<10000x16xf32, #tpu.memory_space<hbm>>) dst(%dma_wait3A_312 : memref<64x16xf32, #tpu.memory_space<vmem>>)
      %dma_wait3A_319 = arith.constant 0 : i32
      %dma_wait3A_320 = arith.constant 1 : i32
      %dma_wait3A_321 = arith.constant 1 : i32
      %dma_wait3A_322 = arith.constant 0 : i32
      %dma_wait3A_323 = arith.constant 0 : i32
      %dma_wait3A_324 = tpu.memref_slice %arg14[%dma_wait3A_321, %dma_wait3A_322, %dma_wait3A_323] : memref<2x64x16xf32, #tpu.memory_space<vmem>> -> memref<1x64x16xf32, #tpu.memory_space<vmem>>
      %dma_wait3A_325 = tpu.memref_squeeze %dma_wait3A_324 : memref<1x64x16xf32, #tpu.memory_space<vmem>> -> memref<64x16xf32, #tpu.memory_space<vmem>>
      %dma_wait3A_326 = arith.constant 0 : i32
      %dma_wait3A_327 = tpu.memref_slice %arg11[%dma_wait3A_319, %dma_wait3A_320, %dma_wait3A_326] : memref<4x2x64xi32, #tpu.memory_space<vmem>> -> memref<1x1x64xi32, #tpu.memory_space<vmem>>
      %dma_wait3A_328 = tpu.memref_squeeze %dma_wait3A_327 : memref<1x1x64xi32, #tpu.memory_space<vmem>> -> memref<64xi32, #tpu.memory_space<vmem>>
      %dma_wait3A_329 = arith.constant 0 : i32
      %dma_wait3A_330 = arith.constant 0 : i32
      %dma_wait3A_331 = tpu.memref_slice %arg5[%dma_wait3A_329, %dma_wait3A_330] : memref<10000x16xf32, #tpu.memory_space<hbm>> -> memref<10000x16xf32, #tpu.memory_space<hbm>>
      tpu.wait_indirect_dma semaphore(%arg21 : memref<!tpu.dma_semaphore, #tpu.memory_space<semaphore_mem>>) src(%dma_wait3A_331 : memref<10000x16xf32, #tpu.memory_space<hbm>>) dst(%dma_wait3A_325 : memref<64x16xf32, #tpu.memory_space<vmem>>)
      %dma_wait3A_332 = arith.constant 0 : i32
      %dma_wait3A_333 = arith.constant 0 : i32
      %dma_wait3A_334 = arith.constant 1 : i32
      %dma_wait3A_335 = arith.constant 0 : i32
      %dma_wait3A_336 = arith.constant 0 : i32
      %dma_wait3A_337 = tpu.memref_slice %arg15[%dma_wait3A_334, %dma_wait3A_335, %dma_wait3A_336] : memref<2x64x128xf32, #tpu.memory_space<vmem>> -> memref<1x64x128xf32, #tpu.memory_space<vmem>>
      %dma_wait3A_338 = tpu.memref_squeeze %dma_wait3A_337 : memref<1x64x128xf32, #tpu.memory_space<vmem>> -> memref<64x128xf32, #tpu.memory_space<vmem>>
      %dma_wait3A_339 = arith.constant 0 : i32
      %dma_wait3A_340 = tpu.memref_slice %arg11[%dma_wait3A_332, %dma_wait3A_333, %dma_wait3A_339] : memref<4x2x64xi32, #tpu.memory_space<vmem>> -> memref<1x1x64xi32, #tpu.memory_space<vmem>>
      %dma_wait3A_341 = tpu.memref_squeeze %dma_wait3A_340 : memref<1x1x64xi32, #tpu.memory_space<vmem>> -> memref<64xi32, #tpu.memory_space<vmem>>
      %dma_wait3A_342 = arith.constant 0 : i32
      %dma_wait3A_343 = arith.constant 0 : i32
      %dma_wait3A_344 = tpu.memref_slice %arg6[%dma_wait3A_342, %dma_wait3A_343] : memref<10000x128xf32, #tpu.memory_space<hbm>> -> memref<10000x128xf32, #tpu.memory_space<hbm>>
      tpu.wait_indirect_dma semaphore(%arg21 : memref<!tpu.dma_semaphore, #tpu.memory_space<semaphore_mem>>) src(%dma_wait3A_344 : memref<10000x128xf32, #tpu.memory_space<hbm>>) dst(%dma_wait3A_338 : memref<64x128xf32, #tpu.memory_space<vmem>>)
      %parallel_loop3A_345 = arith.constant 0 : i32
      %parallel_loop3A_346 = arith.constant 64 : i32
      %parallel_loop3A_347 = arith.constant 1 : i32
      scf.for %parallel_loop3A_353 = %parallel_loop3A_345 to %parallel_loop3A_346 step %parallel_loop3A_347  : i32 {
        %parallel_loop3A_354 = arith.constant 1 : i32
        %parallel_loop3A_355 = arith.index_cast %parallel_loop3A_354 : i32 to index
        %parallel_loop3A_356 = arith.index_cast %parallel_loop3A_353 : i32 to index
        %parallel_loop3A_357 = arith.constant 0 : index
        %parallel_loop3A_358 = tpu.vector_load %arg13[%parallel_loop3A_355, %parallel_loop3A_356, %parallel_loop3A_357] {strides = array<i32>} : memref<2x64x16xf32, #tpu.memory_space<vmem>>, vector<16xf32>,
        %parallel_loop3A_359 = arith.constant 1 : i32
        %parallel_loop3A_360 = arith.index_cast %parallel_loop3A_359 : i32 to index
        %parallel_loop3A_361 = arith.index_cast %parallel_loop3A_353 : i32 to index
        %parallel_loop3A_362 = arith.constant 0 : index
        %parallel_loop3A_363 = tpu.vector_load %arg14[%parallel_loop3A_360, %parallel_loop3A_361, %parallel_loop3A_362] {strides = array<i32>} : memref<2x64x16xf32, #tpu.memory_space<vmem>>, vector<16xf32>,
        %parallel_loop3A_364 = arith.addf %parallel_loop3A_358, %parallel_loop3A_363 : vector<16xf32>
        %parallel_loop3A_365 = arith.constant 0.000000e+00 : f32
        %parallel_loop3A_366 = vector.broadcast %parallel_loop3A_365 : f32 to vector<16xf32>
        %parallel_loop3A_367 = arith.cmpf ogt, %parallel_loop3A_364, %parallel_loop3A_366 : vector<16xf32>
        %parallel_loop3A_368 = arith.constant 2.000000e-01 : f32
        %parallel_loop3A_369 = vector.broadcast %parallel_loop3A_368 : f32 to vector<16xf32>
        %parallel_loop3A_370 = arith.mulf %parallel_loop3A_364, %parallel_loop3A_369 : vector<16xf32>
        %parallel_loop3A_371 = arith.select %parallel_loop3A_367, %parallel_loop3A_364, %parallel_loop3A_370 : vector<16xi1>, vector<16xf32>
        %parallel_loop3A_372 = math.exp %parallel_loop3A_371 : vector<16xf32>
        %parallel_loop3A_373 = arith.constant 3 : i32
        %parallel_loop3A_374 = arith.index_cast %parallel_loop3A_373 : i32 to index
        %parallel_loop3A_375 = arith.index_cast %parallel_loop3A_353 : i32 to index
        %parallel_loop3A_376 = arith.constant 0 : index
        %parallel_loop3A_377 = tpu.vector_load %arg12[%parallel_loop3A_374, %parallel_loop3A_375, %parallel_loop3A_376] {strides = array<i32>} : memref<4x64x16xf32, #tpu.memory_space<vmem>>, vector<16xf32>,
        %parallel_loop3A_378 = arith.mulf %parallel_loop3A_372, %parallel_loop3A_377 : vector<16xf32>
        %parallel_loop3A_379 = arith.index_cast %parallel_loop3A_353 : i32 to index
        %parallel_loop3A_380 = arith.constant 0 : index
        %parallel_loop3A_381 = tpu.vector_load %arg16[%parallel_loop3A_379, %parallel_loop3A_380] {strides = array<i32>} : memref<64x16xf32, #tpu.memory_space<vmem>>, vector<16xf32>,
        tpu.vector_store %arg16[%parallel_loop3A_379, %parallel_loop3A_380], %parallel_loop3A_378 {strides = array<i32>} : memref<64x16xf32, #tpu.memory_space<vmem>>, vector<16xf32>,
        %parallel_loop3A_382 = vector.extract_strided_slice %parallel_loop3A_378 {offsets = [0], sizes = [1], strides = [1]} : vector<16xf32> to vector<1xf32>
        %parallel_loop3A_383 = vector.extract %parallel_loop3A_382[0] : f32 from vector<1xf32>
        %parallel_loop3A_384 = vector.broadcast %parallel_loop3A_383 : f32 to vector<16xf32>
        %parallel_loop3A_385 = arith.constant 1 : i32
        %parallel_loop3A_386 = arith.index_cast %parallel_loop3A_385 : i32 to index
        %parallel_loop3A_387 = arith.index_cast %parallel_loop3A_353 : i32 to index
        %parallel_loop3A_388 = arith.constant 0 : index
        %parallel_loop3A_389 = tpu.vector_load %arg15[%parallel_loop3A_386, %parallel_loop3A_387, %parallel_loop3A_388] {strides = array<i32>} : memref<2x64x128xf32, #tpu.memory_space<vmem>>, vector<16xf32>,
        %parallel_loop3A_390 = arith.mulf %parallel_loop3A_389, %parallel_loop3A_384 : vector<16xf32>
        %parallel_loop3A_391 = arith.index_cast %parallel_loop3A_353 : i32 to index
        %parallel_loop3A_392 = arith.constant 0 : index
        %parallel_loop3A_393 = tpu.vector_load %arg17[%parallel_loop3A_391, %parallel_loop3A_392] {strides = array<i32>} : memref<64x128xf32, #tpu.memory_space<vmem>>, vector<16xf32>,
        tpu.vector_store %arg17[%parallel_loop3A_391, %parallel_loop3A_392], %parallel_loop3A_390 {strides = array<i32>} : memref<64x128xf32, #tpu.memory_space<vmem>>, vector<16xf32>,
        %parallel_loop3A_394 = vector.extract_strided_slice %parallel_loop3A_378 {offsets = [1], sizes = [1], strides = [1]} : vector<16xf32> to vector<1xf32>
        %parallel_loop3A_395 = vector.extract %parallel_loop3A_394[0] : f32 from vector<1xf32>
        %parallel_loop3A_396 = vector.broadcast %parallel_loop3A_395 : f32 to vector<16xf32>
        %parallel_loop3A_397 = arith.constant 1 : i32
        %parallel_loop3A_398 = arith.index_cast %parallel_loop3A_397 : i32 to index
        %parallel_loop3A_399 = arith.index_cast %parallel_loop3A_353 : i32 to index
        %parallel_loop3A_400 = arith.constant 16 : index
        %parallel_loop3A_401 = tpu.vector_load %arg15[%parallel_loop3A_398, %parallel_loop3A_399, %parallel_loop3A_400] {strides = array<i32>} : memref<2x64x128xf32, #tpu.memory_space<vmem>>, vector<16xf32>,
        %parallel_loop3A_402 = arith.mulf %parallel_loop3A_401, %parallel_loop3A_396 : vector<16xf32>
        %parallel_loop3A_403 = arith.index_cast %parallel_loop3A_353 : i32 to index
        %parallel_loop3A_404 = arith.constant 16 : index
        %parallel_loop3A_405 = tpu.vector_load %arg17[%parallel_loop3A_403, %parallel_loop3A_404] {strides = array<i32>} : memref<64x128xf32, #tpu.memory_space<vmem>>, vector<16xf32>,
        tpu.vector_store %arg17[%parallel_loop3A_403, %parallel_loop3A_404], %parallel_loop3A_402 {strides = array<i32>} : memref<64x128xf32, #tpu.memory_space<vmem>>, vector<16xf32>,
        %parallel_loop3A_406 = vector.extract_strided_slice %parallel_loop3A_378 {offsets = [2], sizes = [1], strides = [1]} : vector<16xf32> to vector<1xf32>
        %parallel_loop3A_407 = vector.extract %parallel_loop3A_406[0] : f32 from vector<1xf32>
        %parallel_loop3A_408 = vector.broadcast %parallel_loop3A_407 : f32 to vector<16xf32>
        %parallel_loop3A_409 = arith.constant 1 : i32
        %parallel_loop3A_410 = arith.index_cast %parallel_loop3A_409 : i32 to index
        %parallel_loop3A_411 = arith.index_cast %parallel_loop3A_353 : i32 to index
        %parallel_loop3A_412 = arith.constant 32 : index
        %parallel_loop3A_413 = tpu.vector_load %arg15[%parallel_loop3A_410, %parallel_loop3A_411, %parallel_loop3A_412] {strides = array<i32>} : memref<2x64x128xf32, #tpu.memory_space<vmem>>, vector<16xf32>,
        %parallel_loop3A_414 = arith.mulf %parallel_loop3A_413, %parallel_loop3A_408 : vector<16xf32>
        %parallel_loop3A_415 = arith.index_cast %parallel_loop3A_353 : i32 to index
        %parallel_loop3A_416 = arith.constant 32 : index
        %parallel_loop3A_417 = tpu.vector_load %arg17[%parallel_loop3A_415, %parallel_loop3A_416] {strides = array<i32>} : memref<64x128xf32, #tpu.memory_space<vmem>>, vector<16xf32>,
        tpu.vector_store %arg17[%parallel_loop3A_415, %parallel_loop3A_416], %parallel_loop3A_414 {strides = array<i32>} : memref<64x128xf32, #tpu.memory_space<vmem>>, vector<16xf32>,
        %parallel_loop3A_418 = vector.extract_strided_slice %parallel_loop3A_378 {offsets = [3], sizes = [1], strides = [1]} : vector<16xf32> to vector<1xf32>
        %parallel_loop3A_419 = vector.extract %parallel_loop3A_418[0] : f32 from vector<1xf32>
        %parallel_loop3A_420 = vector.broadcast %parallel_loop3A_419 : f32 to vector<16xf32>
        %parallel_loop3A_421 = arith.constant 1 : i32
        %parallel_loop3A_422 = arith.index_cast %parallel_loop3A_421 : i32 to index
        %parallel_loop3A_423 = arith.index_cast %parallel_loop3A_353 : i32 to index
        %parallel_loop3A_424 = arith.constant 48 : index
        %parallel_loop3A_425 = tpu.vector_load %arg15[%parallel_loop3A_422, %parallel_loop3A_423, %parallel_loop3A_424] {strides = array<i32>} : memref<2x64x128xf32, #tpu.memory_space<vmem>>, vector<16xf32>,
        %parallel_loop3A_426 = arith.mulf %parallel_loop3A_425, %parallel_loop3A_420 : vector<16xf32>
        %parallel_loop3A_427 = arith.index_cast %parallel_loop3A_353 : i32 to index
        %parallel_loop3A_428 = arith.constant 48 : index
        %parallel_loop3A_429 = tpu.vector_load %arg17[%parallel_loop3A_427, %parallel_loop3A_428] {strides = array<i32>} : memref<64x128xf32, #tpu.memory_space<vmem>>, vector<16xf32>,
        tpu.vector_store %arg17[%parallel_loop3A_427, %parallel_loop3A_428], %parallel_loop3A_426 {strides = array<i32>} : memref<64x128xf32, #tpu.memory_space<vmem>>, vector<16xf32>,
        %parallel_loop3A_430 = vector.extract_strided_slice %parallel_loop3A_378 {offsets = [4], sizes = [1], strides = [1]} : vector<16xf32> to vector<1xf32>
        %parallel_loop3A_431 = vector.extract %parallel_loop3A_430[0] : f32 from vector<1xf32>
        %parallel_loop3A_432 = vector.broadcast %parallel_loop3A_431 : f32 to vector<16xf32>
        %parallel_loop3A_433 = arith.constant 1 : i32
        %parallel_loop3A_434 = arith.index_cast %parallel_loop3A_433 : i32 to index
        %parallel_loop3A_435 = arith.index_cast %parallel_loop3A_353 : i32 to index
        %parallel_loop3A_436 = arith.constant 64 : index
        %parallel_loop3A_437 = tpu.vector_load %arg15[%parallel_loop3A_434, %parallel_loop3A_435, %parallel_loop3A_436] {strides = array<i32>} : memref<2x64x128xf32, #tpu.memory_space<vmem>>, vector<16xf32>,
        %parallel_loop3A_438 = arith.mulf %parallel_loop3A_437, %parallel_loop3A_432 : vector<16xf32>
        %parallel_loop3A_439 = arith.index_cast %parallel_loop3A_353 : i32 to index
        %parallel_loop3A_440 = arith.constant 64 : index
        %parallel_loop3A_441 = tpu.vector_load %arg17[%parallel_loop3A_439, %parallel_loop3A_440] {strides = array<i32>} : memref<64x128xf32, #tpu.memory_space<vmem>>, vector<16xf32>,
        tpu.vector_store %arg17[%parallel_loop3A_439, %parallel_loop3A_440], %parallel_loop3A_438 {strides = array<i32>} : memref<64x128xf32, #tpu.memory_space<vmem>>, vector<16xf32>,
        %parallel_loop3A_442 = vector.extract_strided_slice %parallel_loop3A_378 {offsets = [5], sizes = [1], strides = [1]} : vector<16xf32> to vector<1xf32>
        %parallel_loop3A_443 = vector.extract %parallel_loop3A_442[0] : f32 from vector<1xf32>
        %parallel_loop3A_444 = vector.broadcast %parallel_loop3A_443 : f32 to vector<16xf32>
        %parallel_loop3A_445 = arith.constant 1 : i32
        %parallel_loop3A_446 = arith.index_cast %parallel_loop3A_445 : i32 to index
        %parallel_loop3A_447 = arith.index_cast %parallel_loop3A_353 : i32 to index
        %parallel_loop3A_448 = arith.constant 80 : index
        %parallel_loop3A_449 = tpu.vector_load %arg15[%parallel_loop3A_446, %parallel_loop3A_447, %parallel_loop3A_448] {strides = array<i32>} : memref<2x64x128xf32, #tpu.memory_space<vmem>>, vector<16xf32>,
        %parallel_loop3A_450 = arith.mulf %parallel_loop3A_449, %parallel_loop3A_444 : vector<16xf32>
        %parallel_loop3A_451 = arith.index_cast %parallel_loop3A_353 : i32 to index
        %parallel_loop3A_452 = arith.constant 80 : index
        %parallel_loop3A_453 = tpu.vector_load %arg17[%parallel_loop3A_451, %parallel_loop3A_452] {strides = array<i32>} : memref<64x128xf32, #tpu.memory_space<vmem>>, vector<16xf32>,
        tpu.vector_store %arg17[%parallel_loop3A_451, %parallel_loop3A_452], %parallel_loop3A_450 {strides = array<i32>} : memref<64x128xf32, #tpu.memory_space<vmem>>, vector<16xf32>,
        %parallel_loop3A_454 = vector.extract_strided_slice %parallel_loop3A_378 {offsets = [6], sizes = [1], strides = [1]} : vector<16xf32> to vector<1xf32>
        %parallel_loop3A_455 = vector.extract %parallel_loop3A_454[0] : f32 from vector<1xf32>
        %parallel_loop3A_456 = vector.broadcast %parallel_loop3A_455 : f32 to vector<16xf32>
        %parallel_loop3A_457 = arith.constant 1 : i32
        %parallel_loop3A_458 = arith.index_cast %parallel_loop3A_457 : i32 to index
        %parallel_loop3A_459 = arith.index_cast %parallel_loop3A_353 : i32 to index
        %parallel_loop3A_460 = arith.constant 96 : index
        %parallel_loop3A_461 = tpu.vector_load %arg15[%parallel_loop3A_458, %parallel_loop3A_459, %parallel_loop3A_460] {strides = array<i32>} : memref<2x64x128xf32, #tpu.memory_space<vmem>>, vector<16xf32>,
        %parallel_loop3A_462 = arith.mulf %parallel_loop3A_461, %parallel_loop3A_456 : vector<16xf32>
        %parallel_loop3A_463 = arith.index_cast %parallel_loop3A_353 : i32 to index
        %parallel_loop3A_464 = arith.constant 96 : index
        %parallel_loop3A_465 = tpu.vector_load %arg17[%parallel_loop3A_463, %parallel_loop3A_464] {strides = array<i32>} : memref<64x128xf32, #tpu.memory_space<vmem>>, vector<16xf32>,
        tpu.vector_store %arg17[%parallel_loop3A_463, %parallel_loop3A_464], %parallel_loop3A_462 {strides = array<i32>} : memref<64x128xf32, #tpu.memory_space<vmem>>, vector<16xf32>,
        %parallel_loop3A_466 = vector.extract_strided_slice %parallel_loop3A_378 {offsets = [7], sizes = [1], strides = [1]} : vector<16xf32> to vector<1xf32>
        %parallel_loop3A_467 = vector.extract %parallel_loop3A_466[0] : f32 from vector<1xf32>
        %parallel_loop3A_468 = vector.broadcast %parallel_loop3A_467 : f32 to vector<16xf32>
        %parallel_loop3A_469 = arith.constant 1 : i32
        %parallel_loop3A_470 = arith.index_cast %parallel_loop3A_469 : i32 to index
        %parallel_loop3A_471 = arith.index_cast %parallel_loop3A_353 : i32 to index
        %parallel_loop3A_472 = arith.constant 112 : index
        %parallel_loop3A_473 = tpu.vector_load %arg15[%parallel_loop3A_470, %parallel_loop3A_471, %parallel_loop3A_472] {strides = array<i32>} : memref<2x64x128xf32, #tpu.memory_space<vmem>>, vector<16xf32>,
        %parallel_loop3A_474 = arith.mulf %parallel_loop3A_473, %parallel_loop3A_468 : vector<16xf32>
        %parallel_loop3A_475 = arith.index_cast %parallel_loop3A_353 : i32 to index
        %parallel_loop3A_476 = arith.constant 112 : index
        %parallel_loop3A_477 = tpu.vector_load %arg17[%parallel_loop3A_475, %parallel_loop3A_476] {strides = array<i32>} : memref<64x128xf32, #tpu.memory_space<vmem>>, vector<16xf32>,
        tpu.vector_store %arg17[%parallel_loop3A_475, %parallel_loop3A_476], %parallel_loop3A_474 {strides = array<i32>} : memref<64x128xf32, #tpu.memory_space<vmem>>, vector<16xf32>,
      } {sc.loop_unroll_factor = 4 : i64, sc.parallel_access}
      %run_scoped3A_348 = arith.constant 3 : i32
      %run_scoped3A_349 = arith.constant 1 : i32
      "tpu.region"() ({
        %run_scoped3A_353 = tpu.sem_alloc : memref<!tpu.dma_semaphore, #tpu.memory_space<semaphore_mem>>
        %dma_start3A_354 = arith.constant 0 : i32
        %dma_start3A_355 = tpu.memref_slice %arg11[%run_scoped3A_348, %run_scoped3A_349, %dma_start3A_354] : memref<4x2x64xi32, #tpu.memory_space<vmem>> -> memref<1x1x64xi32, #tpu.memory_space<vmem>>
        %dma_start3A_356 = tpu.memref_squeeze %dma_start3A_355 : memref<1x1x64xi32, #tpu.memory_space<vmem>> -> memref<64xi32, #tpu.memory_space<vmem>>
        %dma_start3A_357 = arith.constant 0 : i32
        %dma_start3A_358 = arith.constant 0 : i32
        %dma_start3A_359 = tpu.memref_slice %arg19[%dma_start3A_357, %dma_start3A_358] : memref<10240x16xf32, #tpu.memory_space<vmem_shared>> -> memref<10240x16xf32, #tpu.memory_space<vmem_shared>>
        tpu.enqueue_indirect_dma source(%arg16 : memref<64x16xf32, #tpu.memory_space<vmem>>) target(%dma_start3A_359 : memref<10240x16xf32, #tpu.memory_space<vmem_shared>>) offsets(%dma_start3A_356 : memref<64xi32, #tpu.memory_space<vmem>>) semaphore(%run_scoped3A_353 : memref<!tpu.dma_semaphore, #tpu.memory_space<semaphore_mem>>) {add = true}
        %dma_wait3A_360 = arith.constant 0 : i32
        %dma_wait3A_361 = tpu.memref_slice %arg11[%run_scoped3A_348, %run_scoped3A_349, %dma_wait3A_360] : memref<4x2x64xi32, #tpu.memory_space<vmem>> -> memref<1x1x64xi32, #tpu.memory_space<vmem>>
        %dma_wait3A_362 = tpu.memref_squeeze %dma_wait3A_361 : memref<1x1x64xi32, #tpu.memory_space<vmem>> -> memref<64xi32, #tpu.memory_space<vmem>>
        %dma_wait3A_363 = arith.constant 0 : i32
        %dma_wait3A_364 = arith.constant 0 : i32
        %dma_wait3A_365 = tpu.memref_slice %arg19[%dma_wait3A_363, %dma_wait3A_364] : memref<10240x16xf32, #tpu.memory_space<vmem_shared>> -> memref<10240x16xf32, #tpu.memory_space<vmem_shared>>
        tpu.wait_indirect_dma semaphore(%run_scoped3A_353 : memref<!tpu.dma_semaphore, #tpu.memory_space<semaphore_mem>>) src(%arg16 : memref<64x16xf32, #tpu.memory_space<vmem>>) dst(%dma_wait3A_365 : memref<10240x16xf32, #tpu.memory_space<vmem_shared>>)
        tpu.yield
      }) : () -> ()
      %run_scoped3A_350 = arith.constant 3 : i32
      %run_scoped3A_351 = arith.constant 1 : i32
      "tpu.region"() ({
        %run_scoped3A_353 = tpu.sem_alloc : memref<!tpu.dma_semaphore, #tpu.memory_space<semaphore_mem>>
        %dma_start3A_354 = arith.constant 0 : i32
        %dma_start3A_355 = tpu.memref_slice %arg11[%run_scoped3A_350, %run_scoped3A_351, %dma_start3A_354] : memref<4x2x64xi32, #tpu.memory_space<vmem>> -> memref<1x1x64xi32, #tpu.memory_space<vmem>>
        %dma_start3A_356 = tpu.memref_squeeze %dma_start3A_355 : memref<1x1x64xi32, #tpu.memory_space<vmem>> -> memref<64xi32, #tpu.memory_space<vmem>>
        %dma_start3A_357 = arith.constant 0 : i32
        %dma_start3A_358 = arith.constant 0 : i32
        %dma_start3A_359 = tpu.memref_slice %arg18[%dma_start3A_357, %dma_start3A_358] : memref<10240x128xf32, #tpu.memory_space<vmem_shared>> -> memref<10240x128xf32, #tpu.memory_space<vmem_shared>>
        tpu.enqueue_indirect_dma source(%arg17 : memref<64x128xf32, #tpu.memory_space<vmem>>) target(%dma_start3A_359 : memref<10240x128xf32, #tpu.memory_space<vmem_shared>>) offsets(%dma_start3A_356 : memref<64xi32, #tpu.memory_space<vmem>>) semaphore(%run_scoped3A_353 : memref<!tpu.dma_semaphore, #tpu.memory_space<semaphore_mem>>) {add = true}
        %dma_wait3A_360 = arith.constant 0 : i32
        %dma_wait3A_361 = tpu.memref_slice %arg11[%run_scoped3A_350, %run_scoped3A_351, %dma_wait3A_360] : memref<4x2x64xi32, #tpu.memory_space<vmem>> -> memref<1x1x64xi32, #tpu.memory_space<vmem>>
        %dma_wait3A_362 = tpu.memref_squeeze %dma_wait3A_361 : memref<1x1x64xi32, #tpu.memory_space<vmem>> -> memref<64xi32, #tpu.memory_space<vmem>>
        %dma_wait3A_363 = arith.constant 0 : i32
        %dma_wait3A_364 = arith.constant 0 : i32
        %dma_wait3A_365 = tpu.memref_slice %arg18[%dma_wait3A_363, %dma_wait3A_364] : memref<10240x128xf32, #tpu.memory_space<vmem_shared>> -> memref<10240x128xf32, #tpu.memory_space<vmem_shared>>
        tpu.wait_indirect_dma semaphore(%run_scoped3A_353 : memref<!tpu.dma_semaphore, #tpu.memory_space<semaphore_mem>>) src(%arg17 : memref<64x128xf32, #tpu.memory_space<vmem>>) dst(%dma_wait3A_365 : memref<10240x128xf32, #tpu.memory_space<vmem_shared>>)
        tpu.yield
      }) : () -> ()
      %scan3A_352 = arith.constant 0 : i32
      scf.yield %scan3A_352 : i32
    }
    %scan3A_97 = arith.constant 40 : i32
    %barrier3A_98 = arith.constant 0 : index
    tpu.barrier barrier_id(%barrier3A_98)
    "tpu.region"() ({
      %run_scoped3A_99 = tpu.sem_alloc : memref<!tpu.dma_semaphore, #tpu.memory_space<semaphore_mem>>
      %dma_start3A_100 = arith.constant 0 : i32
      %dma_start3A_101 = tpu.memref_slice %arg9[%arg0, %mul3A_2, %dma_start3A_100] : memref<2x10240x128xf32, #tpu.memory_space<hbm>> -> memref<1x640x128xf32, #tpu.memory_space<hbm>>
      %dma_start3A_102 = tpu.memref_squeeze %dma_start3A_101 : memref<1x640x128xf32, #tpu.memory_space<hbm>> -> memref<640x128xf32, #tpu.memory_space<hbm>>
      %dma_start3A_103 = arith.constant 0 : i32
      %dma_start3A_104 = tpu.memref_slice %arg18[%mul3A_2, %dma_start3A_103] : memref<10240x128xf32, #tpu.memory_space<vmem_shared>> -> memref<640x128xf32, #tpu.memory_space<vmem_shared>>
      tpu.enqueue_dma source(%dma_start3A_104 : memref<640x128xf32, #tpu.memory_space<vmem_shared>>) target(%dma_start3A_102 : memref<640x128xf32, #tpu.memory_space<hbm>>) target_semaphore(%run_scoped3A_99 : memref<!tpu.dma_semaphore, #tpu.memory_space<semaphore_mem>>)
      %dma_wait3A = arith.constant 0 : i32
      %dma_wait3A_105 = tpu.memref_slice %arg9[%arg0, %mul3A_2, %dma_wait3A] : memref<2x10240x128xf32, #tpu.memory_space<hbm>> -> memref<1x640x128xf32, #tpu.memory_space<hbm>>
      %dma_wait3A_106 = tpu.memref_squeeze %dma_wait3A_105 : memref<1x640x128xf32, #tpu.memory_space<hbm>> -> memref<640x128xf32, #tpu.memory_space<hbm>>
      %dma_wait3A_107 = arith.constant 0 : i32
      %dma_wait3A_108 = tpu.memref_slice %arg18[%mul3A_2, %dma_wait3A_107] : memref<10240x128xf32, #tpu.memory_space<vmem_shared>> -> memref<640x128xf32, #tpu.memory_space<vmem_shared>>
      tpu.wait_dma2 semaphore(%run_scoped3A_99 : memref<!tpu.dma_semaphore, #tpu.memory_space<semaphore_mem>>) src(%dma_wait3A_108 : memref<640x128xf32, #tpu.memory_space<vmem_shared>>) dst(%dma_wait3A_106 : memref<640x128xf32, #tpu.memory_space<hbm>>)
      tpu.yield
    }) : () -> ()
    "tpu.region"() ({
      %run_scoped3A_99 = tpu.sem_alloc : memref<!tpu.dma_semaphore, #tpu.memory_space<semaphore_mem>>
      %dma_start3A_100 = arith.constant 0 : i32
      %dma_start3A_101 = tpu.memref_slice %arg10[%arg0, %mul3A_2, %dma_start3A_100] : memref<2x10240x16xf32, #tpu.memory_space<hbm>> -> memref<1x640x16xf32, #tpu.memory_space<hbm>>
      %dma_start3A_102 = tpu.memref_squeeze %dma_start3A_101 : memref<1x640x16xf32, #tpu.memory_space<hbm>> -> memref<640x16xf32, #tpu.memory_space<hbm>>
      %dma_start3A_103 = arith.constant 0 : i32
      %dma_start3A_104 = tpu.memref_slice %arg19[%mul3A_2, %dma_start3A_103] : memref<10240x16xf32, #tpu.memory_space<vmem_shared>> -> memref<640x16xf32, #tpu.memory_space<vmem_shared>>
      tpu.enqueue_dma source(%dma_start3A_104 : memref<640x16xf32, #tpu.memory_space<vmem_shared>>) target(%dma_start3A_102 : memref<640x16xf32, #tpu.memory_space<hbm>>) target_semaphore(%run_scoped3A_99 : memref<!tpu.dma_semaphore, #tpu.memory_space<semaphore_mem>>)
      %dma_wait3A = arith.constant 0 : i32
      %dma_wait3A_105 = tpu.memref_slice %arg10[%arg0, %mul3A_2, %dma_wait3A] : memref<2x10240x16xf32, #tpu.memory_space<hbm>> -> memref<1x640x16xf32, #tpu.memory_space<hbm>>
      %dma_wait3A_106 = tpu.memref_squeeze %dma_wait3A_105 : memref<1x640x16xf32, #tpu.memory_space<hbm>> -> memref<640x16xf32, #tpu.memory_space<hbm>>
      %dma_wait3A_107 = arith.constant 0 : i32
      %dma_wait3A_108 = tpu.memref_slice %arg19[%mul3A_2, %dma_wait3A_107] : memref<10240x16xf32, #tpu.memory_space<vmem_shared>> -> memref<640x16xf32, #tpu.memory_space<vmem_shared>>
      tpu.wait_dma2 semaphore(%run_scoped3A_99 : memref<!tpu.dma_semaphore, #tpu.memory_space<semaphore_mem>>) src(%dma_wait3A_108 : memref<640x16xf32, #tpu.memory_space<vmem_shared>>) dst(%dma_wait3A_106 : memref<640x16xf32, #tpu.memory_space<hbm>>)
      tpu.yield
    }) : () -> ()
    return
  }
}

module attributes {stable_mosaic.version = 14 : i64} {
  func.func @_wexp_body(%arg0: memref<2500x128xf32, #tpu.memory_space<vmem>>, %arg1: memref<2500x128xf32, #tpu.memory_space<vmem>>) attributes {dimension_semantics = [], scalar_prefetch = 0 : i64, scratch_operands = 0 : i64, tpu.core_type = #tpu.core_type<tc>} {
    %get3A = arith.constant 0 : index
    %get3A_0 = arith.constant 0 : index
    %get3A_1 = vector.load %arg0[%get3A, %get3A_0] : memref<2500x128xf32, #tpu.memory_space<vmem>>, vector<2500x128xf32>
    %log3A = math.log %get3A_1 : vector<2500x128xf32>
    %mul3A = arith.constant 1.44269502 : f32
    %mul3A_2 = vector.broadcast %mul3A : f32 to vector<2500x128xf32>
    %mul3A_3 = arith.mulf %log3A, %mul3A_2 : vector<2500x128xf32>
    %exp3A = math.exp %mul3A_3 : vector<2500x128xf32>
    %swap3A = arith.constant 0 : index
    %swap3A_4 = arith.constant 0 : index
    %swap3A_5 = vector.load %arg1[%swap3A, %swap3A_4] : memref<2500x128xf32, #tpu.memory_space<vmem>>, vector<2500x128xf32>
    tpu.vector_store %arg1[%swap3A, %swap3A_4], %exp3A {strides = array<i32>} : memref<2500x128xf32, #tpu.memory_space<vmem>>, vector<2500x128xf32>,
    return
  }
}

module attributes {stable_mosaic.version = 14 : i64} {
  func.func @_pre_body(%arg0: i32, %arg1: memref<1000x128xf32, #tpu.memory_space<vmem>>, %arg2: memref<128x128xf32, #tpu.memory_space<vmem>>, %arg3: memref<1x128xf32, #tpu.memory_space<vmem>>, %arg4: memref<128x128xf32, #tpu.memory_space<vmem>>, %arg5: memref<1x128xf32, #tpu.memory_space<vmem>>, %arg6: memref<128x128xf32, #tpu.memory_space<vmem>>, %arg7: memref<128x8xf32, #tpu.memory_space<vmem>>, %arg8: memref<128x8xf32, #tpu.memory_space<vmem>>, %arg9: memref<1x128xf32, #tpu.memory_space<vmem>>, %arg10: memref<1x128xf32, #tpu.memory_space<vmem>>, %arg11: memref<1000x128xf32, #tpu.memory_space<vmem>>, %arg12: memref<1000x128xf32, #tpu.memory_space<vmem>>, %arg13: memref<1000x128xf32, #tpu.memory_space<vmem>>, %arg14: memref<1000x128xf32, #tpu.memory_space<vmem>>, %arg15: memref<1000x16xf32, #tpu.memory_space<vmem>>, %arg16: memref<1000x16xf32, #tpu.memory_space<vmem>>) attributes {dimension_semantics = [#tpu.dimension_semantics<arbitrary>], iteration_bounds = array<i64: 10>, scalar_prefetch = 0 : i64, scratch_operands = 0 : i64, tpu.core_type = #tpu.core_type<tc>, window_params = [{transform_indices = @transform_0, window_bounds = array<i64: 1000, 128>}, {pipeline_mode = #tpu.pipeline_mode<synchronous>, transform_indices = @transform_1, window_bounds = array<i64: 128, 128>}, {pipeline_mode = #tpu.pipeline_mode<synchronous>, transform_indices = @transform_2, window_bounds = array<i64: 1, 128>}, {pipeline_mode = #tpu.pipeline_mode<synchronous>, transform_indices = @transform_3, window_bounds = array<i64: 128, 128>}, {pipeline_mode = #tpu.pipeline_mode<synchronous>, transform_indices = @transform_4, window_bounds = array<i64: 1, 128>}, {pipeline_mode = #tpu.pipeline_mode<synchronous>, transform_indices = @transform_5, window_bounds = array<i64: 128, 128>}, {pipeline_mode = #tpu.pipeline_mode<synchronous>, transform_indices = @transform_6, window_bounds = array<i64: 128, 8>}, {pipeline_mode = #tpu.pipeline_mode<synchronous>, transform_indices = @transform_7, window_bounds = array<i64: 128, 8>}, {pipeline_mode = #tpu.pipeline_mode<synchronous>, transform_indices = @transform_8, window_bounds = array<i64: 1, 128>}, {pipeline_mode = #tpu.pipeline_mode<synchronous>, transform_indices = @transform_9, window_bounds = array<i64: 1, 128>}, {transform_indices = @transform_10, window_bounds = array<i64: 1000, 128>}, {transform_indices = @transform_11, window_bounds = array<i64: 1000, 128>}, {transform_indices = @transform_12, window_bounds = array<i64: 1000, 128>}, {transform_indices = @transform_13, window_bounds = array<i64: 1000, 128>}, {transform_indices = @transform_14, window_bounds = array<i64: 1000, 16>}, {transform_indices = @transform_15, window_bounds = array<i64: 1000, 16>}]} {
    %get3A = arith.constant 0 : index
    %get3A_0 = arith.constant 0 : index
    %get3A_1 = vector.load %arg1[%get3A, %get3A_0] : memref<1000x128xf32, #tpu.memory_space<vmem>>, vector<1000x128xf32>
    %reduce_sum3A = arith.constant dense<0.000000e+00> : vector<1000xf32>
    %reduce_sum3A_2 = vector.multi_reduction <add>, %get3A_1, %reduce_sum3A [1] : vector<1000x128xf32> to vector<1000xf32>
    %broadcast_in_dim3A = vector.shape_cast %reduce_sum3A_2 : vector<1000xf32> to vector<1000x1xf32>
    %div3A = arith.constant 1.280000e+02 : f32
    %div3A_3 = vector.broadcast %div3A : f32 to vector<1000x1xf32>
    %div3A_4 = arith.divf %broadcast_in_dim3A, %div3A_3 : vector<1000x1xf32>
    %sub3A = vector.broadcast %div3A_4 : vector<1000x1xf32> to vector<1000x128xf32>
    %sub3A_5 = arith.subf %get3A_1, %sub3A : vector<1000x128xf32>
    %mul3A = arith.mulf %sub3A_5, %sub3A_5 : vector<1000x128xf32>
    %reduce_sum3A_6 = arith.constant dense<0.000000e+00> : vector<1000xf32>
    %reduce_sum3A_7 = vector.multi_reduction <add>, %mul3A, %reduce_sum3A_6 [1] : vector<1000x128xf32> to vector<1000xf32>
    %broadcast_in_dim3A_8 = vector.shape_cast %reduce_sum3A_7 : vector<1000xf32> to vector<1000x1xf32>
    %div3A_9 = arith.constant 1.280000e+02 : f32
    %div3A_10 = vector.broadcast %div3A_9 : f32 to vector<1000x1xf32>
    %div3A_11 = arith.divf %broadcast_in_dim3A_8, %div3A_10 : vector<1000x1xf32>
    %add3A = arith.constant 9.99999974E-6 : f32
    %add3A_12 = vector.broadcast %add3A : f32 to vector<1000x1xf32>
    %add3A_13 = arith.addf %div3A_11, %add3A_12 : vector<1000x1xf32>
    %rsqrt3A = math.rsqrt %add3A_13 : vector<1000x1xf32>
    %mul3A_14 = vector.broadcast %rsqrt3A : vector<1000x1xf32> to vector<1000x128xf32>
    %mul3A_15 = arith.mulf %sub3A_5, %mul3A_14 : vector<1000x128xf32>
    %get3A_16 = arith.constant 0 : index
    %get3A_17 = arith.constant 0 : index
    %get3A_18 = vector.load %arg9[%get3A_16, %get3A_17] : memref<1x128xf32, #tpu.memory_space<vmem>>, vector<1x128xf32>
    %mul3A_19 = vector.broadcast %get3A_18 : vector<1x128xf32> to vector<1000x128xf32>
    %mul3A_20 = arith.mulf %mul3A_15, %mul3A_19 : vector<1000x128xf32>
    %get3A_21 = arith.constant 0 : index
    %get3A_22 = arith.constant 0 : index
    %get3A_23 = vector.load %arg10[%get3A_21, %get3A_22] : memref<1x128xf32, #tpu.memory_space<vmem>>, vector<1x128xf32>
    %add3A_24 = vector.broadcast %get3A_23 : vector<1x128xf32> to vector<1000x128xf32>
    %add3A_25 = arith.addf %mul3A_20, %add3A_24 : vector<1000x128xf32>
    %swap3A = arith.constant 0 : index
    %swap3A_26 = arith.constant 0 : index
    %swap3A_27 = vector.load %arg11[%swap3A, %swap3A_26] : memref<1000x128xf32, #tpu.memory_space<vmem>>, vector<1000x128xf32>
    tpu.vector_store %arg11[%swap3A, %swap3A_26], %add3A_25 {strides = array<i32>} : memref<1000x128xf32, #tpu.memory_space<vmem>>, vector<1000x128xf32>,
    %get3A_28 = arith.constant 0 : index
    %get3A_29 = arith.constant 0 : index
    %get3A_30 = vector.load %arg2[%get3A_28, %get3A_29] : memref<128x128xf32, #tpu.memory_space<vmem>>, vector<128x128xf32>
    %dot_general3A = arith.constant dense<0.000000e+00> : vector<1000x128xf32>
    %dot_general3A_31 = tpu.matmul %add3A_25, %get3A_30, %dot_general3A {dimension_numbers = #tpu.dot_dimension_numbers<[1], [0], [0], [1], [0, 0, 1, 1], [], []>, transpose_lhs_hint = false} : vector<1000x128xf32>, vector<128x128xf32>, vector<1000x128xf32> -> vector<1000x128xf32>
    %get3A_32 = arith.constant 0 : index
    %get3A_33 = arith.constant 0 : index
    %get3A_34 = vector.load %arg3[%get3A_32, %get3A_33] : memref<1x128xf32, #tpu.memory_space<vmem>>, vector<1x128xf32>
    %add3A_35 = vector.broadcast %get3A_34 : vector<1x128xf32> to vector<1000x128xf32>
    %add3A_36 = arith.addf %dot_general3A_31, %add3A_35 : vector<1000x128xf32>
    %max3A = arith.constant 0.000000e+00 : f32
    %max3A_37 = vector.broadcast %max3A : f32 to vector<1000x128xf32>
    %max3A_38 = arith.maximumf %add3A_36, %max3A_37 : vector<1000x128xf32>
    %swap3A_39 = arith.constant 0 : index
    %swap3A_40 = arith.constant 0 : index
    %swap3A_41 = vector.load %arg12[%swap3A_39, %swap3A_40] : memref<1000x128xf32, #tpu.memory_space<vmem>>, vector<1000x128xf32>
    tpu.vector_store %arg12[%swap3A_39, %swap3A_40], %max3A_38 {strides = array<i32>} : memref<1000x128xf32, #tpu.memory_space<vmem>>, vector<1000x128xf32>,
    %get3A_42 = arith.constant 0 : index
    %get3A_43 = arith.constant 0 : index
    %get3A_44 = vector.load %arg4[%get3A_42, %get3A_43] : memref<128x128xf32, #tpu.memory_space<vmem>>, vector<128x128xf32>
    %dot_general3A_45 = arith.constant dense<0.000000e+00> : vector<1000x128xf32>
    %dot_general3A_46 = tpu.matmul %add3A_25, %get3A_44, %dot_general3A_45 {dimension_numbers = #tpu.dot_dimension_numbers<[1], [0], [0], [1], [0, 0, 1, 1], [], []>, transpose_lhs_hint = false} : vector<1000x128xf32>, vector<128x128xf32>, vector<1000x128xf32> -> vector<1000x128xf32>
    %get3A_47 = arith.constant 0 : index
    %get3A_48 = arith.constant 0 : index
    %get3A_49 = vector.load %arg5[%get3A_47, %get3A_48] : memref<1x128xf32, #tpu.memory_space<vmem>>, vector<1x128xf32>
    %add3A_50 = vector.broadcast %get3A_49 : vector<1x128xf32> to vector<1000x128xf32>
    %add3A_51 = arith.addf %dot_general3A_46, %add3A_50 : vector<1000x128xf32>
    %swap3A_52 = arith.constant 0 : index
    %swap3A_53 = arith.constant 0 : index
    %swap3A_54 = vector.load %arg13[%swap3A_52, %swap3A_53] : memref<1000x128xf32, #tpu.memory_space<vmem>>, vector<1000x128xf32>
    tpu.vector_store %arg13[%swap3A_52, %swap3A_53], %add3A_51 {strides = array<i32>} : memref<1000x128xf32, #tpu.memory_space<vmem>>, vector<1000x128xf32>,
    %get3A_55 = arith.constant 0 : index
    %get3A_56 = arith.constant 0 : index
    %get3A_57 = vector.load %arg6[%get3A_55, %get3A_56] : memref<128x128xf32, #tpu.memory_space<vmem>>, vector<128x128xf32>
    %dot_general3A_58 = arith.constant dense<0.000000e+00> : vector<1000x128xf32>
    %dot_general3A_59 = tpu.matmul %add3A_25, %get3A_57, %dot_general3A_58 {dimension_numbers = #tpu.dot_dimension_numbers<[1], [0], [0], [1], [0, 0, 1, 1], [], []>, transpose_lhs_hint = false} : vector<1000x128xf32>, vector<128x128xf32>, vector<1000x128xf32> -> vector<1000x128xf32>
    %swap3A_60 = arith.constant 0 : index
    %swap3A_61 = arith.constant 0 : index
    %swap3A_62 = vector.load %arg14[%swap3A_60, %swap3A_61] : memref<1000x128xf32, #tpu.memory_space<vmem>>, vector<1000x128xf32>
    tpu.vector_store %arg14[%swap3A_60, %swap3A_61], %dot_general3A_59 {strides = array<i32>} : memref<1000x128xf32, #tpu.memory_space<vmem>>, vector<1000x128xf32>,
    %get3A_63 = arith.constant 0 : index
    %get3A_64 = arith.constant 0 : index
    %get3A_65 = vector.load %arg7[%get3A_63, %get3A_64] : memref<128x8xf32, #tpu.memory_space<vmem>>, vector<128x8xf32>
    %dot_general3A_66 = arith.constant dense<0.000000e+00> : vector<1000x8xf32>
    %dot_general3A_67 = tpu.matmul %dot_general3A_59, %get3A_65, %dot_general3A_66 {dimension_numbers = #tpu.dot_dimension_numbers<[1], [0], [0], [1], [0, 0, 1, 1], [], []>, transpose_lhs_hint = false} : vector<1000x128xf32>, vector<128x8xf32>, vector<1000x8xf32> -> vector<1000x8xf32>
    %get3A_68 = arith.constant 0 : index
    %get3A_69 = arith.constant 0 : index
    %get3A_70 = vector.load %arg8[%get3A_68, %get3A_69] : memref<128x8xf32, #tpu.memory_space<vmem>>, vector<128x8xf32>
    %dot_general3A_71 = arith.constant dense<0.000000e+00> : vector<1000x8xf32>
    %dot_general3A_72 = tpu.matmul %dot_general3A_59, %get3A_70, %dot_general3A_71 {dimension_numbers = #tpu.dot_dimension_numbers<[1], [0], [0], [1], [0, 0, 1, 1], [], []>, transpose_lhs_hint = false} : vector<1000x128xf32>, vector<128x8xf32>, vector<1000x8xf32> -> vector<1000x8xf32>
    %broadcast_in_dim3A_73 = arith.constant 0.000000e+00 : f32
    %broadcast_in_dim3A_74 = vector.broadcast %broadcast_in_dim3A_73 : f32 to vector<1000x8xf32>
    %concatenate3A = tpu.concatenate %dot_general3A_67, %broadcast_in_dim3A_74 in 1 : vector<1000x8xf32>, vector<1000x8xf32> -> vector<1000x16xf32>
    %swap3A_75 = arith.constant 0 : index
    %swap3A_76 = arith.constant 0 : index
    %swap3A_77 = vector.load %arg15[%swap3A_75, %swap3A_76] : memref<1000x16xf32, #tpu.memory_space<vmem>>, vector<1000x16xf32>
    tpu.vector_store %arg15[%swap3A_75, %swap3A_76], %concatenate3A {strides = array<i32>} : memref<1000x16xf32, #tpu.memory_space<vmem>>, vector<1000x16xf32>,
    %broadcast_in_dim3A_78 = arith.constant 0.000000e+00 : f32
    %broadcast_in_dim3A_79 = vector.broadcast %broadcast_in_dim3A_78 : f32 to vector<1000x8xf32>
    %concatenate3A_80 = tpu.concatenate %dot_general3A_72, %broadcast_in_dim3A_79 in 1 : vector<1000x8xf32>, vector<1000x8xf32> -> vector<1000x16xf32>
    %swap3A_81 = arith.constant 0 : index
    %swap3A_82 = arith.constant 0 : index
    %swap3A_83 = vector.load %arg16[%swap3A_81, %swap3A_82] : memref<1000x16xf32, #tpu.memory_space<vmem>>, vector<1000x16xf32>
    tpu.vector_store %arg16[%swap3A_81, %swap3A_82], %concatenate3A_80 {strides = array<i32>} : memref<1000x16xf32, #tpu.memory_space<vmem>>, vector<1000x16xf32>,
    return
  }
  func.func @transform_0(%arg0: i32) -> (i32, i32) {
    %c0_i32 = arith.constant 0 : i32
    %c0_i32_0 = arith.constant 0 : i32
    return %arg0, %c0_i32 : i32, i32
  }
  func.func @transform_1(%arg0: i32) -> (i32, i32) {
    %c0_i32 = arith.constant 0 : i32
    %c0_i32_0 = arith.constant 0 : i32
    %c0_i32_1 = arith.constant 0 : i32
    return %c0_i32, %c0_i32_0 : i32, i32
  }
  func.func @transform_2(%arg0: i32) -> (i32, i32) {
    %c0_i32 = arith.constant 0 : i32
    %c0_i32_0 = arith.constant 0 : i32
    %c0_i32_1 = arith.constant 0 : i32
    return %c0_i32, %c0_i32_0 : i32, i32
  }
  func.func @transform_3(%arg0: i32) -> (i32, i32) {
    %c0_i32 = arith.constant 0 : i32
    %c0_i32_0 = arith.constant 0 : i32
    %c0_i32_1 = arith.constant 0 : i32
    return %c0_i32, %c0_i32_0 : i32, i32
  }
  func.func @transform_4(%arg0: i32) -> (i32, i32) {
    %c0_i32 = arith.constant 0 : i32
    %c0_i32_0 = arith.constant 0 : i32
    %c0_i32_1 = arith.constant 0 : i32
    return %c0_i32, %c0_i32_0 : i32, i32
  }
  func.func @transform_5(%arg0: i32) -> (i32, i32) {
    %c0_i32 = arith.constant 0 : i32
    %c0_i32_0 = arith.constant 0 : i32
    %c0_i32_1 = arith.constant 0 : i32
    return %c0_i32, %c0_i32_0 : i32, i32
  }
  func.func @transform_6(%arg0: i32) -> (i32, i32) {
    %c0_i32 = arith.constant 0 : i32
    %c0_i32_0 = arith.constant 0 : i32
    %c0_i32_1 = arith.constant 0 : i32
    return %c0_i32, %c0_i32_0 : i32, i32
  }
  func.func @transform_7(%arg0: i32) -> (i32, i32) {
    %c0_i32 = arith.constant 0 : i32
    %c0_i32_0 = arith.constant 0 : i32
    %c0_i32_1 = arith.constant 0 : i32
    return %c0_i32, %c0_i32_0 : i32, i32
  }
  func.func @transform_8(%arg0: i32) -> (i32, i32) {
    %c0_i32 = arith.constant 0 : i32
    %c0_i32_0 = arith.constant 0 : i32
    %c0_i32_1 = arith.constant 0 : i32
    return %c0_i32, %c0_i32_0 : i32, i32
  }
  func.func @transform_9(%arg0: i32) -> (i32, i32) {
    %c0_i32 = arith.constant 0 : i32
    %c0_i32_0 = arith.constant 0 : i32
    %c0_i32_1 = arith.constant 0 : i32
    return %c0_i32, %c0_i32_0 : i32, i32
  }
  func.func @transform_10(%arg0: i32) -> (i32, i32) {
    %c0_i32 = arith.constant 0 : i32
    %c0_i32_0 = arith.constant 0 : i32
    return %arg0, %c0_i32 : i32, i32
  }
  func.func @transform_11(%arg0: i32) -> (i32, i32) {
    %c0_i32 = arith.constant 0 : i32
    %c0_i32_0 = arith.constant 0 : i32
    return %arg0, %c0_i32 : i32, i32
  }
  func.func @transform_12(%arg0: i32) -> (i32, i32) {
    %c0_i32 = arith.constant 0 : i32
    %c0_i32_0 = arith.constant 0 : i32
    return %arg0, %c0_i32 : i32, i32
  }
  func.func @transform_13(%arg0: i32) -> (i32, i32) {
    %c0_i32 = arith.constant 0 : i32
    %c0_i32_0 = arith.constant 0 : i32
    return %arg0, %c0_i32 : i32, i32
  }
  func.func @transform_14(%arg0: i32) -> (i32, i32) {
    %c0_i32 = arith.constant 0 : i32
    %c0_i32_0 = arith.constant 0 : i32
    return %arg0, %c0_i32 : i32, i32
  }
  func.func @transform_15(%arg0: i32) -> (i32, i32) {
    %c0_i32 = arith.constant 0 : i32
    %c0_i32_0 = arith.constant 0 : i32
    return %arg0, %c0_i32 : i32, i32
  }
}

module attributes {stable_mosaic.version = 14 : i64} {
  func.func @_post_body(%arg0: i32, %arg1: memref<1000x128xf32, #tpu.memory_space<vmem>>, %arg2: memref<1000x128xf32, #tpu.memory_space<vmem>>, %arg3: memref<1000x8xf32, #tpu.memory_space<vmem>>, %arg4: memref<1000x8xf32, #tpu.memory_space<vmem>>, %arg5: memref<1000x128xf32, #tpu.memory_space<vmem>>, %arg6: memref<1000x128xf32, #tpu.memory_space<vmem>>, %arg7: memref<1000x128xf32, #tpu.memory_space<vmem>>, %arg8: memref<8x128xf32, #tpu.memory_space<vmem>>, %arg9: memref<1x128xf32, #tpu.memory_space<vmem>>, %arg10: memref<1x128xf32, #tpu.memory_space<vmem>>, %arg11: memref<1x128xf32, #tpu.memory_space<vmem>>, %arg12: memref<1000x128xf32, #tpu.memory_space<vmem>>) attributes {dimension_semantics = [#tpu.dimension_semantics<arbitrary>], iteration_bounds = array<i64: 10>, scalar_prefetch = 0 : i64, scratch_operands = 0 : i64, tpu.core_type = #tpu.core_type<tc>, window_params = [{transform_indices = @transform_0, window_bounds = array<i64: 1000, 128>}, {transform_indices = @transform_1, window_bounds = array<i64: 1000, 128>}, {transform_indices = @transform_2, window_bounds = array<i64: 1000, 8>}, {transform_indices = @transform_3, window_bounds = array<i64: 1000, 8>}, {transform_indices = @transform_4, window_bounds = array<i64: 1000, 128>}, {transform_indices = @transform_5, window_bounds = array<i64: 1000, 128>}, {transform_indices = @transform_6, window_bounds = array<i64: 1000, 128>}, {pipeline_mode = #tpu.pipeline_mode<synchronous>, transform_indices = @transform_7, window_bounds = array<i64: 8, 128>}, {pipeline_mode = #tpu.pipeline_mode<synchronous>, transform_indices = @transform_8, window_bounds = array<i64: 1, 128>}, {pipeline_mode = #tpu.pipeline_mode<synchronous>, transform_indices = @transform_9, window_bounds = array<i64: 1, 128>}, {pipeline_mode = #tpu.pipeline_mode<synchronous>, transform_indices = @transform_10, window_bounds = array<i64: 1, 128>}, {transform_indices = @transform_11, window_bounds = array<i64: 1000, 128>}]} {
    %get3A = arith.constant 0 : index
    %get3A_0 = arith.constant 0 : index
    %get3A_1 = vector.load %arg3[%get3A, %get3A_0] : memref<1000x8xf32, #tpu.memory_space<vmem>>, vector<1000x8xf32>
    %get3A_2 = arith.constant 0 : index
    %get3A_3 = arith.constant 0 : index
    %get3A_4 = vector.load %arg4[%get3A_2, %get3A_3] : memref<1000x8xf32, #tpu.memory_space<vmem>>, vector<1000x8xf32>
    %add3A = arith.addf %get3A_1, %get3A_4 : vector<1000x8xf32>
    %add3A_5 = arith.constant 1.000000e-16 : f32
    %add3A_6 = vector.broadcast %add3A_5 : f32 to vector<1000x8xf32>
    %add3A_7 = arith.addf %add3A, %add3A_6 : vector<1000x8xf32>
    %div3A = arith.constant 1.000000e+00 : f32
    %div3A_8 = vector.broadcast %div3A : f32 to vector<1000x8xf32>
    %div3A_9 = arith.divf %div3A_8, %add3A_7 : vector<1000x8xf32>
    %get3A_10 = arith.constant 0 : index
    %get3A_11 = arith.constant 0 : index
    %get3A_12 = vector.load %arg8[%get3A_10, %get3A_11] : memref<8x128xf32, #tpu.memory_space<vmem>>, vector<8x128xf32>
    %dot_general3A = arith.constant dense<0.000000e+00> : vector<1000x128xf32>
    %dot_general3A_13 = tpu.matmul %div3A_9, %get3A_12, %dot_general3A {dimension_numbers = #tpu.dot_dimension_numbers<[1], [0], [0], [1], [0, 0, 1, 1], [], []>, transpose_lhs_hint = false} : vector<1000x8xf32>, vector<8x128xf32>, vector<1000x128xf32> -> vector<1000x128xf32>
    %get3A_14 = arith.constant 0 : index
    %get3A_15 = arith.constant 0 : index
    %get3A_16 = vector.load %arg1[%get3A_14, %get3A_15] : memref<1000x128xf32, #tpu.memory_space<vmem>>, vector<1000x128xf32>
    %get3A_17 = arith.constant 0 : index
    %get3A_18 = arith.constant 0 : index
    %get3A_19 = vector.load %arg2[%get3A_17, %get3A_18] : memref<1000x128xf32, #tpu.memory_space<vmem>>, vector<1000x128xf32>
    %add3A_20 = arith.addf %get3A_16, %get3A_19 : vector<1000x128xf32>
    %mul3A = arith.mulf %add3A_20, %dot_general3A_13 : vector<1000x128xf32>
    %get3A_21 = arith.constant 0 : index
    %get3A_22 = arith.constant 0 : index
    %get3A_23 = vector.load %arg7[%get3A_21, %get3A_22] : memref<1000x128xf32, #tpu.memory_space<vmem>>, vector<1000x128xf32>
    %add3A_24 = arith.addf %mul3A, %get3A_23 : vector<1000x128xf32>
    %max3A = arith.constant 0.000000e+00 : f32
    %max3A_25 = vector.broadcast %max3A : f32 to vector<1000x128xf32>
    %max3A_26 = arith.maximumf %add3A_24, %max3A_25 : vector<1000x128xf32>
    %get3A_27 = arith.constant 0 : index
    %get3A_28 = arith.constant 0 : index
    %get3A_29 = vector.load %arg6[%get3A_27, %get3A_28] : memref<1000x128xf32, #tpu.memory_space<vmem>>, vector<1000x128xf32>
    %mul3A_30 = arith.mulf %get3A_29, %max3A_26 : vector<1000x128xf32>
    %reduce_sum3A = arith.constant dense<0.000000e+00> : vector<1000xf32>
    %reduce_sum3A_31 = vector.multi_reduction <add>, %mul3A_30, %reduce_sum3A [1] : vector<1000x128xf32> to vector<1000xf32>
    %broadcast_in_dim3A = vector.shape_cast %reduce_sum3A_31 : vector<1000xf32> to vector<1000x1xf32>
    %div3A_32 = arith.constant 1.280000e+02 : f32
    %div3A_33 = vector.broadcast %div3A_32 : f32 to vector<1000x1xf32>
    %div3A_34 = arith.divf %broadcast_in_dim3A, %div3A_33 : vector<1000x1xf32>
    %sub3A = vector.broadcast %div3A_34 : vector<1000x1xf32> to vector<1000x128xf32>
    %sub3A_35 = arith.subf %mul3A_30, %sub3A : vector<1000x128xf32>
    %mul3A_36 = arith.mulf %sub3A_35, %sub3A_35 : vector<1000x128xf32>
    %reduce_sum3A_37 = arith.constant dense<0.000000e+00> : vector<1000xf32>
    %reduce_sum3A_38 = vector.multi_reduction <add>, %mul3A_36, %reduce_sum3A_37 [1] : vector<1000x128xf32> to vector<1000xf32>
    %broadcast_in_dim3A_39 = vector.shape_cast %reduce_sum3A_38 : vector<1000xf32> to vector<1000x1xf32>
    %div3A_40 = arith.constant 1.280000e+02 : f32
    %div3A_41 = vector.broadcast %div3A_40 : f32 to vector<1000x1xf32>
    %div3A_42 = arith.divf %broadcast_in_dim3A_39, %div3A_41 : vector<1000x1xf32>
    %add3A_43 = arith.constant 9.99999974E-6 : f32
    %add3A_44 = vector.broadcast %add3A_43 : f32 to vector<1000x1xf32>
    %add3A_45 = arith.addf %div3A_42, %add3A_44 : vector<1000x1xf32>
    %rsqrt3A = math.rsqrt %add3A_45 : vector<1000x1xf32>
    %mul3A_46 = vector.broadcast %rsqrt3A : vector<1000x1xf32> to vector<1000x128xf32>
    %mul3A_47 = arith.mulf %sub3A_35, %mul3A_46 : vector<1000x128xf32>
    %get3A_48 = arith.constant 0 : index
    %get3A_49 = arith.constant 0 : index
    %get3A_50 = vector.load %arg9[%get3A_48, %get3A_49] : memref<1x128xf32, #tpu.memory_space<vmem>>, vector<1x128xf32>
    %mul3A_51 = vector.broadcast %get3A_50 : vector<1x128xf32> to vector<1000x128xf32>
    %mul3A_52 = arith.mulf %mul3A_47, %mul3A_51 : vector<1000x128xf32>
    %get3A_53 = arith.constant 0 : index
    %get3A_54 = arith.constant 0 : index
    %get3A_55 = vector.load %arg10[%get3A_53, %get3A_54] : memref<1x128xf32, #tpu.memory_space<vmem>>, vector<1x128xf32>
    %add3A_56 = vector.broadcast %get3A_55 : vector<1x128xf32> to vector<1000x128xf32>
    %add3A_57 = arith.addf %mul3A_52, %add3A_56 : vector<1000x128xf32>
    %get3A_58 = arith.constant 0 : index
    %get3A_59 = arith.constant 0 : index
    %get3A_60 = vector.load %arg11[%get3A_58, %get3A_59] : memref<1x128xf32, #tpu.memory_space<vmem>>, vector<1x128xf32>
    %sub3A_61 = arith.constant 1.000000e+00 : f32
    %sub3A_62 = vector.broadcast %sub3A_61 : f32 to vector<1x128xf32>
    %sub3A_63 = arith.subf %sub3A_62, %get3A_60 : vector<1x128xf32>
    %mul3A_64 = vector.broadcast %sub3A_63 : vector<1x128xf32> to vector<1000x128xf32>
    %mul3A_65 = arith.mulf %mul3A_64, %add3A_57 : vector<1000x128xf32>
    %mul3A_66 = vector.broadcast %get3A_60 : vector<1x128xf32> to vector<1000x128xf32>
    %mul3A_67 = arith.mulf %mul3A_66, %max3A_26 : vector<1000x128xf32>
    %add3A_68 = arith.addf %mul3A_65, %mul3A_67 : vector<1000x128xf32>
    %get3A_69 = arith.constant 0 : index
    %get3A_70 = arith.constant 0 : index
    %get3A_71 = vector.load %arg5[%get3A_69, %get3A_70] : memref<1000x128xf32, #tpu.memory_space<vmem>>, vector<1000x128xf32>
    %add3A_72 = arith.addf %add3A_68, %get3A_71 : vector<1000x128xf32>
    %swap3A = arith.constant 0 : index
    %swap3A_73 = arith.constant 0 : index
    %swap3A_74 = vector.load %arg12[%swap3A, %swap3A_73] : memref<1000x128xf32, #tpu.memory_space<vmem>>, vector<1000x128xf32>
    tpu.vector_store %arg12[%swap3A, %swap3A_73], %add3A_72 {strides = array<i32>} : memref<1000x128xf32, #tpu.memory_space<vmem>>, vector<1000x128xf32>,
    return
  }
  func.func @transform_0(%arg0: i32) -> (i32, i32) {
    %c0_i32 = arith.constant 0 : i32
    %c0_i32_0 = arith.constant 0 : i32
    return %arg0, %c0_i32 : i32, i32
  }
  func.func @transform_1(%arg0: i32) -> (i32, i32) {
    %c0_i32 = arith.constant 0 : i32
    %c0_i32_0 = arith.constant 0 : i32
    return %arg0, %c0_i32 : i32, i32
  }
  func.func @transform_2(%arg0: i32) -> (i32, i32) {
    %c0_i32 = arith.constant 0 : i32
    %c0_i32_0 = arith.constant 0 : i32
    return %arg0, %c0_i32 : i32, i32
  }
  func.func @transform_3(%arg0: i32) -> (i32, i32) {
    %c0_i32 = arith.constant 0 : i32
    %c0_i32_0 = arith.constant 0 : i32
    return %arg0, %c0_i32 : i32, i32
  }
  func.func @transform_4(%arg0: i32) -> (i32, i32) {
    %c0_i32 = arith.constant 0 : i32
    %c0_i32_0 = arith.constant 0 : i32
    return %arg0, %c0_i32 : i32, i32
  }
  func.func @transform_5(%arg0: i32) -> (i32, i32) {
    %c0_i32 = arith.constant 0 : i32
    %c0_i32_0 = arith.constant 0 : i32
    return %arg0, %c0_i32 : i32, i32
  }
  func.func @transform_6(%arg0: i32) -> (i32, i32) {
    %c0_i32 = arith.constant 0 : i32
    %c0_i32_0 = arith.constant 0 : i32
    return %arg0, %c0_i32 : i32, i32
  }
  func.func @transform_7(%arg0: i32) -> (i32, i32) {
    %c0_i32 = arith.constant 0 : i32
    %c0_i32_0 = arith.constant 0 : i32
    %c0_i32_1 = arith.constant 0 : i32
    return %c0_i32, %c0_i32_0 : i32, i32
  }
  func.func @transform_8(%arg0: i32) -> (i32, i32) {
    %c0_i32 = arith.constant 0 : i32
    %c0_i32_0 = arith.constant 0 : i32
    %c0_i32_1 = arith.constant 0 : i32
    return %c0_i32, %c0_i32_0 : i32, i32
  }
  func.func @transform_9(%arg0: i32) -> (i32, i32) {
    %c0_i32 = arith.constant 0 : i32
    %c0_i32_0 = arith.constant 0 : i32
    %c0_i32_1 = arith.constant 0 : i32
    return %c0_i32, %c0_i32_0 : i32, i32
  }
  func.func @transform_10(%arg0: i32) -> (i32, i32) {
    %c0_i32 = arith.constant 0 : i32
    %c0_i32_0 = arith.constant 0 : i32
    %c0_i32_1 = arith.constant 0 : i32
    return %c0_i32, %c0_i32_0 : i32, i32
  }
  func.func @transform_11(%arg0: i32) -> (i32, i32) {
    %c0_i32 = arith.constant 0 : i32
    %c0_i32_0 = arith.constant 0 : i32
    return %arg0, %c0_i32 : i32, i32
  }
}

</mosaic_0001>

<sc_bundles>
// kernel: kernel.6.cloned.1.call-start
scs
__scs_entry_jumppad:
0x0: {  	(pc) =	sbr.rel $0x88, $3  }
0x1: {  	(tag) =	ssettag $0x0;
	lr =	simm.s32 $0x1  }
0x2: {  	[smem:$0x3F92] =	sst lr;
	_ =	strace $0xD0000000  }
0x3: {  	_ = 	snop  }
0x4: {  	_ = 	snop  }
0x5: {  	_ = 	snop  }
0x6: {  	_ = 	snop  }
0x7: {  	_ = 	snop  }
__scs_overlays_trampoline_lowered:
0x8: {  	[smem:$0x3FA1] =	sst s0  }
0x9: {  	[smem:$0x3FA2] =	sst s1  }
0xa: {  	[smem:$0x3FA3] =	sst s2  }
0xb: {  	[smem:$0x3FA4] =	sst s3  }
0xc: {  	[smem:$0x3FA5] =	sst s4  }
0xd: {  	[smem:$0x3FA6] =	sst s5  }
0xe: {  	[smem:$0x3FA7] =	sst s6  }
0xf: {  	[smem:$0x3FA8] =	sst s7  }
0x10: {  	[smem:$0x3FA9] =	sst s8  }
0x11: {  	[smem:$0x3FAA] =	sst s9;
	s0 =	simm.s32 @!p0 $0x0  }
0x12: {  	s1 =	sld [smem:$0x3F90];
	s0 =	simm.s32 @p0 $0x1  }
0x13: {  	[smem:$0x3FAB] =	sst s0;
	s0 =	simm.s32 @!p1 $0x0  }
0x14: {  	s2 =	sld [smem:$0x3F8F];
	s0 =	simm.s32 @p1 $0x1  }
0x15: {  	[smem:$0x3FAC] =	sst s0;
	s0 =	simm.s32 @!p2 $0x0  }
0x16: {  	s3 =	sld [smem:$0x3FDB];
	s0 =	simm.s32 @p2 $0x1  }
0x17: {  	s4 =	simm.s32 $0x1BF5;
	[smem:$0x3FAE] =	sst s0  }
0x18: {  	s0 =	sld [smem:$0x3F91];
	_ =	swait.ge [sflag:s4], $0x0  }
0x19: {  	s7 =	sld [smem:$0x3F92]  }
0x1a: {  	s8 =	sadd.s32 $0xFFFFE003, lr  }
0x1b: {  	s9 =	sadd.s32 $0xFFFFFEF7, lr;
	s5 =	simm.s32 $0xFFFFFFFF;
	p2 =	slt.u32 s8, $0xFFFFF086  }
0x1c: {  	p1 =	slt.u32 s9, $0xF7A;
	s5 =	simm.s32 @!p2 $0x0  }
0x1d: {  	s5 =	simm.s32 @p1 $0x1;
	p0 =	seq.s32 s7, s2  }
0x1e: {  	s7 =	smul.u32 @!p0 $0xF7A, s2;
	p2 =	seq.s32 @!p0 s5, $0x0  }
0x1f: {  	s9 =	smul.u32 $0xF7A, s1;
	s8 =	simm.s32 @!p0 $0x1BF5;
	p2 =	por !p2, p0  }
0x20: {  	[sflag:s8] =	ssyncset.s32 @!p0 $0xFFFFF086;
	s6 =	sadd.s32 @!p0 s3, s7;
	s7 =	simm.s32 @!p0 $0x108  }
0x21: {  	s3 =	sadd.s32 s3, s9;
	s6 =	sadd.s32 @!p0 $0x88, s6;
	s7 =	simm.s32 @p2 $0x1082  }
0x22: {  	[simem:s7], [sflag:s8] =	dma.local @!p0 [hbm:s6], $0xF7A  }
0x23: {  	s9 =	sor.u32 $0xD0000000, s2;
	s6 =	simm.s32 $0x108;
	_ =	swait.ge @!p0 [sflag:s8], $0x0  }
0x24: {  	s3 =	sadd.s32 $0x88, s3;
	s6 =	simm.s32 @!p1 $0x1082;
	[sflag:s4] =	ssyncset.s32 $0xFFFFF086  }
0x25: {  	[simem:s6], [sflag:s4] =	dma.local [hbm:s3], $0xF7A  }
0x26: {  	[smem:$0x3F92] =	sst s1;
	(tag) =	ssettag s2;
	_ =	strace s9  }
0x27: {  	s1 =	sld [smem:$0x3FA2]  }
0x28: {  	s2 =	sld [smem:$0x3FA3]  }
0x29: {  	s4 =	sld [smem:$0x3FA5]  }
0x2a: {  	p0 =	seq.s32 s5, $0x0;
	s5 =	sld [smem:$0x3FA6]  }
0x2b: {  	s6 =	sld [smem:$0x3FA7]  }
0x2c: {  	s7 =	sld [smem:$0x3FA8]  }
0x2d: {  	s3 =	simm.s32 $0x108;
	s8 =	sld [smem:$0x3FA9]  }
0x2e: {  	s3 =	simm.s32 @!p0 $0x1082;
	s9 =	sld [smem:$0x3FAA]  }
0x2f: {  	lr =	sadd.s32 s0, s3;
	s0 =	sld [smem:$0x3FA1]  }
0x30: {  	s3 =	sld [smem:$0x3FA4]  }
0x31: {  	[smem:$0x3FAD] =	sst s10  }
0x32: {  	s10 =	sld [smem:$0x3FAB];
	_ =	sdelay $0x3  }
0x33: {  	p0 =	seq.s32 s10, $0x1;
	s10 =	sld [smem:$0x3FAD];
	_ =	sdelay $0x3  }
0x34: {  	[smem:$0x3FAD] =	sst s10  }
0x35: {  	s10 =	sld [smem:$0x3FAC];
	_ =	sdelay $0x3  }
0x36: {  	p1 =	seq.s32 s10, $0x1;
	s10 =	sld [smem:$0x3FAD];
	_ =	sdelay $0x3  }
0x37: {  	[smem:$0x3FAD] =	sst s10  }
0x38: {  	s10 =	sld [smem:$0x3FAE]  }
0x39: {  	_ = 	snop;
	(pc) =	sbr.ind lr, $3  }
0x3a: {  	_ = 	snop  }
0x3b: {  	_ = 	snop  }
0x3c: {  	p2 =	seq.s32 s10, $0x1;
	s10 =	sld [smem:$0x3FAD]  }
0x3d: {  	_ =	shalt  }
0x3e: {  	_ =	shalt  }
0x3f: {  	_ =	shalt  }
0x40: {  	_ =	shalt  }
0x41: {  	_ =	shalt  }
0x42: {  	_ =	shalt  }
0x43: {  	_ =	shalt  }
0x44: {  	_ =	shalt  }
0x45: {  	_ =	shalt  }
0x46: {  	_ =	shalt  }
0x47: {  	_ =	shalt  }
0x48: {  	_ =	shalt  }
0x49: {  	_ =	shalt  }
0x4a: {  	_ =	shalt  }
0x4b: {  	_ =	shalt  }
0x4c: {  	_ =	shalt  }
0x4d: {  	_ =	shalt  }
0x4e: {  	_ =	shalt  }
0x4f: {  	_ =	shalt  }
0x50: {  	_ =	shalt  }
0x51: {  	_ =	shalt  }
0x52: {  	_ =	shalt  }
0x53: {  	_ =	shalt  }
0x54: {  	_ =	shalt  }
0x55: {  	_ =	shalt  }
0x56: {  	_ =	shalt  }
0x57: {  	_ =	shalt  }
0x58: {  	_ =	shalt  }
0x59: {  	_ =	shalt  }
0x5a: {  	_ =	shalt  }
0x5b: {  	_ =	shalt  }
0x5c: {  	_ =	shalt  }
0x5d: {  	_ =	shalt  }
0x5e: {  	_ =	shalt  }
0x5f: {  	_ =	shalt  }
0x60: {  	_ =	shalt  }
0x61: {  	_ =	shalt  }
0x62: {  	_ =	shalt  }
0x63: {  	_ =	shalt  }
0x64: {  	_ =	shalt  }
0x65: {  	_ =	shalt  }
0x66: {  	_ =	shalt  }
0x67: {  	_ =	shalt  }
0x68: {  	_ =	shalt  }
0x69: {  	_ =	shalt  }
0x6a: {  	_ =	shalt  }
0x6b: {  	_ =	shalt  }
0x6c: {  	_ =	shalt  }
0x6d: {  	_ =	shalt  }
0x6e: {  	_ =	shalt  }
0x6f: {  	_ =	shalt  }
0x70: {  	_ =	shalt  }
0x71: {  	_ =	shalt  }
0x72: {  	_ =	shalt  }
0x73: {  	_ =	shalt  }
0x74: {  	_ =	shalt  }
0x75: {  	_ =	shalt  }
0x76: {  	_ =	shalt  }
0x77: {  	_ =	shalt  }
0x78: {  	_ =	shalt  }
0x79: {  	_ =	shalt  }
0x7a: {  	_ =	shalt  }
0x7b: {  	_ =	shalt  }
0x7c: {  	_ =	shalt  }
0x7d: {  	_ =	shalt  }
0x7e: {  	_ =	shalt  }
0x7f: {  	_ =	shalt  }
0x80: {  	_ =	shalt  }
0x81: {  	_ =	shalt  }
0x82: {  	_ =	shalt  }
0x83: {  	_ =	shalt  }
0x84: {  	_ =	shalt  }
0x85: {  	_ =	shalt  }
0x86: {  	_ =	shalt  }
0x87: {  	_ =	shalt  }
.Lfunc_end0:
.L_simem_size_0:
called_computation_lowered:
.L_overlay_start_0:
0x88: {  	s2 =	sld [smem:$0x3FD9]  }
0x89: {  	s3 =	sld [smem:$0x3FFE];
	_ =	sdelay $0x1  }
0x8a: {  	s1 =	srdreg.scid  }
0x8b: {  	s0 =	sand.u32 $0x1, s1  }
0x8c: {  	s17 =	sshll.u32 s0, $0xA;
	s2 =	sadd.s32 s3, s2  }
0x8d: {  	s2 =	sadd.s32 s2, s17  }
0x8e: {  	[smem:$0x3FB9] =	sst s2  }
0x8f: {  	_ = 	snop  }
0x90: {  	s2 =	sld [smem:$0x3FD0];
	(tm) =	ssettm $0x1  }
0x91: {  	s18 =	sld [smem:$0x3FFB];
	_ =	sdelay $0x3  }
0x92: {  	_ =	strace s18  }
0x93: {  	s3 =	sld [smem:$0x3FFC];
	_ =	sdelay $0x3  }
0x94: {  	_ =	strace s3  }
0x95: {  	s3 =	sld [smem:$0x3FFD];
	_ =	sdelay $0x3  }
0x96: {  	_ =	strace s3  }
0x97: {  	_ =	strace $0x8FFFFFFF  }
0x98: {  	s19 =	sld [smem:$0x3FDB];
	_ =	sdelay $0x1  }
0x99: {  	s4 =	simm.s32 $_scs_section_size  }
0x9a: {  	s5 =	simm.s32 $_size__tile_overlayer_lowered;
	s6 =	simm.s32 $_tile_overlayer_lowered  }
0x9b: {  	s22 =	simm.s32 $0x1BFF;
	s21 =	sshll.u32 s6, $0x1;
	s3 =	sadd.s32 s4, s19  }
0x9c: {  	s7 =	simm.s32 $0x0;
	s20 =	sshll.u32 s5, $0x1;
	s5 =	sadd.s32 s21, s3  }
0x9d: {  	[timem:s7], [sflag:s22] =	dma.local [hbm:s5], s20  }
0x9e: {  	_ =	swait.ge [sflag:s22], s20  }
0x9f: {  	s4 =	ssub.s32 $0x0, s20;
	[sflag:s22] =	ssyncset.done $0x0  }
0xa0: {  	[sflag:s22] =	ssyncadd.s32 s4;
	_ =	sdelay $0x1  }
0xa1: {  	s23 =	simm.s32 $0x1B8B  }
0xa2: {  	_ =	swait.ge [sflag:s23], $0x1  }
0xa3: {  	[sflag:s23] =	ssyncset.done $0x0  }
0xa4: {  	s25 =	simm.s32 $0x1B8E;
	s24 =	sld [smem:$0x3FFE];
	[sflag:s23] =	ssyncadd.s32 $0xFFFFFFFF  }
0xa5: {  	s26 =	simm.s32 $execute0_lowered;
	[smem:$0x3FD2] =	sst s25  }
0xa6: {  	s5 =	sshll.u32 s26, $0x1;
	_ =	strace $0x80000046;
	[dreg:$0x1] =	wrdreg $0xFFFFFFFF  }
0xa7: {  	s28 =	simm.s32 $_size_execute0_lowered;
	s3 =	sadd.s32 s3, s5;
	[dreg:$0x0] =	wrdreg $0x0  }
0xa8: {  	s5 =	sshll.u32 s28, $0x1;
	[dreg:$0x2] =	wrdreg s3  }
0xa9: {  	[dreg:$0x3] =	wrdreg s5  }
0xaa: {  	[dreg:$0x4] =	wrdreg $0xC0  }
0xab: {  	_ =	task [dreg:s7], $0x5FFFF  }
0xac: {  	[dreg:$0x1] =	wrdreg $0xFFFFFFFF  }
0xad: {  	[dreg:$0x0] =	wrdreg $0x60  }
0xae: {  	[dreg:$0x2] =	wrdreg s24  }
0xaf: {  	[dreg:$0x3] =	wrdreg s2  }
0xb0: {  	[dreg:$0x4] =	wrdreg $0x86000  }
0xb1: {  	[dreg:$0x5] =	wrdreg $0x1C6000  }
0xb2: {  	[dreg:$0x6] =	wrdreg $0x9  }
0xb3: {  	_ =	task.clear_ibuf [dreg:s7], $0x7FFFF;
	_ =	strace $0x90000046  }
0xb4: {  	s29 =	simm.s32 $0x9;
	_ =	strace $0x80000048  }
0xb5: {  	_ =	swait.ge [sflag:s29], $0x1  }
0xb6: {  	[sflag:s29] =	ssyncadd.s32 $0xFFFFFFFF  }
0xb7: {  	_ =	strace $0x90000048  }
0xb8: {  	_ =	sfence  }
0xb9: {  	s30 =	sld [smem:$0x0];
	_ =	sdelay $0x2  }
0xba: {  	s31 =	sshll.u32 s1, $0xD;
	s1 =	sshrl.u32 s1, $0x2  }
0xbb: {  	s3 =	sand.u32 $0x4000, s31;
	s1 =	sadd.s32 s1, s30  }
0xbc: {  	s0 =	sor.u32 s3, s0;
	s1 =	sshll.u32 s1, $0x11  }
0xbd: {  	s0 =	sor.u32 s1, s0  }
0xbe: {  	s0 =	sadd.s32 $0x8F2B, s0  }
0xbf: {  	[sflag:s0] =	ssyncadd.remote.s32 $0x1  }
0xc0: {  	_ =	sfence.sel $0xFFFF  }
0xc1: {  	[dreg:$0x0] =	wrdreg $0xFFFFFFFF;
	(pc) =	sbr.abs _section_cstart, $3  }
0xc2: {  	[dreg:$0x1] =	wrdreg $0xFFFFFFFF  }
0xc3: {  	_ =	task.clear_ibuf [dreg:s7], $0x2FFFF;
	_ =	strace $0x9FFFFFFF  }
0xc4: {  	(tm) =	ssettm $0x7FFFFFFF  }
0xc5: {  	_ =	shalt  }
tec
execute0_lowered:
.L_overlay_start_1:
0x0: {  	(tag) =	ssettag $0x1  }
0x1: {  	s0 =	rddreg [dreg:$0x0]  }
0x2: {  	s3 =	rddreg [dreg:$0x1]  }
0x3: {  	s1 =	rddreg [dreg:$0x2]  }
0x4: {  	s2 =	rddreg [dreg:$0x3];
	s4 =	simm.s32 $0x0  }
0x5: {  	s18 =	stileid.u32;
	s7 =	srdreg.scid;
	s28 =	simm.s32 $0x40  }
0x6: {  	s31 =	simm.s32 $0x1600;
	[smem:$0x7FF] =	sst s4;
	s10 =	smul.u32 $0x14000, s18  }
0x7: {  	s5 =	sadd.s32 $0x2000, s0;
	s6 =	sadd.s32 $0x516000, s0;
	s11 =	smul.u32 $0x2800, s18  }
0x8: {  	s12 =	sand.u32 $0x1, s7;
	s7 =	sadd.s32 $0xD9A00, s0;
	s8 =	sadd.s32 $0x16000, s0  }
0x9: {  	s9 =	sadd.s32 $0x8B600, s0;
	s30 =	sshll.u32 s18, $0x6;
	_ =	strace $0x80000047  }
0xa: {  	s13 =	smul.u32 $0x140000, s12;
	s16 =	ssub.s32 $0x2, s12;
	s17 =	sshll.u32 s12, $0x4  }
0xb: {  	s20 =	sor.u32 $0x1C03, s30;
	s12 =	smul.u32 $0x28000, s12;
	s14 =	sshrl.u32 s10, $0x3  }
0xc: {  	s15 =	sshrl.u32 s11, $0x3;
	s25 =	sshrl.u32 s16, $0x1;
	s17 =	sor.u32 s18, s17  }
0xd: {  	s18 =	sadd.s32 s11, s2;
	s2 =	simm.s32 $0x180;
	[dreg:$0x8] =	wrdreg s20  }
0xe: {  	s14 =	sadd.s32 s14, s0;
	s15 =	sadd.s32 s15, s0;
	s26 =	smul.u32 $0xA0, s17  }
0xf: {  	s13 =	sadd.s32 s10, s13;
	s10 =	sadd.s32 s10, s1;
	s1 =	smul.u32 $0xA00, s17  }
0x10: {  	[dreg:$0x9] =	wrdreg s18;
	s19 =	smul.u32 $0x5000, s17;
	s11 =	sadd.s32 s11, s12  }
0x11: {  	s17 =	simm.s32 $0x2;
	[dreg:$0x5] =	wrdreg s10;
	s29 =	sadd.s32 $0xDEA00, s14  }
0x12: {  	s13 =	sshrl.u32 s13, $0x3;
	s15 =	sadd.s32 $0x1B000, s15;
	[dreg:$0x7] =	wrdreg s29  }
0x13: {  	s18 =	simm.s32 $0x1C0;
	s0 =	sadd.s32 s13, s0;
	[dreg:$0xa] =	wrdreg s15  }
0x14: {  	s13 =	ssub.s32 s16, s25;
	s14 =	sadd.s32 s5, s1;
	[dreg:$0x6] =	wrdreg s26  }
0x15: {  	s21 =	sor.u32 $0x1, s26;
	s10 =	sadd.s32 s6, s19;
	[dreg:$0xb] =	wrdreg s14  }
0x16: {  	s24 =	sor.u32 $0x4, s26;
	s25 =	sshrl.u32 s11, $0x3;
	[dreg:$0xc] =	wrdreg s10  }
0x17: {  	s26 =	sor.u32 $0x5, s26;
	s1 =	simm.s32 $0x100;
	[dreg:$0xf] =	wrdreg s24  }
0x18: {  	s19 =	simm.s32 $0x140;
	[dreg:$0x10] =	wrdreg s26;
	s0 =	sadd.s32 $0x106A00, s0  }
0x19: {  	s22 =	sshll.u32 s21, $0x4;
	s29 =	sadd.s32 s3, s25;
	[dreg:$0x11] =	wrdreg s0  }
0x1a: {  	s23 =	sshll.u32 s21, $0x7;
	s30 =	smax.u32 s13, $0x1;
	[dreg:$0x12] =	wrdreg s29  }
0x1b: {  	s25 =	simm.s32 $0x3;
	s10 =	sadd.s32 s5, s22;
	[dreg:$0x13] =	wrdreg s30  }
0x1c: {  	s26 =	simm.s32 $0x1;
	[dreg:$0xd] =	wrdreg s10;
	s10 =	sadd.s32 s6, s23  }
0x1d: {  	s13 =	simm.s32 $0xC0;
	s3 =	simm.s32 $0x0;
	[dreg:$0xe] =	wrdreg s10  }
.LBB2_1:
0x1e: {  	[dreg:$0x14] =	wrdreg s3  }
0x1f: {  	s0 =	rddreg [dreg:$0x5]  }
0x20: {  	s30 =	rddreg [dreg:$0x7];
	s29 =	sshrl.u32 s0, $0x3  }
0x21: {  	[dreg:$0x15] =	wrdreg s29  }
0x22: {  	[spmem:s29], [sflag:s20] =	dma.local [hbm:s30], $0x2800  }
0x23: {  	_ =	swait.ge [sflag:s25], $0x2800  }
0x24: {  	s10 =	rddreg [dreg:$0x9]  }
0x25: {  	[sflag:s25] =	ssyncset.done $0x0;
	s12 =	rddreg [dreg:$0xa];
	s11 =	sshrl.u32 s10, $0x3  }
0x26: {  	[sflag:s25] =	ssyncadd.s32 $0xFFFFD800;
	[dreg:$0x16] =	wrdreg s11  }
0x27: {  	[spmem:s11], [sflag:s20] =	dma.local [hbm:s12], $0x500  }
0x28: {  	_ =	swait.ge [sflag:s25], $0x500  }
0x29: {  	[sflag:s25] =	ssyncset.done $0x0  }
0x2a: {  	[sflag:s25] =	ssyncadd.s32 $0xFFFFFB00  }
0x2b: {  	[bflag:$0x0] =	sbarrier.arrive $0xFFFF  }
0x2c: {  	s14 =	rddreg [dreg:$0xb]  }
0x2d: {  	[tilespmem:s4], [sflag:$0x3] =	stream.linear.gather [hbm4b:s14+s4], $0x80, $0x38;
	[tilespmem:$0x1EE00] =	vst v63  }
0x2e: {  	_ =	swait.ge [sflag:s25], $0x80  }
0x2f: {  	[sflag:s25] =	ssyncset.done $0x0  }
0x30: {  	s16 =	simm.s32 $0x200;
	s15 =	rddreg [dreg:$0xc];
	[sflag:s25] =	ssyncadd.s32 $0xFFFFFF80  }
0x31: {  	[tilespmem:s16], [sflag:$0x3] =	stream.linear.gather [hbm4b:s15+s4], $0x400, $0x38;
	[tilespmem:$0x1EE00] =	vst v63  }
0x32: {  	_ =	swait.ge [sflag:s25], $0x400  }
0x33: {  	[sflag:s25] =	ssyncset.done $0x0  }
0x34: {  	s20 =	simm.s32 $0x1200;
	[sflag:s25] =	ssyncadd.s32 $0xFFFFFC00  }
0x35: {  	[tilespmem:s20], [sflag:$0x2] =	stream.indirect.gather [hbm4b:s7+s28], $0x10, s4, s28, $0xb8;
	[tilespmem:$0x1EE00] =	vst v63  }
0x36: {  	s21 =	simm.s32 $0x1A00  }
0x37: {  	[tilespmem:s21], [sflag:$0x2] =	stream.indirect.gather [hbm4b:s8+s28], $0x10, s28, s28, $0xb8;
	[tilespmem:$0x1EE00] =	vst v63  }
0x38: {  	s22 =	simm.s32 $0x2200  }
0x39: {  	[tilespmem:s22], [sflag:$0x2] =	stream.indirect.gather [hbm4b:s9+s28], $0x80, s4, s28, $0xb8;
	[tilespmem:$0x1EE00] =	vst v63  }
0x3a: {  	s24 =	simm.s32 $0x80;
	s23 =	rddreg [dreg:$0xd]  }
0x3b: {  	[tilespmem:s24], [sflag:$0x1] =	stream.linear.gather [hbm4b:s23+s4], $0x80, $0x38;
	[tilespmem:$0x1EE00] =	vst v63  }
0x3c: {  	s30 =	simm.s32 $0x600;
	s16 =	simm.s32 $0x0;
	s29 =	rddreg [dreg:$0xe]  }
0x3d: {  	[tilespmem:s30], [sflag:$0x1] =	stream.linear.gather [hbm4b:s29+s4], $0x400, $0x38;
	[tilespmem:$0x1EE00] =	vst v63  }
.LBB2_2:
0x3e: {  	_ =	swait.ge [sflag:s26], $0x80  }
0x3f: {  	[sflag:s26] =	ssyncset.done $0x0  }
0x40: {  	[sflag:s26] =	ssyncadd.s32 $0xFFFFFF80  }
0x41: {  	_ =	swait.ge [sflag:s26], $0x400  }
0x42: {  	[sflag:s26] =	ssyncset.done $0x0  }
0x43: {  	s0 =	simm.s32 $0x80;
	[sflag:s26] =	ssyncadd.s32 $0xFFFFFC00  }
0x44: {  	[tilespmem:s31], [sflag:$0x2] =	stream.indirect.gather [hbm4b:s7+s28], $0x10, s0, s28, $0xb8;
	[tilespmem:$0x1EE00] =	vst v63  }
0x45: {  	s3 =	simm.s32 $0x1E00;
	s24 =	sshll.u32 s16, $0x2;
	s14 =	rddreg [dreg:$0x6]  }
0x46: {  	[tilespmem:s3], [sflag:$0x2] =	stream.indirect.gather [hbm4b:s8+s28], $0x10, s13, s28, $0xb8;
	[tilespmem:$0x1EE00] =	vst v63  }
0x47: {  	s29 =	sadd.s32 s24, s14;
	s13 =	simm.s32 $0x4200  }
0x48: {  	[tilespmem:s13], [sflag:$0x2] =	stream.indirect.gather [hbm4b:s9+s28], $0x80, s0, s28, $0xb8;
	[tilespmem:$0x1EE00] =	vst v63  }
0x49: {  	s0 =	sadd.s32 $0x2, s29  }
0x4a: {  	s15 =	sshll.u32 s0, $0x4  }
0x4b: {  	s0 =	sshll.u32 s0, $0x7;
	s3 =	sand.u32 $0x1FFFFFE0, s15  }
0x4c: {  	s0 =	sand.u32 $0x1FFFFF00, s0;
	s3 =	sadd.s32 s5, s3  }
0x4d: {  	[tilespmem:s1], [sflag:$0x1] =	stream.linear.gather [hbm4b:s3+s4], $0x80, $0x38;
	[tilespmem:$0x1EE00] =	vst v63  }
0x4e: {  	s20 =	simm.s32 $0xA00;
	s0 =	sadd.s32 s6, s0  }
0x4f: {  	[tilespmem:s20], [sflag:$0x1] =	stream.linear.gather [hbm4b:s0+s4], $0x400, $0x38;
	[tilespmem:$0x1EE00] =	vst v63  }
0x50: {  	_ =	swait.ge [sflag:s17], $0x400  }
0x51: {  	[sflag:s17] =	ssyncset.done $0x0  }
0x52: {  	[sflag:s17] =	ssyncadd.s32 $0xFFFFFC00  }
0x53: {  	_ =	swait.ge [sflag:s17], $0x400  }
0x54: {  	[sflag:s17] =	ssyncset.done $0x0  }
0x55: {  	[sflag:s17] =	ssyncadd.s32 $0xFFFFFC00  }
0x56: {  	_ =	swait.ge [sflag:s17], $0x2000  }
0x57: {  	[sflag:s17] =	ssyncset.done $0x0  }
0x58: {  	s21 =	simm.s32 $0x1220;
	[sflag:s17] =	ssyncadd.s32 $0xFFFFE000  }
0x59: {  	s22 =	simm.s32 $0x1A20;
	v0 =	vld [tilespmem:s21+$0x10]  }
0x5a: {  	v1 =	vld [tilespmem:s22+$0x10];
	_ =	sdelay $0x4  }
0x5b: {  	v0 =	vadd.f32 v1, v0;
	_ =	sdelay $0x1  }
0x5c: {  	v1 =	vmul.f32 $2.000000030e-01, v0  }
0x5d: {  	vm0 =	vgt.f32 v0, $0.0e+00  }
0x5e: {  	v2 =	vld [tilespmem:s22+$0xFFFFFFF0];
	v0 =	vsel vm0, v0, v1  }
0x5f: {  	v3 =	vld [tilespmem:s22+$0xFFFFFFE0];
	v0 =	vmul.f32 $1.442695020e+00, v0  }
0x60: {  	v4 =	vld [tilespmem:s22+$0x0]  }
0x61: {  	v1 =	vld [tilespmem:s21+$0xFFFFFFF0];
	(erf) = vpow2.f32 v0  }
0x62: {  	v5 =	vld [tilespmem:s21+$0xFFFFFFE0]  }
0x63: {  	v0 =	vld [tilespmem:s21+$0x0];
	_ =	sdelay $0x1  }
0x64: {  	s23 =	simm.s32 $0x220  }
0x65: {  	v1 =	vadd.f32 v2, v1;
	v2 =	vld [tilespmem:s23+$0x10];
	_ =	sdelay $0x1  }
0x66: {  	v3 =	vadd.f32 v3, v5;
	v6 =	vmul.f32 $2.000000030e-01, v1;
	v0 =	vadd.f32 v4, v0  }
0x67: {  	vm14 =	vgt.f32 v1, $0.0e+00  }
0x68: {  	v1 =	vsel vm14, v1, v6;
	v6 =	vmul.f32 $2.000000030e-01, v3;
	v4 =	vmul.f32 $2.000000030e-01, v0;
	v5 =	vpop (erf)  }
0x69: {  	v1 =	vmul.f32 $1.442695020e+00, v1;
	vm15 =	vgt.f32 v0, $0.0e+00;
	v2 =	vmul.f32 v5, v2  }
0x6a: {  	s10 =	simm.s32 $0x6220;
	vm1 =	vgt.f32 v3, $0.0e+00;
	v0 =	vsel vm15, v0, v4  }
0x6b: {  	s1 =	simm.s32 $0x2300;
	(erf) = vpow2.f32 v1;
	v1 =	vsel vm1, v3, v6;
	v0 =	vmul.f32 $1.442695020e+00, v0;
	[tilespmem:s10+$0x10] =	vst v2  }
0x6c: {  	v1 =	vmul.f32 $1.442695020e+00, v1;
	v3 =	vld [tilespmem:s1+$0x80]  }
0x6d: {  	(erf) = vpow2.f32 v0  }
0x6e: {  	(erf) = vpow2.f32 v1  }
0x6f: {  	v1 =	vbroadcast v2, $0x0;
	_ =	sdelay $0x1  }
0x70: {  	v4 =	vld [tilespmem:s23+$0xFFFFFFE0];
	v1 =	vmul.f32 v1, v3  }
0x71: {  	s30 =	simm.s32 $0x6700;
	v3 =	vld [tilespmem:s23+$0x0]  }
0x72: {  	v0 =	vld [tilespmem:s23+$0xFFFFFFF0];
	[tilespmem:s30+$0x80] =	vst v1  }
0x73: {  	v6 =	vld [tilespmem:s1+$0x90]  }
0x74: {  	v5 =	vpop (erf)  }
0x75: {  	s12 =	simm.s32 $0x1260;
	v1 =	vpop (erf)  }
0x76: {  	v10 =	vld [tilespmem:s12+$0xFFFFFFF0];
	v8 =	vbroadcast v2, $0x1;
	v1 =	vmul.f32 v1, v3;
	v3 =	vpop (erf)  }
0x77: {  	s11 =	simm.s32 $0x1A60;
	v0 =	vmul.f32 v5, v0;
	v5 =	vmul.f32 v3, v4;
	v3 =	vld [tilespmem:s12+$0x10]  }
0x78: {  	v4 =	vmul.f32 v8, v6;
	v6 =	vld [tilespmem:s11+$0x10]  }
0x79: {  	v11 =	vld [tilespmem:s11+$0xFFFFFFF0]  }
0x7a: {  	v13 =	vld [tilespmem:s11+$0x0];
	[tilespmem:s10+$0xFFFFFFE0] =	vst v5  }
0x7b: {  	v9 =	vld [tilespmem:s1+$0xFFFFFF00]  }
0x7c: {  	v16 =	vld [tilespmem:s11+$0xFFFFFFE0];
	[tilespmem:s30+$0x90] =	vst v4  }
0x7d: {  	[tilespmem:s10+$0x0] =	vst v1;
	v4 =	vld [tilespmem:s1+$0xA0];
	v3 =	vadd.f32 v6, v3  }
0x7e: {  	v8 =	vld [tilespmem:s1+$0x0];
	v12 =	vbroadcast v5, $0x0  }
0x7f: {  	v6 =	vld [tilespmem:s12+$0x0];
	v14 =	vmul.f32 $2.000000030e-01, v3  }
0x80: {  	v15 =	vbroadcast v2, $0x2;
	[tilespmem:s10+$0xFFFFFFF0] =	vst v0;
	v9 =	vmul.f32 v12, v9;
	v12 =	vld [tilespmem:s12+$0xFFFFFFE0];
	vm4 =	vgt.f32 v3, $0.0e+00  }
0x81: {  	v7 =	vld [tilespmem:s1+$0xFFFFFF80];
	v3 =	vsel vm4, v3, v14  }
0x82: {  	v4 =	vmul.f32 v15, v4;
	v3 =	vmul.f32 $1.442695020e+00, v3  }
0x83: {  	[tilespmem:s30+$0xFFFFFF00] =	vst v9;
	v9 =	vadd.f32 v11, v10;
	v14 =	vbroadcast v1, $0x0  }
0x84: {  	v17 =	vbroadcast v0, $0x0;
	[tilespmem:s30+$0xA0] =	vst v4;
	v4 =	vadd.f32 v13, v6;
	(erf) = vpow2.f32 v3  }
0x85: {  	v11 =	vadd.f32 v16, v12;
	v3 =	vmul.f32 v14, v8;
	v8 =	vmul.f32 $2.000000030e-01, v9  }
0x86: {  	v7 =	vmul.f32 v17, v7;
	v15 =	vbroadcast v5, $0x1;
	vm5 =	vgt.f32 v9, $0.0e+00;
	v6 =	vld [tilespmem:s1+$0xB0]  }
0x87: {  	v12 =	vmul.f32 $2.000000030e-01, v4;
	v8 =	vsel vm5, v9, v8;
	v9 =	vmul.f32 $2.000000030e-01, v11  }
0x88: {  	v10 =	vld [tilespmem:s1+$0xFFFFFF10];
	v13 =	vbroadcast v2, $0x3;
	vm6 =	vgt.f32 v4, $0.0e+00;
	vm7 =	vgt.f32 v11, $0.0e+00  }
0x89: {  	s13 =	simm.s32 $0x260;
	[tilespmem:s30+$0xFFFFFF80] =	vst v7;
	v4 =	vsel vm6, v4, v12;
	v8 =	vmul.f32 $1.442695020e+00, v8;
	v7 =	vsel vm7, v11, v9  }
0x8a: {  	v12 =	vld [tilespmem:s13+$0x10];
	[tilespmem:s30+$0x0] =	vst v3;
	v4 =	vmul.f32 $1.442695020e+00, v4;
	v3 =	vmul.f32 $1.442695020e+00, v7  }
0x8b: {  	v6 =	vmul.f32 v6, v13;
	(erf) = vpow2.f32 v8;
	v8 =	vld [tilespmem:s1+$0xFFFFFF90]  }
0x8c: {  	(erf) = vpow2.f32 v4;
	v4 =	vld [tilespmem:s1+$0x10]  }
0x8d: {  	v10 =	vmul.f32 v15, v10;
	[tilespmem:s30+$0xB0] =	vst v6  }
0x8e: {  	v7 =	vbroadcast v0, $0x1;
	v6 =	vld [tilespmem:s1+$0xC0];
	(erf) = vpow2.f32 v3;
	v3 =	vpop (erf)  }
0x8f: {  	[tilespmem:s30+$0xFFFFFF10] =	vst v10;
	v9 =	vmul.f32 v3, v12;
	v3 =	vbroadcast v1, $0x1  }
0x90: {  	v10 =	vld [tilespmem:s1+$0xFFFFFF20];
	v7 =	vmul.f32 v7, v8  }
0x91: {  	s14 =	simm.s32 $0x6260;
	v11 =	vld [tilespmem:s13+$0xFFFFFFF0];
	v8 =	vbroadcast v2, $0x4;
	v3 =	vmul.f32 v3, v4  }
0x92: {  	s31 =	simm.s32 $0x2500;
	v33 =	vbroadcast v2, $0x6;
	v12 =	vld [tilespmem:s13+$0x0];
	[tilespmem:s14+$0x10] =	vst v9  }
0x93: {  	v13 =	vbroadcast v5, $0x2;
	v6 =	vmul.f32 v6, v8;
	v4 =	vld [tilespmem:s31+$0x80]  }
0x94: {  	v24 =	vbroadcast v0, $0x4;
	v19 =	vbroadcast v1, $0x3;
	[tilespmem:s30+$0xFFFFFF90] =	vst v7;
	v7 =	vld [tilespmem:s13+$0xFFFFFFE0]  }
0x95: {  	v27 =	vbroadcast v1, $0x4;
	v10 =	vmul.f32 v13, v10;
	v15 =	vld [tilespmem:s1+$0xFFFFFFA0];
	[tilespmem:s30+$0x10] =	vst v3;
	v3 =	vpop (erf)  }
0x96: {  	v16 =	vbroadcast v9, $0x0;
	[tilespmem:s30+$0xC0] =	vst v6;
	v13 =	vld [tilespmem:s1+$0x20];
	v3 =	vmul.f32 v3, v11  }
0x97: {  	s20 =	simm.s32 $0x1AA0;
	v22 =	vbroadcast v1, $0x6;
	v14 =	vbroadcast v0, $0x2;
	[tilespmem:s30+$0xFFFFFF20] =	vst v10;
	v10 =	vld [tilespmem:s1+$0xD0];
	v6 =	vpop (erf)  }
0x98: {  	v32 =	vld [tilespmem:s20+$0xFFFFFFE0];
	v8 =	vbroadcast v1, $0x2;
	v18 =	vpop (erf);
	v16 =	vmul.f32 v16, v4;
	[tilespmem:s14+$0xFFFFFFF0] =	vst v3  }
0x99: {  	s15 =	simm.s32 $0x12A0;
	s11 =	simm.s32 $0x6900;
	v11 =	vmul.f32 v6, v12;
	v4 =	vmul.f32 v18, v7;
	v7 =	vld [tilespmem:s31+$0xFFFFFF80]  }
0x9a: {  	v34 =	vld [tilespmem:s15+$0xFFFFFFF0];
	v14 =	vmul.f32 v14, v15;
	v15 =	vbroadcast v2, $0x5;
	[tilespmem:s11+$0x80] =	vst v16  }
0x9b: {  	v20 =	vbroadcast v5, $0x4;
	[tilespmem:s14+$0x0] =	vst v11;
	v8 =	vmul.f32 v8, v13;
	v13 =	vld [tilespmem:s31+$0x90]  }
0x9c: {  	v12 =	vld [tilespmem:s1+$0xFFFFFF30];
	[tilespmem:s30+$0xFFFFFFA0] =	vst v14;
	v10 =	vmul.f32 v10, v15;
	v14 =	vbroadcast v3, $0x0  }
0x9d: {  	v37 =	vld [tilespmem:s20+$0xFFFFFFF0];
	v23 =	vbroadcast v5, $0x7;
	v17 =	vbroadcast v5, $0x3;
	[tilespmem:s14+$0xFFFFFFE0] =	vst v4  }
0x9e: {  	v18 =	vld [tilespmem:s31+$0x0];
	[tilespmem:s30+$0xD0] =	vst v10;
	v10 =	vbroadcast v9, $0x1;
	v7 =	vmul.f32 v14, v7  }
0x9f: {  	v42 =	vbroadcast v9, $0x3;
	v6 =	vbroadcast v0, $0x3;
	v15 =	vld [tilespmem:s31+$0xFFFFFF00]  }
0xa0: {  	v61 =	vld [tilespmem:s15+$0x0];
	v2 =	vbroadcast v2, $0x7;
	[tilespmem:s11+$0xFFFFFF80] =	vst v7;
	v7 =	vmul.f32 v10, v13  }
0xa1: {  	v16 =	vbroadcast v11, $0x0;
	[tilespmem:s30+$0x20] =	vst v8;
	v8 =	vld [tilespmem:s1+$0xFFFFFFB0];
	v12 =	vmul.f32 v12, v17  }
0xa2: {  	v31 =	vbroadcast v3, $0x1;
	v21 =	vld [tilespmem:s1+$0xE0];
	v14 =	vbroadcast v4, $0x0;
	[tilespmem:s11+$0x90] =	vst v7  }
0xa3: {  	[tilespmem:s30+$0xFFFFFF30] =	vst v12;
	v12 =	vmul.f32 v16, v18;
	v16 =	vbroadcast v5, $0x6;
	v7 =	vld [tilespmem:s31+$0xA0]  }
0xa4: {  	v15 =	vmul.f32 v14, v15;
	v14 =	vbroadcast v5, $0x5;
	v5 =	vld [tilespmem:s15+$0x10]  }
0xa5: {  	v38 =	vbroadcast v3, $0x2;
	v36 =	vbroadcast v11, $0x1;
	[tilespmem:s11+$0x0] =	vst v12;
	v12 =	vld [tilespmem:s20+$0x10]  }
0xa6: {  	v30 =	vbroadcast v4, $0x1;
	v17 =	vld [tilespmem:s1+$0x30];
	v18 =	vbroadcast v9, $0x2  }
0xa7: {  	v40 =	vld [tilespmem:s20+$0x0];
	v35 =	vbroadcast v4, $0x2;
	v39 =	vbroadcast v4, $0x3  }
0xa8: {  	v63 =	vbroadcast v4, $0x4;
	v26 =	vld [tilespmem:s31+$0xFFFFFF90];
	v7 =	vmul.f32 v18, v7  }
0xa9: {  	v25 =	vld [tilespmem:s1+$0xFFFFFF40];
	v13 =	vbroadcast v0, $0x5;
	v21 =	vmul.f32 v21, v33;
	[tilespmem:s11+$0xFFFFFF00] =	vst v15  }
0xaa: {  	v10 =	vbroadcast v1, $0x5;
	v6 =	vmul.f32 v8, v6;
	v28 =	vld [tilespmem:s31+$0x10];
	v5 =	vadd.f32 v12, v5;
	[tilespmem:s11+$0xA0] =	vst v7  }
0xab: {  	v1 =	vbroadcast v1, $0x7;
	v17 =	vmul.f32 v17, v19;
	[tilespmem:s30+$0xE0] =	vst v21;
	v21 =	vadd.f32 v37, v34;
	v8 =	vld [tilespmem:s31+$0xB0]  }
0xac: {  	v15 =	vbroadcast v0, $0x6;
	[tilespmem:s30+$0xFFFFFFB0] =	vst v6;
	v6 =	vld [tilespmem:s15+$0xFFFFFFE0];
	v41 =	vmul.f32 $2.000000030e-01, v5  }
0xad: {  	v29 =	vld [tilespmem:s31+$0xFFFFFF10];
	v26 =	vmul.f32 v31, v26;
	v31 =	vmul.f32 $2.000000030e-01, v21;
	vm8 =	vgt.f32 v5, $0.0e+00  }
0xae: {  	s21 =	simm.s32 $0x2A0;
	v19 =	vld [tilespmem:s1+$0xFFFFFFC0];
	v20 =	vmul.f32 v25, v20;
	vm9 =	vgt.f32 v21, $0.0e+00;
	v5 =	vsel vm8, v5, v41  }
0xaf: {  	v53 =	vld [tilespmem:s21+$0xFFFFFFE0];
	[tilespmem:s30+$0x30] =	vst v17;
	v25 =	vmul.f32 v36, v28;
	v21 =	vsel vm9, v21, v31;
	v5 =	vmul.f32 $1.442695020e+00, v5  }
0xb0: {  	s23 =	simm.s32 $0x12E0;
	v28 =	vadd.f32 v40, v61;
	v17 =	vmul.f32 $1.442695020e+00, v21;
	v21 =	vld [tilespmem:s1+$0x40];
	v8 =	vmul.f32 v8, v42  }
0xb1: {  	v49 =	vld [tilespmem:s23+$0x10];
	v0 =	vbroadcast v0, $0x7;
	[tilespmem:s30+$0xFFFFFF40] =	vst v20;
	v6 =	vadd.f32 v32, v6;
	(erf) = vpow2.f32 v5  }
0xb2: {  	v20 =	vld [tilespmem:s21+$0x10];
	v29 =	vmul.f32 v30, v29;
	[tilespmem:s11+$0xB0] =	vst v8;
	v8 =	vmul.f32 $2.000000030e-01, v28  }
0xb3: {  	[tilespmem:s11+$0x10] =	vst v25;
	vm10 =	vgt.f32 v28, $0.0e+00;
	v5 =	vmul.f32 v19, v24;
	v24 =	vmul.f32 $2.000000030e-01, v6;
	v19 =	vld [tilespmem:s31+$0xC0]  }
0xb4: {  	vm11 =	vgt.f32 v6, $0.0e+00;
	[tilespmem:s11+$0xFFFFFF10] =	vst v29;
	v31 =	vld [tilespmem:s31+$0x20];
	(erf) = vpow2.f32 v17;
	v8 =	vsel vm10, v28, v8  }
0xb5: {  	v29 =	vld [tilespmem:s31+$0xFFFFFF20];
	v21 =	vmul.f32 v21, v27;
	v6 =	vsel vm11, v6, v24;
	v8 =	vmul.f32 $1.442695020e+00, v8  }
0xb6: {  	v30 =	vld [tilespmem:s1+$0xF0];
	v24 =	vbroadcast v9, $0x4;
	v6 =	vmul.f32 $1.442695020e+00, v6  }
0xb7: {  	v51 =	vld [tilespmem:s23+$0xFFFFFFF0];
	v7 =	vbroadcast v11, $0x2;
	[tilespmem:s30+$0xFFFFFFC0] =	vst v5;
	(erf) = vpow2.f32 v8  }
0xb8: {  	v34 =	vbroadcast v3, $0x4;
	v62 =	vld [tilespmem:s1+$0xFFFFFF50];
	[tilespmem:s30+$0x40] =	vst v21;
	v5 =	vmul.f32 v19, v24  }
0xb9: {  	v12 =	vbroadcast v11, $0x3;
	[tilespmem:s11+$0xFFFFFF90] =	vst v26;
	v7 =	vmul.f32 v7, v31;
	v40 =	vld [tilespmem:s1+$0x50]  }
0xba: {  	v26 =	vld [tilespmem:s31+$0xFFFFFFA0];
	(erf) = vpow2.f32 v6;
	v6 =	vpop (erf);
	[tilespmem:s11+$0xC0] =	vst v5;
	v5 =	vmul.f32 v35, v29  }
0xbb: {  	v17 =	vmul.f32 v30, v2;
	v2 =	vld [tilespmem:s21+$0xFFFFFFF0];
	[tilespmem:s11+$0x20] =	vst v7;
	v28 =	vmul.f32 v6, v20  }
0xbc: {  	s22 =	simm.s32 $0x62A0;
	v18 =	vbroadcast v3, $0x3;
	v25 =	vbroadcast v4, $0x5;
	[tilespmem:s11+$0xFFFFFF20] =	vst v5;
	v5 =	vld [tilespmem:s21+$0x0]  }
0xbd: {  	s20 =	simm.s32 $0x2700;
	v14 =	vmul.f32 v62, v14;
	v7 =	vbroadcast v4, $0x6;
	v54 =	vld [tilespmem:s31+$0x30];
	[tilespmem:s22+$0x10] =	vst v28  }
0xbe: {  	v40 =	vmul.f32 v40, v10;
	v24 =	vbroadcast v11, $0x4;
	v30 =	vld [tilespmem:s20+$0x80]  }
0xbf: {  	v19 =	vld [tilespmem:s1+$0xFFFFFFD0];
	v6 =	vmul.f32 v38, v26;
	v26 =	vbroadcast v3, $0x5;
	v27 =	vpop (erf)  }
0xc0: {  	[tilespmem:s30+$0xFFFFFF50] =	vst v14;
	v29 =	vbroadcast v9, $0x5;
	v21 =	vmul.f32 v27, v2;
	v8 =	vld [tilespmem:s31+$0xD0];
	v2 =	vpop (erf)  }
0xc1: {  	s14 =	simm.s32 $0x1AE0;
	[tilespmem:s11+$0xFFFFFFA0] =	vst v6;
	v20 =	vld [tilespmem:s31+$0xFFFFFF30];
	v27 =	vmul.f32 v2, v5;
	v2 =	vbroadcast v28, $0x0  }
0xc2: {  	v50 =	vld [tilespmem:s14+$0xFFFFFFE0];
	v35 =	vmul.f32 v54, v12;
	v6 =	vbroadcast v11, $0x5;
	[tilespmem:s22+$0xFFFFFFF0] =	vst v21  }
0xc3: {  	v44 =	vbroadcast v21, $0x2;
	v56 =	vld [tilespmem:s20+$0xFFFFFF80];
	[tilespmem:s22+$0x0] =	vst v27;
	v2 =	vmul.f32 v2, v30  }
0xc4: {  	s21 =	simm.s32 $0x6B00;
	v38 =	vbroadcast v21, $0x3;
	[tilespmem:s11+$0x30] =	vst v35;
	v13 =	vmul.f32 v19, v13;
	v30 =	vld [tilespmem:s20+$0x0]  }
0xc5: {  	v10 =	vbroadcast v21, $0x6;
	v33 =	vld [tilespmem:s31+$0x40];
	v8 =	vmul.f32 v8, v29;
	[tilespmem:s21+$0x80] =	vst v2  }
0xc6: {  	[tilespmem:s30+$0xFFFFFFD0] =	vst v13;
	v14 =	vmul.f32 v20, v39;
	v20 =	vbroadcast v21, $0x0;
	v57 =	vld [tilespmem:s20+$0x90]  }
0xc7: {  	v52 =	vld [tilespmem:s14+$0xFFFFFFF0];
	v5 =	vpop (erf);
	[tilespmem:s11+$0xD0] =	vst v8;
	v8 =	vbroadcast v3, $0x6;
	v13 =	vbroadcast v27, $0x0  }
0xc8: {  	v62 =	vld [tilespmem:s23+$0x0];
	v29 =	vmul.f32 v5, v53;
	[tilespmem:s11+$0xFFFFFF30] =	vst v14;
	v14 =	vmul.f32 v20, v56  }
0xc9: {  	v31 =	vld [tilespmem:s31+$0xFFFFFFB0];
	v20 =	vbroadcast v28, $0x1;
	v13 =	vmul.f32 v13, v30  }
0xca: {  	v5 =	vbroadcast v11, $0x6;
	v53 =	vbroadcast v28, $0x3;
	v55 =	vld [tilespmem:s31+$0xE0]  }
0xcb: {  	v12 =	vld [tilespmem:s14+$0x10];
	v24 =	vmul.f32 v33, v24;
	[tilespmem:s21+$0x0] =	vst v13;
	v13 =	vmul.f32 v20, v57  }
0xcc: {  	v36 =	vld [tilespmem:s1+$0xFFFFFFE0];
	v46 =	vbroadcast v27, $0x2;
	v37 =	vbroadcast v27, $0x3;
	[tilespmem:s22+$0xFFFFFFE0] =	vst v29  }
0xcd: {  	v58 =	vbroadcast v29, $0x0;
	v19 =	vld [tilespmem:s20+$0xFFFFFF00];
	v2 =	vbroadcast v9, $0x6;
	[tilespmem:s21+$0x90] =	vst v13  }
0xce: {  	v60 =	vbroadcast v29, $0x1;
	[tilespmem:s21+$0xFFFFFF80] =	vst v14;
	v14 =	vmul.f32 v31, v18;
	v45 =	vld [tilespmem:s20+$0xA0]  }
0xcf: {  	v39 =	vld [tilespmem:s1+$0xFFFFFF60];
	v47 =	vbroadcast v29, $0x3;
	v2 =	vmul.f32 v55, v2  }
0xd0: {  	v56 =	vadd.f32 v12, v49;
	v12 =	vbroadcast v21, $0x5;
	v59 =	vld [tilespmem:s31+$0xFFFFFF40];
	[tilespmem:s11+$0xFFFFFFB0] =	vst v14;
	v14 =	vbroadcast v28, $0x2  }
0xd1: {  	[tilespmem:s11+$0xE0] =	vst v2;
	v2 =	vbroadcast v3, $0x7;
	v3 =	vbroadcast v11, $0x7;
	v11 =	vld [tilespmem:s20+$0xFFFFFF90]  }
0xd2: {  	v9 =	vbroadcast v9, $0x7;
	v19 =	vmul.f32 v58, v19;
	v30 =	vld [tilespmem:s31+$0xF0]  }
0xd3: {  	v15 =	vmul.f32 v36, v15;
	v58 =	vld [tilespmem:s14+$0x0];
	v45 =	vmul.f32 v14, v45  }
0xd4: {  	v18 =	vbroadcast v21, $0x1;
	v49 =	vmul.f32 $2.000000030e-01, v56;
	[tilespmem:s21+$0xFFFFFF00] =	vst v19;
	v61 =	vld [tilespmem:s20+$0x10]  }
0xd5: {  	v31 =	vbroadcast v29, $0x2;
	vm12 =	vgt.f32 v56, $0.0e+00;
	v16 =	vmul.f32 v39, v16;
	v43 =	vld [tilespmem:s20+$0xFFFFFF10];
	[tilespmem:s21+$0xA0] =	vst v45  }
0xd6: {  	[tilespmem:s30+$0xFFFFFFE0] =	vst v15;
	v15 =	vbroadcast v29, $0x7;
	v32 =	vsel vm12, v56, v49;
	v56 =	vbroadcast v28, $0x4;
	v57 =	vld [tilespmem:s20+$0xB0]  }
0xd7: {  	v48 =	vld [tilespmem:s31+$0xFFFFFFC0];
	v13 =	vbroadcast v27, $0x1;
	v30 =	vmul.f32 v30, v9  }
0xd8: {  	v9 =	vmul.f32 v18, v11;
	v18 =	vmul.f32 v59, v63;
	v59 =	vld [tilespmem:s23+$0xFFFFFFE0]  }
0xd9: {  	[tilespmem:s30+$0x50] =	vst v40;
	v32 =	vmul.f32 $1.442695020e+00, v32;
	v63 =	vmul.f32 v13, v61  }
0xda: {  	v54 =	vld [tilespmem:s1+$0x60];
	v20 =	vbroadcast v29, $0x4;
	v11 =	vmul.f32 v60, v43;
	v60 =	vadd.f32 v52, v51;
	[tilespmem:s11+$0xFFFFFF40] =	vst v18  }
0xdb: {  	v36 =	vld [tilespmem:s1+$0xFFFFFFF0];
	(erf) = vpow2.f32 v32;
	v18 =	vadd.f32 v58, v62;
	[tilespmem:s21+$0x10] =	vst v63;
	v42 =	vmul.f32 v57, v53  }
0xdc: {  	v34 =	vmul.f32 v48, v34;
	[tilespmem:s21+$0xFFFFFF10] =	vst v11;
	v49 =	vld [tilespmem:s20+$0x20];
	v61 =	vmul.f32 $2.000000030e-01, v60  }
0xdd: {  	vm13 =	vgt.f32 v60, $0.0e+00;
	v48 =	vld [tilespmem:s20+$0xFFFFFF20];
	v62 =	vadd.f32 v50, v59;
	v50 =	vmul.f32 $2.000000030e-01, v18;
	[tilespmem:s21+$0xB0] =	vst v42  }
0xde: {  	s10 =	simm.s32 $0x2E0;
	[tilespmem:s30+$0xFFFFFF60] =	vst v16;
	v13 =	vbroadcast v29, $0x5;
	vm14 =	vgt.f32 v18, $0.0e+00;
	v35 =	vsel vm13, v60, v61;
	v51 =	vld [tilespmem:s20+$0xC0]  }
0xdf: {  	[tilespmem:s21+$0xFFFFFF90] =	vst v9;
	v58 =	vld [tilespmem:s10+$0x10];
	v52 =	vmul.f32 $2.000000030e-01, v62;
	v16 =	vmul.f32 $1.442695020e+00, v35;
	v18 =	vsel vm14, v18, v50  }
0xe0: {  	v9 =	vbroadcast v29, $0x6;
	v41 =	vld [tilespmem:s20+$0xFFFFFFA0];
	vm15 =	vgt.f32 v62, $0.0e+00;
	v18 =	vmul.f32 $1.442695020e+00, v18  }
0xe1: {  	[tilespmem:s30+$0xF0] =	vst v17;
	v63 =	vld [tilespmem:s31+$0xFFFFFF50];
	v55 =	vsel vm15, v62, v52;
	(erf) = vpow2.f32 v16;
	v29 =	vmul.f32 v46, v49  }
0xe2: {  	[tilespmem:s11+$0xF0] =	vst v30;
	v59 =	vld [tilespmem:s10+$0xFFFFFFE0];
	v17 =	vmul.f32 $1.442695020e+00, v55;
	v30 =	vmul.f32 v31, v48  }
0xe3: {  	[tilespmem:s11+$0xFFFFFFC0] =	vst v34;
	(erf) = vpow2.f32 v18;
	v31 =	vld [tilespmem:s10+$0xFFFFFFF0];
	v16 =	vmul.f32 v51, v56  }
0xe4: {  	v19 =	vbroadcast v21, $0x4;
	v53 =	vld [tilespmem:s31+$0xFFFFFFD0];
	[tilespmem:s21+$0x20] =	vst v29;
	(erf) = vpow2.f32 v17  }
0xe5: {  	v34 =	vmul.f32 v54, v22;
	v14 =	vbroadcast v27, $0x4;
	v57 =	vld [tilespmem:s1+$0xFFFFFF70];
	[tilespmem:s21+$0xC0] =	vst v16  }
0xe6: {  	v25 =	vmul.f32 v63, v25;
	v17 =	vmul.f32 v44, v41;
	[tilespmem:s21+$0xFFFFFF20] =	vst v30;
	v30 =	vpop (erf);
	v61 =	vld [tilespmem:s20+$0xD0]  }
0xe7: {  	[tilespmem:s11+$0x40] =	vst v24;
	v63 =	vld [tilespmem:s20+$0x30];
	v16 =	vbroadcast v21, $0x7;
	v21 =	vmul.f32 v30, v58  }
0xe8: {  	s15 =	simm.s32 $0x62E0;
	v11 =	vbroadcast v27, $0x5;
	v60 =	vld [tilespmem:s10+$0x0];
	v18 =	vbroadcast v27, $0x6;
	[tilespmem:s21+$0xFFFFFFA0] =	vst v17  }
0xe9: {  	s0 =	simm.s32 $0x2900;
	v17 =	vbroadcast v27, $0x7;
	v27 =	vbroadcast v28, $0x5;
	v62 =	vld [tilespmem:s20+$0xFFFFFFB0];
	[tilespmem:s15+$0x10] =	vst v21  }
0xea: {  	v4 =	vbroadcast v4, $0x7;
	[tilespmem:s30+$0x60] =	vst v34;
	v26 =	vmul.f32 v53, v26;
	v51 =	vld [tilespmem:s0+$0x80]  }
0xeb: {  	v32 =	vld [tilespmem:s31+$0x50];
	[tilespmem:s11+$0xFFFFFF50] =	vst v25;
	v52 =	vmul.f32 v57, v23;
	v22 =	vpop (erf);
	v24 =	vmul.f32 v61, v27  }
0xec: {  	v48 =	vmul.f32 v63, v37;
	[tilespmem:s11+$0xFFFFFFD0] =	vst v26;
	v22 =	vmul.f32 v22, v31;
	v23 =	vpop (erf);
	v30 =	vld [tilespmem:s20+$0xFFFFFF30]  }
0xed: {  	v35 =	vld [tilespmem:s1+$0x70];
	v23 =	vmul.f32 v23, v60;
	v26 =	vbroadcast v21, $0x0;
	v27 =	vpop (erf);
	[tilespmem:s21+$0xD0] =	vst v24  }
0xee: {  	v63 =	vbroadcast v28, $0x7;
	[tilespmem:s15+$0xFFFFFFF0] =	vst v22;
	v24 =	vmul.f32 v27, v59;
	v31 =	vld [tilespmem:s20+$0xE0]  }
0xef: {  	v62 =	vmul.f32 v62, v38;
	v53 =	vld [tilespmem:s0+$0xFFFFFF80];
	[tilespmem:s15+$0x0] =	vst v23;
	v26 =	vmul.f32 v26, v51  }
0xf0: {  	s12 =	simm.s32 $0x6D00;
	v41 =	vbroadcast v22, $0x1;
	v34 =	vbroadcast v22, $0x2;
	v56 =	vld [tilespmem:s0+$0x0];
	[tilespmem:s15+$0xFFFFFFE0] =	vst v24  }
0xf1: {  	v25 =	vmul.f32 v30, v47;
	[tilespmem:s12+$0x80] =	vst v26;
	v26 =	vbroadcast v28, $0x6;
	v57 =	vld [tilespmem:s0+$0xFFFFFF00]  }
0xf2: {  	v37 =	vbroadcast v22, $0x4;
	v27 =	vbroadcast v22, $0x0;
	v58 =	vld [tilespmem:s0+$0x90]  }
0xf3: {  	v29 =	vld [tilespmem:s31+$0xFFFFFF60];
	v54 =	vbroadcast v23, $0x0;
	[tilespmem:s21+$0xFFFFFF30] =	vst v25;
	v25 =	vmul.f32 v31, v26  }
0xf4: {  	[tilespmem:s30+$0xFFFFFF70] =	vst v52;
	v30 =	vld [tilespmem:s31+$0xFFFFFFE0];
	v55 =	vbroadcast v24, $0x0;
	v26 =	vmul.f32 v27, v53  }
0xf5: {  	v43 =	vmul.f32 v54, v56;
	v40 =	vld [tilespmem:s20+$0xFFFFFF40];
	v59 =	vbroadcast v21, $0x1;
	[tilespmem:s21+$0xE0] =	vst v25  }
0xf6: {  	v42 =	vbroadcast v23, $0x1;
	v47 =	vmul.f32 v55, v57;
	[tilespmem:s12+$0xFFFFFF80] =	vst v26;
	v60 =	vld [tilespmem:s20+$0xF0]  }
0xf7: {  	[tilespmem:s12+$0x0] =	vst v43;
	v39 =	vbroadcast v24, $0x1;
	v61 =	vmul.f32 v59, v58;
	v44 =	vld [tilespmem:s0+$0xFFFFFF90]  }
0xf8: {  	v33 =	vbroadcast v24, $0x2;
	v45 =	vld [tilespmem:s0+$0x10];
	v38 =	vbroadcast v24, $0x4;
	[tilespmem:s12+$0xFFFFFF00] =	vst v47  }
0xf9: {  	v28 =	vbroadcast v23, $0x4;
	v31 =	vbroadcast v23, $0x2;
	[tilespmem:s12+$0x90] =	vst v61;
	v46 =	vld [tilespmem:s0+$0xFFFFFF10]  }
0xfa: {  	[tilespmem:s21+$0xFFFFFFB0] =	vst v62;
	v27 =	vbroadcast v24, $0x3;
	v25 =	vbroadcast v22, $0x3;
	v47 =	vld [tilespmem:s0+$0xA0]  }
0xfb: {  	s3 =	simm.s32 $0x2900;
	s22 =	simm.s32 $0xC;
	s23 =	simm.s32 $0x1320;
	[tilespmem:s21+$0x30] =	vst v48;
	v43 =	vld [tilespmem:s20+$0xFFFFFFC0];
	v26 =	vbroadcast v23, $0x3;
	v48 =	vmul.f32 v60, v63  }
.LBB2_3:
0xfc: {  	v49 =	vld [tilespmem:s23+$0x10];
	v41 =	vmul.f32 v41, v44;
	s14 =	sadd.s32 $0x40, s14;
	v40 =	vmul.f32 v40, v20;
	v20 =	vmov v38  }
0xfd: {  	s22 =	sadd.s32 $0x4, s22;
	v44 =	vbroadcast v21, $0x2;
	v38 =	vld [tilespmem:s14+$0x10];
	v42 =	vmul.f32 v42, v45;
	[tilespmem:s21+$0xF0] =	vst v48  }
0xfe: {  	p0 =	slt.u32 s22, $0x3C;
	v45 =	vld [tilespmem:s14+$0xFFFFFFE0];
	v39 =	vmul.f32 v39, v46;
	v46 =	vbroadcast v24, $0x5;
	[tilespmem:s12+$0xFFFFFF90] =	vst v41  }
0xff: {  	v48 =	vbroadcast v22, $0x5;
	v41 =	vld [tilespmem:s23+$0xFFFFFFF0];
	[tilespmem:s12+$0x10] =	vst v42;
	v42 =	vmul.f32 v44, v47  }
0x100: {  	v44 =	vld [tilespmem:s14+$0xFFFFFFF0];
	[tilespmem:s12+$0xFFFFFF10] =	vst v39;
	v39 =	vbroadcast v23, $0x5;
	v43 =	vmul.f32 v43, v19;
	v19 =	vmov v37  }
0x101: {  	v32 =	vmul.f32 v32, v6;
	v6 =	vmov v11;
	v47 =	vbroadcast v24, $0x6;
	v37 =	vld [tilespmem:s23+$0x0];
	[tilespmem:s12+$0xA0] =	vst v42  }
0x102: {  	v42 =	vbroadcast v22, $0x6;
	v38 =	vadd.f32 v38, v49;
	v49 =	vbroadcast v23, $0x6;
	v50 =	vld [tilespmem:s0+$0xB0];
	[tilespmem:s21+$0xFFFFFF40] =	vst v40;
	v11 =	vmovc v39  }
0x103: {  	v29 =	vmul.f32 v29, v7;
	v30 =	vmul.f32 v30, v8;
	v7 =	vmovc v9;
	v9 =	vmov v47;
	v39 =	vld [tilespmem:s14+$0x0];
	[tilespmem:s21+$0xFFFFFFC0] =	vst v43  }
0x104: {  	v8 =	vmovc v10;
	v24 =	vbroadcast v24, $0x7;
	v10 =	vmov v42;
	v40 =	vld [tilespmem:s23+$0xFFFFFFE0];
	v43 =	vmul.f32 $2.000000030e-01, v38;
	[tilespmem:s11+$0x50] =	vst v32  }
0x105: {  	v42 =	vbroadcast v21, $0x3;
	vm0 =	vgt.f32 v38, $0.0e+00;
	v32 =	vadd.f32 v44, v41;
	v41 =	vld [tilespmem:s0+$0xFFFFFF20];
	[tilespmem:s11+$0xFFFFFF60] =	vst v29  }
0x106: {  	v22 =	vbroadcast v22, $0x7;
	v23 =	vbroadcast v23, $0x7;
	v29 =	vsel vm0, v38, v43;
	v38 =	vld [tilespmem:s0+$0xFFFFFFA0];
	[tilespmem:s11+$0xFFFFFFE0] =	vst v30  }
0x107: {  	vm0 =	vgt.f32 v32, $0.0e+00;
	v29 =	vmul.f32 $1.442695020e+00, v29;
	v30 =	vld [tilespmem:s0+$0x20];
	v42 =	vmul.f32 v50, v42  }
0x108: {  	v36 =	vmul.f32 v36, v0;
	v0 =	vmovc v2;
	v2 =	vmovc v16;
	v43 =	vmul.f32 $2.000000030e-01, v32;
	v37 =	vadd.f32 v39, v37;
	v39 =	vld [tilespmem:s20+$0x40]  }
0x109: {  	v35 =	vmul.f32 v35, v1;
	v16 =	vmovc v22;
	v40 =	vadd.f32 v45, v40;
	(erf) = vpow2.f32 v29;
	[tilespmem:s12+$0xB0] =	vst v42;
	v29 =	vld [tilespmem:s20+$0xFFFFFF50]  }
0x10a: {  	v1 =	vmovc v3;
	v3 =	vmovc v17;
	v22 =	vsel vm0, v32, v43;
	vm0 =	vgt.f32 v37, $0.0e+00;
	v32 =	vmul.f32 $2.000000030e-01, v37;
	v42 =	vld [tilespmem:s0+$0xC0];
	[tilespmem:s30+$0xFFFFFFF0] =	vst v36  }
0x10b: {  	v17 =	vmovc v23;
	v22 =	vmul.f32 $1.442695020e+00, v22;
	vm1 =	vgt.f32 v40, $0.0e+00;
	v36 =	vmul.f32 $2.000000030e-01, v40;
	v43 =	vld [tilespmem:s20+$0xFFFFFFD0];
	[tilespmem:s30+$0x70] =	vst v35;
	s30 =	smov.u32 s11;
	s11 =	smov.u32 s21;
	s21 =	smov.u32 s12  }
0x10c: {  	v23 =	vsel vm0, v37, v32;
	v32 =	vmul.f32 v33, v41;
	v33 =	vmul.f32 v34, v38;
	v34 =	vld [tilespmem:s31+$0x60]  }
0x10d: {  	s10 =	sadd.s32 $0x40, s10;
	v35 =	vsel vm1, v40, v36;
	v23 =	vmul.f32 $1.442695020e+00, v23;
	v36 =	vbroadcast v21, $0x4;
	v37 =	vld [tilespmem:s31+$0xFFFFFF70]  }
0x10e: {  	v35 =	vmul.f32 $1.442695020e+00, v35;
	v38 =	vld [tilespmem:s10+$0x10];
	(erf) = vpow2.f32 v22;
	[tilespmem:s12+$0xFFFFFF20] =	vst v32  }
0x10f: {  	v40 =	vld [tilespmem:s10+$0xFFFFFFE0];
	(erf) = vpow2.f32 v23;
	[tilespmem:s12+$0xFFFFFFA0] =	vst v33;
	v22 =	vmul.f32 v42, v36  }
0x110: {  	v30 =	vmul.f32 v31, v30;
	v23 =	vld [tilespmem:s10+$0xFFFFFFF0];
	(erf) = vpow2.f32 v35  }
0x111: {  	v31 =	vld [tilespmem:s10+$0x0];
	[tilespmem:s12+$0xC0] =	vst v22;
	v22 =	vmul.f32 v29, v13;
	v29 =	vmul.f32 v39, v14;
	v13 =	vmovc v46;
	v14 =	vmov v28  }
0x112: {  	v32 =	vmul.f32 v43, v12;
	v12 =	vmov v48;
	v33 =	vmul.f32 v34, v5;
	v28 =	vpop (erf);
	[tilespmem:s12+$0x20] =	vst v30;
	v30 =	vld [tilespmem:s0+$0xD0]  }
0x113: {  	v5 =	vmovc v18;
	v18 =	vmov v49;
	v35 =	vmul.f32 v37, v4;
	v28 =	vmul.f32 v28, v38;
	v34 =	vld [tilespmem:s0+$0xFFFFFF30];
	[tilespmem:s11+$0x40] =	vst v29  }
0x114: {  	s15 =	sadd.s32 $0x40, s15;
	v4 =	vmov v15;
	v15 =	vmov v24;
	v37 =	vld [tilespmem:s0+$0xFFFFFFB0];
	[tilespmem:s11+$0xFFFFFF50] =	vst v22  }
0x115: {  	v22 =	vbroadcast v21, $0x5;
	s0 =	sadd.s32 $0x200, s0;
	[tilespmem:s15+$0x10] =	vst v28;
	v38 =	vld [tilespmem:s3+$0x30]  }
0x116: {  	v36 =	vld [tilespmem:s0+$0x80];
	[tilespmem:s11+$0xFFFFFFD0] =	vst v32  }
0x117: {  	v24 =	vpop (erf);
	v30 =	vmul.f32 v30, v22;
	v32 =	vld [tilespmem:s20+$0x50];
	[tilespmem:s30+$0x60] =	vst v33  }
0x118: {  	v22 =	vmul.f32 v24, v23;
	v23 =	vpop (erf);
	v27 =	vmul.f32 v34, v27;
	v29 =	vld [tilespmem:s20+$0xFFFFFF60];
	[tilespmem:s30+$0xFFFFFF70] =	vst v35  }
0x119: {  	v23 =	vmul.f32 v23, v31;
	v31 =	vbroadcast v28, $0x0;
	v24 =	vpop (erf);
	[tilespmem:s12+$0xD0] =	vst v30;
	v30 =	vld [tilespmem:s20+$0xFFFFFFE0]  }
0x11a: {  	v24 =	vmul.f32 v24, v40;
	[tilespmem:s15+$0xFFFFFFF0] =	vst v22;
	v35 =	vbroadcast v22, $0x0;
	v43 =	vld [tilespmem:s3+$0xE0]  }
0x11b: {  	v44 =	vld [tilespmem:s0+$0xFFFFFF80];
	[tilespmem:s15+$0x0] =	vst v23;
	v45 =	vbroadcast v23, $0x0;
	v31 =	vmul.f32 v31, v36  }
0x11c: {  	s12 =	sadd.s32 $0x200, s12;
	[tilespmem:s15+$0xFFFFFFE0] =	vst v24;
	v46 =	vbroadcast v24, $0x0;
	v39 =	vbroadcast v24, $0x1;
	v47 =	vld [tilespmem:s0+$0x0]  }
0x11d: {  	v41 =	vbroadcast v22, $0x1;
	v48 =	vld [tilespmem:s0+$0xFFFFFF00];
	[tilespmem:s12+$0x80] =	vst v31;
	v31 =	vbroadcast v21, $0x6  }
0x11e: {  	v42 =	vbroadcast v23, $0x1;
	v33 =	vbroadcast v24, $0x2;
	v49 =	vld [tilespmem:s0+$0x90];
	[tilespmem:s21+$0xFFFFFF30] =	vst v27  }
0x11f: {  	v34 =	vbroadcast v22, $0x2;
	v40 =	vld [tilespmem:s3+$0xFFFFFF40];
	v27 =	vmul.f32 v43, v31  }
0x120: {  	v31 =	vbroadcast v23, $0x2;
	v43 =	vmul.f32 v35, v44;
	v36 =	vld [tilespmem:s31+$0xFFFFFFF0]  }
0x121: {  	v45 =	vmul.f32 v45, v47;
	v47 =	vbroadcast v28, $0x1;
	[tilespmem:s21+$0xE0] =	vst v27;
	v35 =	vld [tilespmem:s31+$0x70];
	s31 =	smov.u32 s20;
	s20 =	smov.u32 s3;
	s3 =	smov.u32 s0  }
0x122: {  	v27 =	vbroadcast v24, $0x3;
	v46 =	vmul.f32 v46, v48;
	[tilespmem:s12+$0xFFFFFF80] =	vst v43;
	v48 =	vld [tilespmem:s20+$0xF0]  }
.Ltmp0:
0x123: {  	v43 =	vbroadcast v22, $0x3;
	v44 =	vld [tilespmem:s0+$0xFFFFFF90];
	[tilespmem:s12+$0x0] =	vst v45;
	v47 =	vmul.f32 v47, v49;
	(pc) =	sbr.rel @p0 .LBB2_3-.Ltmp0, $4  }
0x124: {  	v50 =	vmul.f32 v37, v25;
	v49 =	vbroadcast v23, $0x3;
	[tilespmem:s12+$0xFFFFFF00] =	vst v46;
	v45 =	vld [tilespmem:s0+$0x10]  }
0x125: {  	v52 =	vbroadcast v21, $0x7;
	v51 =	vmul.f32 v38, v26;
	v21 =	vmovc v28;
	v25 =	vmov v43;
	v46 =	vld [tilespmem:s0+$0xFFFFFF10];
	[tilespmem:s12+$0x90] =	vst v47  }
0x126: {  	v37 =	vbroadcast v22, $0x4;
	v38 =	vbroadcast v24, $0x4;
	v26 =	vmov v49;
	v47 =	vld [tilespmem:s0+$0xA0];
	[tilespmem:s21+$0xFFFFFFB0] =	vst v50  }
0x127: {  	s23 =	sadd.s32 $0x40, s23;
	v28 =	vbroadcast v23, $0x4;
	v43 =	vld [tilespmem:s20+$0xFFFFFFC0];
	[tilespmem:s21+$0x30] =	vst v51;
	v48 =	vmul.f32 v48, v52  }
0x128: {  	_ = 	snop  }
0x129: {  	v49 =	vbroadcast v21, $0x2;
	_ =	sdelay $0x1  }
0x12a: {  	v47 =	vmul.f32 v49, v47;
	_ =	sdelay $0x1  }
0x12b: {  	[tilespmem:s12+$0xA0] =	vst v47  }
0x12c: {  	v47 =	vld [tilespmem:s0+$0xB0]  }
0x12d: {  	v39 =	vmul.f32 v39, v46  }
0x12e: {  	v41 =	vmul.f32 v41, v44  }
0x12f: {  	v54 =	vbroadcast v21, $0x3;
	v42 =	vmul.f32 v42, v45;
	[tilespmem:s12+$0xFFFFFF10] =	vst v39  }
0x130: {  	[tilespmem:s12+$0xFFFFFF90] =	vst v41;
	v55 =	vld [tilespmem:s0+$0xFFFFFF20]  }
0x131: {  	[tilespmem:s12+$0x10] =	vst v42;
	v56 =	vld [tilespmem:s0+$0xFFFFFFA0];
	v39 =	vmul.f32 v47, v54  }
0x132: {  	v57 =	vld [tilespmem:s0+$0x20]  }
0x133: {  	[tilespmem:s12+$0xB0] =	vst v39  }
0x134: {  	v39 =	vld [tilespmem:s0+$0xC0]  }
0x135: {  	v33 =	vmul.f32 v33, v55  }
0x136: {  	[tilespmem:s21+$0xF0] =	vst v48;
	v34 =	vmul.f32 v34, v56  }
0x137: {  	v58 =	vbroadcast v21, $0x4;
	v31 =	vmul.f32 v31, v57;
	[tilespmem:s12+$0xFFFFFF20] =	vst v33  }
0x138: {  	v20 =	vmul.f32 v40, v20;
	[tilespmem:s12+$0xFFFFFFA0] =	vst v34;
	v33 =	vld [tilespmem:s0+$0xFFFFFF30]  }
0x139: {  	[tilespmem:s12+$0x20] =	vst v31;
	v31 =	vld [tilespmem:s0+$0xFFFFFFB0];
	v59 =	vmul.f32 v39, v58  }
0x13a: {  	[tilespmem:s21+$0xFFFFFF40] =	vst v20;
	v19 =	vmul.f32 v43, v19;
	v20 =	vld [tilespmem:s3+$0x30]  }
0x13b: {  	v6 =	vmul.f32 v32, v6;
	[tilespmem:s12+$0xC0] =	vst v59  }
0x13c: {  	v7 =	vmul.f32 v29, v7;
	[tilespmem:s21+$0xFFFFFFC0] =	vst v19;
	v19 =	vld [tilespmem:s0+$0xD0]  }
0x13d: {  	[tilespmem:s11+$0x50] =	vst v6;
	v6 =	vmul.f32 v33, v27  }
0x13e: {  	[tilespmem:s11+$0xFFFFFF60] =	vst v7;
	v7 =	vmul.f32 v31, v25  }
0x13f: {  	v25 =	vld [tilespmem:s20+$0x40];
	v27 =	vbroadcast v21, $0x5;
	[tilespmem:s12+$0xFFFFFF30] =	vst v6;
	v6 =	vmul.f32 v20, v26  }
0x140: {  	v8 =	vmul.f32 v30, v8;
	[tilespmem:s12+$0xFFFFFFB0] =	vst v7;
	v20 =	vld [tilespmem:s3+$0xFFFFFF40]  }
0x141: {  	[tilespmem:s12+$0x30] =	vst v6;
	v7 =	vmul.f32 v19, v27;
	v19 =	vld [tilespmem:s3+$0xFFFFFFC0]  }
0x142: {  	v0 =	vmul.f32 v36, v0;
	[tilespmem:s11+$0xFFFFFFE0] =	vst v8;
	v6 =	vld [tilespmem:s3+$0x40]  }
0x143: {  	v1 =	vmul.f32 v35, v1;
	v8 =	vld [tilespmem:s20+$0xFFFFFF50];
	[tilespmem:s12+$0xD0] =	vst v7  }
0x144: {  	[tilespmem:s30+$0xFFFFFFF0] =	vst v0;
	v0 =	vmul.f32 v25, v14;
	v7 =	vld [tilespmem:s3+$0xE0]  }
0x145: {  	[tilespmem:s30+$0x70] =	vst v1;
	v14 =	vld [tilespmem:s20+$0xFFFFFFD0];
	v1 =	vmul.f32 v20, v38  }
0x146: {  	[tilespmem:s21+$0x40] =	vst v0;
	v20 =	vld [tilespmem:s31+$0x60];
	v0 =	vmul.f32 v19, v37  }
0x147: {  	v25 =	vbroadcast v21, $0x6;
	[tilespmem:s12+$0xFFFFFF40] =	vst v1;
	v1 =	vmul.f32 v6, v28;
	v19 =	vld [tilespmem:s20+$0x50]  }
0x148: {  	v6 =	vmul.f32 v8, v13;
	[tilespmem:s12+$0xFFFFFFC0] =	vst v0;
	v0 =	vld [tilespmem:s3+$0xFFFFFF50]  }
0x149: {  	[tilespmem:s12+$0x40] =	vst v1;
	v7 =	vmul.f32 v7, v25;
	v8 =	vld [tilespmem:s3+$0xFFFFFFD0]  }
0x14a: {  	v1 =	vmul.f32 v14, v12;
	[tilespmem:s21+$0xFFFFFF50] =	vst v6;
	v6 =	vld [tilespmem:s3+$0x50]  }
0x14b: {  	v13 =	vld [tilespmem:s31+$0xFFFFFF70];
	v12 =	vbroadcast v24, $0x5;
	v5 =	vmul.f32 v20, v5;
	[tilespmem:s12+$0xE0] =	vst v7  }
0x14c: {  	[tilespmem:s21+$0xFFFFFFD0] =	vst v1;
	v7 =	vbroadcast v22, $0x5;
	v11 =	vmul.f32 v19, v11;
	v1 =	vld [tilespmem:s3+$0xF0]  }
0x14d: {  	v14 =	vbroadcast v23, $0x5;
	[tilespmem:s11+$0x60] =	vst v5;
	v5 =	vld [tilespmem:s20+$0xFFFFFF60];
	v0 =	vmul.f32 v0, v12  }
0x14e: {  	v12 =	vld [tilespmem:s20+$0xFFFFFFE0];
	[tilespmem:s21+$0x50] =	vst v11;
	v7 =	vmul.f32 v8, v7  }
0x14f: {  	v8 =	vbroadcast v21, $0x7;
	v11 =	vld [tilespmem:s20+$0x60];
	[tilespmem:s12+$0xFFFFFF50] =	vst v0;
	v0 =	vmul.f32 v6, v14  }
0x150: {  	v4 =	vmul.f32 v13, v4;
	[tilespmem:s12+$0xFFFFFFD0] =	vst v7;
	v6 =	vld [tilespmem:s3+$0xFFFFFF60]  }
0x151: {  	v1 =	vmul.f32 v1, v8;
	v7 =	vld [tilespmem:s3+$0xFFFFFFE0];
	[tilespmem:s12+$0x50] =	vst v0  }
0x152: {  	[tilespmem:s11+$0xFFFFFF70] =	vst v4;
	v0 =	vmul.f32 v5, v9;
	v4 =	vld [tilespmem:s3+$0x60]  }
0x153: {  	v5 =	vbroadcast v24, $0x6;
	v8 =	vld [tilespmem:s31+$0xFFFFFFF0];
	[tilespmem:s12+$0xF0] =	vst v1;
	v1 =	vmul.f32 v12, v10  }
0x154: {  	v9 =	vbroadcast v22, $0x6;
	v10 =	vld [tilespmem:s31+$0x70];
	[tilespmem:s21+$0xFFFFFF60] =	vst v0;
	v0 =	vmul.f32 v11, v18  }
0x155: {  	v11 =	vbroadcast v23, $0x6;
	[tilespmem:s21+$0xFFFFFFE0] =	vst v1;
	v1 =	vld [tilespmem:s20+$0xFFFFFF70];
	v5 =	vmul.f32 v6, v5  }
0x156: {  	[tilespmem:s21+$0x60] =	vst v0;
	v0 =	vld [tilespmem:s20+$0xFFFFFFF0];
	v6 =	vmul.f32 v7, v9  }
0x157: {  	v7 =	vld [tilespmem:s20+$0x70];
	[tilespmem:s12+$0xFFFFFF60] =	vst v5;
	v4 =	vmul.f32 v4, v11  }
0x158: {  	v2 =	vmul.f32 v8, v2;
	[tilespmem:s12+$0xFFFFFFE0] =	vst v6;
	v5 =	vld [tilespmem:s3+$0xFFFFFF70]  }
0x159: {  	v3 =	vmul.f32 v10, v3;
	[tilespmem:s12+$0x60] =	vst v4;
	v4 =	vld [tilespmem:s3+$0xFFFFFFF0]  }
0x15a: {  	[tilespmem:s11+$0xFFFFFFF0] =	vst v2;
	v1 =	vmul.f32 v1, v15;
	v2 =	vld [tilespmem:s3+$0x70]  }
0x15b: {  	v6 =	vbroadcast v24, $0x7;
	[tilespmem:s11+$0x70] =	vst v3;
	v0 =	vmul.f32 v0, v16  }
0x15c: {  	v3 =	vbroadcast v22, $0x7;
	[tilespmem:s21+$0xFFFFFF70] =	vst v1;
	v1 =	vmul.f32 v7, v17  }
0x15d: {  	v7 =	vbroadcast v23, $0x7;
	[tilespmem:s21+$0xFFFFFFF0] =	vst v0;
	v0 =	vmul.f32 v5, v6  }
0x15e: {  	[tilespmem:s21+$0x70] =	vst v1;
	v1 =	vmul.f32 v4, v3  }
0x15f: {  	[tilespmem:s12+$0xFFFFFF70] =	vst v0;
	v0 =	vmul.f32 v2, v7  }
0x160: {  	[tilespmem:s12+$0xFFFFFFF0] =	vst v1  }
0x161: {  	s1 =	rddreg [dreg:$0x3];
	s3 =	simm.s32 $0x6200;
	[tilespmem:s12+$0x70] =	vst v0  }
0x162: {  	[spmem:s1] =	stream.indirect.scatter.add.f32 [tilespmem:s3], [sflag:$0x3], $0x10, s28, s28, $0xb8;
	[tilespmem:$0x1EE00] =	vst v63  }
0x163: {  	_ =	swait.ge [sflag:s25], $0x400  }
0x164: {  	[sflag:s25] =	ssyncset.done $0x0  }
0x165: {  	[sflag:s25] =	ssyncadd.s32 $0xFFFFFC00  }
0x166: {  	s10 =	simm.s32 $0x6600;
	s11 =	rddreg [dreg:$0x2]  }
0x167: {  	[spmem:s11] =	stream.indirect.scatter.add.f32 [tilespmem:s10], [sflag:$0x3], $0x80, s28, s28, $0xb8;
	[tilespmem:$0x1EE00] =	vst v63  }
0x168: {  	_ =	swait.ge [sflag:s25], $0x2000  }
0x169: {  	[sflag:s25] =	ssyncset.done $0x0  }
0x16a: {  	[sflag:s25] =	ssyncadd.s32 $0xFFFFE000  }
0x16b: {  	_ =	swait.ge [sflag:s26], $0x80  }
0x16c: {  	[sflag:s26] =	ssyncset.done $0x0  }
0x16d: {  	[sflag:s26] =	ssyncadd.s32 $0xFFFFFF80  }
0x16e: {  	_ =	swait.ge [sflag:s26], $0x400  }
0x16f: {  	[sflag:s26] =	ssyncset.done $0x0  }
0x170: {  	s13 =	simm.s32 $0x100;
	s12 =	simm.s32 $0x1200;
	[sflag:s26] =	ssyncadd.s32 $0xFFFFFC00  }
0x171: {  	[tilespmem:s12], [sflag:$0x2] =	stream.indirect.gather [hbm4b:s7+s28], $0x10, s13, s28, $0xb8;
	[tilespmem:$0x1EE00] =	vst v63  }
0x172: {  	s14 =	simm.s32 $0x1A00  }
0x173: {  	[tilespmem:s14], [sflag:$0x2] =	stream.indirect.gather [hbm4b:s8+s28], $0x10, s19, s28, $0xb8;
	[tilespmem:$0x1EE00] =	vst v63  }
0x174: {  	s19 =	sadd.s32 $0x3, s29  }
0x175: {  	s15 =	simm.s32 $0x2200;
	s20 =	sshll.u32 s19, $0x4  }
0x176: {  	[tilespmem:s15], [sflag:$0x2] =	stream.indirect.gather [hbm4b:s9+s28], $0x80, s13, s28, $0xb8;
	[tilespmem:$0x1EE00] =	vst v63  }
0x177: {  	s0 =	sshll.u32 s19, $0x7;
	s3 =	sand.u32 $0x1FFFFFF0, s20  }
0x178: {  	s0 =	sand.u32 $0x1FFFFF80, s0;
	s3 =	sadd.s32 s5, s3  }
0x179: {  	[tilespmem:s2], [sflag:$0x1] =	stream.linear.gather [hbm4b:s3+s4], $0x80, $0x38;
	[tilespmem:$0x1EE00] =	vst v63  }
0x17a: {  	s21 =	simm.s32 $0xE00;
	s0 =	sadd.s32 s6, s0  }
0x17b: {  	[tilespmem:s21], [sflag:$0x1] =	stream.linear.gather [hbm4b:s0+s4], $0x400, $0x38;
	[tilespmem:$0x1EE00] =	vst v63  }
0x17c: {  	_ =	swait.ge [sflag:s17], $0x400  }
0x17d: {  	[sflag:s17] =	ssyncset.done $0x0  }
0x17e: {  	[sflag:s17] =	ssyncadd.s32 $0xFFFFFC00  }
0x17f: {  	_ =	swait.ge [sflag:s17], $0x400  }
0x180: {  	[sflag:s17] =	ssyncset.done $0x0  }
0x181: {  	[sflag:s17] =	ssyncadd.s32 $0xFFFFFC00  }
0x182: {  	_ =	swait.ge [sflag:s17], $0x2000  }
0x183: {  	[sflag:s17] =	ssyncset.done $0x0  }
0x184: {  	s22 =	simm.s32 $0x1630;
	[sflag:s17] =	ssyncadd.s32 $0xFFFFE000  }
0x185: {  	s23 =	simm.s32 $0x1E30;
	v0 =	vld [tilespmem:s22+$0x0]  }
0x186: {  	v1 =	vld [tilespmem:s23+$0x0];
	_ =	sdelay $0x4  }
0x187: {  	v0 =	vadd.f32 v1, v0;
	_ =	sdelay $0x1  }
0x188: {  	v1 =	vmul.f32 $2.000000030e-01, v0  }
0x189: {  	vm0 =	vgt.f32 v0, $0.0e+00  }
0x18a: {  	v2 =	vld [tilespmem:s23+$0xFFFFFFE0];
	v0 =	vsel vm0, v0, v1  }
0x18b: {  	v3 =	vld [tilespmem:s23+$0xFFFFFFD0];
	v0 =	vmul.f32 $1.442695020e+00, v0  }
0x18c: {  	v4 =	vld [tilespmem:s23+$0xFFFFFFF0]  }
0x18d: {  	v1 =	vld [tilespmem:s22+$0xFFFFFFE0];
	(erf) = vpow2.f32 v0  }
0x18e: {  	v5 =	vld [tilespmem:s22+$0xFFFFFFD0]  }
0x18f: {  	v0 =	vld [tilespmem:s22+$0xFFFFFFF0];
	_ =	sdelay $0x1  }
0x190: {  	s31 =	simm.s32 $0x630  }
0x191: {  	v1 =	vadd.f32 v2, v1;
	v2 =	vld [tilespmem:s31+$0x0];
	_ =	sdelay $0x1  }
0x192: {  	v3 =	vadd.f32 v3, v5;
	v6 =	vmul.f32 $2.000000030e-01, v1;
	v0 =	vadd.f32 v4, v0  }
0x193: {  	vm14 =	vgt.f32 v1, $0.0e+00  }
0x194: {  	v1 =	vsel vm14, v1, v6;
	v6 =	vmul.f32 $2.000000030e-01, v3;
	v4 =	vmul.f32 $2.000000030e-01, v0;
	v5 =	vpop (erf)  }
0x195: {  	v1 =	vmul.f32 $1.442695020e+00, v1;
	vm15 =	vgt.f32 v0, $0.0e+00;
	v2 =	vmul.f32 v5, v2  }
0x196: {  	s10 =	simm.s32 $0x6220;
	vm1 =	vgt.f32 v3, $0.0e+00;
	v0 =	vsel vm15, v0, v4  }
0x197: {  	s2 =	simm.s32 $0x43F0;
	(erf) = vpow2.f32 v1;
	v1 =	vsel vm1, v3, v6;
	v0 =	vmul.f32 $1.442695020e+00, v0;
	[tilespmem:s10+$0x10] =	vst v2  }
0x198: {  	v1 =	vmul.f32 $1.442695020e+00, v1;
	v3 =	vld [tilespmem:s2+$0xFFFFFF90]  }
0x199: {  	(erf) = vpow2.f32 v0  }
0x19a: {  	(erf) = vpow2.f32 v1  }
0x19b: {  	v1 =	vbroadcast v2, $0x0;
	_ =	sdelay $0x1  }
0x19c: {  	v4 =	vld [tilespmem:s31+$0xFFFFFFD0];
	v1 =	vmul.f32 v1, v3  }
0x19d: {  	s29 =	simm.s32 $0x6700;
	v3 =	vld [tilespmem:s31+$0xFFFFFFF0]  }
0x19e: {  	v0 =	vld [tilespmem:s31+$0xFFFFFFE0];
	[tilespmem:s29+$0x80] =	vst v1  }
0x19f: {  	v6 =	vld [tilespmem:s2+$0xFFFFFFA0]  }
0x1a0: {  	v5 =	vpop (erf)  }
0x1a1: {  	s13 =	simm.s32 $0x1670;
	v1 =	vpop (erf)  }
0x1a2: {  	v10 =	vld [tilespmem:s13+$0xFFFFFFE0];
	v8 =	vbroadcast v2, $0x1;
	v1 =	vmul.f32 v1, v3;
	v3 =	vpop (erf)  }
0x1a3: {  	s14 =	simm.s32 $0x1E70;
	v0 =	vmul.f32 v5, v0;
	v5 =	vmul.f32 v3, v4;
	v3 =	vld [tilespmem:s13+$0x0]  }
0x1a4: {  	v4 =	vmul.f32 v8, v6;
	v6 =	vld [tilespmem:s14+$0x0]  }
0x1a5: {  	v11 =	vld [tilespmem:s14+$0xFFFFFFE0]  }
0x1a6: {  	v13 =	vld [tilespmem:s14+$0xFFFFFFF0];
	[tilespmem:s10+$0xFFFFFFE0] =	vst v5  }
0x1a7: {  	v9 =	vld [tilespmem:s2+$0xFFFFFE10]  }
0x1a8: {  	v16 =	vld [tilespmem:s14+$0xFFFFFFD0];
	[tilespmem:s29+$0x90] =	vst v4  }
0x1a9: {  	[tilespmem:s10+$0x0] =	vst v1;
	v4 =	vld [tilespmem:s2+$0xFFFFFFB0];
	v3 =	vadd.f32 v6, v3  }
0x1aa: {  	v8 =	vld [tilespmem:s2+$0xFFFFFF10];
	v12 =	vbroadcast v5, $0x0  }
0x1ab: {  	v6 =	vld [tilespmem:s13+$0xFFFFFFF0];
	v14 =	vmul.f32 $2.000000030e-01, v3  }
0x1ac: {  	v15 =	vbroadcast v2, $0x2;
	[tilespmem:s10+$0xFFFFFFF0] =	vst v0;
	v9 =	vmul.f32 v12, v9;
	v12 =	vld [tilespmem:s13+$0xFFFFFFD0];
	vm4 =	vgt.f32 v3, $0.0e+00  }
0x1ad: {  	v7 =	vld [tilespmem:s2+$0xFFFFFE90];
	v3 =	vsel vm4, v3, v14  }
0x1ae: {  	v4 =	vmul.f32 v15, v4;
	v3 =	vmul.f32 $1.442695020e+00, v3  }
0x1af: {  	[tilespmem:s29+$0xFFFFFF00] =	vst v9;
	v9 =	vadd.f32 v11, v10;
	v14 =	vbroadcast v1, $0x0  }
0x1b0: {  	v17 =	vbroadcast v0, $0x0;
	[tilespmem:s29+$0xA0] =	vst v4;
	v4 =	vadd.f32 v13, v6;
	(erf) = vpow2.f32 v3  }
0x1b1: {  	v11 =	vadd.f32 v16, v12;
	v3 =	vmul.f32 v14, v8;
	v8 =	vmul.f32 $2.000000030e-01, v9  }
0x1b2: {  	v7 =	vmul.f32 v17, v7;
	v15 =	vbroadcast v5, $0x1;
	vm5 =	vgt.f32 v9, $0.0e+00;
	v6 =	vld [tilespmem:s2+$0xFFFFFFC0]  }
0x1b3: {  	v12 =	vmul.f32 $2.000000030e-01, v4;
	v8 =	vsel vm5, v9, v8;
	v9 =	vmul.f32 $2.000000030e-01, v11  }
0x1b4: {  	v10 =	vld [tilespmem:s2+$0xFFFFFE20];
	v13 =	vbroadcast v2, $0x3;
	vm6 =	vgt.f32 v4, $0.0e+00;
	vm7 =	vgt.f32 v11, $0.0e+00  }
0x1b5: {  	s15 =	simm.s32 $0x670;
	[tilespmem:s29+$0xFFFFFF80] =	vst v7;
	v4 =	vsel vm6, v4, v12;
	v8 =	vmul.f32 $1.442695020e+00, v8;
	v7 =	vsel vm7, v11, v9  }
0x1b6: {  	v12 =	vld [tilespmem:s15+$0x0];
	[tilespmem:s29+$0x0] =	vst v3;
	v4 =	vmul.f32 $1.442695020e+00, v4;
	v3 =	vmul.f32 $1.442695020e+00, v7  }
0x1b7: {  	v6 =	vmul.f32 v6, v13;
	(erf) = vpow2.f32 v8;
	v8 =	vld [tilespmem:s2+$0xFFFFFEA0]  }
0x1b8: {  	(erf) = vpow2.f32 v4;
	v4 =	vld [tilespmem:s2+$0xFFFFFF20]  }
0x1b9: {  	v10 =	vmul.f32 v15, v10;
	[tilespmem:s29+$0xB0] =	vst v6  }
0x1ba: {  	s21 =	simm.s32 $0x1EB0;
	v7 =	vbroadcast v0, $0x1;
	v6 =	vld [tilespmem:s2+$0xFFFFFFD0];
	(erf) = vpow2.f32 v3;
	v3 =	vpop (erf)  }
0x1bb: {  	v60 =	vld [tilespmem:s21+$0xFFFFFFD0];
	[tilespmem:s29+$0xFFFFFF10] =	vst v10;
	v9 =	vmul.f32 v3, v12;
	v3 =	vbroadcast v1, $0x1  }
0x1bc: {  	v10 =	vld [tilespmem:s2+$0xFFFFFE30];
	v7 =	vmul.f32 v7, v8  }
0x1bd: {  	s19 =	simm.s32 $0x6260;
	v11 =	vld [tilespmem:s15+$0xFFFFFFE0];
	v8 =	vbroadcast v2, $0x4;
	v3 =	vmul.f32 v3, v4  }
0x1be: {  	s30 =	simm.s32 $0x45F0;
	v12 =	vld [tilespmem:s15+$0xFFFFFFF0];
	[tilespmem:s19+$0x10] =	vst v9  }
0x1bf: {  	v13 =	vbroadcast v5, $0x2;
	v6 =	vmul.f32 v6, v8;
	v4 =	vld [tilespmem:s30+$0xFFFFFF90]  }
0x1c0: {  	v61 =	vbroadcast v2, $0x6;
	v24 =	vbroadcast v0, $0x4;
	[tilespmem:s29+$0xFFFFFF90] =	vst v7;
	v7 =	vld [tilespmem:s15+$0xFFFFFFD0]  }
0x1c1: {  	v19 =	vbroadcast v1, $0x3;
	v10 =	vmul.f32 v13, v10;
	v15 =	vld [tilespmem:s2+$0xFFFFFEB0];
	[tilespmem:s29+$0x10] =	vst v3;
	v3 =	vpop (erf)  }
0x1c2: {  	v16 =	vbroadcast v9, $0x0;
	[tilespmem:s29+$0xC0] =	vst v6;
	v13 =	vld [tilespmem:s2+$0xFFFFFF30];
	v3 =	vmul.f32 v3, v11  }
0x1c3: {  	s20 =	simm.s32 $0x16B0;
	v27 =	vbroadcast v1, $0x4;
	v14 =	vbroadcast v0, $0x2;
	[tilespmem:s29+$0xFFFFFF20] =	vst v10;
	v10 =	vld [tilespmem:s2+$0xFFFFFFE0];
	v6 =	vpop (erf)  }
0x1c4: {  	v62 =	vld [tilespmem:s20+$0xFFFFFFE0];
	v8 =	vbroadcast v1, $0x2;
	v18 =	vpop (erf);
	v16 =	vmul.f32 v16, v4;
	[tilespmem:s19+$0xFFFFFFF0] =	vst v3  }
0x1c5: {  	s11 =	simm.s32 $0x6900;
	v11 =	vmul.f32 v6, v12;
	v4 =	vmul.f32 v18, v7;
	v7 =	vld [tilespmem:s30+$0xFFFFFE90]  }
0x1c6: {  	v46 =	vld [tilespmem:s21+$0xFFFFFFE0];
	v14 =	vmul.f32 v14, v15;
	v15 =	vbroadcast v2, $0x5;
	[tilespmem:s11+$0x80] =	vst v16  }
0x1c7: {  	v22 =	vbroadcast v1, $0x6;
	[tilespmem:s19+$0x0] =	vst v11;
	v8 =	vmul.f32 v8, v13;
	v13 =	vld [tilespmem:s30+$0xFFFFFFA0]  }
0x1c8: {  	v12 =	vld [tilespmem:s2+$0xFFFFFE40];
	[tilespmem:s29+$0xFFFFFFA0] =	vst v14;
	v10 =	vmul.f32 v10, v15;
	v14 =	vbroadcast v3, $0x0  }
0x1c9: {  	v48 =	vld [tilespmem:s20+$0xFFFFFFF0];
	v20 =	vbroadcast v5, $0x4;
	v23 =	vbroadcast v5, $0x7;
	[tilespmem:s19+$0xFFFFFFE0] =	vst v4  }
0x1ca: {  	v18 =	vld [tilespmem:s30+$0xFFFFFF10];
	[tilespmem:s29+$0xD0] =	vst v10;
	v10 =	vbroadcast v9, $0x1;
	v7 =	vmul.f32 v14, v7  }
0x1cb: {  	v17 =	vbroadcast v5, $0x3;
	v52 =	vbroadcast v9, $0x3;
	v15 =	vld [tilespmem:s30+$0xFFFFFE10]  }
0x1cc: {  	v50 =	vld [tilespmem:s21+$0xFFFFFFF0];
	v6 =	vbroadcast v0, $0x3;
	[tilespmem:s11+$0xFFFFFF80] =	vst v7;
	v7 =	vmul.f32 v10, v13  }
0x1cd: {  	v16 =	vbroadcast v11, $0x0;
	[tilespmem:s29+$0x20] =	vst v8;
	v8 =	vld [tilespmem:s2+$0xFFFFFEC0];
	v12 =	vmul.f32 v12, v17  }
0x1ce: {  	v2 =	vbroadcast v2, $0x7;
	v21 =	vld [tilespmem:s2+$0xFFFFFFF0];
	v14 =	vbroadcast v4, $0x0;
	[tilespmem:s11+$0x90] =	vst v7  }
0x1cf: {  	[tilespmem:s29+$0xFFFFFF30] =	vst v12;
	v12 =	vmul.f32 v16, v18;
	v16 =	vbroadcast v5, $0x6;
	v7 =	vld [tilespmem:s30+$0xFFFFFFB0]  }
0x1d0: {  	v15 =	vmul.f32 v14, v15;
	v14 =	vbroadcast v5, $0x5;
	v5 =	vld [tilespmem:s20+$0x0]  }
0x1d1: {  	v31 =	vbroadcast v3, $0x1;
	v47 =	vbroadcast v3, $0x2;
	[tilespmem:s11+$0x0] =	vst v12;
	v12 =	vld [tilespmem:s21+$0x0]  }
0x1d2: {  	v34 =	vbroadcast v3, $0x4;
	v17 =	vld [tilespmem:s2+$0xFFFFFF40];
	v18 =	vbroadcast v9, $0x2  }
0x1d3: {  	v45 =	vbroadcast v11, $0x1;
	v25 =	vld [tilespmem:s2+$0xFFFFFE50];
	v6 =	vmul.f32 v8, v6  }
0x1d4: {  	v30 =	vbroadcast v4, $0x1;
	v26 =	vld [tilespmem:s30+$0xFFFFFEA0];
	[tilespmem:s11+$0xFFFFFF00] =	vst v15;
	v7 =	vmul.f32 v18, v7  }
0x1d5: {  	v63 =	vbroadcast v4, $0x2;
	v21 =	vmul.f32 v21, v61;
	v28 =	vld [tilespmem:s30+$0xFFFFFF20];
	[tilespmem:s29+$0xFFFFFFB0] =	vst v6  }
0x1d6: {  	v49 =	vbroadcast v4, $0x3;
	v33 =	vbroadcast v4, $0x4;
	v6 =	vld [tilespmem:s20+$0xFFFFFFD0];
	v5 =	vadd.f32 v12, v5;
	[tilespmem:s11+$0xA0] =	vst v7  }
0x1d7: {  	v13 =	vbroadcast v0, $0x5;
	v17 =	vmul.f32 v17, v19;
	[tilespmem:s29+$0xE0] =	vst v21;
	v21 =	vadd.f32 v46, v62;
	v8 =	vld [tilespmem:s30+$0xFFFFFFC0]  }
0x1d8: {  	v29 =	vld [tilespmem:s30+$0xFFFFFE20];
	v20 =	vmul.f32 v25, v20;
	v51 =	vmul.f32 $2.000000030e-01, v5  }
0x1d9: {  	v26 =	vmul.f32 v31, v26;
	v31 =	vmul.f32 $2.000000030e-01, v21;
	vm8 =	vgt.f32 v5, $0.0e+00  }
0x1da: {  	v10 =	vbroadcast v1, $0x5;
	v19 =	vld [tilespmem:s2+$0xFFFFFED0];
	vm9 =	vgt.f32 v21, $0.0e+00;
	[tilespmem:s29+$0xFFFFFF40] =	vst v20;
	v5 =	vsel vm8, v5, v51  }
0x1db: {  	[tilespmem:s29+$0x30] =	vst v17;
	v25 =	vmul.f32 v45, v28;
	v53 =	vld [tilespmem:s2+$0xFFFFFE60];
	v21 =	vsel vm9, v21, v31;
	v5 =	vmul.f32 $1.442695020e+00, v5  }
0x1dc: {  	s22 =	simm.s32 $0x6B0;
	v28 =	vadd.f32 v50, v48;
	v17 =	vmul.f32 $1.442695020e+00, v21;
	v21 =	vld [tilespmem:s2+$0xFFFFFF50];
	v8 =	vmul.f32 v8, v52  }
0x1dd: {  	v54 =	vld [tilespmem:s22+$0xFFFFFFD0];
	v6 =	vadd.f32 v60, v6;
	v29 =	vmul.f32 v30, v29;
	[tilespmem:s11+$0x10] =	vst v25;
	(erf) = vpow2.f32 v5  }
0x1de: {  	vm10 =	vgt.f32 v28, $0.0e+00;
	v7 =	vbroadcast v11, $0x2;
	v31 =	vld [tilespmem:s30+$0xFFFFFF30];
	[tilespmem:s11+$0xB0] =	vst v8;
	v8 =	vmul.f32 $2.000000030e-01, v28  }
0x1df: {  	vm11 =	vgt.f32 v6, $0.0e+00;
	v5 =	vmul.f32 v19, v24;
	v24 =	vmul.f32 $2.000000030e-01, v6;
	v19 =	vld [tilespmem:s30+$0xFFFFFFD0]  }
0x1e0: {  	v20 =	vld [tilespmem:s22+$0x0];
	[tilespmem:s11+$0xFFFFFF10] =	vst v29;
	v14 =	vmul.f32 v53, v14;
	(erf) = vpow2.f32 v17;
	v8 =	vsel vm10, v28, v8  }
0x1e1: {  	[tilespmem:s11+$0xFFFFFF90] =	vst v26;
	v29 =	vld [tilespmem:s30+$0xFFFFFE30];
	v21 =	vmul.f32 v21, v27;
	v6 =	vsel vm11, v6, v24;
	v8 =	vmul.f32 $1.442695020e+00, v8  }
0x1e2: {  	v30 =	vld [tilespmem:s2+$0x0];
	[tilespmem:s29+$0xFFFFFF50] =	vst v14;
	v24 =	vbroadcast v9, $0x4;
	v6 =	vmul.f32 $1.442695020e+00, v6  }
0x1e3: {  	v26 =	vld [tilespmem:s30+$0xFFFFFEB0];
	[tilespmem:s29+$0xFFFFFFC0] =	vst v5;
	v7 =	vmul.f32 v7, v31;
	(erf) = vpow2.f32 v8  }
0x1e4: {  	v1 =	vbroadcast v1, $0x7;
	v39 =	vld [tilespmem:s2+$0xFFFFFE70];
	[tilespmem:s29+$0x40] =	vst v21;
	v5 =	vmul.f32 v19, v24  }
0x1e5: {  	v15 =	vbroadcast v0, $0x6;
	v0 =	vbroadcast v0, $0x7;
	[tilespmem:s11+$0x20] =	vst v7;
	v40 =	vld [tilespmem:s2+$0xFFFFFF60]  }
0x1e6: {  	v55 =	vld [tilespmem:s30+$0xFFFFFF40];
	(erf) = vpow2.f32 v6;
	v6 =	vpop (erf);
	[tilespmem:s11+$0xC0] =	vst v5;
	v5 =	vmul.f32 v63, v29  }
0x1e7: {  	v17 =	vmul.f32 v30, v2;
	v2 =	vld [tilespmem:s22+$0xFFFFFFE0];
	v28 =	vmul.f32 v6, v20  }
0x1e8: {  	s23 =	simm.s32 $0x62A0;
	v12 =	vbroadcast v11, $0x3;
	v18 =	vbroadcast v3, $0x3;
	[tilespmem:s11+$0xFFFFFF20] =	vst v5;
	v5 =	vld [tilespmem:s22+$0xFFFFFFF0]  }
0x1e9: {  	s20 =	simm.s32 $0x47F0;
	v25 =	vbroadcast v4, $0x5;
	v7 =	vbroadcast v4, $0x6;
	v8 =	vld [tilespmem:s30+$0xFFFFFFE0];
	[tilespmem:s23+$0x10] =	vst v28  }
0x1ea: {  	v16 =	vmul.f32 v39, v16;
	v40 =	vmul.f32 v40, v10;
	v30 =	vld [tilespmem:s20+$0xFFFFFF90]  }
0x1eb: {  	s14 =	simm.s32 $0x1EF0;
	v35 =	vmul.f32 v55, v12;
	v19 =	vld [tilespmem:s2+$0xFFFFFEE0];
	v6 =	vmul.f32 v47, v26;
	v27 =	vpop (erf)  }
0x1ec: {  	v50 =	vld [tilespmem:s14+$0xFFFFFFD0];
	v29 =	vbroadcast v9, $0x5;
	v21 =	vmul.f32 v27, v2;
	v2 =	vpop (erf)  }
0x1ed: {  	s31 =	simm.s32 $0x16F0;
	[tilespmem:s11+$0xFFFFFFA0] =	vst v6;
	v20 =	vld [tilespmem:s30+$0xFFFFFE40];
	v27 =	vmul.f32 v2, v5;
	v2 =	vbroadcast v28, $0x0  }
0x1ee: {  	v51 =	vld [tilespmem:s31+$0xFFFFFFE0];
	v24 =	vbroadcast v11, $0x4;
	[tilespmem:s23+$0xFFFFFFF0] =	vst v21;
	v8 =	vmul.f32 v8, v29  }
0x1ef: {  	v26 =	vbroadcast v3, $0x5;
	v60 =	vld [tilespmem:s20+$0xFFFFFE90];
	[tilespmem:s23+$0x0] =	vst v27;
	v2 =	vmul.f32 v2, v30  }
0x1f0: {  	s21 =	simm.s32 $0x6B00;
	v6 =	vbroadcast v11, $0x5;
	v13 =	vmul.f32 v19, v13;
	v5 =	vpop (erf);
	[tilespmem:s11+$0xD0] =	vst v8;
	v30 =	vld [tilespmem:s20+$0xFFFFFF10]  }
0x1f1: {  	v53 =	vbroadcast v28, $0x3;
	v29 =	vmul.f32 v5, v54;
	v59 =	vld [tilespmem:s30+$0xFFFFFFF0];
	[tilespmem:s21+$0x80] =	vst v2  }
0x1f2: {  	[tilespmem:s29+$0xFFFFFFD0] =	vst v13;
	v14 =	vmul.f32 v20, v49;
	v20 =	vbroadcast v21, $0x0;
	v61 =	vld [tilespmem:s20+$0xFFFFFFA0]  }
0x1f3: {  	v12 =	vld [tilespmem:s14+$0x0];
	v8 =	vbroadcast v3, $0x6;
	v13 =	vbroadcast v27, $0x0;
	[tilespmem:s23+$0xFFFFFFE0] =	vst v29  }
0x1f4: {  	v31 =	vld [tilespmem:s30+$0xFFFFFEC0];
	[tilespmem:s11+$0xFFFFFF30] =	vst v14;
	v14 =	vmul.f32 v20, v60;
	v2 =	vbroadcast v9, $0x6  }
0x1f5: {  	v20 =	vbroadcast v28, $0x1;
	v19 =	vld [tilespmem:s20+$0xFFFFFE10];
	v13 =	vmul.f32 v13, v30  }
0x1f6: {  	v36 =	vld [tilespmem:s2+$0xFFFFFEF0];
	v5 =	vbroadcast v11, $0x6;
	[tilespmem:s21+$0xFFFFFF80] =	vst v14;
	v2 =	vmul.f32 v59, v2  }
0x1f7: {  	v62 =	vbroadcast v29, $0x0;
	v63 =	vld [tilespmem:s30+$0xFFFFFE50];
	[tilespmem:s21+$0x0] =	vst v13;
	v13 =	vmul.f32 v20, v61  }
0x1f8: {  	[tilespmem:s11+$0xE0] =	vst v2;
	v2 =	vbroadcast v3, $0x7;
	v3 =	vbroadcast v11, $0x7;
	v11 =	vld [tilespmem:s20+$0xFFFFFEA0]  }
0x1f9: {  	v44 =	vbroadcast v21, $0x2;
	v38 =	vbroadcast v21, $0x3;
	v30 =	vld [tilespmem:s30+$0x0];
	[tilespmem:s21+$0x90] =	vst v13  }
0x1fa: {  	v10 =	vbroadcast v21, $0x6;
	v19 =	vmul.f32 v62, v19;
	v59 =	vld [tilespmem:s20+$0xFFFFFFB0]  }
0x1fb: {  	v46 =	vbroadcast v27, $0x2;
	v14 =	vmul.f32 v31, v18;
	v61 =	vld [tilespmem:s31+$0x0]  }
0x1fc: {  	v37 =	vbroadcast v27, $0x3;
	v56 =	vbroadcast v29, $0x1;
	[tilespmem:s21+$0xFFFFFF00] =	vst v19;
	v57 =	vld [tilespmem:s20+$0xFFFFFF20]  }
0x1fd: {  	v47 =	vbroadcast v29, $0x3;
	[tilespmem:s11+$0xFFFFFFB0] =	vst v14;
	v14 =	vbroadcast v28, $0x2;
	v58 =	vld [tilespmem:s20+$0xFFFFFE20]  }
0x1fe: {  	v9 =	vbroadcast v9, $0x7;
	v15 =	vmul.f32 v36, v15;
	v60 =	vld [tilespmem:s30+$0xFFFFFED0]  }
0x1ff: {  	v52 =	vld [tilespmem:s14+$0xFFFFFFE0];
	[tilespmem:s29+$0x50] =	vst v40;
	v18 =	vbroadcast v21, $0x1;
	v45 =	vmul.f32 v14, v59  }
0x200: {  	v54 =	vld [tilespmem:s2+$0xFFFFFF70];
	v13 =	vbroadcast v27, $0x1;
	v30 =	vmul.f32 v30, v9  }
0x201: {  	v62 =	vld [tilespmem:s31+$0xFFFFFFF0];
	v9 =	vmul.f32 v18, v11;
	v18 =	vmul.f32 v63, v33;
	[tilespmem:s21+$0xA0] =	vst v45  }
0x202: {  	v63 =	vmul.f32 v13, v57;
	v11 =	vmul.f32 v56, v58;
	v56 =	vadd.f32 v12, v61;
	v57 =	vld [tilespmem:s20+$0xFFFFFFC0]  }
0x203: {  	[tilespmem:s11+$0x30] =	vst v35;
	v31 =	vbroadcast v29, $0x2;
	v34 =	vmul.f32 v60, v34;
	v58 =	vld [tilespmem:s14+$0xFFFFFFF0]  }
0x204: {  	[tilespmem:s29+$0xFFFFFFE0] =	vst v15;
	v15 =	vbroadcast v29, $0x7;
	v59 =	vld [tilespmem:s31+$0xFFFFFFD0];
	v49 =	vmul.f32 $2.000000030e-01, v56  }
0x205: {  	v20 =	vbroadcast v29, $0x4;
	v60 =	vadd.f32 v52, v51;
	[tilespmem:s11+$0xFFFFFFC0] =	vst v34;
	vm12 =	vgt.f32 v56, $0.0e+00  }
0x206: {  	v36 =	vld [tilespmem:s2+$0xFFFFFF00];
	v19 =	vbroadcast v21, $0x4;
	v34 =	vmul.f32 v54, v22;
	[tilespmem:s21+$0xFFFFFF90] =	vst v9;
	v32 =	vsel vm12, v56, v49  }
0x207: {  	v33 =	vld [tilespmem:s30+$0xFFFFFF50];
	vm13 =	vgt.f32 v60, $0.0e+00;
	[tilespmem:s11+$0xFFFFFF40] =	vst v18;
	v32 =	vmul.f32 $1.442695020e+00, v32;
	v42 =	vmul.f32 v57, v53  }
0x208: {  	v13 =	vbroadcast v29, $0x5;
	v61 =	vmul.f32 $2.000000030e-01, v60;
	v41 =	vld [tilespmem:s20+$0xFFFFFEB0];
	[tilespmem:s21+$0xFFFFFF10] =	vst v11;
	v18 =	vadd.f32 v58, v62  }
0x209: {  	v12 =	vbroadcast v21, $0x5;
	v48 =	vld [tilespmem:s20+$0xFFFFFE30];
	v62 =	vadd.f32 v50, v59;
	(erf) = vpow2.f32 v32;
	[tilespmem:s21+$0xB0] =	vst v42  }
0x20a: {  	v9 =	vbroadcast v29, $0x6;
	[tilespmem:s21+$0x10] =	vst v63;
	v35 =	vsel vm13, v60, v61;
	v50 =	vmul.f32 $2.000000030e-01, v18;
	v51 =	vld [tilespmem:s20+$0xFFFFFFD0]  }
0x20b: {  	[tilespmem:s29+$0xFFFFFF60] =	vst v16;
	v16 =	vmul.f32 $1.442695020e+00, v35;
	v49 =	vld [tilespmem:s20+$0xFFFFFF30];
	vm14 =	vgt.f32 v18, $0.0e+00;
	v52 =	vmul.f32 $2.000000030e-01, v62  }
0x20c: {  	s10 =	simm.s32 $0x6F0;
	v63 =	vld [tilespmem:s30+$0xFFFFFE60];
	v56 =	vbroadcast v28, $0x4;
	vm15 =	vgt.f32 v62, $0.0e+00;
	v18 =	vsel vm14, v18, v50  }
0x20d: {  	[tilespmem:s29+$0xF0] =	vst v17;
	v60 =	vld [tilespmem:s10+$0xFFFFFFF0];
	(erf) = vpow2.f32 v16;
	v55 =	vsel vm15, v62, v52;
	v18 =	vmul.f32 $1.442695020e+00, v18  }
0x20e: {  	[tilespmem:s11+$0xF0] =	vst v30;
	v58 =	vld [tilespmem:s10+$0x0];
	v30 =	vmul.f32 v31, v48;
	v17 =	vmul.f32 $1.442695020e+00, v55  }
0x20f: {  	v31 =	vld [tilespmem:s10+$0xFFFFFFE0];
	(erf) = vpow2.f32 v18;
	v16 =	vmul.f32 v51, v56  }
0x210: {  	v53 =	vld [tilespmem:s30+$0xFFFFFEE0];
	v29 =	vmul.f32 v46, v49;
	[tilespmem:s21+$0xFFFFFF20] =	vst v30;
	(erf) = vpow2.f32 v17  }
0x211: {  	v14 =	vbroadcast v27, $0x4;
	v11 =	vbroadcast v27, $0x5;
	v57 =	vld [tilespmem:s2+$0xFFFFFE80];
	[tilespmem:s21+$0xC0] =	vst v16  }
0x212: {  	v25 =	vmul.f32 v63, v25;
	[tilespmem:s21+$0x20] =	vst v29;
	v17 =	vmul.f32 v44, v41;
	v30 =	vpop (erf);
	v61 =	vld [tilespmem:s20+$0xFFFFFFE0]  }
0x213: {  	[tilespmem:s29+$0x60] =	vst v34;
	v63 =	vld [tilespmem:s20+$0xFFFFFF40];
	v16 =	vbroadcast v21, $0x7;
	v21 =	vmul.f32 v30, v58  }
0x214: {  	s15 =	simm.s32 $0x62E0;
	v24 =	vmul.f32 v33, v24;
	v35 =	vld [tilespmem:s2+$0xFFFFFF80];
	v18 =	vbroadcast v27, $0x6;
	[tilespmem:s21+$0xFFFFFFA0] =	vst v17  }
0x215: {  	s0 =	simm.s32 $0x49F0;
	v59 =	vld [tilespmem:s10+$0xFFFFFFD0];
	v17 =	vbroadcast v27, $0x7;
	v27 =	vbroadcast v28, $0x5;
	[tilespmem:s15+$0x10] =	vst v21  }
0x216: {  	v4 =	vbroadcast v4, $0x7;
	[tilespmem:s11+$0x40] =	vst v24;
	v26 =	vmul.f32 v53, v26;
	v51 =	vld [tilespmem:s0+$0xFFFFFF90]  }
0x217: {  	v32 =	vld [tilespmem:s30+$0xFFFFFF60];
	[tilespmem:s11+$0xFFFFFF50] =	vst v25;
	v52 =	vmul.f32 v57, v23;
	v22 =	vpop (erf);
	v24 =	vmul.f32 v61, v27  }
0x218: {  	[tilespmem:s11+$0xFFFFFFD0] =	vst v26;
	v48 =	vmul.f32 v63, v37;
	v22 =	vmul.f32 v22, v31;
	v30 =	vld [tilespmem:s20+$0xFFFFFE40];
	v23 =	vpop (erf)  }
0x219: {  	v62 =	vld [tilespmem:s20+$0xFFFFFEC0];
	v26 =	vbroadcast v21, $0x0;
	v23 =	vmul.f32 v23, v60;
	v27 =	vpop (erf);
	[tilespmem:s21+$0xD0] =	vst v24  }
0x21a: {  	v63 =	vbroadcast v28, $0x7;
	[tilespmem:s15+$0xFFFFFFF0] =	vst v22;
	v24 =	vmul.f32 v27, v59;
	v31 =	vld [tilespmem:s20+$0xFFFFFFF0]  }
0x21b: {  	v41 =	vbroadcast v22, $0x1;
	v53 =	vld [tilespmem:s0+$0xFFFFFE90];
	[tilespmem:s15+$0x0] =	vst v23;
	v26 =	vmul.f32 v26, v51  }
0x21c: {  	s12 =	simm.s32 $0x6D00;
	v34 =	vbroadcast v22, $0x2;
	v37 =	vbroadcast v22, $0x4;
	v56 =	vld [tilespmem:s0+$0xFFFFFF10];
	[tilespmem:s15+$0xFFFFFFE0] =	vst v24  }
0x21d: {  	v25 =	vmul.f32 v30, v47;
	[tilespmem:s12+$0x80] =	vst v26;
	v26 =	vbroadcast v28, $0x6;
	v57 =	vld [tilespmem:s0+$0xFFFFFE10]  }
0x21e: {  	v62 =	vmul.f32 v62, v38;
	v27 =	vbroadcast v22, $0x0;
	v58 =	vld [tilespmem:s0+$0xFFFFFFA0]  }
0x21f: {  	v29 =	vld [tilespmem:s30+$0xFFFFFE70];
	v54 =	vbroadcast v23, $0x0;
	[tilespmem:s21+$0xFFFFFF30] =	vst v25;
	v25 =	vmul.f32 v31, v26  }
0x220: {  	[tilespmem:s29+$0xFFFFFF70] =	vst v52;
	v30 =	vld [tilespmem:s30+$0xFFFFFEF0];
	v55 =	vbroadcast v24, $0x0;
	v26 =	vmul.f32 v27, v53  }
0x221: {  	v40 =	vld [tilespmem:s20+$0xFFFFFE50];
	v59 =	vbroadcast v21, $0x1;
	v43 =	vmul.f32 v54, v56;
	[tilespmem:s21+$0xE0] =	vst v25  }
0x222: {  	v42 =	vbroadcast v23, $0x1;
	v47 =	vmul.f32 v55, v57;
	[tilespmem:s12+$0xFFFFFF80] =	vst v26;
	v60 =	vld [tilespmem:s20+$0x0]  }
0x223: {  	v39 =	vbroadcast v24, $0x1;
	[tilespmem:s12+$0x0] =	vst v43;
	v61 =	vmul.f32 v59, v58;
	v44 =	vld [tilespmem:s0+$0xFFFFFEA0]  }
0x224: {  	v33 =	vbroadcast v24, $0x2;
	v38 =	vbroadcast v24, $0x4;
	v45 =	vld [tilespmem:s0+$0xFFFFFF20];
	[tilespmem:s12+$0xFFFFFF00] =	vst v47  }
0x225: {  	v28 =	vbroadcast v23, $0x4;
	v31 =	vbroadcast v23, $0x2;
	[tilespmem:s12+$0x90] =	vst v61;
	v46 =	vld [tilespmem:s0+$0xFFFFFE20]  }
0x226: {  	s1 =	simm.s32 $0x100;
	[tilespmem:s21+$0xFFFFFFB0] =	vst v62;
	v27 =	vbroadcast v24, $0x3;
	v25 =	vbroadcast v22, $0x3;
	v47 =	vld [tilespmem:s0+$0xFFFFFFB0]  }
0x227: {  	s3 =	simm.s32 $0x49F0;
	s22 =	simm.s32 $0xC;
	s23 =	simm.s32 $0x1730;
	[tilespmem:s21+$0x30] =	vst v48;
	v43 =	vld [tilespmem:s20+$0xFFFFFED0];
	v26 =	vbroadcast v23, $0x3;
	v48 =	vmul.f32 v60, v63  }
.LBB2_5:
0x228: {  	v49 =	vld [tilespmem:s23+$0x0];
	v41 =	vmul.f32 v41, v44;
	s14 =	sadd.s32 $0x40, s14;
	v40 =	vmul.f32 v40, v20;
	v20 =	vmov v38  }
0x229: {  	s22 =	sadd.s32 $0x4, s22;
	v44 =	vbroadcast v21, $0x2;
	v38 =	vld [tilespmem:s14+$0x0];
	v42 =	vmul.f32 v42, v45;
	[tilespmem:s21+$0xF0] =	vst v48  }
0x22a: {  	p0 =	slt.u32 s22, $0x3C;
	v45 =	vld [tilespmem:s14+$0xFFFFFFD0];
	v39 =	vmul.f32 v39, v46;
	v46 =	vbroadcast v24, $0x5;
	[tilespmem:s12+$0xFFFFFF90] =	vst v41  }
0x22b: {  	v48 =	vbroadcast v22, $0x5;
	v41 =	vld [tilespmem:s23+$0xFFFFFFE0];
	[tilespmem:s12+$0x10] =	vst v42;
	v42 =	vmul.f32 v44, v47  }
0x22c: {  	v44 =	vld [tilespmem:s14+$0xFFFFFFE0];
	[tilespmem:s12+$0xFFFFFF10] =	vst v39;
	v39 =	vbroadcast v23, $0x5;
	v43 =	vmul.f32 v43, v19;
	v19 =	vmov v37  }
0x22d: {  	v32 =	vmul.f32 v32, v6;
	v6 =	vmov v11;
	v47 =	vbroadcast v24, $0x6;
	v37 =	vld [tilespmem:s23+$0xFFFFFFF0];
	[tilespmem:s12+$0xA0] =	vst v42  }
0x22e: {  	v42 =	vbroadcast v22, $0x6;
	v38 =	vadd.f32 v38, v49;
	v49 =	vbroadcast v23, $0x6;
	v50 =	vld [tilespmem:s0+$0xFFFFFFC0];
	[tilespmem:s21+$0xFFFFFF40] =	vst v40;
	v11 =	vmovc v39  }
0x22f: {  	v29 =	vmul.f32 v29, v7;
	v30 =	vmul.f32 v30, v8;
	v7 =	vmovc v9;
	v9 =	vmov v47;
	v39 =	vld [tilespmem:s14+$0xFFFFFFF0];
	[tilespmem:s21+$0xFFFFFFC0] =	vst v43  }
0x230: {  	v8 =	vmovc v10;
	v24 =	vbroadcast v24, $0x7;
	v10 =	vmov v42;
	v40 =	vld [tilespmem:s23+$0xFFFFFFD0];
	v43 =	vmul.f32 $2.000000030e-01, v38;
	[tilespmem:s11+$0x50] =	vst v32  }
0x231: {  	v42 =	vbroadcast v21, $0x3;
	vm0 =	vgt.f32 v38, $0.0e+00;
	v32 =	vadd.f32 v44, v41;
	v41 =	vld [tilespmem:s0+$0xFFFFFE30];
	[tilespmem:s11+$0xFFFFFF60] =	vst v29  }
0x232: {  	v22 =	vbroadcast v22, $0x7;
	v23 =	vbroadcast v23, $0x7;
	v29 =	vsel vm0, v38, v43;
	v38 =	vld [tilespmem:s0+$0xFFFFFEB0];
	[tilespmem:s11+$0xFFFFFFE0] =	vst v30  }
0x233: {  	vm0 =	vgt.f32 v32, $0.0e+00;
	v29 =	vmul.f32 $1.442695020e+00, v29;
	v30 =	vld [tilespmem:s0+$0xFFFFFF30];
	v42 =	vmul.f32 v50, v42  }
0x234: {  	v36 =	vmul.f32 v36, v0;
	v0 =	vmovc v2;
	v2 =	vmovc v16;
	v43 =	vmul.f32 $2.000000030e-01, v32;
	v37 =	vadd.f32 v39, v37;
	v39 =	vld [tilespmem:s20+$0xFFFFFF50]  }
0x235: {  	v35 =	vmul.f32 v35, v1;
	v16 =	vmovc v22;
	v40 =	vadd.f32 v45, v40;
	(erf) = vpow2.f32 v29;
	[tilespmem:s12+$0xB0] =	vst v42;
	v29 =	vld [tilespmem:s20+$0xFFFFFE60]  }
0x236: {  	v1 =	vmovc v3;
	v3 =	vmovc v17;
	v22 =	vsel vm0, v32, v43;
	vm0 =	vgt.f32 v37, $0.0e+00;
	v32 =	vmul.f32 $2.000000030e-01, v37;
	v42 =	vld [tilespmem:s0+$0xFFFFFFD0];
	[tilespmem:s29+$0xFFFFFFF0] =	vst v36  }
0x237: {  	v17 =	vmovc v23;
	v22 =	vmul.f32 $1.442695020e+00, v22;
	vm1 =	vgt.f32 v40, $0.0e+00;
	v36 =	vmul.f32 $2.000000030e-01, v40;
	v43 =	vld [tilespmem:s20+$0xFFFFFEE0];
	[tilespmem:s29+$0x70] =	vst v35;
	s29 =	smov.u32 s11;
	s11 =	smov.u32 s21;
	s21 =	smov.u32 s12  }
0x238: {  	v23 =	vsel vm0, v37, v32;
	v32 =	vmul.f32 v33, v41;
	v33 =	vmul.f32 v34, v38;
	v34 =	vld [tilespmem:s30+$0xFFFFFF70]  }
0x239: {  	s10 =	sadd.s32 $0x40, s10;
	v35 =	vsel vm1, v40, v36;
	v23 =	vmul.f32 $1.442695020e+00, v23;
	v36 =	vbroadcast v21, $0x4;
	v37 =	vld [tilespmem:s30+$0xFFFFFE80]  }
0x23a: {  	v35 =	vmul.f32 $1.442695020e+00, v35;
	v38 =	vld [tilespmem:s10+$0x0];
	(erf) = vpow2.f32 v22;
	[tilespmem:s12+$0xFFFFFF20] =	vst v32  }
0x23b: {  	v40 =	vld [tilespmem:s10+$0xFFFFFFD0];
	(erf) = vpow2.f32 v23;
	[tilespmem:s12+$0xFFFFFFA0] =	vst v33;
	v22 =	vmul.f32 v42, v36  }
0x23c: {  	v30 =	vmul.f32 v31, v30;
	v23 =	vld [tilespmem:s10+$0xFFFFFFE0];
	(erf) = vpow2.f32 v35  }
0x23d: {  	v31 =	vld [tilespmem:s10+$0xFFFFFFF0];
	[tilespmem:s12+$0xC0] =	vst v22;
	v22 =	vmul.f32 v29, v13;
	v29 =	vmul.f32 v39, v14;
	v13 =	vmovc v46;
	v14 =	vmov v28  }
0x23e: {  	v32 =	vmul.f32 v43, v12;
	v12 =	vmov v48;
	v33 =	vmul.f32 v34, v5;
	v28 =	vpop (erf);
	[tilespmem:s12+$0x20] =	vst v30;
	v30 =	vld [tilespmem:s0+$0xFFFFFFE0]  }
0x23f: {  	v5 =	vmovc v18;
	v18 =	vmov v49;
	v35 =	vmul.f32 v37, v4;
	v28 =	vmul.f32 v28, v38;
	v34 =	vld [tilespmem:s0+$0xFFFFFE40];
	[tilespmem:s11+$0x40] =	vst v29  }
0x240: {  	s15 =	sadd.s32 $0x40, s15;
	v4 =	vmov v15;
	v15 =	vmov v24;
	v37 =	vld [tilespmem:s0+$0xFFFFFEC0];
	[tilespmem:s11+$0xFFFFFF50] =	vst v22  }
0x241: {  	v22 =	vbroadcast v21, $0x5;
	s0 =	sadd.s32 $0x200, s0;
	[tilespmem:s15+$0x10] =	vst v28;
	v38 =	vld [tilespmem:s3+$0xFFFFFF40]  }
0x242: {  	v36 =	vld [tilespmem:s0+$0xFFFFFF90];
	[tilespmem:s11+$0xFFFFFFD0] =	vst v32  }
0x243: {  	v24 =	vpop (erf);
	v30 =	vmul.f32 v30, v22;
	v32 =	vld [tilespmem:s20+$0xFFFFFF60];
	[tilespmem:s29+$0x60] =	vst v33  }
0x244: {  	v22 =	vmul.f32 v24, v23;
	v23 =	vpop (erf);
	v27 =	vmul.f32 v34, v27;
	v29 =	vld [tilespmem:s20+$0xFFFFFE70];
	[tilespmem:s29+$0xFFFFFF70] =	vst v35  }
0x245: {  	v23 =	vmul.f32 v23, v31;
	v31 =	vbroadcast v28, $0x0;
	v24 =	vpop (erf);
	[tilespmem:s12+$0xD0] =	vst v30;
	v30 =	vld [tilespmem:s20+$0xFFFFFEF0]  }
0x246: {  	v24 =	vmul.f32 v24, v40;
	[tilespmem:s15+$0xFFFFFFF0] =	vst v22;
	v35 =	vbroadcast v22, $0x0;
	v43 =	vld [tilespmem:s3+$0xFFFFFFF0]  }
0x247: {  	v44 =	vld [tilespmem:s0+$0xFFFFFE90];
	[tilespmem:s15+$0x0] =	vst v23;
	v45 =	vbroadcast v23, $0x0;
	v31 =	vmul.f32 v31, v36  }
0x248: {  	s12 =	sadd.s32 $0x200, s12;
	[tilespmem:s15+$0xFFFFFFE0] =	vst v24;
	v46 =	vbroadcast v24, $0x0;
	v39 =	vbroadcast v24, $0x1;
	v47 =	vld [tilespmem:s0+$0xFFFFFF10]  }
0x249: {  	v41 =	vbroadcast v22, $0x1;
	v48 =	vld [tilespmem:s0+$0xFFFFFE10];
	[tilespmem:s12+$0x80] =	vst v31;
	v31 =	vbroadcast v21, $0x6  }
0x24a: {  	v42 =	vbroadcast v23, $0x1;
	v33 =	vbroadcast v24, $0x2;
	v49 =	vld [tilespmem:s0+$0xFFFFFFA0];
	[tilespmem:s21+$0xFFFFFF30] =	vst v27  }
0x24b: {  	v34 =	vbroadcast v22, $0x2;
	v40 =	vld [tilespmem:s3+$0xFFFFFE50];
	v27 =	vmul.f32 v43, v31  }
0x24c: {  	v31 =	vbroadcast v23, $0x2;
	v43 =	vmul.f32 v35, v44;
	v36 =	vld [tilespmem:s30+$0xFFFFFF00]  }
0x24d: {  	v45 =	vmul.f32 v45, v47;
	v47 =	vbroadcast v28, $0x1;
	[tilespmem:s21+$0xE0] =	vst v27;
	v35 =	vld [tilespmem:s30+$0xFFFFFF80];
	s30 =	smov.u32 s20;
	s20 =	smov.u32 s3;
	s3 =	smov.u32 s0  }
0x24e: {  	v27 =	vbroadcast v24, $0x3;
	v46 =	vmul.f32 v46, v48;
	[tilespmem:s12+$0xFFFFFF80] =	vst v43;
	v48 =	vld [tilespmem:s20+$0x0]  }
.Ltmp1:
0x24f: {  	v43 =	vbroadcast v22, $0x3;
	v44 =	vld [tilespmem:s0+$0xFFFFFEA0];
	[tilespmem:s12+$0x0] =	vst v45;
	v47 =	vmul.f32 v47, v49;
	(pc) =	sbr.rel @p0 .LBB2_5-.Ltmp1, $4  }
0x250: {  	v50 =	vmul.f32 v37, v25;
	v49 =	vbroadcast v23, $0x3;
	[tilespmem:s12+$0xFFFFFF00] =	vst v46;
	v45 =	vld [tilespmem:s0+$0xFFFFFF20]  }
0x251: {  	v52 =	vbroadcast v21, $0x7;
	v51 =	vmul.f32 v38, v26;
	v21 =	vmovc v28;
	v25 =	vmov v43;
	v46 =	vld [tilespmem:s0+$0xFFFFFE20];
	[tilespmem:s12+$0x90] =	vst v47  }
0x252: {  	v37 =	vbroadcast v22, $0x4;
	v38 =	vbroadcast v24, $0x4;
	v26 =	vmov v49;
	v47 =	vld [tilespmem:s0+$0xFFFFFFB0];
	[tilespmem:s21+$0xFFFFFFB0] =	vst v50  }
0x253: {  	s23 =	sadd.s32 $0x40, s23;
	v28 =	vbroadcast v23, $0x4;
	v43 =	vld [tilespmem:s20+$0xFFFFFED0];
	[tilespmem:s21+$0x30] =	vst v51;
	v48 =	vmul.f32 v48, v52  }
0x254: {  	_ = 	snop  }
0x255: {  	v49 =	vbroadcast v21, $0x2;
	_ =	sdelay $0x1  }
0x256: {  	v47 =	vmul.f32 v49, v47;
	_ =	sdelay $0x1  }
0x257: {  	[tilespmem:s12+$0xA0] =	vst v47  }
0x258: {  	v47 =	vld [tilespmem:s0+$0xFFFFFFC0]  }
0x259: {  	v39 =	vmul.f32 v39, v46  }
0x25a: {  	v41 =	vmul.f32 v41, v44  }
0x25b: {  	v54 =	vbroadcast v21, $0x3;
	v42 =	vmul.f32 v42, v45;
	[tilespmem:s12+$0xFFFFFF10] =	vst v39  }
0x25c: {  	[tilespmem:s12+$0xFFFFFF90] =	vst v41;
	v55 =	vld [tilespmem:s0+$0xFFFFFE30]  }
0x25d: {  	[tilespmem:s12+$0x10] =	vst v42;
	v56 =	vld [tilespmem:s0+$0xFFFFFEB0];
	v39 =	vmul.f32 v47, v54  }
0x25e: {  	v57 =	vld [tilespmem:s0+$0xFFFFFF30]  }
0x25f: {  	[tilespmem:s12+$0xB0] =	vst v39  }
0x260: {  	v39 =	vld [tilespmem:s0+$0xFFFFFFD0]  }
0x261: {  	v33 =	vmul.f32 v33, v55  }
0x262: {  	[tilespmem:s21+$0xF0] =	vst v48;
	v34 =	vmul.f32 v34, v56  }
0x263: {  	v58 =	vbroadcast v21, $0x4;
	v31 =	vmul.f32 v31, v57;
	[tilespmem:s12+$0xFFFFFF20] =	vst v33  }
0x264: {  	v20 =	vmul.f32 v40, v20;
	[tilespmem:s12+$0xFFFFFFA0] =	vst v34;
	v33 =	vld [tilespmem:s0+$0xFFFFFE40]  }
0x265: {  	[tilespmem:s12+$0x20] =	vst v31;
	v31 =	vld [tilespmem:s0+$0xFFFFFEC0];
	v59 =	vmul.f32 v39, v58  }
0x266: {  	[tilespmem:s21+$0xFFFFFF40] =	vst v20;
	v19 =	vmul.f32 v43, v19;
	v20 =	vld [tilespmem:s3+$0xFFFFFF40]  }
0x267: {  	v6 =	vmul.f32 v32, v6;
	[tilespmem:s12+$0xC0] =	vst v59  }
0x268: {  	v7 =	vmul.f32 v29, v7;
	[tilespmem:s21+$0xFFFFFFC0] =	vst v19;
	v19 =	vld [tilespmem:s0+$0xFFFFFFE0]  }
0x269: {  	[tilespmem:s11+$0x50] =	vst v6;
	v6 =	vmul.f32 v33, v27  }
0x26a: {  	[tilespmem:s11+$0xFFFFFF60] =	vst v7;
	v7 =	vmul.f32 v31, v25  }
0x26b: {  	v25 =	vld [tilespmem:s20+$0xFFFFFF50];
	v27 =	vbroadcast v21, $0x5;
	[tilespmem:s12+$0xFFFFFF30] =	vst v6;
	v6 =	vmul.f32 v20, v26  }
0x26c: {  	v8 =	vmul.f32 v30, v8;
	[tilespmem:s12+$0xFFFFFFB0] =	vst v7;
	v20 =	vld [tilespmem:s3+$0xFFFFFE50]  }
0x26d: {  	[tilespmem:s12+$0x30] =	vst v6;
	v7 =	vmul.f32 v19, v27;
	v19 =	vld [tilespmem:s3+$0xFFFFFED0]  }
0x26e: {  	v0 =	vmul.f32 v36, v0;
	[tilespmem:s11+$0xFFFFFFE0] =	vst v8;
	v6 =	vld [tilespmem:s3+$0xFFFFFF50]  }
0x26f: {  	v1 =	vmul.f32 v35, v1;
	v8 =	vld [tilespmem:s20+$0xFFFFFE60];
	[tilespmem:s12+$0xD0] =	vst v7  }
0x270: {  	[tilespmem:s29+$0xFFFFFFF0] =	vst v0;
	v0 =	vmul.f32 v25, v14;
	v7 =	vld [tilespmem:s3+$0xFFFFFFF0]  }
0x271: {  	[tilespmem:s29+$0x70] =	vst v1;
	v14 =	vld [tilespmem:s20+$0xFFFFFEE0];
	v1 =	vmul.f32 v20, v38  }
0x272: {  	[tilespmem:s21+$0x40] =	vst v0;
	v20 =	vld [tilespmem:s30+$0xFFFFFF70];
	v0 =	vmul.f32 v19, v37  }
0x273: {  	v25 =	vbroadcast v21, $0x6;
	[tilespmem:s12+$0xFFFFFF40] =	vst v1;
	v1 =	vmul.f32 v6, v28;
	v19 =	vld [tilespmem:s20+$0xFFFFFF60]  }
0x274: {  	v6 =	vmul.f32 v8, v13;
	[tilespmem:s12+$0xFFFFFFC0] =	vst v0;
	v0 =	vld [tilespmem:s3+$0xFFFFFE60]  }
0x275: {  	[tilespmem:s12+$0x40] =	vst v1;
	v7 =	vmul.f32 v7, v25;
	v8 =	vld [tilespmem:s3+$0xFFFFFEE0]  }
0x276: {  	v1 =	vmul.f32 v14, v12;
	[tilespmem:s21+$0xFFFFFF50] =	vst v6;
	v6 =	vld [tilespmem:s3+$0xFFFFFF60]  }
0x277: {  	v13 =	vld [tilespmem:s30+$0xFFFFFE80];
	v12 =	vbroadcast v24, $0x5;
	v5 =	vmul.f32 v20, v5;
	[tilespmem:s12+$0xE0] =	vst v7  }
0x278: {  	[tilespmem:s21+$0xFFFFFFD0] =	vst v1;
	v7 =	vbroadcast v22, $0x5;
	v11 =	vmul.f32 v19, v11;
	v1 =	vld [tilespmem:s3+$0x0]  }
0x279: {  	v14 =	vbroadcast v23, $0x5;
	[tilespmem:s11+$0x60] =	vst v5;
	v5 =	vld [tilespmem:s20+$0xFFFFFE70];
	v0 =	vmul.f32 v0, v12  }
0x27a: {  	v12 =	vld [tilespmem:s20+$0xFFFFFEF0];
	[tilespmem:s21+$0x50] =	vst v11;
	v7 =	vmul.f32 v8, v7  }
0x27b: {  	v8 =	vbroadcast v21, $0x7;
	v11 =	vld [tilespmem:s20+$0xFFFFFF70];
	[tilespmem:s12+$0xFFFFFF50] =	vst v0;
	v0 =	vmul.f32 v6, v14  }
0x27c: {  	v4 =	vmul.f32 v13, v4;
	[tilespmem:s12+$0xFFFFFFD0] =	vst v7;
	v6 =	vld [tilespmem:s3+$0xFFFFFE70]  }
0x27d: {  	v1 =	vmul.f32 v1, v8;
	v7 =	vld [tilespmem:s3+$0xFFFFFEF0];
	[tilespmem:s12+$0x50] =	vst v0  }
0x27e: {  	[tilespmem:s11+$0xFFFFFF70] =	vst v4;
	v0 =	vmul.f32 v5, v9;
	v4 =	vld [tilespmem:s3+$0xFFFFFF70]  }
0x27f: {  	v5 =	vbroadcast v24, $0x6;
	v8 =	vld [tilespmem:s30+$0xFFFFFF00];
	[tilespmem:s12+$0xF0] =	vst v1;
	v1 =	vmul.f32 v12, v10  }
0x280: {  	v9 =	vbroadcast v22, $0x6;
	v10 =	vld [tilespmem:s30+$0xFFFFFF80];
	[tilespmem:s21+$0xFFFFFF60] =	vst v0;
	v0 =	vmul.f32 v11, v18  }
0x281: {  	v11 =	vbroadcast v23, $0x6;
	[tilespmem:s21+$0xFFFFFFE0] =	vst v1;
	v1 =	vld [tilespmem:s20+$0xFFFFFE80];
	v5 =	vmul.f32 v6, v5  }
0x282: {  	[tilespmem:s21+$0x60] =	vst v0;
	v0 =	vld [tilespmem:s20+$0xFFFFFF00];
	v6 =	vmul.f32 v7, v9  }
0x283: {  	v7 =	vld [tilespmem:s20+$0xFFFFFF80];
	[tilespmem:s12+$0xFFFFFF60] =	vst v5;
	v4 =	vmul.f32 v4, v11  }
0x284: {  	v2 =	vmul.f32 v8, v2;
	[tilespmem:s12+$0xFFFFFFE0] =	vst v6;
	v5 =	vld [tilespmem:s3+$0xFFFFFE80]  }
0x285: {  	v3 =	vmul.f32 v10, v3;
	[tilespmem:s12+$0x60] =	vst v4;
	v4 =	vld [tilespmem:s3+$0xFFFFFF00]  }
0x286: {  	[tilespmem:s11+$0xFFFFFFF0] =	vst v2;
	v1 =	vmul.f32 v1, v15;
	v2 =	vld [tilespmem:s3+$0xFFFFFF80]  }
0x287: {  	v6 =	vbroadcast v24, $0x7;
	[tilespmem:s11+$0x70] =	vst v3;
	v0 =	vmul.f32 v0, v16  }
0x288: {  	v3 =	vbroadcast v22, $0x7;
	[tilespmem:s21+$0xFFFFFF70] =	vst v1;
	v1 =	vmul.f32 v7, v17  }
0x289: {  	v7 =	vbroadcast v23, $0x7;
	[tilespmem:s21+$0xFFFFFFF0] =	vst v0;
	v0 =	vmul.f32 v5, v6  }
0x28a: {  	[tilespmem:s21+$0x70] =	vst v1;
	v1 =	vmul.f32 v4, v3  }
0x28b: {  	[tilespmem:s12+$0xFFFFFF70] =	vst v0;
	v0 =	vmul.f32 v2, v7  }
0x28c: {  	[tilespmem:s12+$0xFFFFFFF0] =	vst v1  }
0x28d: {  	s13 =	simm.s32 $0x6200;
	s2 =	rddreg [dreg:$0x3];
	[tilespmem:s12+$0x70] =	vst v0;
	s12 =	simm.s32 $0xC0  }
0x28e: {  	[spmem:s2] =	stream.indirect.scatter.add.f32 [tilespmem:s13], [sflag:$0x3], $0x10, s12, s28, $0xb8;
	[tilespmem:$0x1EE00] =	vst v63  }
0x28f: {  	_ =	swait.ge [sflag:s25], $0x400  }
0x290: {  	[sflag:s25] =	ssyncset.done $0x0  }
0x291: {  	[sflag:s25] =	ssyncadd.s32 $0xFFFFFC00  }
0x292: {  	s14 =	simm.s32 $0x6600;
	s15 =	rddreg [dreg:$0x2]  }
0x293: {  	[spmem:s15] =	stream.indirect.scatter.add.f32 [tilespmem:s14], [sflag:$0x3], $0x80, s12, s28, $0xb8;
	[tilespmem:$0x1EE00] =	vst v63  }
0x294: {  	_ =	swait.ge [sflag:s25], $0x2000  }
0x295: {  	[sflag:s25] =	ssyncset.done $0x0  }
0x296: {  	[sflag:s25] =	ssyncadd.s32 $0xFFFFE000  }
0x297: {  	_ =	swait.ge [sflag:s26], $0x80  }
0x298: {  	[sflag:s26] =	ssyncset.done $0x0  }
0x299: {  	[sflag:s26] =	ssyncadd.s32 $0xFFFFFF80  }
0x29a: {  	s31 =	simm.s32 $0x1600;
	_ =	swait.ge [sflag:s26], $0x400  }
0x29b: {  	p0 =	seq.s32 s16, $0x27;
	[sflag:s26] =	ssyncset.done $0x0;
	s0 =	rddreg [dreg:$0xf]  }
0x29c: {  	s19 =	simm.s32 $0x180;
	[sflag:s26] =	ssyncadd.s32 $0xFFFFFC00;
	s0 =	sadd.s32 @!p0 s24, s0  }
0x29d: {  	[tilespmem:s31], [sflag:$0x2] =	stream.indirect.gather [hbm4b:s7+s28], $0x10, s19, s28, $0xb8;
	[tilespmem:$0x1EE00] =	vst v63  }
0x29e: {  	s20 =	simm.s32 $0x1E00;
	s3 =	sshll.u32 @!p0 s0, $0x4  }
0x29f: {  	[tilespmem:s20], [sflag:$0x2] =	stream.indirect.gather [hbm4b:s8+s28], $0x10, s18, s28, $0xb8;
	[tilespmem:$0x1EE00] =	vst v63  }
0x2a0: {  	s21 =	simm.s32 $0x4200;
	s0 =	sshll.u32 @!p0 s0, $0x7;
	s3 =	sand.u32 @!p0 $0x1FFFFFC0, s3  }
0x2a1: {  	[tilespmem:s21], [sflag:$0x2] =	stream.indirect.gather [hbm4b:s9+s28], $0x80, s19, s28, $0xb8;
	[tilespmem:$0x1EE00] =	vst v63  }
0x2a2: {  	s10 =	simm.s32 @!p0 $0x0;
	s0 =	sand.u32 @!p0 $0x1FFFFE00, s0;
	s3 =	sadd.s32 @!p0 s5, s3  }
0x2a3: {  	[tilespmem:s10], [sflag:$0x1] =	stream.linear.gather @!p0 [hbm4b:s3+s10], $0x80, $0x38;
	[tilespmem:$0x1EE00] =	vst v63  }
0x2a4: {  	s0 =	sadd.s32 @!p0 s6, s0;
	s3 =	simm.s32 @!p0 $0x200  }
0x2a5: {  	[tilespmem:s3], [sflag:$0x1] =	stream.linear.gather @!p0 [hbm4b:s0+s10], $0x400, $0x38;
	[tilespmem:$0x1EE00] =	vst v63  }
0x2a6: {  	_ =	swait.ge [sflag:s17], $0x400  }
0x2a7: {  	[sflag:s17] =	ssyncset.done $0x0  }
0x2a8: {  	[sflag:s17] =	ssyncadd.s32 $0xFFFFFC00  }
0x2a9: {  	_ =	swait.ge [sflag:s17], $0x400  }
0x2aa: {  	[sflag:s17] =	ssyncset.done $0x0  }
0x2ab: {  	[sflag:s17] =	ssyncadd.s32 $0xFFFFFC00  }
0x2ac: {  	_ =	swait.ge [sflag:s17], $0x2000  }
0x2ad: {  	[sflag:s17] =	ssyncset.done $0x0  }
0x2ae: {  	s22 =	simm.s32 $0x1220;
	[sflag:s17] =	ssyncadd.s32 $0xFFFFE000  }
0x2af: {  	s23 =	simm.s32 $0x1A20;
	v0 =	vld [tilespmem:s22+$0x10]  }
0x2b0: {  	v1 =	vld [tilespmem:s23+$0x10];
	_ =	sdelay $0x4  }
0x2b1: {  	v0 =	vadd.f32 v1, v0;
	_ =	sdelay $0x1  }
0x2b2: {  	v1 =	vmul.f32 $2.000000030e-01, v0  }
0x2b3: {  	vm0 =	vgt.f32 v0, $0.0e+00  }
0x2b4: {  	v2 =	vld [tilespmem:s23+$0xFFFFFFF0];
	v0 =	vsel vm0, v0, v1  }
0x2b5: {  	v3 =	vld [tilespmem:s23+$0xFFFFFFE0];
	v0 =	vmul.f32 $1.442695020e+00, v0  }
0x2b6: {  	v4 =	vld [tilespmem:s23+$0x0]  }
0x2b7: {  	v1 =	vld [tilespmem:s22+$0xFFFFFFF0];
	(erf) = vpow2.f32 v0  }
0x2b8: {  	v5 =	vld [tilespmem:s22+$0xFFFFFFE0]  }
0x2b9: {  	v0 =	vld [tilespmem:s22+$0x0];
	_ =	sdelay $0x1  }
0x2ba: {  	s10 =	simm.s32 $0xA30  }
0x2bb: {  	v1 =	vadd.f32 v2, v1;
	v2 =	vld [tilespmem:s10+$0x0];
	_ =	sdelay $0x1  }
0x2bc: {  	v3 =	vadd.f32 v3, v5;
	v6 =	vmul.f32 $2.000000030e-01, v1;
	v0 =	vadd.f32 v4, v0  }
0x2bd: {  	vm14 =	vgt.f32 v1, $0.0e+00  }
0x2be: {  	v1 =	vsel vm14, v1, v6;
	v6 =	vmul.f32 $2.000000030e-01, v3;
	v4 =	vmul.f32 $2.000000030e-01, v0;
	v5 =	vpop (erf)  }
0x2bf: {  	v1 =	vmul.f32 $1.442695020e+00, v1;
	vm15 =	vgt.f32 v0, $0.0e+00;
	v2 =	vmul.f32 v5, v2  }
0x2c0: {  	s11 =	simm.s32 $0x6220;
	vm1 =	vgt.f32 v3, $0.0e+00;
	v0 =	vsel vm15, v0, v4  }
0x2c1: {  	s3 =	simm.s32 $0x2300;
	(erf) = vpow2.f32 v1;
	v1 =	vsel vm1, v3, v6;
	v0 =	vmul.f32 $1.442695020e+00, v0;
	[tilespmem:s11+$0x10] =	vst v2  }
0x2c2: {  	v1 =	vmul.f32 $1.442695020e+00, v1;
	v3 =	vld [tilespmem:s3+$0x80]  }
0x2c3: {  	(erf) = vpow2.f32 v0  }
0x2c4: {  	(erf) = vpow2.f32 v1  }
0x2c5: {  	v1 =	vbroadcast v2, $0x0;
	_ =	sdelay $0x1  }
0x2c6: {  	v4 =	vld [tilespmem:s10+$0xFFFFFFD0];
	v1 =	vmul.f32 v1, v3  }
0x2c7: {  	s29 =	simm.s32 $0x6700;
	v3 =	vld [tilespmem:s10+$0xFFFFFFF0]  }
0x2c8: {  	v0 =	vld [tilespmem:s10+$0xFFFFFFE0];
	[tilespmem:s29+$0x80] =	vst v1  }
0x2c9: {  	v6 =	vld [tilespmem:s3+$0x90]  }
0x2ca: {  	v5 =	vpop (erf)  }
0x2cb: {  	s12 =	simm.s32 $0x1260;
	v1 =	vpop (erf)  }
0x2cc: {  	v10 =	vld [tilespmem:s12+$0xFFFFFFF0];
	v8 =	vbroadcast v2, $0x1;
	v1 =	vmul.f32 v1, v3;
	v3 =	vpop (erf)  }
0x2cd: {  	s14 =	simm.s32 $0x1A60;
	v0 =	vmul.f32 v5, v0;
	v5 =	vmul.f32 v3, v4;
	v3 =	vld [tilespmem:s12+$0x10]  }
0x2ce: {  	v4 =	vmul.f32 v8, v6;
	v6 =	vld [tilespmem:s14+$0x10]  }
0x2cf: {  	v11 =	vld [tilespmem:s14+$0xFFFFFFF0]  }
0x2d0: {  	v13 =	vld [tilespmem:s14+$0x0];
	[tilespmem:s11+$0xFFFFFFE0] =	vst v5  }
0x2d1: {  	v9 =	vld [tilespmem:s3+$0xFFFFFF00]  }
0x2d2: {  	v16 =	vld [tilespmem:s14+$0xFFFFFFE0];
	[tilespmem:s29+$0x90] =	vst v4  }
0x2d3: {  	[tilespmem:s11+$0x0] =	vst v1;
	v4 =	vld [tilespmem:s3+$0xA0];
	v3 =	vadd.f32 v6, v3  }
0x2d4: {  	v8 =	vld [tilespmem:s3+$0x0];
	v12 =	vbroadcast v5, $0x0  }
0x2d5: {  	v6 =	vld [tilespmem:s12+$0x0];
	v14 =	vmul.f32 $2.000000030e-01, v3  }
0x2d6: {  	v15 =	vbroadcast v2, $0x2;
	[tilespmem:s11+$0xFFFFFFF0] =	vst v0;
	v9 =	vmul.f32 v12, v9;
	v12 =	vld [tilespmem:s12+$0xFFFFFFE0];
	vm4 =	vgt.f32 v3, $0.0e+00  }
0x2d7: {  	v7 =	vld [tilespmem:s3+$0xFFFFFF80];
	v3 =	vsel vm4, v3, v14  }
0x2d8: {  	v4 =	vmul.f32 v15, v4;
	v3 =	vmul.f32 $1.442695020e+00, v3  }
0x2d9: {  	[tilespmem:s29+$0xFFFFFF00] =	vst v9;
	v9 =	vadd.f32 v11, v10;
	v14 =	vbroadcast v1, $0x0  }
0x2da: {  	v17 =	vbroadcast v0, $0x0;
	[tilespmem:s29+$0xA0] =	vst v4;
	v4 =	vadd.f32 v13, v6;
	(erf) = vpow2.f32 v3  }
0x2db: {  	v11 =	vadd.f32 v16, v12;
	v3 =	vmul.f32 v14, v8;
	v8 =	vmul.f32 $2.000000030e-01, v9  }
0x2dc: {  	v7 =	vmul.f32 v17, v7;
	v15 =	vbroadcast v5, $0x1;
	vm5 =	vgt.f32 v9, $0.0e+00;
	v6 =	vld [tilespmem:s3+$0xB0]  }
0x2dd: {  	v12 =	vmul.f32 $2.000000030e-01, v4;
	v8 =	vsel vm5, v9, v8;
	v9 =	vmul.f32 $2.000000030e-01, v11  }
0x2de: {  	v10 =	vld [tilespmem:s3+$0xFFFFFF10];
	v13 =	vbroadcast v2, $0x3;
	vm6 =	vgt.f32 v4, $0.0e+00;
	vm7 =	vgt.f32 v11, $0.0e+00  }
0x2df: {  	s15 =	simm.s32 $0xA70;
	[tilespmem:s29+$0xFFFFFF80] =	vst v7;
	v4 =	vsel vm6, v4, v12;
	v8 =	vmul.f32 $1.442695020e+00, v8;
	v7 =	vsel vm7, v11, v9  }
0x2e0: {  	v12 =	vld [tilespmem:s15+$0x0];
	[tilespmem:s29+$0x0] =	vst v3;
	v4 =	vmul.f32 $1.442695020e+00, v4;
	v3 =	vmul.f32 $1.442695020e+00, v7  }
0x2e1: {  	v6 =	vmul.f32 v6, v13;
	(erf) = vpow2.f32 v8;
	v8 =	vld [tilespmem:s3+$0xFFFFFF90]  }
0x2e2: {  	(erf) = vpow2.f32 v4;
	v4 =	vld [tilespmem:s3+$0x10]  }
0x2e3: {  	v10 =	vmul.f32 v15, v10;
	[tilespmem:s29+$0xB0] =	vst v6  }
0x2e4: {  	s20 =	simm.s32 $0x1AA0;
	v7 =	vbroadcast v0, $0x1;
	v6 =	vld [tilespmem:s3+$0xC0];
	(erf) = vpow2.f32 v3;
	v3 =	vpop (erf)  }
0x2e5: {  	v60 =	vld [tilespmem:s20+$0xFFFFFFE0];
	[tilespmem:s29+$0xFFFFFF10] =	vst v10;
	v9 =	vmul.f32 v3, v12;
	v3 =	vbroadcast v1, $0x1  }
0x2e6: {  	v10 =	vld [tilespmem:s3+$0xFFFFFF20];
	v7 =	vmul.f32 v7, v8  }
0x2e7: {  	s18 =	simm.s32 $0x6260;
	v11 =	vld [tilespmem:s15+$0xFFFFFFE0];
	v8 =	vbroadcast v2, $0x4;
	v3 =	vmul.f32 v3, v4  }
0x2e8: {  	s30 =	simm.s32 $0x2500;
	v12 =	vld [tilespmem:s15+$0xFFFFFFF0];
	[tilespmem:s18+$0x10] =	vst v9  }
0x2e9: {  	v13 =	vbroadcast v5, $0x2;
	v6 =	vmul.f32 v6, v8;
	v4 =	vld [tilespmem:s30+$0x80]  }
0x2ea: {  	v61 =	vbroadcast v2, $0x6;
	v24 =	vbroadcast v0, $0x4;
	[tilespmem:s29+$0xFFFFFF90] =	vst v7;
	v7 =	vld [tilespmem:s15+$0xFFFFFFD0]  }
0x2eb: {  	v19 =	vbroadcast v1, $0x3;
	v10 =	vmul.f32 v13, v10;
	v15 =	vld [tilespmem:s3+$0xFFFFFFA0];
	[tilespmem:s29+$0x10] =	vst v3;
	v3 =	vpop (erf)  }
0x2ec: {  	v16 =	vbroadcast v9, $0x0;
	[tilespmem:s29+$0xC0] =	vst v6;
	v13 =	vld [tilespmem:s3+$0x20];
	v3 =	vmul.f32 v3, v11  }
0x2ed: {  	s19 =	simm.s32 $0x12A0;
	v27 =	vbroadcast v1, $0x4;
	v14 =	vbroadcast v0, $0x2;
	[tilespmem:s29+$0xFFFFFF20] =	vst v10;
	v10 =	vld [tilespmem:s3+$0xD0];
	v6 =	vpop (erf)  }
0x2ee: {  	v62 =	vld [tilespmem:s19+$0xFFFFFFF0];
	v8 =	vbroadcast v1, $0x2;
	v18 =	vpop (erf);
	v16 =	vmul.f32 v16, v4;
	[tilespmem:s18+$0xFFFFFFF0] =	vst v3  }
0x2ef: {  	s11 =	simm.s32 $0x6900;
	v11 =	vmul.f32 v6, v12;
	v4 =	vmul.f32 v18, v7;
	v7 =	vld [tilespmem:s30+$0xFFFFFF80]  }
0x2f0: {  	v46 =	vld [tilespmem:s20+$0xFFFFFFF0];
	v14 =	vmul.f32 v14, v15;
	v15 =	vbroadcast v2, $0x5;
	[tilespmem:s11+$0x80] =	vst v16  }
0x2f1: {  	v22 =	vbroadcast v1, $0x6;
	[tilespmem:s18+$0x0] =	vst v11;
	v8 =	vmul.f32 v8, v13;
	v13 =	vld [tilespmem:s30+$0x90]  }
0x2f2: {  	v12 =	vld [tilespmem:s3+$0xFFFFFF30];
	[tilespmem:s29+$0xFFFFFFA0] =	vst v14;
	v10 =	vmul.f32 v10, v15;
	v14 =	vbroadcast v3, $0x0  }
0x2f3: {  	v48 =	vld [tilespmem:s19+$0x0];
	v20 =	vbroadcast v5, $0x4;
	v23 =	vbroadcast v5, $0x7;
	[tilespmem:s18+$0xFFFFFFE0] =	vst v4  }
0x2f4: {  	v18 =	vld [tilespmem:s30+$0x0];
	[tilespmem:s29+$0xD0] =	vst v10;
	v10 =	vbroadcast v9, $0x1;
	v7 =	vmul.f32 v14, v7  }
0x2f5: {  	v17 =	vbroadcast v5, $0x3;
	v52 =	vbroadcast v9, $0x3;
	v15 =	vld [tilespmem:s30+$0xFFFFFF00]  }
0x2f6: {  	v50 =	vld [tilespmem:s20+$0x0];
	v6 =	vbroadcast v0, $0x3;
	[tilespmem:s11+$0xFFFFFF80] =	vst v7;
	v7 =	vmul.f32 v10, v13  }
0x2f7: {  	v16 =	vbroadcast v11, $0x0;
	[tilespmem:s29+$0x20] =	vst v8;
	v8 =	vld [tilespmem:s3+$0xFFFFFFB0];
	v12 =	vmul.f32 v12, v17  }
0x2f8: {  	v2 =	vbroadcast v2, $0x7;
	v21 =	vld [tilespmem:s3+$0xE0];
	v14 =	vbroadcast v4, $0x0;
	[tilespmem:s11+$0x90] =	vst v7  }
0x2f9: {  	[tilespmem:s29+$0xFFFFFF30] =	vst v12;
	v12 =	vmul.f32 v16, v18;
	v16 =	vbroadcast v5, $0x6;
	v7 =	vld [tilespmem:s30+$0xA0]  }
0x2fa: {  	v15 =	vmul.f32 v14, v15;
	v14 =	vbroadcast v5, $0x5;
	v5 =	vld [tilespmem:s19+$0x10]  }
0x2fb: {  	v31 =	vbroadcast v3, $0x1;
	v47 =	vbroadcast v3, $0x2;
	[tilespmem:s11+$0x0] =	vst v12;
	v12 =	vld [tilespmem:s20+$0x10]  }
0x2fc: {  	v34 =	vbroadcast v3, $0x4;
	v17 =	vld [tilespmem:s3+$0x30];
	v18 =	vbroadcast v9, $0x2  }
0x2fd: {  	v45 =	vbroadcast v11, $0x1;
	v25 =	vld [tilespmem:s3+$0xFFFFFF40];
	v6 =	vmul.f32 v8, v6  }
0x2fe: {  	v30 =	vbroadcast v4, $0x1;
	v26 =	vld [tilespmem:s30+$0xFFFFFF90];
	[tilespmem:s11+$0xFFFFFF00] =	vst v15;
	v7 =	vmul.f32 v18, v7  }
0x2ff: {  	v63 =	vbroadcast v4, $0x2;
	v21 =	vmul.f32 v21, v61;
	v28 =	vld [tilespmem:s30+$0x10];
	[tilespmem:s29+$0xFFFFFFB0] =	vst v6  }
0x300: {  	v49 =	vbroadcast v4, $0x3;
	v33 =	vbroadcast v4, $0x4;
	v6 =	vld [tilespmem:s19+$0xFFFFFFE0];
	v5 =	vadd.f32 v12, v5;
	[tilespmem:s11+$0xA0] =	vst v7  }
0x301: {  	v13 =	vbroadcast v0, $0x5;
	v17 =	vmul.f32 v17, v19;
	[tilespmem:s29+$0xE0] =	vst v21;
	v21 =	vadd.f32 v46, v62;
	v8 =	vld [tilespmem:s30+$0xB0]  }
0x302: {  	v29 =	vld [tilespmem:s30+$0xFFFFFF10];
	v20 =	vmul.f32 v25, v20;
	v51 =	vmul.f32 $2.000000030e-01, v5  }
0x303: {  	v26 =	vmul.f32 v31, v26;
	v31 =	vmul.f32 $2.000000030e-01, v21;
	vm8 =	vgt.f32 v5, $0.0e+00  }
0x304: {  	v10 =	vbroadcast v1, $0x5;
	v19 =	vld [tilespmem:s3+$0xFFFFFFC0];
	vm9 =	vgt.f32 v21, $0.0e+00;
	[tilespmem:s29+$0xFFFFFF40] =	vst v20;
	v5 =	vsel vm8, v5, v51  }
0x305: {  	[tilespmem:s29+$0x30] =	vst v17;
	v25 =	vmul.f32 v45, v28;
	v53 =	vld [tilespmem:s3+$0xFFFFFF50];
	v21 =	vsel vm9, v21, v31;
	v5 =	vmul.f32 $1.442695020e+00, v5  }
0x306: {  	s21 =	simm.s32 $0xAB0;
	v28 =	vadd.f32 v50, v48;
	v17 =	vmul.f32 $1.442695020e+00, v21;
	v21 =	vld [tilespmem:s3+$0x40];
	v8 =	vmul.f32 v8, v52  }
0x307: {  	v54 =	vld [tilespmem:s21+$0xFFFFFFD0];
	v6 =	vadd.f32 v60, v6;
	v29 =	vmul.f32 v30, v29;
	[tilespmem:s11+$0x10] =	vst v25;
	(erf) = vpow2.f32 v5  }
0x308: {  	vm10 =	vgt.f32 v28, $0.0e+00;
	v7 =	vbroadcast v11, $0x2;
	v31 =	vld [tilespmem:s30+$0x20];
	[tilespmem:s11+$0xB0] =	vst v8;
	v8 =	vmul.f32 $2.000000030e-01, v28  }
0x309: {  	vm11 =	vgt.f32 v6, $0.0e+00;
	v5 =	vmul.f32 v19, v24;
	v24 =	vmul.f32 $2.000000030e-01, v6;
	v19 =	vld [tilespmem:s30+$0xC0]  }
0x30a: {  	v20 =	vld [tilespmem:s21+$0x0];
	[tilespmem:s11+$0xFFFFFF10] =	vst v29;
	v14 =	vmul.f32 v53, v14;
	(erf) = vpow2.f32 v17;
	v8 =	vsel vm10, v28, v8  }
0x30b: {  	[tilespmem:s11+$0xFFFFFF90] =	vst v26;
	v29 =	vld [tilespmem:s30+$0xFFFFFF20];
	v21 =	vmul.f32 v21, v27;
	v6 =	vsel vm11, v6, v24;
	v8 =	vmul.f32 $1.442695020e+00, v8  }
0x30c: {  	v30 =	vld [tilespmem:s3+$0xF0];
	[tilespmem:s29+$0xFFFFFF50] =	vst v14;
	v24 =	vbroadcast v9, $0x4;
	v6 =	vmul.f32 $1.442695020e+00, v6  }
0x30d: {  	v26 =	vld [tilespmem:s30+$0xFFFFFFA0];
	[tilespmem:s29+$0xFFFFFFC0] =	vst v5;
	v7 =	vmul.f32 v7, v31;
	(erf) = vpow2.f32 v8  }
0x30e: {  	v1 =	vbroadcast v1, $0x7;
	v39 =	vld [tilespmem:s3+$0xFFFFFF60];
	[tilespmem:s29+$0x40] =	vst v21;
	v5 =	vmul.f32 v19, v24  }
0x30f: {  	v15 =	vbroadcast v0, $0x6;
	v0 =	vbroadcast v0, $0x7;
	[tilespmem:s11+$0x20] =	vst v7;
	v40 =	vld [tilespmem:s3+$0x50]  }
0x310: {  	v55 =	vld [tilespmem:s30+$0x30];
	(erf) = vpow2.f32 v6;
	v6 =	vpop (erf);
	[tilespmem:s11+$0xC0] =	vst v5;
	v5 =	vmul.f32 v63, v29  }
0x311: {  	v17 =	vmul.f32 v30, v2;
	v2 =	vld [tilespmem:s21+$0xFFFFFFE0];
	v28 =	vmul.f32 v6, v20  }
0x312: {  	s22 =	simm.s32 $0x62A0;
	v12 =	vbroadcast v11, $0x3;
	v18 =	vbroadcast v3, $0x3;
	[tilespmem:s11+$0xFFFFFF20] =	vst v5;
	v5 =	vld [tilespmem:s21+$0xFFFFFFF0]  }
0x313: {  	s20 =	simm.s32 $0x2700;
	v25 =	vbroadcast v4, $0x5;
	v7 =	vbroadcast v4, $0x6;
	v8 =	vld [tilespmem:s30+$0xD0];
	[tilespmem:s22+$0x10] =	vst v28  }
0x314: {  	v16 =	vmul.f32 v39, v16;
	v40 =	vmul.f32 v40, v10;
	v30 =	vld [tilespmem:s20+$0x80]  }
0x315: {  	s14 =	simm.s32 $0x1AE0;
	v35 =	vmul.f32 v55, v12;
	v19 =	vld [tilespmem:s3+$0xFFFFFFD0];
	v6 =	vmul.f32 v47, v26;
	v27 =	vpop (erf)  }
0x316: {  	v50 =	vld [tilespmem:s14+$0xFFFFFFE0];
	v29 =	vbroadcast v9, $0x5;
	v21 =	vmul.f32 v27, v2;
	v2 =	vpop (erf)  }
0x317: {  	s23 =	simm.s32 $0x12E0;
	[tilespmem:s11+$0xFFFFFFA0] =	vst v6;
	v20 =	vld [tilespmem:s30+$0xFFFFFF30];
	v27 =	vmul.f32 v2, v5;
	v2 =	vbroadcast v28, $0x0  }
0x318: {  	v51 =	vld [tilespmem:s23+$0xFFFFFFF0];
	v24 =	vbroadcast v11, $0x4;
	[tilespmem:s22+$0xFFFFFFF0] =	vst v21;
	v8 =	vmul.f32 v8, v29  }
0x319: {  	v26 =	vbroadcast v3, $0x5;
	v60 =	vld [tilespmem:s20+$0xFFFFFF80];
	[tilespmem:s22+$0x0] =	vst v27;
	v2 =	vmul.f32 v2, v30  }
0x31a: {  	v6 =	vbroadcast v11, $0x5;
	s21 =	simm.s32 $0x6B00;
	v13 =	vmul.f32 v19, v13;
	v5 =	vpop (erf);
	[tilespmem:s11+$0xD0] =	vst v8;
	v30 =	vld [tilespmem:s20+$0x0]  }
0x31b: {  	v53 =	vbroadcast v28, $0x3;
	v29 =	vmul.f32 v5, v54;
	v59 =	vld [tilespmem:s30+$0xE0];
	[tilespmem:s21+$0x80] =	vst v2  }
0x31c: {  	[tilespmem:s29+$0xFFFFFFD0] =	vst v13;
	v14 =	vmul.f32 v20, v49;
	v20 =	vbroadcast v21, $0x0;
	v61 =	vld [tilespmem:s20+$0x90]  }
0x31d: {  	v12 =	vld [tilespmem:s14+$0x10];
	v8 =	vbroadcast v3, $0x6;
	v13 =	vbroadcast v27, $0x0;
	[tilespmem:s22+$0xFFFFFFE0] =	vst v29  }
0x31e: {  	v31 =	vld [tilespmem:s30+$0xFFFFFFB0];
	[tilespmem:s11+$0xFFFFFF30] =	vst v14;
	v14 =	vmul.f32 v20, v60;
	v2 =	vbroadcast v9, $0x6  }
0x31f: {  	v20 =	vbroadcast v28, $0x1;
	v19 =	vld [tilespmem:s20+$0xFFFFFF00];
	v13 =	vmul.f32 v13, v30  }
0x320: {  	v36 =	vld [tilespmem:s3+$0xFFFFFFE0];
	v5 =	vbroadcast v11, $0x6;
	[tilespmem:s21+$0xFFFFFF80] =	vst v14;
	v2 =	vmul.f32 v59, v2  }
0x321: {  	v62 =	vbroadcast v29, $0x0;
	v63 =	vld [tilespmem:s30+$0xFFFFFF40];
	[tilespmem:s21+$0x0] =	vst v13;
	v13 =	vmul.f32 v20, v61  }
0x322: {  	[tilespmem:s11+$0xE0] =	vst v2;
	v2 =	vbroadcast v3, $0x7;
	v3 =	vbroadcast v11, $0x7;
	v11 =	vld [tilespmem:s20+$0xFFFFFF90]  }
0x323: {  	v44 =	vbroadcast v21, $0x2;
	v38 =	vbroadcast v21, $0x3;
	v30 =	vld [tilespmem:s30+$0xF0];
	[tilespmem:s21+$0x90] =	vst v13  }
0x324: {  	v10 =	vbroadcast v21, $0x6;
	v19 =	vmul.f32 v62, v19;
	v59 =	vld [tilespmem:s20+$0xA0]  }
0x325: {  	v46 =	vbroadcast v27, $0x2;
	v14 =	vmul.f32 v31, v18;
	v61 =	vld [tilespmem:s23+$0x10]  }
0x326: {  	v37 =	vbroadcast v27, $0x3;
	v56 =	vbroadcast v29, $0x1;
	[tilespmem:s21+$0xFFFFFF00] =	vst v19;
	v57 =	vld [tilespmem:s20+$0x10]  }
0x327: {  	v47 =	vbroadcast v29, $0x3;
	[tilespmem:s11+$0xFFFFFFB0] =	vst v14;
	v14 =	vbroadcast v28, $0x2;
	v58 =	vld [tilespmem:s20+$0xFFFFFF10]  }
0x328: {  	v9 =	vbroadcast v9, $0x7;
	v15 =	vmul.f32 v36, v15;
	v60 =	vld [tilespmem:s30+$0xFFFFFFC0]  }
0x329: {  	v52 =	vld [tilespmem:s14+$0xFFFFFFF0];
	[tilespmem:s29+$0x50] =	vst v40;
	v18 =	vbroadcast v21, $0x1;
	v45 =	vmul.f32 v14, v59  }
0x32a: {  	v54 =	vld [tilespmem:s3+$0x60];
	v13 =	vbroadcast v27, $0x1;
	v30 =	vmul.f32 v30, v9  }
0x32b: {  	v62 =	vld [tilespmem:s23+$0x0];
	v9 =	vmul.f32 v18, v11;
	v18 =	vmul.f32 v63, v33;
	[tilespmem:s21+$0xA0] =	vst v45  }
0x32c: {  	v63 =	vmul.f32 v13, v57;
	v11 =	vmul.f32 v56, v58;
	v56 =	vadd.f32 v12, v61;
	v57 =	vld [tilespmem:s20+$0xB0]  }
0x32d: {  	[tilespmem:s11+$0x30] =	vst v35;
	v31 =	vbroadcast v29, $0x2;
	v34 =	vmul.f32 v60, v34;
	v58 =	vld [tilespmem:s14+$0x0]  }
0x32e: {  	[tilespmem:s29+$0xFFFFFFE0] =	vst v15;
	v15 =	vbroadcast v29, $0x7;
	v59 =	vld [tilespmem:s23+$0xFFFFFFE0];
	v49 =	vmul.f32 $2.000000030e-01, v56  }
0x32f: {  	v20 =	vbroadcast v29, $0x4;
	v60 =	vadd.f32 v52, v51;
	[tilespmem:s11+$0xFFFFFFC0] =	vst v34;
	vm12 =	vgt.f32 v56, $0.0e+00  }
0x330: {  	v36 =	vld [tilespmem:s3+$0xFFFFFFF0];
	v19 =	vbroadcast v21, $0x4;
	v34 =	vmul.f32 v54, v22;
	[tilespmem:s21+$0xFFFFFF90] =	vst v9;
	v32 =	vsel vm12, v56, v49  }
0x331: {  	v33 =	vld [tilespmem:s30+$0x40];
	vm13 =	vgt.f32 v60, $0.0e+00;
	[tilespmem:s11+$0xFFFFFF40] =	vst v18;
	v32 =	vmul.f32 $1.442695020e+00, v32;
	v42 =	vmul.f32 v57, v53  }
0x332: {  	v13 =	vbroadcast v29, $0x5;
	v61 =	vmul.f32 $2.000000030e-01, v60;
	v41 =	vld [tilespmem:s20+$0xFFFFFFA0];
	[tilespmem:s21+$0xFFFFFF10] =	vst v11;
	v18 =	vadd.f32 v58, v62  }
0x333: {  	v12 =	vbroadcast v21, $0x5;
	v48 =	vld [tilespmem:s20+$0xFFFFFF20];
	v62 =	vadd.f32 v50, v59;
	(erf) = vpow2.f32 v32;
	[tilespmem:s21+$0xB0] =	vst v42  }
0x334: {  	v9 =	vbroadcast v29, $0x6;
	[tilespmem:s21+$0x10] =	vst v63;
	v35 =	vsel vm13, v60, v61;
	v50 =	vmul.f32 $2.000000030e-01, v18;
	v51 =	vld [tilespmem:s20+$0xC0]  }
0x335: {  	[tilespmem:s29+$0xFFFFFF60] =	vst v16;
	v16 =	vmul.f32 $1.442695020e+00, v35;
	v49 =	vld [tilespmem:s20+$0x20];
	vm14 =	vgt.f32 v18, $0.0e+00;
	v52 =	vmul.f32 $2.000000030e-01, v62  }
0x336: {  	s10 =	simm.s32 $0xAF0;
	v63 =	vld [tilespmem:s30+$0xFFFFFF50];
	v56 =	vbroadcast v28, $0x4;
	vm15 =	vgt.f32 v62, $0.0e+00;
	v18 =	vsel vm14, v18, v50  }
0x337: {  	[tilespmem:s29+$0xF0] =	vst v17;
	v60 =	vld [tilespmem:s10+$0xFFFFFFF0];
	(erf) = vpow2.f32 v16;
	v55 =	vsel vm15, v62, v52;
	v18 =	vmul.f32 $1.442695020e+00, v18  }
0x338: {  	[tilespmem:s11+$0xF0] =	vst v30;
	v58 =	vld [tilespmem:s10+$0x0];
	v30 =	vmul.f32 v31, v48;
	v17 =	vmul.f32 $1.442695020e+00, v55  }
0x339: {  	v31 =	vld [tilespmem:s10+$0xFFFFFFE0];
	(erf) = vpow2.f32 v18;
	v16 =	vmul.f32 v51, v56  }
0x33a: {  	v53 =	vld [tilespmem:s30+$0xFFFFFFD0];
	v29 =	vmul.f32 v46, v49;
	[tilespmem:s21+$0xFFFFFF20] =	vst v30;
	(erf) = vpow2.f32 v17  }
0x33b: {  	v14 =	vbroadcast v27, $0x4;
	v11 =	vbroadcast v27, $0x5;
	v57 =	vld [tilespmem:s3+$0xFFFFFF70];
	[tilespmem:s21+$0xC0] =	vst v16  }
0x33c: {  	v25 =	vmul.f32 v63, v25;
	[tilespmem:s21+$0x20] =	vst v29;
	v17 =	vmul.f32 v44, v41;
	v30 =	vpop (erf);
	v61 =	vld [tilespmem:s20+$0xD0]  }
0x33d: {  	[tilespmem:s29+$0x60] =	vst v34;
	v63 =	vld [tilespmem:s20+$0x30];
	v16 =	vbroadcast v21, $0x7;
	v21 =	vmul.f32 v30, v58  }
0x33e: {  	s15 =	simm.s32 $0x62E0;
	v24 =	vmul.f32 v33, v24;
	v35 =	vld [tilespmem:s3+$0x70];
	v18 =	vbroadcast v27, $0x6;
	[tilespmem:s21+$0xFFFFFFA0] =	vst v17  }
0x33f: {  	s0 =	simm.s32 $0x2900;
	v59 =	vld [tilespmem:s10+$0xFFFFFFD0];
	v17 =	vbroadcast v27, $0x7;
	v27 =	vbroadcast v28, $0x5;
	[tilespmem:s15+$0x10] =	vst v21  }
0x340: {  	v4 =	vbroadcast v4, $0x7;
	[tilespmem:s11+$0x40] =	vst v24;
	v26 =	vmul.f32 v53, v26;
	v51 =	vld [tilespmem:s0+$0x80]  }
0x341: {  	v32 =	vld [tilespmem:s30+$0x50];
	[tilespmem:s11+$0xFFFFFF50] =	vst v25;
	v52 =	vmul.f32 v57, v23;
	v22 =	vpop (erf);
	v24 =	vmul.f32 v61, v27  }
0x342: {  	[tilespmem:s11+$0xFFFFFFD0] =	vst v26;
	v48 =	vmul.f32 v63, v37;
	v22 =	vmul.f32 v22, v31;
	v30 =	vld [tilespmem:s20+$0xFFFFFF30];
	v23 =	vpop (erf)  }
0x343: {  	v62 =	vld [tilespmem:s20+$0xFFFFFFB0];
	v26 =	vbroadcast v21, $0x0;
	v23 =	vmul.f32 v23, v60;
	v27 =	vpop (erf);
	[tilespmem:s21+$0xD0] =	vst v24  }
0x344: {  	v63 =	vbroadcast v28, $0x7;
	[tilespmem:s15+$0xFFFFFFF0] =	vst v22;
	v24 =	vmul.f32 v27, v59;
	v31 =	vld [tilespmem:s20+$0xE0]  }
0x345: {  	v41 =	vbroadcast v22, $0x1;
	v53 =	vld [tilespmem:s0+$0xFFFFFF80];
	[tilespmem:s15+$0x0] =	vst v23;
	v26 =	vmul.f32 v26, v51  }
0x346: {  	s12 =	simm.s32 $0x6D00;
	v34 =	vbroadcast v22, $0x2;
	v37 =	vbroadcast v22, $0x4;
	v56 =	vld [tilespmem:s0+$0x0];
	[tilespmem:s15+$0xFFFFFFE0] =	vst v24  }
0x347: {  	v25 =	vmul.f32 v30, v47;
	[tilespmem:s12+$0x80] =	vst v26;
	v26 =	vbroadcast v28, $0x6;
	v57 =	vld [tilespmem:s0+$0xFFFFFF00]  }
0x348: {  	v62 =	vmul.f32 v62, v38;
	v27 =	vbroadcast v22, $0x0;
	v58 =	vld [tilespmem:s0+$0x90]  }
0x349: {  	v29 =	vld [tilespmem:s30+$0xFFFFFF60];
	v54 =	vbroadcast v23, $0x0;
	[tilespmem:s21+$0xFFFFFF30] =	vst v25;
	v25 =	vmul.f32 v31, v26  }
0x34a: {  	[tilespmem:s29+$0xFFFFFF70] =	vst v52;
	v30 =	vld [tilespmem:s30+$0xFFFFFFE0];
	v55 =	vbroadcast v24, $0x0;
	v26 =	vmul.f32 v27, v53  }
0x34b: {  	v40 =	vld [tilespmem:s20+$0xFFFFFF40];
	v59 =	vbroadcast v21, $0x1;
	v43 =	vmul.f32 v54, v56;
	[tilespmem:s21+$0xE0] =	vst v25  }
0x34c: {  	v42 =	vbroadcast v23, $0x1;
	v47 =	vmul.f32 v55, v57;
	[tilespmem:s12+$0xFFFFFF80] =	vst v26;
	v60 =	vld [tilespmem:s20+$0xF0]  }
0x34d: {  	v39 =	vbroadcast v24, $0x1;
	[tilespmem:s12+$0x0] =	vst v43;
	v61 =	vmul.f32 v59, v58;
	v44 =	vld [tilespmem:s0+$0xFFFFFF90]  }
0x34e: {  	v33 =	vbroadcast v24, $0x2;
	v38 =	vbroadcast v24, $0x4;
	v45 =	vld [tilespmem:s0+$0x10];
	[tilespmem:s12+$0xFFFFFF00] =	vst v47  }
0x34f: {  	v28 =	vbroadcast v23, $0x4;
	v31 =	vbroadcast v23, $0x2;
	[tilespmem:s12+$0x90] =	vst v61;
	v46 =	vld [tilespmem:s0+$0xFFFFFF10]  }
0x350: {  	s13 =	simm.s32 $0xC0;
	s2 =	simm.s32 $0x180;
	[tilespmem:s21+$0xFFFFFFB0] =	vst v62;
	v27 =	vbroadcast v24, $0x3;
	v25 =	vbroadcast v22, $0x3;
	v47 =	vld [tilespmem:s0+$0xA0]  }
0x351: {  	s22 =	simm.s32 $0xC;
	s23 =	simm.s32 $0x1320;
	s3 =	simm.s32 $0x2900;
	[tilespmem:s21+$0x30] =	vst v48;
	v43 =	vld [tilespmem:s20+$0xFFFFFFC0];
	v26 =	vbroadcast v23, $0x3;
	v48 =	vmul.f32 v60, v63  }
.LBB2_7:
0x352: {  	v49 =	vld [tilespmem:s23+$0x10];
	v41 =	vmul.f32 v41, v44;
	s14 =	sadd.s32 $0x40, s14;
	v40 =	vmul.f32 v40, v20;
	v20 =	vmov v38  }
0x353: {  	s22 =	sadd.s32 $0x4, s22;
	v44 =	vbroadcast v21, $0x2;
	v38 =	vld [tilespmem:s14+$0x10];
	v42 =	vmul.f32 v42, v45;
	[tilespmem:s21+$0xF0] =	vst v48  }
0x354: {  	p1 =	slt.u32 s22, $0x3C;
	v45 =	vld [tilespmem:s14+$0xFFFFFFE0];
	v39 =	vmul.f32 v39, v46;
	v46 =	vbroadcast v24, $0x5;
	[tilespmem:s12+$0xFFFFFF90] =	vst v41  }
0x355: {  	v48 =	vbroadcast v22, $0x5;
	v41 =	vld [tilespmem:s23+$0xFFFFFFF0];
	[tilespmem:s12+$0x10] =	vst v42;
	v42 =	vmul.f32 v44, v47  }
0x356: {  	v44 =	vld [tilespmem:s14+$0xFFFFFFF0];
	[tilespmem:s12+$0xFFFFFF10] =	vst v39;
	v39 =	vbroadcast v23, $0x5;
	v43 =	vmul.f32 v43, v19;
	v19 =	vmov v37  }
0x357: {  	v32 =	vmul.f32 v32, v6;
	v6 =	vmov v11;
	v47 =	vbroadcast v24, $0x6;
	v37 =	vld [tilespmem:s23+$0x0];
	[tilespmem:s12+$0xA0] =	vst v42  }
0x358: {  	v42 =	vbroadcast v22, $0x6;
	v38 =	vadd.f32 v38, v49;
	v49 =	vbroadcast v23, $0x6;
	v50 =	vld [tilespmem:s0+$0xB0];
	[tilespmem:s21+$0xFFFFFF40] =	vst v40;
	v11 =	vmovc v39  }
0x359: {  	v29 =	vmul.f32 v29, v7;
	v30 =	vmul.f32 v30, v8;
	v7 =	vmovc v9;
	v9 =	vmov v47;
	v39 =	vld [tilespmem:s14+$0x0];
	[tilespmem:s21+$0xFFFFFFC0] =	vst v43  }
0x35a: {  	v8 =	vmovc v10;
	v24 =	vbroadcast v24, $0x7;
	v10 =	vmov v42;
	v40 =	vld [tilespmem:s23+$0xFFFFFFE0];
	v43 =	vmul.f32 $2.000000030e-01, v38;
	[tilespmem:s11+$0x50] =	vst v32  }
0x35b: {  	v42 =	vbroadcast v21, $0x3;
	vm0 =	vgt.f32 v38, $0.0e+00;
	v32 =	vadd.f32 v44, v41;
	v41 =	vld [tilespmem:s0+$0xFFFFFF20];
	[tilespmem:s11+$0xFFFFFF60] =	vst v29  }
0x35c: {  	v22 =	vbroadcast v22, $0x7;
	v23 =	vbroadcast v23, $0x7;
	v29 =	vsel vm0, v38, v43;
	v38 =	vld [tilespmem:s0+$0xFFFFFFA0];
	[tilespmem:s11+$0xFFFFFFE0] =	vst v30  }
0x35d: {  	vm0 =	vgt.f32 v32, $0.0e+00;
	v29 =	vmul.f32 $1.442695020e+00, v29;
	v30 =	vld [tilespmem:s0+$0x20];
	v42 =	vmul.f32 v50, v42  }
0x35e: {  	v36 =	vmul.f32 v36, v0;
	v0 =	vmovc v2;
	v2 =	vmovc v16;
	v43 =	vmul.f32 $2.000000030e-01, v32;
	v37 =	vadd.f32 v39, v37;
	v39 =	vld [tilespmem:s20+$0x40]  }
0x35f: {  	v35 =	vmul.f32 v35, v1;
	v16 =	vmovc v22;
	v40 =	vadd.f32 v45, v40;
	(erf) = vpow2.f32 v29;
	[tilespmem:s12+$0xB0] =	vst v42;
	v29 =	vld [tilespmem:s20+$0xFFFFFF50]  }
0x360: {  	v1 =	vmovc v3;
	v3 =	vmovc v17;
	v22 =	vsel vm0, v32, v43;
	vm0 =	vgt.f32 v37, $0.0e+00;
	v32 =	vmul.f32 $2.000000030e-01, v37;
	v42 =	vld [tilespmem:s0+$0xC0];
	[tilespmem:s29+$0xFFFFFFF0] =	vst v36  }
0x361: {  	v17 =	vmovc v23;
	v22 =	vmul.f32 $1.442695020e+00, v22;
	vm1 =	vgt.f32 v40, $0.0e+00;
	v36 =	vmul.f32 $2.000000030e-01, v40;
	v43 =	vld [tilespmem:s20+$0xFFFFFFD0];
	[tilespmem:s29+$0x70] =	vst v35;
	s29 =	smov.u32 s11;
	s11 =	smov.u32 s21;
	s21 =	smov.u32 s12  }
0x362: {  	v23 =	vsel vm0, v37, v32;
	v32 =	vmul.f32 v33, v41;
	v33 =	vmul.f32 v34, v38;
	v34 =	vld [tilespmem:s30+$0x60]  }
0x363: {  	s10 =	sadd.s32 $0x40, s10;
	v35 =	vsel vm1, v40, v36;
	v23 =	vmul.f32 $1.442695020e+00, v23;
	v36 =	vbroadcast v21, $0x4;
	v37 =	vld [tilespmem:s30+$0xFFFFFF70]  }
0x364: {  	v35 =	vmul.f32 $1.442695020e+00, v35;
	v38 =	vld [tilespmem:s10+$0x0];
	(erf) = vpow2.f32 v22;
	[tilespmem:s12+$0xFFFFFF20] =	vst v32  }
0x365: {  	v40 =	vld [tilespmem:s10+$0xFFFFFFD0];
	(erf) = vpow2.f32 v23;
	[tilespmem:s12+$0xFFFFFFA0] =	vst v33;
	v22 =	vmul.f32 v42, v36  }
0x366: {  	v30 =	vmul.f32 v31, v30;
	v23 =	vld [tilespmem:s10+$0xFFFFFFE0];
	(erf) = vpow2.f32 v35  }
0x367: {  	v31 =	vld [tilespmem:s10+$0xFFFFFFF0];
	[tilespmem:s12+$0xC0] =	vst v22;
	v22 =	vmul.f32 v29, v13;
	v29 =	vmul.f32 v39, v14;
	v13 =	vmovc v46;
	v14 =	vmov v28  }
0x368: {  	v32 =	vmul.f32 v43, v12;
	v12 =	vmov v48;
	v33 =	vmul.f32 v34, v5;
	v28 =	vpop (erf);
	[tilespmem:s12+$0x20] =	vst v30;
	v30 =	vld [tilespmem:s0+$0xD0]  }
0x369: {  	v5 =	vmovc v18;
	v18 =	vmov v49;
	v35 =	vmul.f32 v37, v4;
	v28 =	vmul.f32 v28, v38;
	v34 =	vld [tilespmem:s0+$0xFFFFFF30];
	[tilespmem:s11+$0x40] =	vst v29  }
0x36a: {  	s15 =	sadd.s32 $0x40, s15;
	v4 =	vmov v15;
	v15 =	vmov v24;
	v37 =	vld [tilespmem:s0+$0xFFFFFFB0];
	[tilespmem:s11+$0xFFFFFF50] =	vst v22  }
0x36b: {  	v22 =	vbroadcast v21, $0x5;
	s0 =	sadd.s32 $0x200, s0;
	[tilespmem:s15+$0x10] =	vst v28;
	v38 =	vld [tilespmem:s3+$0x30]  }
0x36c: {  	v36 =	vld [tilespmem:s0+$0x80];
	[tilespmem:s11+$0xFFFFFFD0] =	vst v32  }
0x36d: {  	v24 =	vpop (erf);
	v30 =	vmul.f32 v30, v22;
	v32 =	vld [tilespmem:s20+$0x50];
	[tilespmem:s29+$0x60] =	vst v33  }
0x36e: {  	v22 =	vmul.f32 v24, v23;
	v23 =	vpop (erf);
	v27 =	vmul.f32 v34, v27;
	v29 =	vld [tilespmem:s20+$0xFFFFFF60];
	[tilespmem:s29+$0xFFFFFF70] =	vst v35  }
0x36f: {  	v23 =	vmul.f32 v23, v31;
	v31 =	vbroadcast v28, $0x0;
	v24 =	vpop (erf);
	[tilespmem:s12+$0xD0] =	vst v30;
	v30 =	vld [tilespmem:s20+$0xFFFFFFE0]  }
0x370: {  	v24 =	vmul.f32 v24, v40;
	[tilespmem:s15+$0xFFFFFFF0] =	vst v22;
	v35 =	vbroadcast v22, $0x0;
	v43 =	vld [tilespmem:s3+$0xE0]  }
0x371: {  	v44 =	vld [tilespmem:s0+$0xFFFFFF80];
	[tilespmem:s15+$0x0] =	vst v23;
	v45 =	vbroadcast v23, $0x0;
	v31 =	vmul.f32 v31, v36  }
0x372: {  	s12 =	sadd.s32 $0x200, s12;
	[tilespmem:s15+$0xFFFFFFE0] =	vst v24;
	v46 =	vbroadcast v24, $0x0;
	v39 =	vbroadcast v24, $0x1;
	v47 =	vld [tilespmem:s0+$0x0]  }
0x373: {  	v41 =	vbroadcast v22, $0x1;
	v48 =	vld [tilespmem:s0+$0xFFFFFF00];
	[tilespmem:s12+$0x80] =	vst v31;
	v31 =	vbroadcast v21, $0x6  }
0x374: {  	v42 =	vbroadcast v23, $0x1;
	v33 =	vbroadcast v24, $0x2;
	v49 =	vld [tilespmem:s0+$0x90];
	[tilespmem:s21+$0xFFFFFF30] =	vst v27  }
0x375: {  	v34 =	vbroadcast v22, $0x2;
	v40 =	vld [tilespmem:s3+$0xFFFFFF40];
	v27 =	vmul.f32 v43, v31  }
0x376: {  	v31 =	vbroadcast v23, $0x2;
	v43 =	vmul.f32 v35, v44;
	v36 =	vld [tilespmem:s30+$0xFFFFFFF0]  }
0x377: {  	v45 =	vmul.f32 v45, v47;
	v47 =	vbroadcast v28, $0x1;
	[tilespmem:s21+$0xE0] =	vst v27;
	v35 =	vld [tilespmem:s30+$0x70];
	s30 =	smov.u32 s20;
	s20 =	smov.u32 s3;
	s3 =	smov.u32 s0  }
0x378: {  	v27 =	vbroadcast v24, $0x3;
	v46 =	vmul.f32 v46, v48;
	[tilespmem:s12+$0xFFFFFF80] =	vst v43;
	v48 =	vld [tilespmem:s20+$0xF0]  }
.Ltmp2:
0x379: {  	v43 =	vbroadcast v22, $0x3;
	v44 =	vld [tilespmem:s0+$0xFFFFFF90];
	[tilespmem:s12+$0x0] =	vst v45;
	v47 =	vmul.f32 v47, v49;
	(pc) =	sbr.rel @p1 .LBB2_7-.Ltmp2, $4  }
0x37a: {  	v50 =	vmul.f32 v37, v25;
	v49 =	vbroadcast v23, $0x3;
	[tilespmem:s12+$0xFFFFFF00] =	vst v46;
	v45 =	vld [tilespmem:s0+$0x10]  }
0x37b: {  	v52 =	vbroadcast v21, $0x7;
	v51 =	vmul.f32 v38, v26;
	v21 =	vmovc v28;
	v25 =	vmov v43;
	v46 =	vld [tilespmem:s0+$0xFFFFFF10];
	[tilespmem:s12+$0x90] =	vst v47  }
0x37c: {  	v37 =	vbroadcast v22, $0x4;
	v38 =	vbroadcast v24, $0x4;
	v26 =	vmov v49;
	v47 =	vld [tilespmem:s0+$0xA0];
	[tilespmem:s21+$0xFFFFFFB0] =	vst v50  }
0x37d: {  	s23 =	sadd.s32 $0x40, s23;
	v28 =	vbroadcast v23, $0x4;
	v43 =	vld [tilespmem:s20+$0xFFFFFFC0];
	[tilespmem:s21+$0x30] =	vst v51;
	v48 =	vmul.f32 v48, v52  }
0x37e: {  	_ = 	snop  }
0x37f: {  	v49 =	vbroadcast v21, $0x2;
	_ =	sdelay $0x1  }
0x380: {  	v47 =	vmul.f32 v49, v47;
	_ =	sdelay $0x1  }
0x381: {  	[tilespmem:s12+$0xA0] =	vst v47  }
0x382: {  	v47 =	vld [tilespmem:s0+$0xB0]  }
0x383: {  	v39 =	vmul.f32 v39, v46  }
0x384: {  	v41 =	vmul.f32 v41, v44  }
0x385: {  	v54 =	vbroadcast v21, $0x3;
	v42 =	vmul.f32 v42, v45;
	[tilespmem:s12+$0xFFFFFF10] =	vst v39  }
0x386: {  	[tilespmem:s12+$0xFFFFFF90] =	vst v41;
	v55 =	vld [tilespmem:s0+$0xFFFFFF20]  }
0x387: {  	[tilespmem:s12+$0x10] =	vst v42;
	v56 =	vld [tilespmem:s0+$0xFFFFFFA0];
	v39 =	vmul.f32 v47, v54  }
0x388: {  	v57 =	vld [tilespmem:s0+$0x20]  }
0x389: {  	[tilespmem:s12+$0xB0] =	vst v39  }
0x38a: {  	v39 =	vld [tilespmem:s0+$0xC0]  }
0x38b: {  	v33 =	vmul.f32 v33, v55  }
0x38c: {  	[tilespmem:s21+$0xF0] =	vst v48;
	v34 =	vmul.f32 v34, v56  }
0x38d: {  	v58 =	vbroadcast v21, $0x4;
	v31 =	vmul.f32 v31, v57;
	[tilespmem:s12+$0xFFFFFF20] =	vst v33  }
0x38e: {  	v20 =	vmul.f32 v40, v20;
	[tilespmem:s12+$0xFFFFFFA0] =	vst v34;
	v33 =	vld [tilespmem:s0+$0xFFFFFF30]  }
0x38f: {  	[tilespmem:s12+$0x20] =	vst v31;
	v31 =	vld [tilespmem:s0+$0xFFFFFFB0];
	v59 =	vmul.f32 v39, v58  }
0x390: {  	[tilespmem:s21+$0xFFFFFF40] =	vst v20;
	v19 =	vmul.f32 v43, v19;
	v20 =	vld [tilespmem:s3+$0x30]  }
0x391: {  	v6 =	vmul.f32 v32, v6;
	[tilespmem:s12+$0xC0] =	vst v59  }
0x392: {  	v7 =	vmul.f32 v29, v7;
	[tilespmem:s21+$0xFFFFFFC0] =	vst v19;
	v19 =	vld [tilespmem:s0+$0xD0]  }
0x393: {  	[tilespmem:s11+$0x50] =	vst v6;
	v6 =	vmul.f32 v33, v27  }
0x394: {  	[tilespmem:s11+$0xFFFFFF60] =	vst v7;
	v7 =	vmul.f32 v31, v25  }
0x395: {  	v25 =	vld [tilespmem:s20+$0x40];
	v27 =	vbroadcast v21, $0x5;
	[tilespmem:s12+$0xFFFFFF30] =	vst v6;
	v6 =	vmul.f32 v20, v26  }
0x396: {  	v8 =	vmul.f32 v30, v8;
	[tilespmem:s12+$0xFFFFFFB0] =	vst v7;
	v20 =	vld [tilespmem:s3+$0xFFFFFF40]  }
0x397: {  	[tilespmem:s12+$0x30] =	vst v6;
	v7 =	vmul.f32 v19, v27;
	v19 =	vld [tilespmem:s3+$0xFFFFFFC0]  }
0x398: {  	v0 =	vmul.f32 v36, v0;
	[tilespmem:s11+$0xFFFFFFE0] =	vst v8;
	v6 =	vld [tilespmem:s3+$0x40]  }
0x399: {  	v1 =	vmul.f32 v35, v1;
	v8 =	vld [tilespmem:s20+$0xFFFFFF50];
	[tilespmem:s12+$0xD0] =	vst v7  }
0x39a: {  	[tilespmem:s29+$0xFFFFFFF0] =	vst v0;
	v0 =	vmul.f32 v25, v14;
	v7 =	vld [tilespmem:s3+$0xE0]  }
0x39b: {  	[tilespmem:s29+$0x70] =	vst v1;
	v14 =	vld [tilespmem:s20+$0xFFFFFFD0];
	v1 =	vmul.f32 v20, v38  }
0x39c: {  	[tilespmem:s21+$0x40] =	vst v0;
	v20 =	vld [tilespmem:s30+$0x60];
	v0 =	vmul.f32 v19, v37  }
0x39d: {  	v25 =	vbroadcast v21, $0x6;
	[tilespmem:s12+$0xFFFFFF40] =	vst v1;
	v1 =	vmul.f32 v6, v28;
	v19 =	vld [tilespmem:s20+$0x50]  }
0x39e: {  	v6 =	vmul.f32 v8, v13;
	[tilespmem:s12+$0xFFFFFFC0] =	vst v0;
	v0 =	vld [tilespmem:s3+$0xFFFFFF50]  }
0x39f: {  	[tilespmem:s12+$0x40] =	vst v1;
	v7 =	vmul.f32 v7, v25;
	v8 =	vld [tilespmem:s3+$0xFFFFFFD0]  }
0x3a0: {  	v1 =	vmul.f32 v14, v12;
	[tilespmem:s21+$0xFFFFFF50] =	vst v6;
	v6 =	vld [tilespmem:s3+$0x50]  }
0x3a1: {  	v13 =	vld [tilespmem:s30+$0xFFFFFF70];
	v12 =	vbroadcast v24, $0x5;
	v5 =	vmul.f32 v20, v5;
	[tilespmem:s12+$0xE0] =	vst v7  }
0x3a2: {  	[tilespmem:s21+$0xFFFFFFD0] =	vst v1;
	v7 =	vbroadcast v22, $0x5;
	v11 =	vmul.f32 v19, v11;
	v1 =	vld [tilespmem:s3+$0xF0]  }
0x3a3: {  	v14 =	vbroadcast v23, $0x5;
	[tilespmem:s11+$0x60] =	vst v5;
	v5 =	vld [tilespmem:s20+$0xFFFFFF60];
	v0 =	vmul.f32 v0, v12  }
0x3a4: {  	v12 =	vld [tilespmem:s20+$0xFFFFFFE0];
	[tilespmem:s21+$0x50] =	vst v11;
	v7 =	vmul.f32 v8, v7  }
0x3a5: {  	v8 =	vbroadcast v21, $0x7;
	v11 =	vld [tilespmem:s20+$0x60];
	[tilespmem:s12+$0xFFFFFF50] =	vst v0;
	v0 =	vmul.f32 v6, v14  }
0x3a6: {  	v4 =	vmul.f32 v13, v4;
	[tilespmem:s12+$0xFFFFFFD0] =	vst v7;
	v6 =	vld [tilespmem:s3+$0xFFFFFF60]  }
0x3a7: {  	v1 =	vmul.f32 v1, v8;
	v7 =	vld [tilespmem:s3+$0xFFFFFFE0];
	[tilespmem:s12+$0x50] =	vst v0  }
0x3a8: {  	[tilespmem:s11+$0xFFFFFF70] =	vst v4;
	v0 =	vmul.f32 v5, v9;
	v4 =	vld [tilespmem:s3+$0x60]  }
0x3a9: {  	v5 =	vbroadcast v24, $0x6;
	v8 =	vld [tilespmem:s30+$0xFFFFFFF0];
	[tilespmem:s12+$0xF0] =	vst v1;
	v1 =	vmul.f32 v12, v10  }
0x3aa: {  	v9 =	vbroadcast v22, $0x6;
	v10 =	vld [tilespmem:s30+$0x70];
	[tilespmem:s21+$0xFFFFFF60] =	vst v0;
	v0 =	vmul.f32 v11, v18  }
0x3ab: {  	v11 =	vbroadcast v23, $0x6;
	[tilespmem:s21+$0xFFFFFFE0] =	vst v1;
	v1 =	vld [tilespmem:s20+$0xFFFFFF70];
	v5 =	vmul.f32 v6, v5  }
0x3ac: {  	[tilespmem:s21+$0x60] =	vst v0;
	v0 =	vld [tilespmem:s20+$0xFFFFFFF0];
	v6 =	vmul.f32 v7, v9  }
0x3ad: {  	v7 =	vld [tilespmem:s20+$0x70];
	[tilespmem:s12+$0xFFFFFF60] =	vst v5;
	v4 =	vmul.f32 v4, v11  }
0x3ae: {  	v2 =	vmul.f32 v8, v2;
	[tilespmem:s12+$0xFFFFFFE0] =	vst v6;
	v5 =	vld [tilespmem:s3+$0xFFFFFF70]  }
0x3af: {  	v3 =	vmul.f32 v10, v3;
	[tilespmem:s12+$0x60] =	vst v4;
	v4 =	vld [tilespmem:s3+$0xFFFFFFF0]  }
0x3b0: {  	[tilespmem:s11+$0xFFFFFFF0] =	vst v2;
	v1 =	vmul.f32 v1, v15;
	v2 =	vld [tilespmem:s3+$0x70]  }
0x3b1: {  	v6 =	vbroadcast v24, $0x7;
	[tilespmem:s11+$0x70] =	vst v3;
	v0 =	vmul.f32 v0, v16  }
0x3b2: {  	v3 =	vbroadcast v22, $0x7;
	[tilespmem:s21+$0xFFFFFF70] =	vst v1;
	v1 =	vmul.f32 v7, v17  }
0x3b3: {  	v7 =	vbroadcast v23, $0x7;
	[tilespmem:s21+$0xFFFFFFF0] =	vst v0;
	v0 =	vmul.f32 v5, v6  }
0x3b4: {  	[tilespmem:s21+$0x70] =	vst v1;
	v1 =	vmul.f32 v4, v3  }
0x3b5: {  	[tilespmem:s12+$0xFFFFFF70] =	vst v0;
	v0 =	vmul.f32 v2, v7  }
0x3b6: {  	[tilespmem:s12+$0xFFFFFFF0] =	vst v1  }
0x3b7: {  	s10 =	rddreg [dreg:$0x3];
	s20 =	simm.s32 $0x6200;
	s21 =	simm.s32 $0x140;
	[tilespmem:s12+$0x70] =	vst v0  }
0x3b8: {  	[spmem:s10] =	stream.indirect.scatter.add.f32 [tilespmem:s20], [sflag:$0x3], $0x10, s21, s28, $0xb8;
	[tilespmem:$0x1EE00] =	vst v63  }
0x3b9: {  	_ =	swait.ge [sflag:s25], $0x400  }
0x3ba: {  	[sflag:s25] =	ssyncset.done $0x0  }
0x3bb: {  	[sflag:s25] =	ssyncadd.s32 $0xFFFFFC00  }
0x3bc: {  	s22 =	simm.s32 $0x6600;
	s23 =	rddreg [dreg:$0x2]  }
0x3bd: {  	[spmem:s23] =	stream.indirect.scatter.add.f32 [tilespmem:s22], [sflag:$0x3], $0x80, s21, s28, $0xb8;
	[tilespmem:$0x1EE00] =	vst v63  }
0x3be: {  	_ =	swait.ge [sflag:s25], $0x2000  }
0x3bf: {  	[sflag:s25] =	ssyncset.done $0x0  }
0x3c0: {  	s0 =	simm.s32 @!p0 $0x1;
	[sflag:s25] =	ssyncadd.s32 $0xFFFFE000  }
0x3c1: {  	_ =	swait.ge @!p0 [sflag:s0], $0x80  }
0x3c2: {  	[sflag:s0] =	ssyncset.done @!p0 $0x0  }
0x3c3: {  	[sflag:s0] =	ssyncadd.s32 @!p0 $0xFFFFFF80  }
0x3c4: {  	_ =	swait.ge @!p0 [sflag:s0], $0x400  }
0x3c5: {  	s3 =	simm.s32 @!p0 $0x0;
	[sflag:s0] =	ssyncset.done @!p0 $0x0  }
0x3c6: {  	s10 =	simm.s32 @!p0 $0x1200;
	[sflag:s0] =	ssyncadd.s32 @!p0 $0xFFFFFC00;
	s0 =	simm.s32 @!p0 $0x40  }
0x3c7: {  	[tilespmem:s10], [sflag:$0x2] =	stream.indirect.gather @!p0 [hbm4b:s7+s0], $0x10, s3, s0, $0xb8;
	[tilespmem:$0x1EE00] =	vst v63  }
0x3c8: {  	s10 =	simm.s32 @!p0 $0x1A00  }
0x3c9: {  	[tilespmem:s10], [sflag:$0x2] =	stream.indirect.gather @!p0 [hbm4b:s8+s0], $0x10, s0, s0, $0xb8;
	[tilespmem:$0x1EE00] =	vst v63  }
0x3ca: {  	s10 =	simm.s32 @!p0 $0x2200  }
0x3cb: {  	[tilespmem:s10], [sflag:$0x2] =	stream.indirect.gather @!p0 [hbm4b:s9+s0], $0x80, s3, s0, $0xb8;
	[tilespmem:$0x1EE00] =	vst v63  }
0x3cc: {  	s0 =	rddreg [dreg:$0x10]  }
0x3cd: {  	s0 =	sadd.s32 @!p0 s24, s0  }
0x3ce: {  	s10 =	sshll.u32 @!p0 s0, $0x4  }
0x3cf: {  	s0 =	sshll.u32 @!p0 s0, $0x7;
	s10 =	sand.u32 @!p0 $0x1FFFFFD0, s10  }
0x3d0: {  	s11 =	simm.s32 @!p0 $0x80;
	s0 =	sand.u32 @!p0 $0x1FFFFE80, s0;
	s10 =	sadd.s32 @!p0 s5, s10  }
0x3d1: {  	[tilespmem:s11], [sflag:$0x1] =	stream.linear.gather @!p0 [hbm4b:s10+s3], $0x80, $0x38;
	[tilespmem:$0x1EE00] =	vst v63  }
0x3d2: {  	s0 =	sadd.s32 @!p0 s6, s0;
	s10 =	simm.s32 @!p0 $0x600  }
0x3d3: {  	[tilespmem:s10], [sflag:$0x1] =	stream.linear.gather @!p0 [hbm4b:s0+s3], $0x400, $0x38;
	[tilespmem:$0x1EE00] =	vst v63  }
0x3d4: {  	_ =	swait.ge [sflag:s17], $0x400  }
0x3d5: {  	[sflag:s17] =	ssyncset.done $0x0  }
0x3d6: {  	[sflag:s17] =	ssyncadd.s32 $0xFFFFFC00  }
0x3d7: {  	_ =	swait.ge [sflag:s17], $0x400  }
0x3d8: {  	[sflag:s17] =	ssyncset.done $0x0  }
0x3d9: {  	[sflag:s17] =	ssyncadd.s32 $0xFFFFFC00  }
0x3da: {  	_ =	swait.ge [sflag:s17], $0x2000  }
0x3db: {  	[sflag:s17] =	ssyncset.done $0x0  }
0x3dc: {  	s24 =	simm.s32 $0x1630;
	[sflag:s17] =	ssyncadd.s32 $0xFFFFE000  }
0x3dd: {  	s30 =	simm.s32 $0x1E30;
	v0 =	vld [tilespmem:s24+$0x0]  }
0x3de: {  	v1 =	vld [tilespmem:s30+$0x0];
	_ =	sdelay $0x4  }
0x3df: {  	v0 =	vadd.f32 v1, v0;
	_ =	sdelay $0x1  }
0x3e0: {  	v1 =	vmul.f32 $2.000000030e-01, v0  }
0x3e1: {  	vm0 =	vgt.f32 v0, $0.0e+00  }
0x3e2: {  	v2 =	vld [tilespmem:s30+$0xFFFFFFE0];
	v0 =	vsel vm0, v0, v1  }
0x3e3: {  	v3 =	vld [tilespmem:s30+$0xFFFFFFD0];
	v0 =	vmul.f32 $1.442695020e+00, v0  }
0x3e4: {  	v4 =	vld [tilespmem:s30+$0xFFFFFFF0]  }
0x3e5: {  	v1 =	vld [tilespmem:s24+$0xFFFFFFE0];
	(erf) = vpow2.f32 v0  }
0x3e6: {  	v5 =	vld [tilespmem:s24+$0xFFFFFFD0]  }
0x3e7: {  	v0 =	vld [tilespmem:s24+$0xFFFFFFF0];
	_ =	sdelay $0x1  }
0x3e8: {  	s10 =	simm.s32 $0xE30  }
0x3e9: {  	v1 =	vadd.f32 v2, v1;
	v2 =	vld [tilespmem:s10+$0x0];
	_ =	sdelay $0x1  }
0x3ea: {  	v3 =	vadd.f32 v3, v5;
	v6 =	vmul.f32 $2.000000030e-01, v1;
	v0 =	vadd.f32 v4, v0  }
0x3eb: {  	vm14 =	vgt.f32 v1, $0.0e+00  }
0x3ec: {  	v1 =	vsel vm14, v1, v6;
	v6 =	vmul.f32 $2.000000030e-01, v3;
	v4 =	vmul.f32 $2.000000030e-01, v0;
	v5 =	vpop (erf)  }
0x3ed: {  	v1 =	vmul.f32 $1.442695020e+00, v1;
	vm15 =	vgt.f32 v0, $0.0e+00;
	v2 =	vmul.f32 v5, v2  }
0x3ee: {  	s11 =	simm.s32 $0x6220;
	vm1 =	vgt.f32 v3, $0.0e+00;
	v0 =	vsel vm15, v0, v4  }
0x3ef: {  	s3 =	simm.s32 $0x43F0;
	(erf) = vpow2.f32 v1;
	v1 =	vsel vm1, v3, v6;
	v0 =	vmul.f32 $1.442695020e+00, v0;
	[tilespmem:s11+$0x10] =	vst v2  }
0x3f0: {  	v1 =	vmul.f32 $1.442695020e+00, v1;
	v3 =	vld [tilespmem:s3+$0xFFFFFF90]  }
0x3f1: {  	(erf) = vpow2.f32 v0  }
0x3f2: {  	(erf) = vpow2.f32 v1  }
0x3f3: {  	v1 =	vbroadcast v2, $0x0;
	_ =	sdelay $0x1  }
0x3f4: {  	v4 =	vld [tilespmem:s10+$0xFFFFFFD0];
	v1 =	vmul.f32 v1, v3  }
0x3f5: {  	s24 =	simm.s32 $0x6700;
	v3 =	vld [tilespmem:s10+$0xFFFFFFF0]  }
0x3f6: {  	v0 =	vld [tilespmem:s10+$0xFFFFFFE0];
	[tilespmem:s24+$0x80] =	vst v1  }
0x3f7: {  	v6 =	vld [tilespmem:s3+$0xFFFFFFA0]  }
0x3f8: {  	v5 =	vpop (erf)  }
0x3f9: {  	s12 =	simm.s32 $0x1670;
	v1 =	vpop (erf)  }
0x3fa: {  	v10 =	vld [tilespmem:s12+$0xFFFFFFE0];
	v8 =	vbroadcast v2, $0x1;
	v1 =	vmul.f32 v1, v3;
	v3 =	vpop (erf)  }
0x3fb: {  	s14 =	simm.s32 $0x1E70;
	v0 =	vmul.f32 v5, v0;
	v5 =	vmul.f32 v3, v4;
	v3 =	vld [tilespmem:s12+$0x0]  }
0x3fc: {  	v4 =	vmul.f32 v8, v6;
	v6 =	vld [tilespmem:s14+$0x0]  }
0x3fd: {  	v11 =	vld [tilespmem:s14+$0xFFFFFFE0]  }
0x3fe: {  	v13 =	vld [tilespmem:s14+$0xFFFFFFF0];
	[tilespmem:s11+$0xFFFFFFE0] =	vst v5  }
0x3ff: {  	v9 =	vld [tilespmem:s3+$0xFFFFFE10]  }
0x400: {  	v16 =	vld [tilespmem:s14+$0xFFFFFFD0];
	[tilespmem:s24+$0x90] =	vst v4  }
0x401: {  	[tilespmem:s11+$0x0] =	vst v1;
	v4 =	vld [tilespmem:s3+$0xFFFFFFB0];
	v3 =	vadd.f32 v6, v3  }
0x402: {  	v8 =	vld [tilespmem:s3+$0xFFFFFF10];
	v12 =	vbroadcast v5, $0x0  }
0x403: {  	v6 =	vld [tilespmem:s12+$0xFFFFFFF0];
	v14 =	vmul.f32 $2.000000030e-01, v3  }
0x404: {  	v15 =	vbroadcast v2, $0x2;
	[tilespmem:s11+$0xFFFFFFF0] =	vst v0;
	v9 =	vmul.f32 v12, v9;
	v12 =	vld [tilespmem:s12+$0xFFFFFFD0];
	vm4 =	vgt.f32 v3, $0.0e+00  }
0x405: {  	v7 =	vld [tilespmem:s3+$0xFFFFFE90];
	v3 =	vsel vm4, v3, v14  }
0x406: {  	v4 =	vmul.f32 v15, v4;
	v3 =	vmul.f32 $1.442695020e+00, v3  }
0x407: {  	[tilespmem:s24+$0xFFFFFF00] =	vst v9;
	v9 =	vadd.f32 v11, v10;
	v14 =	vbroadcast v1, $0x0  }
0x408: {  	v17 =	vbroadcast v0, $0x0;
	[tilespmem:s24+$0xA0] =	vst v4;
	v4 =	vadd.f32 v13, v6;
	(erf) = vpow2.f32 v3  }
0x409: {  	v11 =	vadd.f32 v16, v12;
	v3 =	vmul.f32 v14, v8;
	v8 =	vmul.f32 $2.000000030e-01, v9  }
0x40a: {  	v7 =	vmul.f32 v17, v7;
	v15 =	vbroadcast v5, $0x1;
	vm5 =	vgt.f32 v9, $0.0e+00;
	v6 =	vld [tilespmem:s3+$0xFFFFFFC0]  }
0x40b: {  	v12 =	vmul.f32 $2.000000030e-01, v4;
	v8 =	vsel vm5, v9, v8;
	v9 =	vmul.f32 $2.000000030e-01, v11  }
0x40c: {  	v10 =	vld [tilespmem:s3+$0xFFFFFE20];
	v13 =	vbroadcast v2, $0x3;
	vm6 =	vgt.f32 v4, $0.0e+00;
	vm7 =	vgt.f32 v11, $0.0e+00  }
0x40d: {  	s15 =	simm.s32 $0xE70;
	[tilespmem:s24+$0xFFFFFF80] =	vst v7;
	v4 =	vsel vm6, v4, v12;
	v8 =	vmul.f32 $1.442695020e+00, v8;
	v7 =	vsel vm7, v11, v9  }
0x40e: {  	v12 =	vld [tilespmem:s15+$0x0];
	[tilespmem:s24+$0x0] =	vst v3;
	v4 =	vmul.f32 $1.442695020e+00, v4;
	v3 =	vmul.f32 $1.442695020e+00, v7  }
0x40f: {  	v6 =	vmul.f32 v6, v13;
	(erf) = vpow2.f32 v8;
	v8 =	vld [tilespmem:s3+$0xFFFFFEA0]  }
0x410: {  	(erf) = vpow2.f32 v4;
	v4 =	vld [tilespmem:s3+$0xFFFFFF20]  }
0x411: {  	v10 =	vmul.f32 v15, v10;
	[tilespmem:s24+$0xB0] =	vst v6  }
0x412: {  	s21 =	simm.s32 $0x1EB0;
	v7 =	vbroadcast v0, $0x1;
	v6 =	vld [tilespmem:s3+$0xFFFFFFD0];
	(erf) = vpow2.f32 v3;
	v3 =	vpop (erf)  }
0x413: {  	v60 =	vld [tilespmem:s21+$0xFFFFFFD0];
	[tilespmem:s24+$0xFFFFFF10] =	vst v10;
	v9 =	vmul.f32 v3, v12;
	v3 =	vbroadcast v1, $0x1  }
0x414: {  	v10 =	vld [tilespmem:s3+$0xFFFFFE30];
	v7 =	vmul.f32 v7, v8  }
0x415: {  	s18 =	simm.s32 $0x6260;
	v11 =	vld [tilespmem:s15+$0xFFFFFFE0];
	v8 =	vbroadcast v2, $0x4;
	v3 =	vmul.f32 v3, v4  }
0x416: {  	s29 =	simm.s32 $0x45F0;
	v12 =	vld [tilespmem:s15+$0xFFFFFFF0];
	[tilespmem:s18+$0x10] =	vst v9  }
0x417: {  	v13 =	vbroadcast v5, $0x2;
	v6 =	vmul.f32 v6, v8;
	v4 =	vld [tilespmem:s29+$0xFFFFFF90]  }
0x418: {  	v61 =	vbroadcast v2, $0x6;
	v24 =	vbroadcast v0, $0x4;
	[tilespmem:s24+$0xFFFFFF90] =	vst v7;
	v7 =	vld [tilespmem:s15+$0xFFFFFFD0]  }
0x419: {  	v19 =	vbroadcast v1, $0x3;
	v10 =	vmul.f32 v13, v10;
	v15 =	vld [tilespmem:s3+$0xFFFFFEB0];
	[tilespmem:s24+$0x10] =	vst v3;
	v3 =	vpop (erf)  }
0x41a: {  	v16 =	vbroadcast v9, $0x0;
	[tilespmem:s24+$0xC0] =	vst v6;
	v13 =	vld [tilespmem:s3+$0xFFFFFF30];
	v3 =	vmul.f32 v3, v11  }
0x41b: {  	s20 =	simm.s32 $0x16B0;
	v27 =	vbroadcast v1, $0x4;
	v14 =	vbroadcast v0, $0x2;
	[tilespmem:s24+$0xFFFFFF20] =	vst v10;
	v10 =	vld [tilespmem:s3+$0xFFFFFFE0];
	v6 =	vpop (erf)  }
0x41c: {  	v62 =	vld [tilespmem:s20+$0xFFFFFFE0];
	v8 =	vbroadcast v1, $0x2;
	v18 =	vpop (erf);
	v16 =	vmul.f32 v16, v4;
	[tilespmem:s18+$0xFFFFFFF0] =	vst v3  }
0x41d: {  	s11 =	simm.s32 $0x6900;
	v11 =	vmul.f32 v6, v12;
	v4 =	vmul.f32 v18, v7;
	v7 =	vld [tilespmem:s29+$0xFFFFFE90]  }
0x41e: {  	v46 =	vld [tilespmem:s21+$0xFFFFFFE0];
	v14 =	vmul.f32 v14, v15;
	v15 =	vbroadcast v2, $0x5;
	[tilespmem:s11+$0x80] =	vst v16  }
0x41f: {  	v22 =	vbroadcast v1, $0x6;
	[tilespmem:s18+$0x0] =	vst v11;
	v8 =	vmul.f32 v8, v13;
	v13 =	vld [tilespmem:s29+$0xFFFFFFA0]  }
0x420: {  	v12 =	vld [tilespmem:s3+$0xFFFFFE40];
	[tilespmem:s24+$0xFFFFFFA0] =	vst v14;
	v10 =	vmul.f32 v10, v15;
	v14 =	vbroadcast v3, $0x0  }
0x421: {  	v48 =	vld [tilespmem:s20+$0xFFFFFFF0];
	v20 =	vbroadcast v5, $0x4;
	v23 =	vbroadcast v5, $0x7;
	[tilespmem:s18+$0xFFFFFFE0] =	vst v4  }
0x422: {  	v18 =	vld [tilespmem:s29+$0xFFFFFF10];
	[tilespmem:s24+$0xD0] =	vst v10;
	v10 =	vbroadcast v9, $0x1;
	v7 =	vmul.f32 v14, v7  }
0x423: {  	v17 =	vbroadcast v5, $0x3;
	v52 =	vbroadcast v9, $0x3;
	v15 =	vld [tilespmem:s29+$0xFFFFFE10]  }
0x424: {  	v50 =	vld [tilespmem:s21+$0xFFFFFFF0];
	v6 =	vbroadcast v0, $0x3;
	[tilespmem:s11+$0xFFFFFF80] =	vst v7;
	v7 =	vmul.f32 v10, v13  }
0x425: {  	v16 =	vbroadcast v11, $0x0;
	[tilespmem:s24+$0x20] =	vst v8;
	v8 =	vld [tilespmem:s3+$0xFFFFFEC0];
	v12 =	vmul.f32 v12, v17  }
0x426: {  	v2 =	vbroadcast v2, $0x7;
	v21 =	vld [tilespmem:s3+$0xFFFFFFF0];
	v14 =	vbroadcast v4, $0x0;
	[tilespmem:s11+$0x90] =	vst v7  }
0x427: {  	[tilespmem:s24+$0xFFFFFF30] =	vst v12;
	v12 =	vmul.f32 v16, v18;
	v16 =	vbroadcast v5, $0x6;
	v7 =	vld [tilespmem:s29+$0xFFFFFFB0]  }
0x428: {  	v15 =	vmul.f32 v14, v15;
	v14 =	vbroadcast v5, $0x5;
	v5 =	vld [tilespmem:s20+$0x0]  }
0x429: {  	v31 =	vbroadcast v3, $0x1;
	v47 =	vbroadcast v3, $0x2;
	[tilespmem:s11+$0x0] =	vst v12;
	v12 =	vld [tilespmem:s21+$0x0]  }
0x42a: {  	v34 =	vbroadcast v3, $0x4;
	v17 =	vld [tilespmem:s3+$0xFFFFFF40];
	v18 =	vbroadcast v9, $0x2  }
0x42b: {  	v45 =	vbroadcast v11, $0x1;
	v25 =	vld [tilespmem:s3+$0xFFFFFE50];
	v6 =	vmul.f32 v8, v6  }
0x42c: {  	v30 =	vbroadcast v4, $0x1;
	v26 =	vld [tilespmem:s29+$0xFFFFFEA0];
	[tilespmem:s11+$0xFFFFFF00] =	vst v15;
	v7 =	vmul.f32 v18, v7  }
0x42d: {  	v63 =	vbroadcast v4, $0x2;
	v21 =	vmul.f32 v21, v61;
	v28 =	vld [tilespmem:s29+$0xFFFFFF20];
	[tilespmem:s24+$0xFFFFFFB0] =	vst v6  }
0x42e: {  	v49 =	vbroadcast v4, $0x3;
	v33 =	vbroadcast v4, $0x4;
	v6 =	vld [tilespmem:s20+$0xFFFFFFD0];
	v5 =	vadd.f32 v12, v5;
	[tilespmem:s11+$0xA0] =	vst v7  }
0x42f: {  	v13 =	vbroadcast v0, $0x5;
	v17 =	vmul.f32 v17, v19;
	[tilespmem:s24+$0xE0] =	vst v21;
	v21 =	vadd.f32 v46, v62;
	v8 =	vld [tilespmem:s29+$0xFFFFFFC0]  }
0x430: {  	v29 =	vld [tilespmem:s29+$0xFFFFFE20];
	v20 =	vmul.f32 v25, v20;
	v51 =	vmul.f32 $2.000000030e-01, v5  }
0x431: {  	v26 =	vmul.f32 v31, v26;
	v31 =	vmul.f32 $2.000000030e-01, v21;
	vm8 =	vgt.f32 v5, $0.0e+00  }
0x432: {  	v10 =	vbroadcast v1, $0x5;
	v19 =	vld [tilespmem:s3+$0xFFFFFED0];
	vm9 =	vgt.f32 v21, $0.0e+00;
	[tilespmem:s24+$0xFFFFFF40] =	vst v20;
	v5 =	vsel vm8, v5, v51  }
0x433: {  	[tilespmem:s24+$0x30] =	vst v17;
	v25 =	vmul.f32 v45, v28;
	v53 =	vld [tilespmem:s3+$0xFFFFFE60];
	v21 =	vsel vm9, v21, v31;
	v5 =	vmul.f32 $1.442695020e+00, v5  }
0x434: {  	s22 =	simm.s32 $0xEB0;
	v28 =	vadd.f32 v50, v48;
	v17 =	vmul.f32 $1.442695020e+00, v21;
	v21 =	vld [tilespmem:s3+$0xFFFFFF50];
	v8 =	vmul.f32 v8, v52  }
0x435: {  	v54 =	vld [tilespmem:s22+$0xFFFFFFD0];
	v6 =	vadd.f32 v60, v6;
	v29 =	vmul.f32 v30, v29;
	[tilespmem:s11+$0x10] =	vst v25;
	(erf) = vpow2.f32 v5  }
0x436: {  	vm10 =	vgt.f32 v28, $0.0e+00;
	v7 =	vbroadcast v11, $0x2;
	v31 =	vld [tilespmem:s29+$0xFFFFFF30];
	[tilespmem:s11+$0xB0] =	vst v8;
	v8 =	vmul.f32 $2.000000030e-01, v28  }
0x437: {  	vm11 =	vgt.f32 v6, $0.0e+00;
	v5 =	vmul.f32 v19, v24;
	v24 =	vmul.f32 $2.000000030e-01, v6;
	v19 =	vld [tilespmem:s29+$0xFFFFFFD0]  }
0x438: {  	v20 =	vld [tilespmem:s22+$0x0];
	[tilespmem:s11+$0xFFFFFF10] =	vst v29;
	v14 =	vmul.f32 v53, v14;
	(erf) = vpow2.f32 v17;
	v8 =	vsel vm10, v28, v8  }
0x439: {  	[tilespmem:s11+$0xFFFFFF90] =	vst v26;
	v29 =	vld [tilespmem:s29+$0xFFFFFE30];
	v21 =	vmul.f32 v21, v27;
	v6 =	vsel vm11, v6, v24;
	v8 =	vmul.f32 $1.442695020e+00, v8  }
0x43a: {  	v30 =	vld [tilespmem:s3+$0x0];
	[tilespmem:s24+$0xFFFFFF50] =	vst v14;
	v24 =	vbroadcast v9, $0x4;
	v6 =	vmul.f32 $1.442695020e+00, v6  }
0x43b: {  	v26 =	vld [tilespmem:s29+$0xFFFFFEB0];
	[tilespmem:s24+$0xFFFFFFC0] =	vst v5;
	v7 =	vmul.f32 v7, v31;
	(erf) = vpow2.f32 v8  }
0x43c: {  	v1 =	vbroadcast v1, $0x7;
	v39 =	vld [tilespmem:s3+$0xFFFFFE70];
	[tilespmem:s24+$0x40] =	vst v21;
	v5 =	vmul.f32 v19, v24  }
0x43d: {  	v15 =	vbroadcast v0, $0x6;
	v0 =	vbroadcast v0, $0x7;
	[tilespmem:s11+$0x20] =	vst v7;
	v40 =	vld [tilespmem:s3+$0xFFFFFF60]  }
0x43e: {  	v55 =	vld [tilespmem:s29+$0xFFFFFF40];
	(erf) = vpow2.f32 v6;
	v6 =	vpop (erf);
	[tilespmem:s11+$0xC0] =	vst v5;
	v5 =	vmul.f32 v63, v29  }
0x43f: {  	v17 =	vmul.f32 v30, v2;
	v2 =	vld [tilespmem:s22+$0xFFFFFFE0];
	v28 =	vmul.f32 v6, v20  }
0x440: {  	s23 =	simm.s32 $0x62A0;
	v12 =	vbroadcast v11, $0x3;
	v18 =	vbroadcast v3, $0x3;
	[tilespmem:s11+$0xFFFFFF20] =	vst v5;
	v5 =	vld [tilespmem:s22+$0xFFFFFFF0]  }
0x441: {  	s20 =	simm.s32 $0x47F0;
	v25 =	vbroadcast v4, $0x5;
	v7 =	vbroadcast v4, $0x6;
	v8 =	vld [tilespmem:s29+$0xFFFFFFE0];
	[tilespmem:s23+$0x10] =	vst v28  }
0x442: {  	v16 =	vmul.f32 v39, v16;
	v40 =	vmul.f32 v40, v10;
	v30 =	vld [tilespmem:s20+$0xFFFFFF90]  }
0x443: {  	s14 =	simm.s32 $0x1EF0;
	v35 =	vmul.f32 v55, v12;
	v19 =	vld [tilespmem:s3+$0xFFFFFEE0];
	v6 =	vmul.f32 v47, v26;
	v27 =	vpop (erf)  }
0x444: {  	v50 =	vld [tilespmem:s14+$0xFFFFFFD0];
	v29 =	vbroadcast v9, $0x5;
	v21 =	vmul.f32 v27, v2;
	v2 =	vpop (erf)  }
0x445: {  	s30 =	simm.s32 $0x16F0;
	[tilespmem:s11+$0xFFFFFFA0] =	vst v6;
	v20 =	vld [tilespmem:s29+$0xFFFFFE40];
	v27 =	vmul.f32 v2, v5;
	v2 =	vbroadcast v28, $0x0  }
0x446: {  	v51 =	vld [tilespmem:s30+$0xFFFFFFE0];
	v24 =	vbroadcast v11, $0x4;
	[tilespmem:s23+$0xFFFFFFF0] =	vst v21;
	v8 =	vmul.f32 v8, v29  }
0x447: {  	v26 =	vbroadcast v3, $0x5;
	v60 =	vld [tilespmem:s20+$0xFFFFFE90];
	[tilespmem:s23+$0x0] =	vst v27;
	v2 =	vmul.f32 v2, v30  }
0x448: {  	s21 =	simm.s32 $0x6B00;
	v6 =	vbroadcast v11, $0x5;
	v13 =	vmul.f32 v19, v13;
	v5 =	vpop (erf);
	[tilespmem:s11+$0xD0] =	vst v8;
	v30 =	vld [tilespmem:s20+$0xFFFFFF10]  }
0x449: {  	v53 =	vbroadcast v28, $0x3;
	v29 =	vmul.f32 v5, v54;
	v59 =	vld [tilespmem:s29+$0xFFFFFFF0];
	[tilespmem:s21+$0x80] =	vst v2  }
0x44a: {  	[tilespmem:s24+$0xFFFFFFD0] =	vst v13;
	v14 =	vmul.f32 v20, v49;
	v20 =	vbroadcast v21, $0x0;
	v61 =	vld [tilespmem:s20+$0xFFFFFFA0]  }
0x44b: {  	v12 =	vld [tilespmem:s14+$0x0];
	v8 =	vbroadcast v3, $0x6;
	v13 =	vbroadcast v27, $0x0;
	[tilespmem:s23+$0xFFFFFFE0] =	vst v29  }
0x44c: {  	v31 =	vld [tilespmem:s29+$0xFFFFFEC0];
	[tilespmem:s11+$0xFFFFFF30] =	vst v14;
	v14 =	vmul.f32 v20, v60;
	v2 =	vbroadcast v9, $0x6  }
0x44d: {  	v20 =	vbroadcast v28, $0x1;
	v19 =	vld [tilespmem:s20+$0xFFFFFE10];
	v13 =	vmul.f32 v13, v30  }
0x44e: {  	v36 =	vld [tilespmem:s3+$0xFFFFFEF0];
	v5 =	vbroadcast v11, $0x6;
	[tilespmem:s21+$0xFFFFFF80] =	vst v14;
	v2 =	vmul.f32 v59, v2  }
0x44f: {  	v62 =	vbroadcast v29, $0x0;
	v63 =	vld [tilespmem:s29+$0xFFFFFE50];
	[tilespmem:s21+$0x0] =	vst v13;
	v13 =	vmul.f32 v20, v61  }
0x450: {  	[tilespmem:s11+$0xE0] =	vst v2;
	v2 =	vbroadcast v3, $0x7;
	v3 =	vbroadcast v11, $0x7;
	v11 =	vld [tilespmem:s20+$0xFFFFFEA0]  }
0x451: {  	v44 =	vbroadcast v21, $0x2;
	v38 =	vbroadcast v21, $0x3;
	v30 =	vld [tilespmem:s29+$0x0];
	[tilespmem:s21+$0x90] =	vst v13  }
0x452: {  	v10 =	vbroadcast v21, $0x6;
	v19 =	vmul.f32 v62, v19;
	v59 =	vld [tilespmem:s20+$0xFFFFFFB0]  }
0x453: {  	v46 =	vbroadcast v27, $0x2;
	v14 =	vmul.f32 v31, v18;
	v61 =	vld [tilespmem:s30+$0x0]  }
0x454: {  	v37 =	vbroadcast v27, $0x3;
	v56 =	vbroadcast v29, $0x1;
	[tilespmem:s21+$0xFFFFFF00] =	vst v19;
	v57 =	vld [tilespmem:s20+$0xFFFFFF20]  }
0x455: {  	v47 =	vbroadcast v29, $0x3;
	[tilespmem:s11+$0xFFFFFFB0] =	vst v14;
	v14 =	vbroadcast v28, $0x2;
	v58 =	vld [tilespmem:s20+$0xFFFFFE20]  }
0x456: {  	v9 =	vbroadcast v9, $0x7;
	v15 =	vmul.f32 v36, v15;
	v60 =	vld [tilespmem:s29+$0xFFFFFED0]  }
0x457: {  	v52 =	vld [tilespmem:s14+$0xFFFFFFE0];
	[tilespmem:s24+$0x50] =	vst v40;
	v18 =	vbroadcast v21, $0x1;
	v45 =	vmul.f32 v14, v59  }
0x458: {  	v54 =	vld [tilespmem:s3+$0xFFFFFF70];
	v13 =	vbroadcast v27, $0x1;
	v30 =	vmul.f32 v30, v9  }
0x459: {  	v62 =	vld [tilespmem:s30+$0xFFFFFFF0];
	v9 =	vmul.f32 v18, v11;
	v18 =	vmul.f32 v63, v33;
	[tilespmem:s21+$0xA0] =	vst v45  }
0x45a: {  	v63 =	vmul.f32 v13, v57;
	v11 =	vmul.f32 v56, v58;
	v56 =	vadd.f32 v12, v61;
	v57 =	vld [tilespmem:s20+$0xFFFFFFC0]  }
0x45b: {  	[tilespmem:s11+$0x30] =	vst v35;
	v31 =	vbroadcast v29, $0x2;
	v34 =	vmul.f32 v60, v34;
	v58 =	vld [tilespmem:s14+$0xFFFFFFF0]  }
0x45c: {  	[tilespmem:s24+$0xFFFFFFE0] =	vst v15;
	v15 =	vbroadcast v29, $0x7;
	v59 =	vld [tilespmem:s30+$0xFFFFFFD0];
	v49 =	vmul.f32 $2.000000030e-01, v56  }
0x45d: {  	v20 =	vbroadcast v29, $0x4;
	v60 =	vadd.f32 v52, v51;
	[tilespmem:s11+$0xFFFFFFC0] =	vst v34;
	vm12 =	vgt.f32 v56, $0.0e+00  }
0x45e: {  	v36 =	vld [tilespmem:s3+$0xFFFFFF00];
	v19 =	vbroadcast v21, $0x4;
	v34 =	vmul.f32 v54, v22;
	[tilespmem:s21+$0xFFFFFF90] =	vst v9;
	v32 =	vsel vm12, v56, v49  }
0x45f: {  	v33 =	vld [tilespmem:s29+$0xFFFFFF50];
	vm13 =	vgt.f32 v60, $0.0e+00;
	[tilespmem:s11+$0xFFFFFF40] =	vst v18;
	v32 =	vmul.f32 $1.442695020e+00, v32;
	v42 =	vmul.f32 v57, v53  }
0x460: {  	v13 =	vbroadcast v29, $0x5;
	v61 =	vmul.f32 $2.000000030e-01, v60;
	v41 =	vld [tilespmem:s20+$0xFFFFFEB0];
	[tilespmem:s21+$0xFFFFFF10] =	vst v11;
	v18 =	vadd.f32 v58, v62  }
0x461: {  	v12 =	vbroadcast v21, $0x5;
	v48 =	vld [tilespmem:s20+$0xFFFFFE30];
	v62 =	vadd.f32 v50, v59;
	(erf) = vpow2.f32 v32;
	[tilespmem:s21+$0xB0] =	vst v42  }
0x462: {  	v9 =	vbroadcast v29, $0x6;
	[tilespmem:s21+$0x10] =	vst v63;
	v35 =	vsel vm13, v60, v61;
	v50 =	vmul.f32 $2.000000030e-01, v18;
	v51 =	vld [tilespmem:s20+$0xFFFFFFD0]  }
0x463: {  	[tilespmem:s24+$0xFFFFFF60] =	vst v16;
	v16 =	vmul.f32 $1.442695020e+00, v35;
	v49 =	vld [tilespmem:s20+$0xFFFFFF30];
	vm14 =	vgt.f32 v18, $0.0e+00;
	v52 =	vmul.f32 $2.000000030e-01, v62  }
0x464: {  	s10 =	simm.s32 $0xEF0;
	v63 =	vld [tilespmem:s29+$0xFFFFFE60];
	v56 =	vbroadcast v28, $0x4;
	vm15 =	vgt.f32 v62, $0.0e+00;
	v18 =	vsel vm14, v18, v50  }
0x465: {  	[tilespmem:s24+$0xF0] =	vst v17;
	v60 =	vld [tilespmem:s10+$0xFFFFFFF0];
	(erf) = vpow2.f32 v16;
	v55 =	vsel vm15, v62, v52;
	v18 =	vmul.f32 $1.442695020e+00, v18  }
0x466: {  	[tilespmem:s11+$0xF0] =	vst v30;
	v58 =	vld [tilespmem:s10+$0x0];
	v30 =	vmul.f32 v31, v48;
	v17 =	vmul.f32 $1.442695020e+00, v55  }
0x467: {  	v31 =	vld [tilespmem:s10+$0xFFFFFFE0];
	(erf) = vpow2.f32 v18;
	v16 =	vmul.f32 v51, v56  }
0x468: {  	v53 =	vld [tilespmem:s29+$0xFFFFFEE0];
	v29 =	vmul.f32 v46, v49;
	[tilespmem:s21+$0xFFFFFF20] =	vst v30;
	(erf) = vpow2.f32 v17  }
0x469: {  	v14 =	vbroadcast v27, $0x4;
	v11 =	vbroadcast v27, $0x5;
	v57 =	vld [tilespmem:s3+$0xFFFFFE80];
	[tilespmem:s21+$0xC0] =	vst v16  }
0x46a: {  	v25 =	vmul.f32 v63, v25;
	[tilespmem:s21+$0x20] =	vst v29;
	v17 =	vmul.f32 v44, v41;
	v30 =	vpop (erf);
	v61 =	vld [tilespmem:s20+$0xFFFFFFE0]  }
0x46b: {  	[tilespmem:s24+$0x60] =	vst v34;
	v63 =	vld [tilespmem:s20+$0xFFFFFF40];
	v16 =	vbroadcast v21, $0x7;
	v21 =	vmul.f32 v30, v58  }
0x46c: {  	s15 =	simm.s32 $0x62E0;
	v24 =	vmul.f32 v33, v24;
	v35 =	vld [tilespmem:s3+$0xFFFFFF80];
	v18 =	vbroadcast v27, $0x6;
	[tilespmem:s21+$0xFFFFFFA0] =	vst v17  }
0x46d: {  	s0 =	simm.s32 $0x49F0;
	v59 =	vld [tilespmem:s10+$0xFFFFFFD0];
	v17 =	vbroadcast v27, $0x7;
	v27 =	vbroadcast v28, $0x5;
	[tilespmem:s15+$0x10] =	vst v21  }
0x46e: {  	v4 =	vbroadcast v4, $0x7;
	[tilespmem:s11+$0x40] =	vst v24;
	v26 =	vmul.f32 v53, v26;
	v51 =	vld [tilespmem:s0+$0xFFFFFF90]  }
0x46f: {  	v32 =	vld [tilespmem:s29+$0xFFFFFF60];
	[tilespmem:s11+$0xFFFFFF50] =	vst v25;
	v52 =	vmul.f32 v57, v23;
	v22 =	vpop (erf);
	v24 =	vmul.f32 v61, v27  }
0x470: {  	[tilespmem:s11+$0xFFFFFFD0] =	vst v26;
	v48 =	vmul.f32 v63, v37;
	v22 =	vmul.f32 v22, v31;
	v30 =	vld [tilespmem:s20+$0xFFFFFE40];
	v23 =	vpop (erf)  }
0x471: {  	v62 =	vld [tilespmem:s20+$0xFFFFFEC0];
	v26 =	vbroadcast v21, $0x0;
	v23 =	vmul.f32 v23, v60;
	v27 =	vpop (erf);
	[tilespmem:s21+$0xD0] =	vst v24  }
0x472: {  	v63 =	vbroadcast v28, $0x7;
	[tilespmem:s15+$0xFFFFFFF0] =	vst v22;
	v24 =	vmul.f32 v27, v59;
	v31 =	vld [tilespmem:s20+$0xFFFFFFF0]  }
0x473: {  	v41 =	vbroadcast v22, $0x1;
	v53 =	vld [tilespmem:s0+$0xFFFFFE90];
	[tilespmem:s15+$0x0] =	vst v23;
	v26 =	vmul.f32 v26, v51  }
0x474: {  	s12 =	simm.s32 $0x6D00;
	v34 =	vbroadcast v22, $0x2;
	v37 =	vbroadcast v22, $0x4;
	v56 =	vld [tilespmem:s0+$0xFFFFFF10];
	[tilespmem:s15+$0xFFFFFFE0] =	vst v24  }
0x475: {  	v25 =	vmul.f32 v30, v47;
	[tilespmem:s12+$0x80] =	vst v26;
	v26 =	vbroadcast v28, $0x6;
	v57 =	vld [tilespmem:s0+$0xFFFFFE10]  }
0x476: {  	v62 =	vmul.f32 v62, v38;
	v27 =	vbroadcast v22, $0x0;
	v58 =	vld [tilespmem:s0+$0xFFFFFFA0]  }
0x477: {  	v29 =	vld [tilespmem:s29+$0xFFFFFE70];
	v54 =	vbroadcast v23, $0x0;
	[tilespmem:s21+$0xFFFFFF30] =	vst v25;
	v25 =	vmul.f32 v31, v26  }
0x478: {  	[tilespmem:s24+$0xFFFFFF70] =	vst v52;
	v30 =	vld [tilespmem:s29+$0xFFFFFEF0];
	v55 =	vbroadcast v24, $0x0;
	v26 =	vmul.f32 v27, v53  }
0x479: {  	v40 =	vld [tilespmem:s20+$0xFFFFFE50];
	v59 =	vbroadcast v21, $0x1;
	v43 =	vmul.f32 v54, v56;
	[tilespmem:s21+$0xE0] =	vst v25  }
0x47a: {  	v42 =	vbroadcast v23, $0x1;
	v47 =	vmul.f32 v55, v57;
	[tilespmem:s12+$0xFFFFFF80] =	vst v26;
	v60 =	vld [tilespmem:s20+$0x0]  }
0x47b: {  	v39 =	vbroadcast v24, $0x1;
	[tilespmem:s12+$0x0] =	vst v43;
	v61 =	vmul.f32 v59, v58;
	v44 =	vld [tilespmem:s0+$0xFFFFFEA0]  }
0x47c: {  	v33 =	vbroadcast v24, $0x2;
	v38 =	vbroadcast v24, $0x4;
	v45 =	vld [tilespmem:s0+$0xFFFFFF20];
	[tilespmem:s12+$0xFFFFFF00] =	vst v47  }
0x47d: {  	v28 =	vbroadcast v23, $0x4;
	v31 =	vbroadcast v23, $0x2;
	[tilespmem:s12+$0x90] =	vst v61;
	v46 =	vld [tilespmem:s0+$0xFFFFFE20]  }
0x47e: {  	s19 =	simm.s32 $0x140;
	[tilespmem:s21+$0xFFFFFFB0] =	vst v62;
	v27 =	vbroadcast v24, $0x3;
	v25 =	vbroadcast v22, $0x3;
	v47 =	vld [tilespmem:s0+$0xFFFFFFB0]  }
0x47f: {  	s22 =	simm.s32 $0xC;
	s23 =	simm.s32 $0x1730;
	s3 =	simm.s32 $0x49F0;
	[tilespmem:s21+$0x30] =	vst v48;
	v43 =	vld [tilespmem:s20+$0xFFFFFED0];
	v26 =	vbroadcast v23, $0x3;
	v48 =	vmul.f32 v60, v63  }
.LBB2_9:
0x480: {  	v49 =	vld [tilespmem:s23+$0x0];
	v41 =	vmul.f32 v41, v44;
	s14 =	sadd.s32 $0x40, s14;
	v40 =	vmul.f32 v40, v20;
	v20 =	vmov v38  }
0x481: {  	s22 =	sadd.s32 $0x4, s22;
	v44 =	vbroadcast v21, $0x2;
	v38 =	vld [tilespmem:s14+$0x0];
	v42 =	vmul.f32 v42, v45;
	[tilespmem:s21+$0xF0] =	vst v48  }
0x482: {  	p0 =	slt.u32 s22, $0x3C;
	v45 =	vld [tilespmem:s14+$0xFFFFFFD0];
	v39 =	vmul.f32 v39, v46;
	v46 =	vbroadcast v24, $0x5;
	[tilespmem:s12+$0xFFFFFF90] =	vst v41  }
0x483: {  	v48 =	vbroadcast v22, $0x5;
	v41 =	vld [tilespmem:s23+$0xFFFFFFE0];
	[tilespmem:s12+$0x10] =	vst v42;
	v42 =	vmul.f32 v44, v47  }
0x484: {  	v44 =	vld [tilespmem:s14+$0xFFFFFFE0];
	[tilespmem:s12+$0xFFFFFF10] =	vst v39;
	v39 =	vbroadcast v23, $0x5;
	v43 =	vmul.f32 v43, v19;
	v19 =	vmov v37  }
0x485: {  	v32 =	vmul.f32 v32, v6;
	v6 =	vmov v11;
	v47 =	vbroadcast v24, $0x6;
	v37 =	vld [tilespmem:s23+$0xFFFFFFF0];
	[tilespmem:s12+$0xA0] =	vst v42  }
0x486: {  	v42 =	vbroadcast v22, $0x6;
	v38 =	vadd.f32 v38, v49;
	v49 =	vbroadcast v23, $0x6;
	v50 =	vld [tilespmem:s0+$0xFFFFFFC0];
	[tilespmem:s21+$0xFFFFFF40] =	vst v40;
	v11 =	vmovc v39  }
0x487: {  	v29 =	vmul.f32 v29, v7;
	v30 =	vmul.f32 v30, v8;
	v7 =	vmovc v9;
	v9 =	vmov v47;
	v39 =	vld [tilespmem:s14+$0xFFFFFFF0];
	[tilespmem:s21+$0xFFFFFFC0] =	vst v43  }
0x488: {  	v8 =	vmovc v10;
	v24 =	vbroadcast v24, $0x7;
	v10 =	vmov v42;
	v40 =	vld [tilespmem:s23+$0xFFFFFFD0];
	v43 =	vmul.f32 $2.000000030e-01, v38;
	[tilespmem:s11+$0x50] =	vst v32  }
0x489: {  	v42 =	vbroadcast v21, $0x3;
	vm0 =	vgt.f32 v38, $0.0e+00;
	v32 =	vadd.f32 v44, v41;
	v41 =	vld [tilespmem:s0+$0xFFFFFE30];
	[tilespmem:s11+$0xFFFFFF60] =	vst v29  }
0x48a: {  	v22 =	vbroadcast v22, $0x7;
	v23 =	vbroadcast v23, $0x7;
	v29 =	vsel vm0, v38, v43;
	v38 =	vld [tilespmem:s0+$0xFFFFFEB0];
	[tilespmem:s11+$0xFFFFFFE0] =	vst v30  }
0x48b: {  	vm0 =	vgt.f32 v32, $0.0e+00;
	v29 =	vmul.f32 $1.442695020e+00, v29;
	v30 =	vld [tilespmem:s0+$0xFFFFFF30];
	v42 =	vmul.f32 v50, v42  }
0x48c: {  	v36 =	vmul.f32 v36, v0;
	v0 =	vmovc v2;
	v2 =	vmovc v16;
	v43 =	vmul.f32 $2.000000030e-01, v32;
	v37 =	vadd.f32 v39, v37;
	v39 =	vld [tilespmem:s20+$0xFFFFFF50]  }
0x48d: {  	v35 =	vmul.f32 v35, v1;
	v16 =	vmovc v22;
	v40 =	vadd.f32 v45, v40;
	(erf) = vpow2.f32 v29;
	[tilespmem:s12+$0xB0] =	vst v42;
	v29 =	vld [tilespmem:s20+$0xFFFFFE60]  }
0x48e: {  	v1 =	vmovc v3;
	v3 =	vmovc v17;
	v22 =	vsel vm0, v32, v43;
	vm0 =	vgt.f32 v37, $0.0e+00;
	v32 =	vmul.f32 $2.000000030e-01, v37;
	v42 =	vld [tilespmem:s0+$0xFFFFFFD0];
	[tilespmem:s24+$0xFFFFFFF0] =	vst v36  }
0x48f: {  	v17 =	vmovc v23;
	v22 =	vmul.f32 $1.442695020e+00, v22;
	vm1 =	vgt.f32 v40, $0.0e+00;
	v36 =	vmul.f32 $2.000000030e-01, v40;
	v43 =	vld [tilespmem:s20+$0xFFFFFEE0];
	[tilespmem:s24+$0x70] =	vst v35;
	s24 =	smov.u32 s11;
	s11 =	smov.u32 s21;
	s21 =	smov.u32 s12  }
0x490: {  	v23 =	vsel vm0, v37, v32;
	v32 =	vmul.f32 v33, v41;
	v33 =	vmul.f32 v34, v38;
	v34 =	vld [tilespmem:s29+$0xFFFFFF70]  }
0x491: {  	s10 =	sadd.s32 $0x40, s10;
	v35 =	vsel vm1, v40, v36;
	v23 =	vmul.f32 $1.442695020e+00, v23;
	v36 =	vbroadcast v21, $0x4;
	v37 =	vld [tilespmem:s29+$0xFFFFFE80]  }
0x492: {  	v35 =	vmul.f32 $1.442695020e+00, v35;
	v38 =	vld [tilespmem:s10+$0x0];
	(erf) = vpow2.f32 v22;
	[tilespmem:s12+$0xFFFFFF20] =	vst v32  }
0x493: {  	v40 =	vld [tilespmem:s10+$0xFFFFFFD0];
	(erf) = vpow2.f32 v23;
	[tilespmem:s12+$0xFFFFFFA0] =	vst v33;
	v22 =	vmul.f32 v42, v36  }
0x494: {  	v30 =	vmul.f32 v31, v30;
	v23 =	vld [tilespmem:s10+$0xFFFFFFE0];
	(erf) = vpow2.f32 v35  }
0x495: {  	v31 =	vld [tilespmem:s10+$0xFFFFFFF0];
	[tilespmem:s12+$0xC0] =	vst v22;
	v22 =	vmul.f32 v29, v13;
	v29 =	vmul.f32 v39, v14;
	v13 =	vmovc v46;
	v14 =	vmov v28  }
0x496: {  	v32 =	vmul.f32 v43, v12;
	v12 =	vmov v48;
	v33 =	vmul.f32 v34, v5;
	v28 =	vpop (erf);
	[tilespmem:s12+$0x20] =	vst v30;
	v30 =	vld [tilespmem:s0+$0xFFFFFFE0]  }
0x497: {  	v5 =	vmovc v18;
	v18 =	vmov v49;
	v35 =	vmul.f32 v37, v4;
	v28 =	vmul.f32 v28, v38;
	v34 =	vld [tilespmem:s0+$0xFFFFFE40];
	[tilespmem:s11+$0x40] =	vst v29  }
0x498: {  	s15 =	sadd.s32 $0x40, s15;
	v4 =	vmov v15;
	v15 =	vmov v24;
	v37 =	vld [tilespmem:s0+$0xFFFFFEC0];
	[tilespmem:s11+$0xFFFFFF50] =	vst v22  }
0x499: {  	v22 =	vbroadcast v21, $0x5;
	s0 =	sadd.s32 $0x200, s0;
	[tilespmem:s15+$0x10] =	vst v28;
	v38 =	vld [tilespmem:s3+$0xFFFFFF40]  }
0x49a: {  	v36 =	vld [tilespmem:s0+$0xFFFFFF90];
	[tilespmem:s11+$0xFFFFFFD0] =	vst v32  }
0x49b: {  	v24 =	vpop (erf);
	v30 =	vmul.f32 v30, v22;
	v32 =	vld [tilespmem:s20+$0xFFFFFF60];
	[tilespmem:s24+$0x60] =	vst v33  }
0x49c: {  	v22 =	vmul.f32 v24, v23;
	v23 =	vpop (erf);
	v27 =	vmul.f32 v34, v27;
	v29 =	vld [tilespmem:s20+$0xFFFFFE70];
	[tilespmem:s24+$0xFFFFFF70] =	vst v35  }
0x49d: {  	v23 =	vmul.f32 v23, v31;
	v31 =	vbroadcast v28, $0x0;
	v24 =	vpop (erf);
	[tilespmem:s12+$0xD0] =	vst v30;
	v30 =	vld [tilespmem:s20+$0xFFFFFEF0]  }
0x49e: {  	v24 =	vmul.f32 v24, v40;
	[tilespmem:s15+$0xFFFFFFF0] =	vst v22;
	v35 =	vbroadcast v22, $0x0;
	v43 =	vld [tilespmem:s3+$0xFFFFFFF0]  }
0x49f: {  	v44 =	vld [tilespmem:s0+$0xFFFFFE90];
	[tilespmem:s15+$0x0] =	vst v23;
	v45 =	vbroadcast v23, $0x0;
	v31 =	vmul.f32 v31, v36  }
0x4a0: {  	s12 =	sadd.s32 $0x200, s12;
	[tilespmem:s15+$0xFFFFFFE0] =	vst v24;
	v46 =	vbroadcast v24, $0x0;
	v39 =	vbroadcast v24, $0x1;
	v47 =	vld [tilespmem:s0+$0xFFFFFF10]  }
0x4a1: {  	v41 =	vbroadcast v22, $0x1;
	v48 =	vld [tilespmem:s0+$0xFFFFFE10];
	[tilespmem:s12+$0x80] =	vst v31;
	v31 =	vbroadcast v21, $0x6  }
0x4a2: {  	v42 =	vbroadcast v23, $0x1;
	v33 =	vbroadcast v24, $0x2;
	v49 =	vld [tilespmem:s0+$0xFFFFFFA0];
	[tilespmem:s21+$0xFFFFFF30] =	vst v27  }
0x4a3: {  	v34 =	vbroadcast v22, $0x2;
	v40 =	vld [tilespmem:s3+$0xFFFFFE50];
	v27 =	vmul.f32 v43, v31  }
0x4a4: {  	v31 =	vbroadcast v23, $0x2;
	v43 =	vmul.f32 v35, v44;
	v36 =	vld [tilespmem:s29+$0xFFFFFF00]  }
0x4a5: {  	v45 =	vmul.f32 v45, v47;
	v47 =	vbroadcast v28, $0x1;
	[tilespmem:s21+$0xE0] =	vst v27;
	v35 =	vld [tilespmem:s29+$0xFFFFFF80];
	s29 =	smov.u32 s20;
	s20 =	smov.u32 s3;
	s3 =	smov.u32 s0  }
0x4a6: {  	v27 =	vbroadcast v24, $0x3;
	v46 =	vmul.f32 v46, v48;
	[tilespmem:s12+$0xFFFFFF80] =	vst v43;
	v48 =	vld [tilespmem:s20+$0x0]  }
.Ltmp3:
0x4a7: {  	v43 =	vbroadcast v22, $0x3;
	v44 =	vld [tilespmem:s0+$0xFFFFFEA0];
	[tilespmem:s12+$0x0] =	vst v45;
	v47 =	vmul.f32 v47, v49;
	(pc) =	sbr.rel @p0 .LBB2_9-.Ltmp3, $4  }
0x4a8: {  	v50 =	vmul.f32 v37, v25;
	v49 =	vbroadcast v23, $0x3;
	[tilespmem:s12+$0xFFFFFF00] =	vst v46;
	v45 =	vld [tilespmem:s0+$0xFFFFFF20]  }
0x4a9: {  	v52 =	vbroadcast v21, $0x7;
	v51 =	vmul.f32 v38, v26;
	v21 =	vmovc v28;
	v25 =	vmov v43;
	v46 =	vld [tilespmem:s0+$0xFFFFFE20];
	[tilespmem:s12+$0x90] =	vst v47  }
0x4aa: {  	v37 =	vbroadcast v22, $0x4;
	v38 =	vbroadcast v24, $0x4;
	v26 =	vmov v49;
	v47 =	vld [tilespmem:s0+$0xFFFFFFB0];
	[tilespmem:s21+$0xFFFFFFB0] =	vst v50  }
0x4ab: {  	s23 =	sadd.s32 $0x40, s23;
	v28 =	vbroadcast v23, $0x4;
	v43 =	vld [tilespmem:s20+$0xFFFFFED0];
	[tilespmem:s21+$0x30] =	vst v51;
	v48 =	vmul.f32 v48, v52  }
0x4ac: {  	_ = 	snop  }
0x4ad: {  	v49 =	vbroadcast v21, $0x2  }
0x4ae: {  	v42 =	vmul.f32 v42, v45  }
0x4af: {  	v47 =	vmul.f32 v49, v47  }
0x4b0: {  	v39 =	vmul.f32 v39, v46;
	[tilespmem:s12+$0x10] =	vst v42  }
0x4b1: {  	v41 =	vmul.f32 v41, v44;
	v62 =	vld [tilespmem:s0+$0xFFFFFF30];
	[tilespmem:s12+$0xA0] =	vst v47  }
0x4b2: {  	[tilespmem:s12+$0xFFFFFF10] =	vst v39;
	v47 =	vld [tilespmem:s0+$0xFFFFFFC0]  }
0x4b3: {  	[tilespmem:s12+$0xFFFFFF90] =	vst v41;
	v60 =	vld [tilespmem:s0+$0xFFFFFE30]  }
0x4b4: {  	v61 =	vld [tilespmem:s0+$0xFFFFFEB0]  }
0x4b5: {  	v59 =	vbroadcast v21, $0x3  }
0x4b6: {  	v31 =	vmul.f32 v31, v62  }
0x4b7: {  	[tilespmem:s21+$0xF0] =	vst v48;
	v39 =	vmul.f32 v47, v59  }
0x4b8: {  	v33 =	vmul.f32 v33, v60;
	[tilespmem:s12+$0x20] =	vst v31  }
0x4b9: {  	v34 =	vmul.f32 v34, v61;
	v46 =	vld [tilespmem:s3+$0xFFFFFF40];
	[tilespmem:s12+$0xB0] =	vst v39  }
0x4ba: {  	v20 =	vmul.f32 v40, v20;
	[tilespmem:s12+$0xFFFFFF20] =	vst v33;
	v39 =	vld [tilespmem:s0+$0xFFFFFFD0]  }
0x4bb: {  	v6 =	vmul.f32 v32, v6;
	[tilespmem:s12+$0xFFFFFFA0] =	vst v34;
	v33 =	vld [tilespmem:s0+$0xFFFFFE40]  }
0x4bc: {  	v7 =	vmul.f32 v29, v7;
	[tilespmem:s21+$0xFFFFFF40] =	vst v20;
	v45 =	vld [tilespmem:s0+$0xFFFFFEC0]  }
0x4bd: {  	v63 =	vbroadcast v21, $0x4;
	v8 =	vmul.f32 v30, v8;
	[tilespmem:s11+$0x50] =	vst v6  }
0x4be: {  	v50 =	vld [tilespmem:s20+$0xFFFFFF50];
	[tilespmem:s11+$0xFFFFFF60] =	vst v7;
	v52 =	vmul.f32 v46, v26  }
0x4bf: {  	[tilespmem:s11+$0xFFFFFFE0] =	vst v8;
	v44 =	vmul.f32 v39, v63  }
0x4c0: {  	v48 =	vmul.f32 v33, v27;
	[tilespmem:s12+$0x30] =	vst v52  }
0x4c1: {  	v49 =	vmul.f32 v45, v25;
	v6 =	vld [tilespmem:s3+$0xFFFFFF50];
	[tilespmem:s12+$0xC0] =	vst v44  }
0x4c2: {  	v19 =	vmul.f32 v43, v19;
	[tilespmem:s12+$0xFFFFFF30] =	vst v48;
	v47 =	vld [tilespmem:s0+$0xFFFFFFE0]  }
0x4c3: {  	v57 =	vmul.f32 v50, v14;
	[tilespmem:s12+$0xFFFFFFB0] =	vst v49;
	v53 =	vld [tilespmem:s3+$0xFFFFFE50]  }
0x4c4: {  	v0 =	vmul.f32 v36, v0;
	[tilespmem:s21+$0xFFFFFFC0] =	vst v19;
	v55 =	vld [tilespmem:s3+$0xFFFFFED0]  }
0x4c5: {  	v51 =	vbroadcast v21, $0x5;
	v1 =	vmul.f32 v35, v1;
	v58 =	vld [tilespmem:s20+$0xFFFFFEE0];
	[tilespmem:s21+$0x40] =	vst v57  }
0x4c6: {  	[tilespmem:s24+$0xFFFFFFF0] =	vst v0;
	v62 =	vld [tilespmem:s20+$0xFFFFFF60];
	v26 =	vmul.f32 v6, v28  }
0x4c7: {  	[tilespmem:s24+$0x70] =	vst v1;
	v60 =	vld [tilespmem:s29+$0xFFFFFF70];
	v54 =	vmul.f32 v47, v51  }
0x4c8: {  	v56 =	vld [tilespmem:s20+$0xFFFFFE60];
	v59 =	vmul.f32 v53, v38;
	[tilespmem:s12+$0x40] =	vst v26  }
0x4c9: {  	v61 =	vmul.f32 v55, v37;
	v31 =	vld [tilespmem:s3+$0xFFFFFF60];
	[tilespmem:s12+$0xD0] =	vst v54  }
0x4ca: {  	v30 =	vmul.f32 v58, v12;
	[tilespmem:s12+$0xFFFFFF40] =	vst v59;
	v7 =	vld [tilespmem:s3+$0xFFFFFFF0]  }
0x4cb: {  	v11 =	vmul.f32 v62, v11;
	[tilespmem:s12+$0xFFFFFFC0] =	vst v61;
	v28 =	vld [tilespmem:s3+$0xFFFFFE60]  }
0x4cc: {  	v36 =	vbroadcast v23, $0x5;
	[tilespmem:s21+$0xFFFFFFD0] =	vst v30;
	v5 =	vmul.f32 v60, v5;
	v29 =	vld [tilespmem:s3+$0xFFFFFEE0]  }
0x4cd: {  	[tilespmem:s21+$0x50] =	vst v11;
	v45 =	vld [tilespmem:s29+$0xFFFFFF00];
	v27 =	vmul.f32 v56, v13;
	v63 =	vbroadcast v21, $0x6  }
0x4ce: {  	v32 =	vbroadcast v24, $0x5;
	[tilespmem:s11+$0x60] =	vst v5;
	v11 =	vld [tilespmem:s20+$0xFFFFFF70];
	v40 =	vmul.f32 v31, v36  }
0x4cf: {  	v34 =	vbroadcast v22, $0x5;
	v33 =	vld [tilespmem:s29+$0xFFFFFE80];
	[tilespmem:s21+$0xFFFFFF50] =	vst v27;
	v7 =	vmul.f32 v7, v63  }
0x4d0: {  	v38 =	vld [tilespmem:s20+$0xFFFFFEF0];
	v0 =	vmul.f32 v28, v32;
	[tilespmem:s12+$0x50] =	vst v40  }
0x4d1: {  	v37 =	vld [tilespmem:s20+$0xFFFFFE70];
	[tilespmem:s12+$0xE0] =	vst v7;
	v7 =	vmul.f32 v29, v34  }
0x4d2: {  	v2 =	vmul.f32 v45, v2;
	[tilespmem:s12+$0xFFFFFF50] =	vst v0;
	v43 =	vld [tilespmem:s3+$0xFFFFFF70]  }
0x4d3: {  	v49 =	vmul.f32 v11, v18;
	v41 =	vld [tilespmem:s3+$0xFFFFFE70];
	[tilespmem:s12+$0xFFFFFFD0] =	vst v7  }
0x4d4: {  	v4 =	vmul.f32 v33, v4;
	[tilespmem:s11+$0xFFFFFFF0] =	vst v2;
	v7 =	vld [tilespmem:s3+$0xFFFFFEF0]  }
0x4d5: {  	v50 =	vbroadcast v23, $0x6;
	v48 =	vld [tilespmem:s29+$0xFFFFFF80];
	[tilespmem:s21+$0x60] =	vst v49;
	v46 =	vmul.f32 v38, v10  }
0x4d6: {  	v44 =	vbroadcast v24, $0x6;
	[tilespmem:s11+$0xFFFFFF70] =	vst v4;
	v42 =	vmul.f32 v37, v9;
	v54 =	vld [tilespmem:s20+$0xFFFFFF80]  }
0x4d7: {  	v47 =	vbroadcast v22, $0x6;
	[tilespmem:s21+$0xFFFFFFE0] =	vst v46;
	v35 =	vld [tilespmem:s3+$0x0];
	v4 =	vmul.f32 v43, v50  }
0x4d8: {  	[tilespmem:s21+$0xFFFFFF60] =	vst v42;
	v52 =	vld [tilespmem:s20+$0xFFFFFF00];
	v5 =	vmul.f32 v41, v44  }
0x4d9: {  	v51 =	vld [tilespmem:s20+$0xFFFFFE80];
	[tilespmem:s12+$0x60] =	vst v4;
	v53 =	vmul.f32 v7, v47  }
0x4da: {  	v39 =	vbroadcast v21, $0x7;
	v3 =	vmul.f32 v48, v3;
	[tilespmem:s12+$0xFFFFFF60] =	vst v5;
	v56 =	vld [tilespmem:s3+$0xFFFFFF80]  }
0x4db: {  	v59 =	vmul.f32 v54, v17;
	v5 =	vld [tilespmem:s3+$0xFFFFFE80];
	[tilespmem:s12+$0xFFFFFFE0] =	vst v53  }
0x4dc: {  	[tilespmem:s11+$0x70] =	vst v3;
	v1 =	vmul.f32 v35, v39;
	v55 =	vld [tilespmem:s3+$0xFFFFFF00]  }
0x4dd: {  	v60 =	vbroadcast v23, $0x7;
	[tilespmem:s21+$0x70] =	vst v59;
	v0 =	vmul.f32 v52, v16  }
0x4de: {  	v57 =	vbroadcast v24, $0x7;
	[tilespmem:s12+$0xF0] =	vst v1;
	v1 =	vmul.f32 v51, v15  }
0x4df: {  	v58 =	vbroadcast v22, $0x7;
	[tilespmem:s21+$0xFFFFFFF0] =	vst v0;
	v63 =	vmul.f32 v56, v60  }
0x4e0: {  	[tilespmem:s21+$0xFFFFFF70] =	vst v1;
	v61 =	vmul.f32 v5, v57  }
0x4e1: {  	[tilespmem:s12+$0x70] =	vst v63;
	v62 =	vmul.f32 v55, v58  }
0x4e2: {  	[tilespmem:s12+$0xFFFFFF70] =	vst v61  }
0x4e3: {  	s23 =	simm.s32 $0x6200;
	s10 =	simm.s32 $0x1C0;
	s24 =	rddreg [dreg:$0x3];
	[tilespmem:s12+$0xFFFFFFF0] =	vst v62  }
0x4e4: {  	[spmem:s24] =	stream.indirect.scatter.add.f32 [tilespmem:s23], [sflag:$0x3], $0x10, s10, s28, $0xb8;
	[tilespmem:$0x1EE00] =	vst v63  }
0x4e5: {  	_ =	swait.ge [sflag:s25], $0x400  }
0x4e6: {  	s16 =	sadd.s32 $0x1, s16;
	[sflag:s25] =	ssyncset.done $0x0  }
0x4e7: {  	p0 =	sne.s32 s16, $0x28;
	[sflag:s25] =	ssyncadd.s32 $0xFFFFFC00  }
.Ltmp4:
0x4e8: {  	s29 =	simm.s32 $0x6600;
	s30 =	rddreg [dreg:$0x2];
	(pc) =	sbr.rel @p0 .LBB2_2-.Ltmp4, $4  }
0x4e9: {  	[spmem:s30] =	stream.indirect.scatter.add.f32 [tilespmem:s29], [sflag:$0x3], $0x80, s10, s28, $0xb8;
	[tilespmem:$0x1EE00] =	vst v63  }
0x4ea: {  	_ =	swait.ge [sflag:s25], $0x2000  }
0x4eb: {  	[sflag:s25] =	ssyncset.done $0x0  }
0x4ec: {  	s18 =	simm.s32 $0x1C0;
	[sflag:s25] =	ssyncadd.s32 $0xFFFFE000  }
0x4ed: {  	[bflag:$0x0] =	sbarrier.arrive $0xFFFF  }
0x4ee: {  	s20 =	rddreg [dreg:$0x8]  }
0x4ef: {  	s0 =	rddreg [dreg:$0x11]  }
0x4f0: {  	s3 =	rddreg [dreg:$0x15]  }
0x4f1: {  	[hbm:s0], [sflag:s20] =	dma.local [spmem:s3], $0x2800  }
0x4f2: {  	_ =	swait.ge [sflag:s25], $0x2800  }
0x4f3: {  	[sflag:s25] =	ssyncset.done $0x0;
	s23 =	rddreg [dreg:$0x12]  }
0x4f4: {  	s24 =	rddreg [dreg:$0x16];
	[sflag:s25] =	ssyncadd.s32 $0xFFFFD800  }
0x4f5: {  	[hbm:s23], [sflag:s20] =	dma.local [spmem:s24], $0x500  }
0x4f6: {  	_ =	swait.ge [sflag:s25], $0x500  }
0x4f7: {  	s29 =	rddreg [dreg:$0x14]  }
0x4f8: {  	s30 =	rddreg [dreg:$0x13];
	s3 =	sadd.s32 $0x1, s29  }
0x4f9: {  	p0 =	sne.s32 s3, s30  }
.Ltmp5:
0x4fa: {  	_ = 	snop;
	(pc) =	sbr.rel @p0 .LBB2_1-.Ltmp5, $3  }
0x4fb: {  	_ =	sdelay $0x1  }
0x4fc: {  	[sflag:s25] =	ssyncset.done $0x0  }
0x4fd: {  	[sflag:s25] =	ssyncadd.s32 $0xFFFFFB00  }
0x4fe: {  	_ =	sfence.sel $0x180000  }
0x4ff: {  	[bflag:$0x0] =	sbarrier.arrive $0xFFFF  }
0x500: {  	_ =	strace $0x90000047  }
0x501: {  	s0 =	stileid.u32;
	[bflag:$0x2] =	sbarrier.arrive $0xFFFF  }
0x502: {  	p0 =	sne.s32 s0, $0x0;
	s0 =	rddreg [dreg:$0x4]  }
0x503: {  	s0 =	sadd.s32 @!p0 $0x100000, s0  }
0x504: {  	[sflag:s0] =	ssyncadd.tile.s32 @!p0 $0x1;
	_ =	shalt  }
.Lfunc_end2:
_tile_overlayer_lowered:
.L_overlay_start_2:
0x505: {  	(tag) =	ssettag $0x2  }
0x506: {  	s0 =	rddreg [dreg:$0x0];
	s2 =	stileid.u32  }
0x507: {  	s1 =	rddreg [dreg:$0x1];
	p0 =	sne.s32 s2, $0x0  }
0x508: {  	s3 =	rddreg [dreg:$0x2];
	[bflag:$0x3] =	sbarrier.arrive $0xFFFF;
	s2 =	simm.s32 @!p0 $0x1C03  }
0x509: {  	[timem:s3], [sflag:s2] =	dma.local @!p0 [hbm:s0], s1  }
0x50a: {  	s0 =	simm.s32 @!p0 $0x3  }
0x50b: {  	_ =	swait.ge @!p0 [sflag:s0], s1  }
0x50c: {  	s1 =	ssub.s32 @!p0 $0x0, s1;
	[sflag:s0] =	ssyncset.done @!p0 $0x0  }
0x50d: {  	[sflag:s0] =	ssyncadd.s32 @!p0 s1  }
0x50e: {  	[bflag:$0x3] =	sbarrier.arrive $0xFFFF  }
0x50f: {  	_ =	shalt  }

</sc_bundles>
